<compile_context>
chip_gen: v7x
topology: tpu7x:2x2x1
jax: 0.10.2.dev20260603
libtpu: 0.0.44.dev20260713+nightly
codegen_flags: <defaults>
</compile_context>

<pallas_src>
import functools

import jax
import jax.numpy as jnp
import numpy as np
from jax import lax
from jax.experimental import pallas as pl
from jax.experimental.pallas import tpu as pltpu
from jax.experimental.pallas import tpu_sc as plsc

B = 16384
DA = 10
DB = 50
DC = DA + DB
NC = 2
NS = 16
NW = NC * NS
BPW = B // NW
NH = BPW // 128

_MESH = plsc.VectorSubcoreMesh(core_axis_name="c", subcore_axis_name="s")


@functools.partial(
    pl.kernel,
    mesh=_MESH,
    out_type=(
        jax.ShapeDtypeStruct((5, 256, 128), jnp.float32),
        jax.ShapeDtypeStruct((25, 256, 128), jnp.float32),
    ),
    scratch_types=[
        pltpu.VMEM((BPW,), jnp.int32),
        pltpu.VMEM((4 * DA * 16,), jnp.float32),
        pltpu.VMEM((4 * DB * 16,), jnp.float32),
        pltpu.VMEM((5, 2 * NH, 128), jnp.float32),
        pltpu.VMEM((25, 2 * NH, 128), jnp.float32),
        pltpu.SemaphoreType.DMA,
    ],
)
def _sc_select(idx_hbm, ta_hbm, tb_hbm, out_a, out_b, idx_v, ta_v, tb_v,
               buf_a, buf_b, sem):
    wid = lax.axis_index("s") * NC + lax.axis_index("c")
    pltpu.sync_copy(idx_hbm.at[pl.ds(wid * BPW, BPW)], idx_v)
    pltpu.sync_copy(ta_hbm, ta_v)
    pltpu.sync_copy(tb_hbm, tb_v)
    chunks = [list(range(DA))] + [
        [DA + s for s in range(sc * 5, sc * 5 + 5)]
        + [DA + 25 + s for s in range(sc * 5, sc * 5 + 5)]
        for sc in range(5)]
    copies = []
    for cc, cols in enumerate(chunks):
        svec = [[ta_v[pl.ds((k * DA + c) * 16, 16)] if c < DA
                 else tb_v[pl.ds((k * DB + c - DA) * 16, 16)]
                 for k in range(4)] for c in cols]
        def body(h, carry):
            for u in range(2):
                g = h * 2 + u
                row0 = (g >> 3) * 2
                o = (g & 7) * 16
                v = idx_v[pl.ds(g * 16, 16)]
                b0 = (v & 1) == 1
                b1 = v >= 2
                for ci, c in enumerate(cols):
                    s0, s1, s2, s3 = svec[ci]
                    val = jnp.where(b1, jnp.where(b0, s3, s2),
                                    jnp.where(b0, s1, s0))
                    if c < DA:
                        d1, d2 = divmod(c, 5)
                        buf_a[d2, row0 + d1, pl.ds(o, 16)] = val
                    else:
                        d1, r = divmod(c - DA, 25)
                        d2, d3 = divmod(r, 5)
                        buf_b[d2 * 5 + d3, row0 + d1, pl.ds(o, 16)] = val
            return carry
        lax.fori_loop(0, BPW // 32, body, 0)
        if cc == 0:
            copies.append(pltpu.async_copy(
                buf_a, out_a.at[:, pl.ds(wid * 2 * NH, 2 * NH), :], sem))
        else:
            s0 = (cc - 1) * 5
            copies.append(pltpu.async_copy(
                buf_b.at[pl.ds(s0, 5)],
                out_b.at[pl.ds(s0, 5), pl.ds(wid * 2 * NH, 2 * NH), :], sem))
    for cp in copies:
        cp.wait()


def kernel(index, a, b):
    idx = index.astype(jnp.int32)
    ta = jnp.broadcast_to(a.reshape(4, DA)[:, :, None],
                          (4, DA, 16)).reshape(-1)
    tb = jnp.broadcast_to(b.reshape(4, DB)[:, :, None],
                          (4, DB, 16)).reshape(-1)
    ka, kb = _sc_select(idx, ta, tb)
    out_a = ka.reshape(5, 128, 2, 128).transpose(1, 3, 2, 0).reshape(B, 2, 5)
    out_b = kb.reshape(5, 5, 128, 2, 128).transpose(
        2, 4, 3, 0, 1).reshape(B, 2, 5, 5)
    return (out_a, out_b)

# --- scband reference (transcript-rebuilt; emitter-appended) ---
"""Pipeline reference for scband-my-model-61933428409057 (READ-ONLY COPY).

The authoritative reference and input builder live on the scoring server;
editing this copy changes nothing except your own understanding.
"""

import jax, jax.numpy as jnp
import numpy as np

def setup_inputs(seed: int = 0) -> dict:
    key = jax.random.key(seed)
    k1, k2, k3 = jax.random.split(key, 3)
    index = jax.random.randint(k1, (16384,), 0, 4, dtype=jnp.int64) if jax.config.jax_enable_x64 else jax.random.randint(k1, (16384,), 0, 4, dtype=jnp.int32)
    a = jax.random.normal(k2, (4, 2, 5), dtype=jnp.float32)
    b = jax.random.normal(k3, (4, 2, 5, 5), dtype=jnp.float32)
    return {"index": index, "a": a, "b": b}

def reference(index, a, b):
    # tree_map_only(torch.Tensor, lambda x: x[idx], (a, b)) -> gather along dim 0 for each buffer
    out_a = jnp.take(a, index, axis=0)
    out_b = jnp.take(b, index, axis=0)
    return (out_a, out_b)

if __name__ == "__main__":
    import jax
    _d = setup_inputs()
    print(jax.jit(kernel)(*tuple(_d.values())))

</pallas_src>

<mosaic_0001>
#map = affine_map<(d0, d1) -> (0)>
#map1 = affine_map<(d0, d1) -> (0, 0, 0)>
module attributes {stable_mosaic.version = 14 : i64} {
  func.func @_sc_select(%arg0: i32, %arg1: i32, %arg2: memref<16384xi32, #tpu.memory_space<hbm>>, %arg3: memref<640xf32, #tpu.memory_space<hbm>>, %arg4: memref<3200xf32, #tpu.memory_space<hbm>>, %arg5: memref<5x256x128xf32, #tpu.memory_space<hbm>>, %arg6: memref<25x256x128xf32, #tpu.memory_space<hbm>>, %arg7: memref<512xi32, #tpu.memory_space<vmem>>, %arg8: memref<640xf32, #tpu.memory_space<vmem>>, %arg9: memref<3200xf32, #tpu.memory_space<vmem>>, %arg10: memref<5x8x128xf32, #tpu.memory_space<vmem>>, %arg11: memref<25x8x128xf32, #tpu.memory_space<vmem>>, %arg12: memref<!tpu.dma_semaphore, #tpu.memory_space<semaphore_mem>>) attributes {dimension_semantics = [#tpu.dimension_semantics<core_parallel>, #tpu.dimension_semantics<subcore_parallel>], iteration_bounds = array<i64: 2, 16>, scalar_prefetch = 0 : i64, scratch_operands = 6 : i64, tpu.core_type = #tpu.core_type<sc_vector_subcore>, window_params = [{transform_indices = #map}, {transform_indices = #map}, {transform_indices = #map}, {transform_indices = #map1}, {transform_indices = #map1}]} {
    %mul3A = arith.constant 2 : i32
    %mul3A_0 = arith.muli %arg1, %mul3A : i32
    %add3A = arith.addi %mul3A_0, %arg0 : i32
    %mul3A_1 = arith.constant 512 : i32
    %mul3A_2 = arith.muli %add3A, %mul3A_1 : i32
    "tpu.region"() ({
      %run_scoped3A = tpu.sem_alloc : memref<!tpu.dma_semaphore, #tpu.memory_space<semaphore_mem>>
      %dma_start3A_931 = tpu.memref_slice %arg2[%mul3A_2] : memref<16384xi32, #tpu.memory_space<hbm>> -> memref<512xi32, #tpu.memory_space<hbm>>
      %dma_start3A_932 = tpu.memref_slice %arg2[%mul3A_2] : memref<16384xi32, #tpu.memory_space<hbm>> -> memref<512xi32, #tpu.memory_space<hbm>>
      tpu.enqueue_dma source(%dma_start3A_932 : memref<512xi32, #tpu.memory_space<hbm>>) target(%arg7 : memref<512xi32, #tpu.memory_space<vmem>>) target_semaphore(%run_scoped3A : memref<!tpu.dma_semaphore, #tpu.memory_space<semaphore_mem>>)
      %dma_wait3A_933 = tpu.memref_slice %arg2[%mul3A_2] : memref<16384xi32, #tpu.memory_space<hbm>> -> memref<512xi32, #tpu.memory_space<hbm>>
      %dma_wait3A_934 = tpu.memref_slice %arg2[%mul3A_2] : memref<16384xi32, #tpu.memory_space<hbm>> -> memref<512xi32, #tpu.memory_space<hbm>>
      tpu.wait_dma2 semaphore(%run_scoped3A : memref<!tpu.dma_semaphore, #tpu.memory_space<semaphore_mem>>) src(%dma_wait3A_934 : memref<512xi32, #tpu.memory_space<hbm>>) dst(%arg7 : memref<512xi32, #tpu.memory_space<vmem>>)
      tpu.yield
    }) : () -> ()
    "tpu.region"() ({
      %run_scoped3A = tpu.sem_alloc : memref<!tpu.dma_semaphore, #tpu.memory_space<semaphore_mem>>
      tpu.enqueue_dma source(%arg3 : memref<640xf32, #tpu.memory_space<hbm>>) target(%arg8 : memref<640xf32, #tpu.memory_space<vmem>>) target_semaphore(%run_scoped3A : memref<!tpu.dma_semaphore, #tpu.memory_space<semaphore_mem>>)
      tpu.wait_dma2 semaphore(%run_scoped3A : memref<!tpu.dma_semaphore, #tpu.memory_space<semaphore_mem>>) src(%arg3 : memref<640xf32, #tpu.memory_space<hbm>>) dst(%arg8 : memref<640xf32, #tpu.memory_space<vmem>>)
      tpu.yield
    }) : () -> ()
    "tpu.region"() ({
      %run_scoped3A = tpu.sem_alloc : memref<!tpu.dma_semaphore, #tpu.memory_space<semaphore_mem>>
      tpu.enqueue_dma source(%arg4 : memref<3200xf32, #tpu.memory_space<hbm>>) target(%arg9 : memref<3200xf32, #tpu.memory_space<vmem>>) target_semaphore(%run_scoped3A : memref<!tpu.dma_semaphore, #tpu.memory_space<semaphore_mem>>)
      tpu.wait_dma2 semaphore(%run_scoped3A : memref<!tpu.dma_semaphore, #tpu.memory_space<semaphore_mem>>) src(%arg4 : memref<3200xf32, #tpu.memory_space<hbm>>) dst(%arg9 : memref<3200xf32, #tpu.memory_space<vmem>>)
      tpu.yield
    }) : () -> ()
    %get3A = arith.constant 0 : index
    %get3A_3 = tpu.vector_load %arg8[%get3A] {strides = array<i32>} : memref<640xf32, #tpu.memory_space<vmem>>, vector<16xf32>,
    %get3A_4 = vector.shape_cast %get3A_3 : vector<16xf32> to vector<16xf32>
    %get3A_5 = arith.constant 160 : index
    %get3A_6 = tpu.vector_load %arg8[%get3A_5] {strides = array<i32>} : memref<640xf32, #tpu.memory_space<vmem>>, vector<16xf32>,
    %get3A_7 = vector.shape_cast %get3A_6 : vector<16xf32> to vector<16xf32>
    %get3A_8 = arith.constant 320 : index
    %get3A_9 = tpu.vector_load %arg8[%get3A_8] {strides = array<i32>} : memref<640xf32, #tpu.memory_space<vmem>>, vector<16xf32>,
    %get3A_10 = vector.shape_cast %get3A_9 : vector<16xf32> to vector<16xf32>
    %get3A_11 = arith.constant 480 : index
    %get3A_12 = tpu.vector_load %arg8[%get3A_11] {strides = array<i32>} : memref<640xf32, #tpu.memory_space<vmem>>, vector<16xf32>,
    %get3A_13 = vector.shape_cast %get3A_12 : vector<16xf32> to vector<16xf32>
    %get3A_14 = arith.constant 16 : index
    %get3A_15 = tpu.vector_load %arg8[%get3A_14] {strides = array<i32>} : memref<640xf32, #tpu.memory_space<vmem>>, vector<16xf32>,
    %get3A_16 = vector.shape_cast %get3A_15 : vector<16xf32> to vector<16xf32>
    %get3A_17 = arith.constant 176 : index
    %get3A_18 = tpu.vector_load %arg8[%get3A_17] {strides = array<i32>} : memref<640xf32, #tpu.memory_space<vmem>>, vector<16xf32>,
    %get3A_19 = vector.shape_cast %get3A_18 : vector<16xf32> to vector<16xf32>
    %get3A_20 = arith.constant 336 : index
    %get3A_21 = tpu.vector_load %arg8[%get3A_20] {strides = array<i32>} : memref<640xf32, #tpu.memory_space<vmem>>, vector<16xf32>,
    %get3A_22 = vector.shape_cast %get3A_21 : vector<16xf32> to vector<16xf32>
    %get3A_23 = arith.constant 496 : index
    %get3A_24 = tpu.vector_load %arg8[%get3A_23] {strides = array<i32>} : memref<640xf32, #tpu.memory_space<vmem>>, vector<16xf32>,
    %get3A_25 = vector.shape_cast %get3A_24 : vector<16xf32> to vector<16xf32>
    %get3A_26 = arith.constant 32 : index
    %get3A_27 = tpu.vector_load %arg8[%get3A_26] {strides = array<i32>} : memref<640xf32, #tpu.memory_space<vmem>>, vector<16xf32>,
    %get3A_28 = vector.shape_cast %get3A_27 : vector<16xf32> to vector<16xf32>
    %get3A_29 = arith.constant 192 : index
    %get3A_30 = tpu.vector_load %arg8[%get3A_29] {strides = array<i32>} : memref<640xf32, #tpu.memory_space<vmem>>, vector<16xf32>,
    %get3A_31 = vector.shape_cast %get3A_30 : vector<16xf32> to vector<16xf32>
    %get3A_32 = arith.constant 352 : index
    %get3A_33 = tpu.vector_load %arg8[%get3A_32] {strides = array<i32>} : memref<640xf32, #tpu.memory_space<vmem>>, vector<16xf32>,
    %get3A_34 = vector.shape_cast %get3A_33 : vector<16xf32> to vector<16xf32>
    %get3A_35 = arith.constant 512 : index
    %get3A_36 = tpu.vector_load %arg8[%get3A_35] {strides = array<i32>} : memref<640xf32, #tpu.memory_space<vmem>>, vector<16xf32>,
    %get3A_37 = vector.shape_cast %get3A_36 : vector<16xf32> to vector<16xf32>
    %get3A_38 = arith.constant 48 : index
    %get3A_39 = tpu.vector_load %arg8[%get3A_38] {strides = array<i32>} : memref<640xf32, #tpu.memory_space<vmem>>, vector<16xf32>,
    %get3A_40 = vector.shape_cast %get3A_39 : vector<16xf32> to vector<16xf32>
    %get3A_41 = arith.constant 208 : index
    %get3A_42 = tpu.vector_load %arg8[%get3A_41] {strides = array<i32>} : memref<640xf32, #tpu.memory_space<vmem>>, vector<16xf32>,
    %get3A_43 = vector.shape_cast %get3A_42 : vector<16xf32> to vector<16xf32>
    %get3A_44 = arith.constant 368 : index
    %get3A_45 = tpu.vector_load %arg8[%get3A_44] {strides = array<i32>} : memref<640xf32, #tpu.memory_space<vmem>>, vector<16xf32>,
    %get3A_46 = vector.shape_cast %get3A_45 : vector<16xf32> to vector<16xf32>
    %get3A_47 = arith.constant 528 : index
    %get3A_48 = tpu.vector_load %arg8[%get3A_47] {strides = array<i32>} : memref<640xf32, #tpu.memory_space<vmem>>, vector<16xf32>,
    %get3A_49 = vector.shape_cast %get3A_48 : vector<16xf32> to vector<16xf32>
    %get3A_50 = arith.constant 64 : index
    %get3A_51 = tpu.vector_load %arg8[%get3A_50] {strides = array<i32>} : memref<640xf32, #tpu.memory_space<vmem>>, vector<16xf32>,
    %get3A_52 = vector.shape_cast %get3A_51 : vector<16xf32> to vector<16xf32>
    %get3A_53 = arith.constant 224 : index
    %get3A_54 = tpu.vector_load %arg8[%get3A_53] {strides = array<i32>} : memref<640xf32, #tpu.memory_space<vmem>>, vector<16xf32>,
    %get3A_55 = vector.shape_cast %get3A_54 : vector<16xf32> to vector<16xf32>
    %get3A_56 = arith.constant 384 : index
    %get3A_57 = tpu.vector_load %arg8[%get3A_56] {strides = array<i32>} : memref<640xf32, #tpu.memory_space<vmem>>, vector<16xf32>,
    %get3A_58 = vector.shape_cast %get3A_57 : vector<16xf32> to vector<16xf32>
    %get3A_59 = arith.constant 544 : index
    %get3A_60 = tpu.vector_load %arg8[%get3A_59] {strides = array<i32>} : memref<640xf32, #tpu.memory_space<vmem>>, vector<16xf32>,
    %get3A_61 = vector.shape_cast %get3A_60 : vector<16xf32> to vector<16xf32>
    %get3A_62 = arith.constant 80 : index
    %get3A_63 = tpu.vector_load %arg8[%get3A_62] {strides = array<i32>} : memref<640xf32, #tpu.memory_space<vmem>>, vector<16xf32>,
    %get3A_64 = vector.shape_cast %get3A_63 : vector<16xf32> to vector<16xf32>
    %get3A_65 = arith.constant 240 : index
    %get3A_66 = tpu.vector_load %arg8[%get3A_65] {strides = array<i32>} : memref<640xf32, #tpu.memory_space<vmem>>, vector<16xf32>,
    %get3A_67 = vector.shape_cast %get3A_66 : vector<16xf32> to vector<16xf32>
    %get3A_68 = arith.constant 400 : index
    %get3A_69 = tpu.vector_load %arg8[%get3A_68] {strides = array<i32>} : memref<640xf32, #tpu.memory_space<vmem>>, vector<16xf32>,
    %get3A_70 = vector.shape_cast %get3A_69 : vector<16xf32> to vector<16xf32>
    %get3A_71 = arith.constant 560 : index
    %get3A_72 = tpu.vector_load %arg8[%get3A_71] {strides = array<i32>} : memref<640xf32, #tpu.memory_space<vmem>>, vector<16xf32>,
    %get3A_73 = vector.shape_cast %get3A_72 : vector<16xf32> to vector<16xf32>
    %get3A_74 = arith.constant 96 : index
    %get3A_75 = tpu.vector_load %arg8[%get3A_74] {strides = array<i32>} : memref<640xf32, #tpu.memory_space<vmem>>, vector<16xf32>,
    %get3A_76 = vector.shape_cast %get3A_75 : vector<16xf32> to vector<16xf32>
    %get3A_77 = arith.constant 256 : index
    %get3A_78 = tpu.vector_load %arg8[%get3A_77] {strides = array<i32>} : memref<640xf32, #tpu.memory_space<vmem>>, vector<16xf32>,
    %get3A_79 = vector.shape_cast %get3A_78 : vector<16xf32> to vector<16xf32>
    %get3A_80 = arith.constant 416 : index
    %get3A_81 = tpu.vector_load %arg8[%get3A_80] {strides = array<i32>} : memref<640xf32, #tpu.memory_space<vmem>>, vector<16xf32>,
    %get3A_82 = vector.shape_cast %get3A_81 : vector<16xf32> to vector<16xf32>
    %get3A_83 = arith.constant 576 : index
    %get3A_84 = tpu.vector_load %arg8[%get3A_83] {strides = array<i32>} : memref<640xf32, #tpu.memory_space<vmem>>, vector<16xf32>,
    %get3A_85 = vector.shape_cast %get3A_84 : vector<16xf32> to vector<16xf32>
    %get3A_86 = arith.constant 112 : index
    %get3A_87 = tpu.vector_load %arg8[%get3A_86] {strides = array<i32>} : memref<640xf32, #tpu.memory_space<vmem>>, vector<16xf32>,
    %get3A_88 = vector.shape_cast %get3A_87 : vector<16xf32> to vector<16xf32>
    %get3A_89 = arith.constant 272 : index
    %get3A_90 = tpu.vector_load %arg8[%get3A_89] {strides = array<i32>} : memref<640xf32, #tpu.memory_space<vmem>>, vector<16xf32>,
    %get3A_91 = vector.shape_cast %get3A_90 : vector<16xf32> to vector<16xf32>
    %get3A_92 = arith.constant 432 : index
    %get3A_93 = tpu.vector_load %arg8[%get3A_92] {strides = array<i32>} : memref<640xf32, #tpu.memory_space<vmem>>, vector<16xf32>,
    %get3A_94 = vector.shape_cast %get3A_93 : vector<16xf32> to vector<16xf32>
    %get3A_95 = arith.constant 592 : index
    %get3A_96 = tpu.vector_load %arg8[%get3A_95] {strides = array<i32>} : memref<640xf32, #tpu.memory_space<vmem>>, vector<16xf32>,
    %get3A_97 = vector.shape_cast %get3A_96 : vector<16xf32> to vector<16xf32>
    %get3A_98 = arith.constant 128 : index
    %get3A_99 = tpu.vector_load %arg8[%get3A_98] {strides = array<i32>} : memref<640xf32, #tpu.memory_space<vmem>>, vector<16xf32>,
    %get3A_100 = vector.shape_cast %get3A_99 : vector<16xf32> to vector<16xf32>
    %get3A_101 = arith.constant 288 : index
    %get3A_102 = tpu.vector_load %arg8[%get3A_101] {strides = array<i32>} : memref<640xf32, #tpu.memory_space<vmem>>, vector<16xf32>,
    %get3A_103 = vector.shape_cast %get3A_102 : vector<16xf32> to vector<16xf32>
    %get3A_104 = arith.constant 448 : index
    %get3A_105 = tpu.vector_load %arg8[%get3A_104] {strides = array<i32>} : memref<640xf32, #tpu.memory_space<vmem>>, vector<16xf32>,
    %get3A_106 = vector.shape_cast %get3A_105 : vector<16xf32> to vector<16xf32>
    %get3A_107 = arith.constant 608 : index
    %get3A_108 = tpu.vector_load %arg8[%get3A_107] {strides = array<i32>} : memref<640xf32, #tpu.memory_space<vmem>>, vector<16xf32>,
    %get3A_109 = vector.shape_cast %get3A_108 : vector<16xf32> to vector<16xf32>
    %get3A_110 = arith.constant 144 : index
    %get3A_111 = tpu.vector_load %arg8[%get3A_110] {strides = array<i32>} : memref<640xf32, #tpu.memory_space<vmem>>, vector<16xf32>,
    %get3A_112 = vector.shape_cast %get3A_111 : vector<16xf32> to vector<16xf32>
    %get3A_113 = arith.constant 304 : index
    %get3A_114 = tpu.vector_load %arg8[%get3A_113] {strides = array<i32>} : memref<640xf32, #tpu.memory_space<vmem>>, vector<16xf32>,
    %get3A_115 = vector.shape_cast %get3A_114 : vector<16xf32> to vector<16xf32>
    %get3A_116 = arith.constant 464 : index
    %get3A_117 = tpu.vector_load %arg8[%get3A_116] {strides = array<i32>} : memref<640xf32, #tpu.memory_space<vmem>>, vector<16xf32>,
    %get3A_118 = vector.shape_cast %get3A_117 : vector<16xf32> to vector<16xf32>
    %get3A_119 = arith.constant 624 : index
    %get3A_120 = tpu.vector_load %arg8[%get3A_119] {strides = array<i32>} : memref<640xf32, #tpu.memory_space<vmem>>, vector<16xf32>,
    %get3A_121 = vector.shape_cast %get3A_120 : vector<16xf32> to vector<16xf32>
    %scan3A = arith.constant 0 : i32
    %scan3A_122 = arith.constant 0 : i32
    %scan3A_123 = arith.constant 16 : i32
    %scan3A_124 = arith.addi %scan3A_122, %scan3A_123 : i32
    %scan3A_125 = arith.constant 1 : i32
    scf.for %scan3A_931 = %scan3A_122 to %scan3A_124 step %scan3A_125  : i32 {
      %mul3A_932 = arith.constant 2 : i32
      %mul3A_933 = arith.muli %scan3A_931, %mul3A_932 : i32
      %add3A_934 = arith.constant 0 : i32
      %add3A_935 = arith.addi %mul3A_933, %add3A_934 : i32
      %shift_right_arithmetic3A = arith.constant 3 : i32
      %shift_right_arithmetic3A_936 = arith.shrsi %add3A_935, %shift_right_arithmetic3A : i32
      %mul3A_937 = arith.constant 2 : i32
      %mul3A_938 = arith.muli %shift_right_arithmetic3A_936, %mul3A_937 : i32
      %and3A = arith.constant 7 : i32
      %and3A_939 = arith.andi %add3A_935, %and3A : i32
      %mul3A_940 = arith.constant 16 : i32
      %mul3A_941 = arith.muli %and3A_939, %mul3A_940 : i32
      %mul3A_942 = arith.constant 16 : i32
      %mul3A_943 = arith.muli %add3A_935, %mul3A_942 : i32
      %get3A_944 = arith.index_cast %mul3A_943 : i32 to index
      %get3A_945 = tpu.vector_load %arg7[%get3A_944] {strides = array<i32>} : memref<512xi32, #tpu.memory_space<vmem>>, vector<16xi32>,
      %get3A_946 = vector.shape_cast %get3A_945 : vector<16xi32> to vector<16xi32>
      %and3A_947 = arith.constant 1 : i32
      %and3A_948 = vector.broadcast %and3A_947 : i32 to vector<16xi32>
      %and3A_949 = arith.andi %get3A_946, %and3A_948 : vector<16xi32>
      %eq3A = arith.constant 1 : i32
      %eq3A_950 = vector.broadcast %eq3A : i32 to vector<16xi32>
      %eq3A_951 = arith.cmpi eq, %and3A_949, %eq3A_950 : vector<16xi32>
      %ge3A = arith.constant 2 : i32
      %ge3A_952 = vector.broadcast %ge3A : i32 to vector<16xi32>
      %ge3A_953 = arith.cmpi sge, %get3A_946, %ge3A_952 : vector<16xi32>
      %select_n3A = arith.select %eq3A_951, %get3A_13, %get3A_10 : vector<16xi1>, vector<16xf32>
      %select_n3A_954 = arith.select %eq3A_951, %get3A_7, %get3A_4 : vector<16xi1>, vector<16xf32>
      %select_n3A_955 = arith.select %ge3A_953, %select_n3A, %select_n3A_954 : vector<16xi1>, vector<16xf32>
      %add3A_956 = arith.constant 0 : i32
      %add3A_957 = arith.addi %mul3A_938, %add3A_956 : i32
      %swap3A = arith.constant 0 : i32
      %swap3A_958 = arith.index_cast %swap3A : i32 to index
      %swap3A_959 = arith.index_cast %add3A_957 : i32 to index
      %swap3A_960 = arith.index_cast %mul3A_941 : i32 to index
      %swap3A_961 = tpu.vector_load %arg10[%swap3A_958, %swap3A_959, %swap3A_960] {strides = array<i32>} : memref<5x8x128xf32, #tpu.memory_space<vmem>>, vector<1x1x16xf32>,
      %swap3A_962 = vector.shape_cast %swap3A_961 : vector<1x1x16xf32> to vector<16xf32>
      %swap3A_963 = vector.shape_cast %select_n3A_955 : vector<16xf32> to vector<1x1x16xf32>
      tpu.vector_store %arg10[%swap3A_958, %swap3A_959, %swap3A_960], %swap3A_963 {strides = array<i32>} : memref<5x8x128xf32, #tpu.memory_space<vmem>>, vector<1x1x16xf32>,
      %select_n3A_964 = arith.select %eq3A_951, %get3A_25, %get3A_22 : vector<16xi1>, vector<16xf32>
      %select_n3A_965 = arith.select %eq3A_951, %get3A_19, %get3A_16 : vector<16xi1>, vector<16xf32>
      %select_n3A_966 = arith.select %ge3A_953, %select_n3A_964, %select_n3A_965 : vector<16xi1>, vector<16xf32>
      %add3A_967 = arith.constant 0 : i32
      %add3A_968 = arith.addi %mul3A_938, %add3A_967 : i32
      %swap3A_969 = arith.constant 1 : i32
      %swap3A_970 = arith.index_cast %swap3A_969 : i32 to index
      %swap3A_971 = arith.index_cast %add3A_968 : i32 to index
      %swap3A_972 = arith.index_cast %mul3A_941 : i32 to index
      %swap3A_973 = tpu.vector_load %arg10[%swap3A_970, %swap3A_971, %swap3A_972] {strides = array<i32>} : memref<5x8x128xf32, #tpu.memory_space<vmem>>, vector<1x1x16xf32>,
      %swap3A_974 = vector.shape_cast %swap3A_973 : vector<1x1x16xf32> to vector<16xf32>
      %swap3A_975 = vector.shape_cast %select_n3A_966 : vector<16xf32> to vector<1x1x16xf32>
      tpu.vector_store %arg10[%swap3A_970, %swap3A_971, %swap3A_972], %swap3A_975 {strides = array<i32>} : memref<5x8x128xf32, #tpu.memory_space<vmem>>, vector<1x1x16xf32>,
      %select_n3A_976 = arith.select %eq3A_951, %get3A_37, %get3A_34 : vector<16xi1>, vector<16xf32>
      %select_n3A_977 = arith.select %eq3A_951, %get3A_31, %get3A_28 : vector<16xi1>, vector<16xf32>
      %select_n3A_978 = arith.select %ge3A_953, %select_n3A_976, %select_n3A_977 : vector<16xi1>, vector<16xf32>
      %add3A_979 = arith.constant 0 : i32
      %add3A_980 = arith.addi %mul3A_938, %add3A_979 : i32
      %swap3A_981 = arith.constant 2 : i32
      %swap3A_982 = arith.index_cast %swap3A_981 : i32 to index
      %swap3A_983 = arith.index_cast %add3A_980 : i32 to index
      %swap3A_984 = arith.index_cast %mul3A_941 : i32 to index
      %swap3A_985 = tpu.vector_load %arg10[%swap3A_982, %swap3A_983, %swap3A_984] {strides = array<i32>} : memref<5x8x128xf32, #tpu.memory_space<vmem>>, vector<1x1x16xf32>,
      %swap3A_986 = vector.shape_cast %swap3A_985 : vector<1x1x16xf32> to vector<16xf32>
      %swap3A_987 = vector.shape_cast %select_n3A_978 : vector<16xf32> to vector<1x1x16xf32>
      tpu.vector_store %arg10[%swap3A_982, %swap3A_983, %swap3A_984], %swap3A_987 {strides = array<i32>} : memref<5x8x128xf32, #tpu.memory_space<vmem>>, vector<1x1x16xf32>,
      %select_n3A_988 = arith.select %eq3A_951, %get3A_49, %get3A_46 : vector<16xi1>, vector<16xf32>
      %select_n3A_989 = arith.select %eq3A_951, %get3A_43, %get3A_40 : vector<16xi1>, vector<16xf32>
      %select_n3A_990 = arith.select %ge3A_953, %select_n3A_988, %select_n3A_989 : vector<16xi1>, vector<16xf32>
      %add3A_991 = arith.constant 0 : i32
      %add3A_992 = arith.addi %mul3A_938, %add3A_991 : i32
      %swap3A_993 = arith.constant 3 : i32
      %swap3A_994 = arith.index_cast %swap3A_993 : i32 to index
      %swap3A_995 = arith.index_cast %add3A_992 : i32 to index
      %swap3A_996 = arith.index_cast %mul3A_941 : i32 to index
      %swap3A_997 = tpu.vector_load %arg10[%swap3A_994, %swap3A_995, %swap3A_996] {strides = array<i32>} : memref<5x8x128xf32, #tpu.memory_space<vmem>>, vector<1x1x16xf32>,
      %swap3A_998 = vector.shape_cast %swap3A_997 : vector<1x1x16xf32> to vector<16xf32>
      %swap3A_999 = vector.shape_cast %select_n3A_990 : vector<16xf32> to vector<1x1x16xf32>
      tpu.vector_store %arg10[%swap3A_994, %swap3A_995, %swap3A_996], %swap3A_999 {strides = array<i32>} : memref<5x8x128xf32, #tpu.memory_space<vmem>>, vector<1x1x16xf32>,
      %select_n3A_1000 = arith.select %eq3A_951, %get3A_61, %get3A_58 : vector<16xi1>, vector<16xf32>
      %select_n3A_1001 = arith.select %eq3A_951, %get3A_55, %get3A_52 : vector<16xi1>, vector<16xf32>
      %select_n3A_1002 = arith.select %ge3A_953, %select_n3A_1000, %select_n3A_1001 : vector<16xi1>, vector<16xf32>
      %add3A_1003 = arith.constant 0 : i32
      %add3A_1004 = arith.addi %mul3A_938, %add3A_1003 : i32
      %swap3A_1005 = arith.constant 4 : i32
      %swap3A_1006 = arith.index_cast %swap3A_1005 : i32 to index
      %swap3A_1007 = arith.index_cast %add3A_1004 : i32 to index
      %swap3A_1008 = arith.index_cast %mul3A_941 : i32 to index
      %swap3A_1009 = tpu.vector_load %arg10[%swap3A_1006, %swap3A_1007, %swap3A_1008] {strides = array<i32>} : memref<5x8x128xf32, #tpu.memory_space<vmem>>, vector<1x1x16xf32>,
      %swap3A_1010 = vector.shape_cast %swap3A_1009 : vector<1x1x16xf32> to vector<16xf32>
      %swap3A_1011 = vector.shape_cast %select_n3A_1002 : vector<16xf32> to vector<1x1x16xf32>
      tpu.vector_store %arg10[%swap3A_1006, %swap3A_1007, %swap3A_1008], %swap3A_1011 {strides = array<i32>} : memref<5x8x128xf32, #tpu.memory_space<vmem>>, vector<1x1x16xf32>,
      %select_n3A_1012 = arith.select %eq3A_951, %get3A_73, %get3A_70 : vector<16xi1>, vector<16xf32>
      %select_n3A_1013 = arith.select %eq3A_951, %get3A_67, %get3A_64 : vector<16xi1>, vector<16xf32>
      %select_n3A_1014 = arith.select %ge3A_953, %select_n3A_1012, %select_n3A_1013 : vector<16xi1>, vector<16xf32>
      %add3A_1015 = arith.constant 1 : i32
      %add3A_1016 = arith.addi %mul3A_938, %add3A_1015 : i32
      %swap3A_1017 = arith.constant 0 : i32
      %swap3A_1018 = arith.index_cast %swap3A_1017 : i32 to index
      %swap3A_1019 = arith.index_cast %add3A_1016 : i32 to index
      %swap3A_1020 = arith.index_cast %mul3A_941 : i32 to index
      %swap3A_1021 = tpu.vector_load %arg10[%swap3A_1018, %swap3A_1019, %swap3A_1020] {strides = array<i32>} : memref<5x8x128xf32, #tpu.memory_space<vmem>>, vector<1x1x16xf32>,
      %swap3A_1022 = vector.shape_cast %swap3A_1021 : vector<1x1x16xf32> to vector<16xf32>
      %swap3A_1023 = vector.shape_cast %select_n3A_1014 : vector<16xf32> to vector<1x1x16xf32>
      tpu.vector_store %arg10[%swap3A_1018, %swap3A_1019, %swap3A_1020], %swap3A_1023 {strides = array<i32>} : memref<5x8x128xf32, #tpu.memory_space<vmem>>, vector<1x1x16xf32>,
      %select_n3A_1024 = arith.select %eq3A_951, %get3A_85, %get3A_82 : vector<16xi1>, vector<16xf32>
      %select_n3A_1025 = arith.select %eq3A_951, %get3A_79, %get3A_76 : vector<16xi1>, vector<16xf32>
      %select_n3A_1026 = arith.select %ge3A_953, %select_n3A_1024, %select_n3A_1025 : vector<16xi1>, vector<16xf32>
      %add3A_1027 = arith.constant 1 : i32
      %add3A_1028 = arith.addi %mul3A_938, %add3A_1027 : i32
      %swap3A_1029 = arith.constant 1 : i32
      %swap3A_1030 = arith.index_cast %swap3A_1029 : i32 to index
      %swap3A_1031 = arith.index_cast %add3A_1028 : i32 to index
      %swap3A_1032 = arith.index_cast %mul3A_941 : i32 to index
      %swap3A_1033 = tpu.vector_load %arg10[%swap3A_1030, %swap3A_1031, %swap3A_1032] {strides = array<i32>} : memref<5x8x128xf32, #tpu.memory_space<vmem>>, vector<1x1x16xf32>,
      %swap3A_1034 = vector.shape_cast %swap3A_1033 : vector<1x1x16xf32> to vector<16xf32>
      %swap3A_1035 = vector.shape_cast %select_n3A_1026 : vector<16xf32> to vector<1x1x16xf32>
      tpu.vector_store %arg10[%swap3A_1030, %swap3A_1031, %swap3A_1032], %swap3A_1035 {strides = array<i32>} : memref<5x8x128xf32, #tpu.memory_space<vmem>>, vector<1x1x16xf32>,
      %select_n3A_1036 = arith.select %eq3A_951, %get3A_97, %get3A_94 : vector<16xi1>, vector<16xf32>
      %select_n3A_1037 = arith.select %eq3A_951, %get3A_91, %get3A_88 : vector<16xi1>, vector<16xf32>
      %select_n3A_1038 = arith.select %ge3A_953, %select_n3A_1036, %select_n3A_1037 : vector<16xi1>, vector<16xf32>
      %add3A_1039 = arith.constant 1 : i32
      %add3A_1040 = arith.addi %mul3A_938, %add3A_1039 : i32
      %swap3A_1041 = arith.constant 2 : i32
      %swap3A_1042 = arith.index_cast %swap3A_1041 : i32 to index
      %swap3A_1043 = arith.index_cast %add3A_1040 : i32 to index
      %swap3A_1044 = arith.index_cast %mul3A_941 : i32 to index
      %swap3A_1045 = tpu.vector_load %arg10[%swap3A_1042, %swap3A_1043, %swap3A_1044] {strides = array<i32>} : memref<5x8x128xf32, #tpu.memory_space<vmem>>, vector<1x1x16xf32>,
      %swap3A_1046 = vector.shape_cast %swap3A_1045 : vector<1x1x16xf32> to vector<16xf32>
      %swap3A_1047 = vector.shape_cast %select_n3A_1038 : vector<16xf32> to vector<1x1x16xf32>
      tpu.vector_store %arg10[%swap3A_1042, %swap3A_1043, %swap3A_1044], %swap3A_1047 {strides = array<i32>} : memref<5x8x128xf32, #tpu.memory_space<vmem>>, vector<1x1x16xf32>,
      %select_n3A_1048 = arith.select %eq3A_951, %get3A_109, %get3A_106 : vector<16xi1>, vector<16xf32>
      %select_n3A_1049 = arith.select %eq3A_951, %get3A_103, %get3A_100 : vector<16xi1>, vector<16xf32>
      %select_n3A_1050 = arith.select %ge3A_953, %select_n3A_1048, %select_n3A_1049 : vector<16xi1>, vector<16xf32>
      %add3A_1051 = arith.constant 1 : i32
      %add3A_1052 = arith.addi %mul3A_938, %add3A_1051 : i32
      %swap3A_1053 = arith.constant 3 : i32
      %swap3A_1054 = arith.index_cast %swap3A_1053 : i32 to index
      %swap3A_1055 = arith.index_cast %add3A_1052 : i32 to index
      %swap3A_1056 = arith.index_cast %mul3A_941 : i32 to index
      %swap3A_1057 = tpu.vector_load %arg10[%swap3A_1054, %swap3A_1055, %swap3A_1056] {strides = array<i32>} : memref<5x8x128xf32, #tpu.memory_space<vmem>>, vector<1x1x16xf32>,
      %swap3A_1058 = vector.shape_cast %swap3A_1057 : vector<1x1x16xf32> to vector<16xf32>
      %swap3A_1059 = vector.shape_cast %select_n3A_1050 : vector<16xf32> to vector<1x1x16xf32>
      tpu.vector_store %arg10[%swap3A_1054, %swap3A_1055, %swap3A_1056], %swap3A_1059 {strides = array<i32>} : memref<5x8x128xf32, #tpu.memory_space<vmem>>, vector<1x1x16xf32>,
      %select_n3A_1060 = arith.select %eq3A_951, %get3A_121, %get3A_118 : vector<16xi1>, vector<16xf32>
      %select_n3A_1061 = arith.select %eq3A_951, %get3A_115, %get3A_112 : vector<16xi1>, vector<16xf32>
      %select_n3A_1062 = arith.select %ge3A_953, %select_n3A_1060, %select_n3A_1061 : vector<16xi1>, vector<16xf32>
      %add3A_1063 = arith.constant 1 : i32
      %add3A_1064 = arith.addi %mul3A_938, %add3A_1063 : i32
      %swap3A_1065 = arith.constant 4 : i32
      %swap3A_1066 = arith.index_cast %swap3A_1065 : i32 to index
      %swap3A_1067 = arith.index_cast %add3A_1064 : i32 to index
      %swap3A_1068 = arith.index_cast %mul3A_941 : i32 to index
      %swap3A_1069 = tpu.vector_load %arg10[%swap3A_1066, %swap3A_1067, %swap3A_1068] {strides = array<i32>} : memref<5x8x128xf32, #tpu.memory_space<vmem>>, vector<1x1x16xf32>,
      %swap3A_1070 = vector.shape_cast %swap3A_1069 : vector<1x1x16xf32> to vector<16xf32>
      %swap3A_1071 = vector.shape_cast %select_n3A_1062 : vector<16xf32> to vector<1x1x16xf32>
      tpu.vector_store %arg10[%swap3A_1066, %swap3A_1067, %swap3A_1068], %swap3A_1071 {strides = array<i32>} : memref<5x8x128xf32, #tpu.memory_space<vmem>>, vector<1x1x16xf32>,
      %mul3A_1072 = arith.constant 2 : i32
      %mul3A_1073 = arith.muli %scan3A_931, %mul3A_1072 : i32
      %add3A_1074 = arith.constant 1 : i32
      %add3A_1075 = arith.addi %mul3A_1073, %add3A_1074 : i32
      %shift_right_arithmetic3A_1076 = arith.constant 3 : i32
      %shift_right_arithmetic3A_1077 = arith.shrsi %add3A_1075, %shift_right_arithmetic3A_1076 : i32
      %mul3A_1078 = arith.constant 2 : i32
      %mul3A_1079 = arith.muli %shift_right_arithmetic3A_1077, %mul3A_1078 : i32
      %and3A_1080 = arith.constant 7 : i32
      %and3A_1081 = arith.andi %add3A_1075, %and3A_1080 : i32
      %mul3A_1082 = arith.constant 16 : i32
      %mul3A_1083 = arith.muli %and3A_1081, %mul3A_1082 : i32
      %mul3A_1084 = arith.constant 16 : i32
      %mul3A_1085 = arith.muli %add3A_1075, %mul3A_1084 : i32
      %get3A_1086 = arith.index_cast %mul3A_1085 : i32 to index
      %get3A_1087 = tpu.vector_load %arg7[%get3A_1086] {strides = array<i32>} : memref<512xi32, #tpu.memory_space<vmem>>, vector<16xi32>,
      %get3A_1088 = vector.shape_cast %get3A_1087 : vector<16xi32> to vector<16xi32>
      %and3A_1089 = arith.constant 1 : i32
      %and3A_1090 = vector.broadcast %and3A_1089 : i32 to vector<16xi32>
      %and3A_1091 = arith.andi %get3A_1088, %and3A_1090 : vector<16xi32>
      %eq3A_1092 = arith.constant 1 : i32
      %eq3A_1093 = vector.broadcast %eq3A_1092 : i32 to vector<16xi32>
      %eq3A_1094 = arith.cmpi eq, %and3A_1091, %eq3A_1093 : vector<16xi32>
      %ge3A_1095 = arith.constant 2 : i32
      %ge3A_1096 = vector.broadcast %ge3A_1095 : i32 to vector<16xi32>
      %ge3A_1097 = arith.cmpi sge, %get3A_1088, %ge3A_1096 : vector<16xi32>
      %select_n3A_1098 = arith.select %eq3A_1094, %get3A_13, %get3A_10 : vector<16xi1>, vector<16xf32>
      %select_n3A_1099 = arith.select %eq3A_1094, %get3A_7, %get3A_4 : vector<16xi1>, vector<16xf32>
      %select_n3A_1100 = arith.select %ge3A_1097, %select_n3A_1098, %select_n3A_1099 : vector<16xi1>, vector<16xf32>
      %add3A_1101 = arith.constant 0 : i32
      %add3A_1102 = arith.addi %mul3A_1079, %add3A_1101 : i32
      %swap3A_1103 = arith.constant 0 : i32
      %swap3A_1104 = arith.index_cast %swap3A_1103 : i32 to index
      %swap3A_1105 = arith.index_cast %add3A_1102 : i32 to index
      %swap3A_1106 = arith.index_cast %mul3A_1083 : i32 to index
      %swap3A_1107 = tpu.vector_load %arg10[%swap3A_1104, %swap3A_1105, %swap3A_1106] {strides = array<i32>} : memref<5x8x128xf32, #tpu.memory_space<vmem>>, vector<1x1x16xf32>,
      %swap3A_1108 = vector.shape_cast %swap3A_1107 : vector<1x1x16xf32> to vector<16xf32>
      %swap3A_1109 = vector.shape_cast %select_n3A_1100 : vector<16xf32> to vector<1x1x16xf32>
      tpu.vector_store %arg10[%swap3A_1104, %swap3A_1105, %swap3A_1106], %swap3A_1109 {strides = array<i32>} : memref<5x8x128xf32, #tpu.memory_space<vmem>>, vector<1x1x16xf32>,
      %select_n3A_1110 = arith.select %eq3A_1094, %get3A_25, %get3A_22 : vector<16xi1>, vector<16xf32>
      %select_n3A_1111 = arith.select %eq3A_1094, %get3A_19, %get3A_16 : vector<16xi1>, vector<16xf32>
      %select_n3A_1112 = arith.select %ge3A_1097, %select_n3A_1110, %select_n3A_1111 : vector<16xi1>, vector<16xf32>
      %add3A_1113 = arith.constant 0 : i32
      %add3A_1114 = arith.addi %mul3A_1079, %add3A_1113 : i32
      %swap3A_1115 = arith.constant 1 : i32
      %swap3A_1116 = arith.index_cast %swap3A_1115 : i32 to index
      %swap3A_1117 = arith.index_cast %add3A_1114 : i32 to index
      %swap3A_1118 = arith.index_cast %mul3A_1083 : i32 to index
      %swap3A_1119 = tpu.vector_load %arg10[%swap3A_1116, %swap3A_1117, %swap3A_1118] {strides = array<i32>} : memref<5x8x128xf32, #tpu.memory_space<vmem>>, vector<1x1x16xf32>,
      %swap3A_1120 = vector.shape_cast %swap3A_1119 : vector<1x1x16xf32> to vector<16xf32>
      %swap3A_1121 = vector.shape_cast %select_n3A_1112 : vector<16xf32> to vector<1x1x16xf32>
      tpu.vector_store %arg10[%swap3A_1116, %swap3A_1117, %swap3A_1118], %swap3A_1121 {strides = array<i32>} : memref<5x8x128xf32, #tpu.memory_space<vmem>>, vector<1x1x16xf32>,
      %select_n3A_1122 = arith.select %eq3A_1094, %get3A_37, %get3A_34 : vector<16xi1>, vector<16xf32>
      %select_n3A_1123 = arith.select %eq3A_1094, %get3A_31, %get3A_28 : vector<16xi1>, vector<16xf32>
      %select_n3A_1124 = arith.select %ge3A_1097, %select_n3A_1122, %select_n3A_1123 : vector<16xi1>, vector<16xf32>
      %add3A_1125 = arith.constant 0 : i32
      %add3A_1126 = arith.addi %mul3A_1079, %add3A_1125 : i32
      %swap3A_1127 = arith.constant 2 : i32
      %swap3A_1128 = arith.index_cast %swap3A_1127 : i32 to index
      %swap3A_1129 = arith.index_cast %add3A_1126 : i32 to index
      %swap3A_1130 = arith.index_cast %mul3A_1083 : i32 to index
      %swap3A_1131 = tpu.vector_load %arg10[%swap3A_1128, %swap3A_1129, %swap3A_1130] {strides = array<i32>} : memref<5x8x128xf32, #tpu.memory_space<vmem>>, vector<1x1x16xf32>,
      %swap3A_1132 = vector.shape_cast %swap3A_1131 : vector<1x1x16xf32> to vector<16xf32>
      %swap3A_1133 = vector.shape_cast %select_n3A_1124 : vector<16xf32> to vector<1x1x16xf32>
      tpu.vector_store %arg10[%swap3A_1128, %swap3A_1129, %swap3A_1130], %swap3A_1133 {strides = array<i32>} : memref<5x8x128xf32, #tpu.memory_space<vmem>>, vector<1x1x16xf32>,
      %select_n3A_1134 = arith.select %eq3A_1094, %get3A_49, %get3A_46 : vector<16xi1>, vector<16xf32>
      %select_n3A_1135 = arith.select %eq3A_1094, %get3A_43, %get3A_40 : vector<16xi1>, vector<16xf32>
      %select_n3A_1136 = arith.select %ge3A_1097, %select_n3A_1134, %select_n3A_1135 : vector<16xi1>, vector<16xf32>
      %add3A_1137 = arith.constant 0 : i32
      %add3A_1138 = arith.addi %mul3A_1079, %add3A_1137 : i32
      %swap3A_1139 = arith.constant 3 : i32
      %swap3A_1140 = arith.index_cast %swap3A_1139 : i32 to index
      %swap3A_1141 = arith.index_cast %add3A_1138 : i32 to index
      %swap3A_1142 = arith.index_cast %mul3A_1083 : i32 to index
      %swap3A_1143 = tpu.vector_load %arg10[%swap3A_1140, %swap3A_1141, %swap3A_1142] {strides = array<i32>} : memref<5x8x128xf32, #tpu.memory_space<vmem>>, vector<1x1x16xf32>,
      %swap3A_1144 = vector.shape_cast %swap3A_1143 : vector<1x1x16xf32> to vector<16xf32>
      %swap3A_1145 = vector.shape_cast %select_n3A_1136 : vector<16xf32> to vector<1x1x16xf32>
      tpu.vector_store %arg10[%swap3A_1140, %swap3A_1141, %swap3A_1142], %swap3A_1145 {strides = array<i32>} : memref<5x8x128xf32, #tpu.memory_space<vmem>>, vector<1x1x16xf32>,
      %select_n3A_1146 = arith.select %eq3A_1094, %get3A_61, %get3A_58 : vector<16xi1>, vector<16xf32>
      %select_n3A_1147 = arith.select %eq3A_1094, %get3A_55, %get3A_52 : vector<16xi1>, vector<16xf32>
      %select_n3A_1148 = arith.select %ge3A_1097, %select_n3A_1146, %select_n3A_1147 : vector<16xi1>, vector<16xf32>
      %add3A_1149 = arith.constant 0 : i32
      %add3A_1150 = arith.addi %mul3A_1079, %add3A_1149 : i32
      %swap3A_1151 = arith.constant 4 : i32
      %swap3A_1152 = arith.index_cast %swap3A_1151 : i32 to index
      %swap3A_1153 = arith.index_cast %add3A_1150 : i32 to index
      %swap3A_1154 = arith.index_cast %mul3A_1083 : i32 to index
      %swap3A_1155 = tpu.vector_load %arg10[%swap3A_1152, %swap3A_1153, %swap3A_1154] {strides = array<i32>} : memref<5x8x128xf32, #tpu.memory_space<vmem>>, vector<1x1x16xf32>,
      %swap3A_1156 = vector.shape_cast %swap3A_1155 : vector<1x1x16xf32> to vector<16xf32>
      %swap3A_1157 = vector.shape_cast %select_n3A_1148 : vector<16xf32> to vector<1x1x16xf32>
      tpu.vector_store %arg10[%swap3A_1152, %swap3A_1153, %swap3A_1154], %swap3A_1157 {strides = array<i32>} : memref<5x8x128xf32, #tpu.memory_space<vmem>>, vector<1x1x16xf32>,
      %select_n3A_1158 = arith.select %eq3A_1094, %get3A_73, %get3A_70 : vector<16xi1>, vector<16xf32>
      %select_n3A_1159 = arith.select %eq3A_1094, %get3A_67, %get3A_64 : vector<16xi1>, vector<16xf32>
      %select_n3A_1160 = arith.select %ge3A_1097, %select_n3A_1158, %select_n3A_1159 : vector<16xi1>, vector<16xf32>
      %add3A_1161 = arith.constant 1 : i32
      %add3A_1162 = arith.addi %mul3A_1079, %add3A_1161 : i32
      %swap3A_1163 = arith.constant 0 : i32
      %swap3A_1164 = arith.index_cast %swap3A_1163 : i32 to index
      %swap3A_1165 = arith.index_cast %add3A_1162 : i32 to index
      %swap3A_1166 = arith.index_cast %mul3A_1083 : i32 to index
      %swap3A_1167 = tpu.vector_load %arg10[%swap3A_1164, %swap3A_1165, %swap3A_1166] {strides = array<i32>} : memref<5x8x128xf32, #tpu.memory_space<vmem>>, vector<1x1x16xf32>,
      %swap3A_1168 = vector.shape_cast %swap3A_1167 : vector<1x1x16xf32> to vector<16xf32>
      %swap3A_1169 = vector.shape_cast %select_n3A_1160 : vector<16xf32> to vector<1x1x16xf32>
      tpu.vector_store %arg10[%swap3A_1164, %swap3A_1165, %swap3A_1166], %swap3A_1169 {strides = array<i32>} : memref<5x8x128xf32, #tpu.memory_space<vmem>>, vector<1x1x16xf32>,
      %select_n3A_1170 = arith.select %eq3A_1094, %get3A_85, %get3A_82 : vector<16xi1>, vector<16xf32>
      %select_n3A_1171 = arith.select %eq3A_1094, %get3A_79, %get3A_76 : vector<16xi1>, vector<16xf32>
      %select_n3A_1172 = arith.select %ge3A_1097, %select_n3A_1170, %select_n3A_1171 : vector<16xi1>, vector<16xf32>
      %add3A_1173 = arith.constant 1 : i32
      %add3A_1174 = arith.addi %mul3A_1079, %add3A_1173 : i32
      %swap3A_1175 = arith.constant 1 : i32
      %swap3A_1176 = arith.index_cast %swap3A_1175 : i32 to index
      %swap3A_1177 = arith.index_cast %add3A_1174 : i32 to index
      %swap3A_1178 = arith.index_cast %mul3A_1083 : i32 to index
      %swap3A_1179 = tpu.vector_load %arg10[%swap3A_1176, %swap3A_1177, %swap3A_1178] {strides = array<i32>} : memref<5x8x128xf32, #tpu.memory_space<vmem>>, vector<1x1x16xf32>,
      %swap3A_1180 = vector.shape_cast %swap3A_1179 : vector<1x1x16xf32> to vector<16xf32>
      %swap3A_1181 = vector.shape_cast %select_n3A_1172 : vector<16xf32> to vector<1x1x16xf32>
      tpu.vector_store %arg10[%swap3A_1176, %swap3A_1177, %swap3A_1178], %swap3A_1181 {strides = array<i32>} : memref<5x8x128xf32, #tpu.memory_space<vmem>>, vector<1x1x16xf32>,
      %select_n3A_1182 = arith.select %eq3A_1094, %get3A_97, %get3A_94 : vector<16xi1>, vector<16xf32>
      %select_n3A_1183 = arith.select %eq3A_1094, %get3A_91, %get3A_88 : vector<16xi1>, vector<16xf32>
      %select_n3A_1184 = arith.select %ge3A_1097, %select_n3A_1182, %select_n3A_1183 : vector<16xi1>, vector<16xf32>
      %add3A_1185 = arith.constant 1 : i32
      %add3A_1186 = arith.addi %mul3A_1079, %add3A_1185 : i32
      %swap3A_1187 = arith.constant 2 : i32
      %swap3A_1188 = arith.index_cast %swap3A_1187 : i32 to index
      %swap3A_1189 = arith.index_cast %add3A_1186 : i32 to index
      %swap3A_1190 = arith.index_cast %mul3A_1083 : i32 to index
      %swap3A_1191 = tpu.vector_load %arg10[%swap3A_1188, %swap3A_1189, %swap3A_1190] {strides = array<i32>} : memref<5x8x128xf32, #tpu.memory_space<vmem>>, vector<1x1x16xf32>,
      %swap3A_1192 = vector.shape_cast %swap3A_1191 : vector<1x1x16xf32> to vector<16xf32>
      %swap3A_1193 = vector.shape_cast %select_n3A_1184 : vector<16xf32> to vector<1x1x16xf32>
      tpu.vector_store %arg10[%swap3A_1188, %swap3A_1189, %swap3A_1190], %swap3A_1193 {strides = array<i32>} : memref<5x8x128xf32, #tpu.memory_space<vmem>>, vector<1x1x16xf32>,
      %select_n3A_1194 = arith.select %eq3A_1094, %get3A_109, %get3A_106 : vector<16xi1>, vector<16xf32>
      %select_n3A_1195 = arith.select %eq3A_1094, %get3A_103, %get3A_100 : vector<16xi1>, vector<16xf32>
      %select_n3A_1196 = arith.select %ge3A_1097, %select_n3A_1194, %select_n3A_1195 : vector<16xi1>, vector<16xf32>
      %add3A_1197 = arith.constant 1 : i32
      %add3A_1198 = arith.addi %mul3A_1079, %add3A_1197 : i32
      %swap3A_1199 = arith.constant 3 : i32
      %swap3A_1200 = arith.index_cast %swap3A_1199 : i32 to index
      %swap3A_1201 = arith.index_cast %add3A_1198 : i32 to index
      %swap3A_1202 = arith.index_cast %mul3A_1083 : i32 to index
      %swap3A_1203 = tpu.vector_load %arg10[%swap3A_1200, %swap3A_1201, %swap3A_1202] {strides = array<i32>} : memref<5x8x128xf32, #tpu.memory_space<vmem>>, vector<1x1x16xf32>,
      %swap3A_1204 = vector.shape_cast %swap3A_1203 : vector<1x1x16xf32> to vector<16xf32>
      %swap3A_1205 = vector.shape_cast %select_n3A_1196 : vector<16xf32> to vector<1x1x16xf32>
      tpu.vector_store %arg10[%swap3A_1200, %swap3A_1201, %swap3A_1202], %swap3A_1205 {strides = array<i32>} : memref<5x8x128xf32, #tpu.memory_space<vmem>>, vector<1x1x16xf32>,
      %select_n3A_1206 = arith.select %eq3A_1094, %get3A_121, %get3A_118 : vector<16xi1>, vector<16xf32>
      %select_n3A_1207 = arith.select %eq3A_1094, %get3A_115, %get3A_112 : vector<16xi1>, vector<16xf32>
      %select_n3A_1208 = arith.select %ge3A_1097, %select_n3A_1206, %select_n3A_1207 : vector<16xi1>, vector<16xf32>
      %add3A_1209 = arith.constant 1 : i32
      %add3A_1210 = arith.addi %mul3A_1079, %add3A_1209 : i32
      %swap3A_1211 = arith.constant 4 : i32
      %swap3A_1212 = arith.index_cast %swap3A_1211 : i32 to index
      %swap3A_1213 = arith.index_cast %add3A_1210 : i32 to index
      %swap3A_1214 = arith.index_cast %mul3A_1083 : i32 to index
      %swap3A_1215 = tpu.vector_load %arg10[%swap3A_1212, %swap3A_1213, %swap3A_1214] {strides = array<i32>} : memref<5x8x128xf32, #tpu.memory_space<vmem>>, vector<1x1x16xf32>,
      %swap3A_1216 = vector.shape_cast %swap3A_1215 : vector<1x1x16xf32> to vector<16xf32>
      %swap3A_1217 = vector.shape_cast %select_n3A_1208 : vector<16xf32> to vector<1x1x16xf32>
      tpu.vector_store %arg10[%swap3A_1212, %swap3A_1213, %swap3A_1214], %swap3A_1217 {strides = array<i32>} : memref<5x8x128xf32, #tpu.memory_space<vmem>>, vector<1x1x16xf32>,
    }
    %scan3A_126 = arith.constant 16 : i32
    %mul3A_127 = arith.constant 2 : i32
    %mul3A_128 = arith.muli %add3A, %mul3A_127 : i32
    %mul3A_129 = arith.constant 4 : i32
    %mul3A_130 = arith.muli %mul3A_128, %mul3A_129 : i32
    %dma_start3A = arith.constant 0 : i32
    %dma_start3A_131 = arith.constant 0 : i32
    %dma_start3A_132 = tpu.memref_slice %arg5[%dma_start3A, %mul3A_130, %dma_start3A_131] : memref<5x256x128xf32, #tpu.memory_space<hbm>> -> memref<5x8x128xf32, #tpu.memory_space<hbm>>
    %dma_start3A_133 = arith.constant 0 : i32
    %dma_start3A_134 = arith.constant 0 : i32
    %dma_start3A_135 = tpu.memref_slice %arg5[%dma_start3A_133, %mul3A_130, %dma_start3A_134] : memref<5x256x128xf32, #tpu.memory_space<hbm>> -> memref<5x8x128xf32, #tpu.memory_space<hbm>>
    tpu.enqueue_dma source(%arg10 : memref<5x8x128xf32, #tpu.memory_space<vmem>>) target(%dma_start3A_135 : memref<5x8x128xf32, #tpu.memory_space<hbm>>) target_semaphore(%arg12 : memref<!tpu.dma_semaphore, #tpu.memory_space<semaphore_mem>>)
    %get3A_136 = arith.constant 0 : index
    %get3A_137 = tpu.vector_load %arg9[%get3A_136] {strides = array<i32>} : memref<3200xf32, #tpu.memory_space<vmem>>, vector<16xf32>,
    %get3A_138 = vector.shape_cast %get3A_137 : vector<16xf32> to vector<16xf32>
    %get3A_139 = arith.constant 800 : index
    %get3A_140 = tpu.vector_load %arg9[%get3A_139] {strides = array<i32>} : memref<3200xf32, #tpu.memory_space<vmem>>, vector<16xf32>,
    %get3A_141 = vector.shape_cast %get3A_140 : vector<16xf32> to vector<16xf32>
    %get3A_142 = arith.constant 1600 : index
    %get3A_143 = tpu.vector_load %arg9[%get3A_142] {strides = array<i32>} : memref<3200xf32, #tpu.memory_space<vmem>>, vector<16xf32>,
    %get3A_144 = vector.shape_cast %get3A_143 : vector<16xf32> to vector<16xf32>
    %get3A_145 = arith.constant 2400 : index
    %get3A_146 = tpu.vector_load %arg9[%get3A_145] {strides = array<i32>} : memref<3200xf32, #tpu.memory_space<vmem>>, vector<16xf32>,
    %get3A_147 = vector.shape_cast %get3A_146 : vector<16xf32> to vector<16xf32>
    %get3A_148 = arith.constant 16 : index
    %get3A_149 = tpu.vector_load %arg9[%get3A_148] {strides = array<i32>} : memref<3200xf32, #tpu.memory_space<vmem>>, vector<16xf32>,
    %get3A_150 = vector.shape_cast %get3A_149 : vector<16xf32> to vector<16xf32>
    %get3A_151 = arith.constant 816 : index
    %get3A_152 = tpu.vector_load %arg9[%get3A_151] {strides = array<i32>} : memref<3200xf32, #tpu.memory_space<vmem>>, vector<16xf32>,
    %get3A_153 = vector.shape_cast %get3A_152 : vector<16xf32> to vector<16xf32>
    %get3A_154 = arith.constant 1616 : index
    %get3A_155 = tpu.vector_load %arg9[%get3A_154] {strides = array<i32>} : memref<3200xf32, #tpu.memory_space<vmem>>, vector<16xf32>,
    %get3A_156 = vector.shape_cast %get3A_155 : vector<16xf32> to vector<16xf32>
    %get3A_157 = arith.constant 2416 : index
    %get3A_158 = tpu.vector_load %arg9[%get3A_157] {strides = array<i32>} : memref<3200xf32, #tpu.memory_space<vmem>>, vector<16xf32>,
    %get3A_159 = vector.shape_cast %get3A_158 : vector<16xf32> to vector<16xf32>
    %get3A_160 = arith.constant 32 : index
    %get3A_161 = tpu.vector_load %arg9[%get3A_160] {strides = array<i32>} : memref<3200xf32, #tpu.memory_space<vmem>>, vector<16xf32>,
    %get3A_162 = vector.shape_cast %get3A_161 : vector<16xf32> to vector<16xf32>
    %get3A_163 = arith.constant 832 : index
    %get3A_164 = tpu.vector_load %arg9[%get3A_163] {strides = array<i32>} : memref<3200xf32, #tpu.memory_space<vmem>>, vector<16xf32>,
    %get3A_165 = vector.shape_cast %get3A_164 : vector<16xf32> to vector<16xf32>
    %get3A_166 = arith.constant 1632 : index
    %get3A_167 = tpu.vector_load %arg9[%get3A_166] {strides = array<i32>} : memref<3200xf32, #tpu.memory_space<vmem>>, vector<16xf32>,
    %get3A_168 = vector.shape_cast %get3A_167 : vector<16xf32> to vector<16xf32>
    %get3A_169 = arith.constant 2432 : index
    %get3A_170 = tpu.vector_load %arg9[%get3A_169] {strides = array<i32>} : memref<3200xf32, #tpu.memory_space<vmem>>, vector<16xf32>,
    %get3A_171 = vector.shape_cast %get3A_170 : vector<16xf32> to vector<16xf32>
    %get3A_172 = arith.constant 48 : index
    %get3A_173 = tpu.vector_load %arg9[%get3A_172] {strides = array<i32>} : memref<3200xf32, #tpu.memory_space<vmem>>, vector<16xf32>,
    %get3A_174 = vector.shape_cast %get3A_173 : vector<16xf32> to vector<16xf32>
    %get3A_175 = arith.constant 848 : index
    %get3A_176 = tpu.vector_load %arg9[%get3A_175] {strides = array<i32>} : memref<3200xf32, #tpu.memory_space<vmem>>, vector<16xf32>,
    %get3A_177 = vector.shape_cast %get3A_176 : vector<16xf32> to vector<16xf32>
    %get3A_178 = arith.constant 1648 : index
    %get3A_179 = tpu.vector_load %arg9[%get3A_178] {strides = array<i32>} : memref<3200xf32, #tpu.memory_space<vmem>>, vector<16xf32>,
    %get3A_180 = vector.shape_cast %get3A_179 : vector<16xf32> to vector<16xf32>
    %get3A_181 = arith.constant 2448 : index
    %get3A_182 = tpu.vector_load %arg9[%get3A_181] {strides = array<i32>} : memref<3200xf32, #tpu.memory_space<vmem>>, vector<16xf32>,
    %get3A_183 = vector.shape_cast %get3A_182 : vector<16xf32> to vector<16xf32>
    %get3A_184 = arith.constant 64 : index
    %get3A_185 = tpu.vector_load %arg9[%get3A_184] {strides = array<i32>} : memref<3200xf32, #tpu.memory_space<vmem>>, vector<16xf32>,
    %get3A_186 = vector.shape_cast %get3A_185 : vector<16xf32> to vector<16xf32>
    %get3A_187 = arith.constant 864 : index
    %get3A_188 = tpu.vector_load %arg9[%get3A_187] {strides = array<i32>} : memref<3200xf32, #tpu.memory_space<vmem>>, vector<16xf32>,
    %get3A_189 = vector.shape_cast %get3A_188 : vector<16xf32> to vector<16xf32>
    %get3A_190 = arith.constant 1664 : index
    %get3A_191 = tpu.vector_load %arg9[%get3A_190] {strides = array<i32>} : memref<3200xf32, #tpu.memory_space<vmem>>, vector<16xf32>,
    %get3A_192 = vector.shape_cast %get3A_191 : vector<16xf32> to vector<16xf32>
    %get3A_193 = arith.constant 2464 : index
    %get3A_194 = tpu.vector_load %arg9[%get3A_193] {strides = array<i32>} : memref<3200xf32, #tpu.memory_space<vmem>>, vector<16xf32>,
    %get3A_195 = vector.shape_cast %get3A_194 : vector<16xf32> to vector<16xf32>
    %get3A_196 = arith.constant 400 : index
    %get3A_197 = tpu.vector_load %arg9[%get3A_196] {strides = array<i32>} : memref<3200xf32, #tpu.memory_space<vmem>>, vector<16xf32>,
    %get3A_198 = vector.shape_cast %get3A_197 : vector<16xf32> to vector<16xf32>
    %get3A_199 = arith.constant 1200 : index
    %get3A_200 = tpu.vector_load %arg9[%get3A_199] {strides = array<i32>} : memref<3200xf32, #tpu.memory_space<vmem>>, vector<16xf32>,
    %get3A_201 = vector.shape_cast %get3A_200 : vector<16xf32> to vector<16xf32>
    %get3A_202 = arith.constant 2000 : index
    %get3A_203 = tpu.vector_load %arg9[%get3A_202] {strides = array<i32>} : memref<3200xf32, #tpu.memory_space<vmem>>, vector<16xf32>,
    %get3A_204 = vector.shape_cast %get3A_203 : vector<16xf32> to vector<16xf32>
    %get3A_205 = arith.constant 2800 : index
    %get3A_206 = tpu.vector_load %arg9[%get3A_205] {strides = array<i32>} : memref<3200xf32, #tpu.memory_space<vmem>>, vector<16xf32>,
    %get3A_207 = vector.shape_cast %get3A_206 : vector<16xf32> to vector<16xf32>
    %get3A_208 = arith.constant 416 : index
    %get3A_209 = tpu.vector_load %arg9[%get3A_208] {strides = array<i32>} : memref<3200xf32, #tpu.memory_space<vmem>>, vector<16xf32>,
    %get3A_210 = vector.shape_cast %get3A_209 : vector<16xf32> to vector<16xf32>
    %get3A_211 = arith.constant 1216 : index
    %get3A_212 = tpu.vector_load %arg9[%get3A_211] {strides = array<i32>} : memref<3200xf32, #tpu.memory_space<vmem>>, vector<16xf32>,
    %get3A_213 = vector.shape_cast %get3A_212 : vector<16xf32> to vector<16xf32>
    %get3A_214 = arith.constant 2016 : index
    %get3A_215 = tpu.vector_load %arg9[%get3A_214] {strides = array<i32>} : memref<3200xf32, #tpu.memory_space<vmem>>, vector<16xf32>,
    %get3A_216 = vector.shape_cast %get3A_215 : vector<16xf32> to vector<16xf32>
    %get3A_217 = arith.constant 2816 : index
    %get3A_218 = tpu.vector_load %arg9[%get3A_217] {strides = array<i32>} : memref<3200xf32, #tpu.memory_space<vmem>>, vector<16xf32>,
    %get3A_219 = vector.shape_cast %get3A_218 : vector<16xf32> to vector<16xf32>
    %get3A_220 = arith.constant 432 : index
    %get3A_221 = tpu.vector_load %arg9[%get3A_220] {strides = array<i32>} : memref<3200xf32, #tpu.memory_space<vmem>>, vector<16xf32>,
    %get3A_222 = vector.shape_cast %get3A_221 : vector<16xf32> to vector<16xf32>
    %get3A_223 = arith.constant 1232 : index
    %get3A_224 = tpu.vector_load %arg9[%get3A_223] {strides = array<i32>} : memref<3200xf32, #tpu.memory_space<vmem>>, vector<16xf32>,
    %get3A_225 = vector.shape_cast %get3A_224 : vector<16xf32> to vector<16xf32>
    %get3A_226 = arith.constant 2032 : index
    %get3A_227 = tpu.vector_load %arg9[%get3A_226] {strides = array<i32>} : memref<3200xf32, #tpu.memory_space<vmem>>, vector<16xf32>,
    %get3A_228 = vector.shape_cast %get3A_227 : vector<16xf32> to vector<16xf32>
    %get3A_229 = arith.constant 2832 : index
    %get3A_230 = tpu.vector_load %arg9[%get3A_229] {strides = array<i32>} : memref<3200xf32, #tpu.memory_space<vmem>>, vector<16xf32>,
    %get3A_231 = vector.shape_cast %get3A_230 : vector<16xf32> to vector<16xf32>
    %get3A_232 = arith.constant 448 : index
    %get3A_233 = tpu.vector_load %arg9[%get3A_232] {strides = array<i32>} : memref<3200xf32, #tpu.memory_space<vmem>>, vector<16xf32>,
    %get3A_234 = vector.shape_cast %get3A_233 : vector<16xf32> to vector<16xf32>
    %get3A_235 = arith.constant 1248 : index
    %get3A_236 = tpu.vector_load %arg9[%get3A_235] {strides = array<i32>} : memref<3200xf32, #tpu.memory_space<vmem>>, vector<16xf32>,
    %get3A_237 = vector.shape_cast %get3A_236 : vector<16xf32> to vector<16xf32>
    %get3A_238 = arith.constant 2048 : index
    %get3A_239 = tpu.vector_load %arg9[%get3A_238] {strides = array<i32>} : memref<3200xf32, #tpu.memory_space<vmem>>, vector<16xf32>,
    %get3A_240 = vector.shape_cast %get3A_239 : vector<16xf32> to vector<16xf32>
    %get3A_241 = arith.constant 2848 : index
    %get3A_242 = tpu.vector_load %arg9[%get3A_241] {strides = array<i32>} : memref<3200xf32, #tpu.memory_space<vmem>>, vector<16xf32>,
    %get3A_243 = vector.shape_cast %get3A_242 : vector<16xf32> to vector<16xf32>
    %get3A_244 = arith.constant 464 : index
    %get3A_245 = tpu.vector_load %arg9[%get3A_244] {strides = array<i32>} : memref<3200xf32, #tpu.memory_space<vmem>>, vector<16xf32>,
    %get3A_246 = vector.shape_cast %get3A_245 : vector<16xf32> to vector<16xf32>
    %get3A_247 = arith.constant 1264 : index
    %get3A_248 = tpu.vector_load %arg9[%get3A_247] {strides = array<i32>} : memref<3200xf32, #tpu.memory_space<vmem>>, vector<16xf32>,
    %get3A_249 = vector.shape_cast %get3A_248 : vector<16xf32> to vector<16xf32>
    %get3A_250 = arith.constant 2064 : index
    %get3A_251 = tpu.vector_load %arg9[%get3A_250] {strides = array<i32>} : memref<3200xf32, #tpu.memory_space<vmem>>, vector<16xf32>,
    %get3A_252 = vector.shape_cast %get3A_251 : vector<16xf32> to vector<16xf32>
    %get3A_253 = arith.constant 2864 : index
    %get3A_254 = tpu.vector_load %arg9[%get3A_253] {strides = array<i32>} : memref<3200xf32, #tpu.memory_space<vmem>>, vector<16xf32>,
    %get3A_255 = vector.shape_cast %get3A_254 : vector<16xf32> to vector<16xf32>
    %scan3A_256 = arith.constant 0 : i32
    %scan3A_257 = arith.constant 0 : i32
    %scan3A_258 = arith.constant 16 : i32
    %scan3A_259 = arith.addi %scan3A_257, %scan3A_258 : i32
    %scan3A_260 = arith.constant 1 : i32
    scf.for %scan3A_931 = %scan3A_257 to %scan3A_259 step %scan3A_260  : i32 {
      %mul3A_932 = arith.constant 2 : i32
      %mul3A_933 = arith.muli %scan3A_931, %mul3A_932 : i32
      %add3A_934 = arith.constant 0 : i32
      %add3A_935 = arith.addi %mul3A_933, %add3A_934 : i32
      %shift_right_arithmetic3A = arith.constant 3 : i32
      %shift_right_arithmetic3A_936 = arith.shrsi %add3A_935, %shift_right_arithmetic3A : i32
      %mul3A_937 = arith.constant 2 : i32
      %mul3A_938 = arith.muli %shift_right_arithmetic3A_936, %mul3A_937 : i32
      %and3A = arith.constant 7 : i32
      %and3A_939 = arith.andi %add3A_935, %and3A : i32
      %mul3A_940 = arith.constant 16 : i32
      %mul3A_941 = arith.muli %and3A_939, %mul3A_940 : i32
      %mul3A_942 = arith.constant 16 : i32
      %mul3A_943 = arith.muli %add3A_935, %mul3A_942 : i32
      %get3A_944 = arith.index_cast %mul3A_943 : i32 to index
      %get3A_945 = tpu.vector_load %arg7[%get3A_944] {strides = array<i32>} : memref<512xi32, #tpu.memory_space<vmem>>, vector<16xi32>,
      %get3A_946 = vector.shape_cast %get3A_945 : vector<16xi32> to vector<16xi32>
      %and3A_947 = arith.constant 1 : i32
      %and3A_948 = vector.broadcast %and3A_947 : i32 to vector<16xi32>
      %and3A_949 = arith.andi %get3A_946, %and3A_948 : vector<16xi32>
      %eq3A = arith.constant 1 : i32
      %eq3A_950 = vector.broadcast %eq3A : i32 to vector<16xi32>
      %eq3A_951 = arith.cmpi eq, %and3A_949, %eq3A_950 : vector<16xi32>
      %ge3A = arith.constant 2 : i32
      %ge3A_952 = vector.broadcast %ge3A : i32 to vector<16xi32>
      %ge3A_953 = arith.cmpi sge, %get3A_946, %ge3A_952 : vector<16xi32>
      %select_n3A = arith.select %eq3A_951, %get3A_147, %get3A_144 : vector<16xi1>, vector<16xf32>
      %select_n3A_954 = arith.select %eq3A_951, %get3A_141, %get3A_138 : vector<16xi1>, vector<16xf32>
      %select_n3A_955 = arith.select %ge3A_953, %select_n3A, %select_n3A_954 : vector<16xi1>, vector<16xf32>
      %add3A_956 = arith.constant 0 : i32
      %add3A_957 = arith.addi %mul3A_938, %add3A_956 : i32
      %swap3A = arith.constant 0 : i32
      %swap3A_958 = arith.index_cast %swap3A : i32 to index
      %swap3A_959 = arith.index_cast %add3A_957 : i32 to index
      %swap3A_960 = arith.index_cast %mul3A_941 : i32 to index
      %swap3A_961 = tpu.vector_load %arg11[%swap3A_958, %swap3A_959, %swap3A_960] {strides = array<i32>} : memref<25x8x128xf32, #tpu.memory_space<vmem>>, vector<1x1x16xf32>,
      %swap3A_962 = vector.shape_cast %swap3A_961 : vector<1x1x16xf32> to vector<16xf32>
      %swap3A_963 = vector.shape_cast %select_n3A_955 : vector<16xf32> to vector<1x1x16xf32>
      tpu.vector_store %arg11[%swap3A_958, %swap3A_959, %swap3A_960], %swap3A_963 {strides = array<i32>} : memref<25x8x128xf32, #tpu.memory_space<vmem>>, vector<1x1x16xf32>,
      %select_n3A_964 = arith.select %eq3A_951, %get3A_159, %get3A_156 : vector<16xi1>, vector<16xf32>
      %select_n3A_965 = arith.select %eq3A_951, %get3A_153, %get3A_150 : vector<16xi1>, vector<16xf32>
      %select_n3A_966 = arith.select %ge3A_953, %select_n3A_964, %select_n3A_965 : vector<16xi1>, vector<16xf32>
      %add3A_967 = arith.constant 0 : i32
      %add3A_968 = arith.addi %mul3A_938, %add3A_967 : i32
      %swap3A_969 = arith.constant 1 : i32
      %swap3A_970 = arith.index_cast %swap3A_969 : i32 to index
      %swap3A_971 = arith.index_cast %add3A_968 : i32 to index
      %swap3A_972 = arith.index_cast %mul3A_941 : i32 to index
      %swap3A_973 = tpu.vector_load %arg11[%swap3A_970, %swap3A_971, %swap3A_972] {strides = array<i32>} : memref<25x8x128xf32, #tpu.memory_space<vmem>>, vector<1x1x16xf32>,
      %swap3A_974 = vector.shape_cast %swap3A_973 : vector<1x1x16xf32> to vector<16xf32>
      %swap3A_975 = vector.shape_cast %select_n3A_966 : vector<16xf32> to vector<1x1x16xf32>
      tpu.vector_store %arg11[%swap3A_970, %swap3A_971, %swap3A_972], %swap3A_975 {strides = array<i32>} : memref<25x8x128xf32, #tpu.memory_space<vmem>>, vector<1x1x16xf32>,
      %select_n3A_976 = arith.select %eq3A_951, %get3A_171, %get3A_168 : vector<16xi1>, vector<16xf32>
      %select_n3A_977 = arith.select %eq3A_951, %get3A_165, %get3A_162 : vector<16xi1>, vector<16xf32>
      %select_n3A_978 = arith.select %ge3A_953, %select_n3A_976, %select_n3A_977 : vector<16xi1>, vector<16xf32>
      %add3A_979 = arith.constant 0 : i32
      %add3A_980 = arith.addi %mul3A_938, %add3A_979 : i32
      %swap3A_981 = arith.constant 2 : i32
      %swap3A_982 = arith.index_cast %swap3A_981 : i32 to index
      %swap3A_983 = arith.index_cast %add3A_980 : i32 to index
      %swap3A_984 = arith.index_cast %mul3A_941 : i32 to index
      %swap3A_985 = tpu.vector_load %arg11[%swap3A_982, %swap3A_983, %swap3A_984] {strides = array<i32>} : memref<25x8x128xf32, #tpu.memory_space<vmem>>, vector<1x1x16xf32>,
      %swap3A_986 = vector.shape_cast %swap3A_985 : vector<1x1x16xf32> to vector<16xf32>
      %swap3A_987 = vector.shape_cast %select_n3A_978 : vector<16xf32> to vector<1x1x16xf32>
      tpu.vector_store %arg11[%swap3A_982, %swap3A_983, %swap3A_984], %swap3A_987 {strides = array<i32>} : memref<25x8x128xf32, #tpu.memory_space<vmem>>, vector<1x1x16xf32>,
      %select_n3A_988 = arith.select %eq3A_951, %get3A_183, %get3A_180 : vector<16xi1>, vector<16xf32>
      %select_n3A_989 = arith.select %eq3A_951, %get3A_177, %get3A_174 : vector<16xi1>, vector<16xf32>
      %select_n3A_990 = arith.select %ge3A_953, %select_n3A_988, %select_n3A_989 : vector<16xi1>, vector<16xf32>
      %add3A_991 = arith.constant 0 : i32
      %add3A_992 = arith.addi %mul3A_938, %add3A_991 : i32
      %swap3A_993 = arith.constant 3 : i32
      %swap3A_994 = arith.index_cast %swap3A_993 : i32 to index
      %swap3A_995 = arith.index_cast %add3A_992 : i32 to index
      %swap3A_996 = arith.index_cast %mul3A_941 : i32 to index
      %swap3A_997 = tpu.vector_load %arg11[%swap3A_994, %swap3A_995, %swap3A_996] {strides = array<i32>} : memref<25x8x128xf32, #tpu.memory_space<vmem>>, vector<1x1x16xf32>,
      %swap3A_998 = vector.shape_cast %swap3A_997 : vector<1x1x16xf32> to vector<16xf32>
      %swap3A_999 = vector.shape_cast %select_n3A_990 : vector<16xf32> to vector<1x1x16xf32>
      tpu.vector_store %arg11[%swap3A_994, %swap3A_995, %swap3A_996], %swap3A_999 {strides = array<i32>} : memref<25x8x128xf32, #tpu.memory_space<vmem>>, vector<1x1x16xf32>,
      %select_n3A_1000 = arith.select %eq3A_951, %get3A_195, %get3A_192 : vector<16xi1>, vector<16xf32>
      %select_n3A_1001 = arith.select %eq3A_951, %get3A_189, %get3A_186 : vector<16xi1>, vector<16xf32>
      %select_n3A_1002 = arith.select %ge3A_953, %select_n3A_1000, %select_n3A_1001 : vector<16xi1>, vector<16xf32>
      %add3A_1003 = arith.constant 0 : i32
      %add3A_1004 = arith.addi %mul3A_938, %add3A_1003 : i32
      %swap3A_1005 = arith.constant 4 : i32
      %swap3A_1006 = arith.index_cast %swap3A_1005 : i32 to index
      %swap3A_1007 = arith.index_cast %add3A_1004 : i32 to index
      %swap3A_1008 = arith.index_cast %mul3A_941 : i32 to index
      %swap3A_1009 = tpu.vector_load %arg11[%swap3A_1006, %swap3A_1007, %swap3A_1008] {strides = array<i32>} : memref<25x8x128xf32, #tpu.memory_space<vmem>>, vector<1x1x16xf32>,
      %swap3A_1010 = vector.shape_cast %swap3A_1009 : vector<1x1x16xf32> to vector<16xf32>
      %swap3A_1011 = vector.shape_cast %select_n3A_1002 : vector<16xf32> to vector<1x1x16xf32>
      tpu.vector_store %arg11[%swap3A_1006, %swap3A_1007, %swap3A_1008], %swap3A_1011 {strides = array<i32>} : memref<25x8x128xf32, #tpu.memory_space<vmem>>, vector<1x1x16xf32>,
      %select_n3A_1012 = arith.select %eq3A_951, %get3A_207, %get3A_204 : vector<16xi1>, vector<16xf32>
      %select_n3A_1013 = arith.select %eq3A_951, %get3A_201, %get3A_198 : vector<16xi1>, vector<16xf32>
      %select_n3A_1014 = arith.select %ge3A_953, %select_n3A_1012, %select_n3A_1013 : vector<16xi1>, vector<16xf32>
      %add3A_1015 = arith.constant 1 : i32
      %add3A_1016 = arith.addi %mul3A_938, %add3A_1015 : i32
      %swap3A_1017 = arith.constant 0 : i32
      %swap3A_1018 = arith.index_cast %swap3A_1017 : i32 to index
      %swap3A_1019 = arith.index_cast %add3A_1016 : i32 to index
      %swap3A_1020 = arith.index_cast %mul3A_941 : i32 to index
      %swap3A_1021 = tpu.vector_load %arg11[%swap3A_1018, %swap3A_1019, %swap3A_1020] {strides = array<i32>} : memref<25x8x128xf32, #tpu.memory_space<vmem>>, vector<1x1x16xf32>,
      %swap3A_1022 = vector.shape_cast %swap3A_1021 : vector<1x1x16xf32> to vector<16xf32>
      %swap3A_1023 = vector.shape_cast %select_n3A_1014 : vector<16xf32> to vector<1x1x16xf32>
      tpu.vector_store %arg11[%swap3A_1018, %swap3A_1019, %swap3A_1020], %swap3A_1023 {strides = array<i32>} : memref<25x8x128xf32, #tpu.memory_space<vmem>>, vector<1x1x16xf32>,
      %select_n3A_1024 = arith.select %eq3A_951, %get3A_219, %get3A_216 : vector<16xi1>, vector<16xf32>
      %select_n3A_1025 = arith.select %eq3A_951, %get3A_213, %get3A_210 : vector<16xi1>, vector<16xf32>
      %select_n3A_1026 = arith.select %ge3A_953, %select_n3A_1024, %select_n3A_1025 : vector<16xi1>, vector<16xf32>
      %add3A_1027 = arith.constant 1 : i32
      %add3A_1028 = arith.addi %mul3A_938, %add3A_1027 : i32
      %swap3A_1029 = arith.constant 1 : i32
      %swap3A_1030 = arith.index_cast %swap3A_1029 : i32 to index
      %swap3A_1031 = arith.index_cast %add3A_1028 : i32 to index
      %swap3A_1032 = arith.index_cast %mul3A_941 : i32 to index
      %swap3A_1033 = tpu.vector_load %arg11[%swap3A_1030, %swap3A_1031, %swap3A_1032] {strides = array<i32>} : memref<25x8x128xf32, #tpu.memory_space<vmem>>, vector<1x1x16xf32>,
      %swap3A_1034 = vector.shape_cast %swap3A_1033 : vector<1x1x16xf32> to vector<16xf32>
      %swap3A_1035 = vector.shape_cast %select_n3A_1026 : vector<16xf32> to vector<1x1x16xf32>
      tpu.vector_store %arg11[%swap3A_1030, %swap3A_1031, %swap3A_1032], %swap3A_1035 {strides = array<i32>} : memref<25x8x128xf32, #tpu.memory_space<vmem>>, vector<1x1x16xf32>,
      %select_n3A_1036 = arith.select %eq3A_951, %get3A_231, %get3A_228 : vector<16xi1>, vector<16xf32>
      %select_n3A_1037 = arith.select %eq3A_951, %get3A_225, %get3A_222 : vector<16xi1>, vector<16xf32>
      %select_n3A_1038 = arith.select %ge3A_953, %select_n3A_1036, %select_n3A_1037 : vector<16xi1>, vector<16xf32>
      %add3A_1039 = arith.constant 1 : i32
      %add3A_1040 = arith.addi %mul3A_938, %add3A_1039 : i32
      %swap3A_1041 = arith.constant 2 : i32
      %swap3A_1042 = arith.index_cast %swap3A_1041 : i32 to index
      %swap3A_1043 = arith.index_cast %add3A_1040 : i32 to index
      %swap3A_1044 = arith.index_cast %mul3A_941 : i32 to index
      %swap3A_1045 = tpu.vector_load %arg11[%swap3A_1042, %swap3A_1043, %swap3A_1044] {strides = array<i32>} : memref<25x8x128xf32, #tpu.memory_space<vmem>>, vector<1x1x16xf32>,
      %swap3A_1046 = vector.shape_cast %swap3A_1045 : vector<1x1x16xf32> to vector<16xf32>
      %swap3A_1047 = vector.shape_cast %select_n3A_1038 : vector<16xf32> to vector<1x1x16xf32>
      tpu.vector_store %arg11[%swap3A_1042, %swap3A_1043, %swap3A_1044], %swap3A_1047 {strides = array<i32>} : memref<25x8x128xf32, #tpu.memory_space<vmem>>, vector<1x1x16xf32>,
      %select_n3A_1048 = arith.select %eq3A_951, %get3A_243, %get3A_240 : vector<16xi1>, vector<16xf32>
      %select_n3A_1049 = arith.select %eq3A_951, %get3A_237, %get3A_234 : vector<16xi1>, vector<16xf32>
      %select_n3A_1050 = arith.select %ge3A_953, %select_n3A_1048, %select_n3A_1049 : vector<16xi1>, vector<16xf32>
      %add3A_1051 = arith.constant 1 : i32
      %add3A_1052 = arith.addi %mul3A_938, %add3A_1051 : i32
      %swap3A_1053 = arith.constant 3 : i32
      %swap3A_1054 = arith.index_cast %swap3A_1053 : i32 to index
      %swap3A_1055 = arith.index_cast %add3A_1052 : i32 to index
      %swap3A_1056 = arith.index_cast %mul3A_941 : i32 to index
      %swap3A_1057 = tpu.vector_load %arg11[%swap3A_1054, %swap3A_1055, %swap3A_1056] {strides = array<i32>} : memref<25x8x128xf32, #tpu.memory_space<vmem>>, vector<1x1x16xf32>,
      %swap3A_1058 = vector.shape_cast %swap3A_1057 : vector<1x1x16xf32> to vector<16xf32>
      %swap3A_1059 = vector.shape_cast %select_n3A_1050 : vector<16xf32> to vector<1x1x16xf32>
      tpu.vector_store %arg11[%swap3A_1054, %swap3A_1055, %swap3A_1056], %swap3A_1059 {strides = array<i32>} : memref<25x8x128xf32, #tpu.memory_space<vmem>>, vector<1x1x16xf32>,
      %select_n3A_1060 = arith.select %eq3A_951, %get3A_255, %get3A_252 : vector<16xi1>, vector<16xf32>
      %select_n3A_1061 = arith.select %eq3A_951, %get3A_249, %get3A_246 : vector<16xi1>, vector<16xf32>
      %select_n3A_1062 = arith.select %ge3A_953, %select_n3A_1060, %select_n3A_1061 : vector<16xi1>, vector<16xf32>
      %add3A_1063 = arith.constant 1 : i32
      %add3A_1064 = arith.addi %mul3A_938, %add3A_1063 : i32
      %swap3A_1065 = arith.constant 4 : i32
      %swap3A_1066 = arith.index_cast %swap3A_1065 : i32 to index
      %swap3A_1067 = arith.index_cast %add3A_1064 : i32 to index
      %swap3A_1068 = arith.index_cast %mul3A_941 : i32 to index
      %swap3A_1069 = tpu.vector_load %arg11[%swap3A_1066, %swap3A_1067, %swap3A_1068] {strides = array<i32>} : memref<25x8x128xf32, #tpu.memory_space<vmem>>, vector<1x1x16xf32>,
      %swap3A_1070 = vector.shape_cast %swap3A_1069 : vector<1x1x16xf32> to vector<16xf32>
      %swap3A_1071 = vector.shape_cast %select_n3A_1062 : vector<16xf32> to vector<1x1x16xf32>
      tpu.vector_store %arg11[%swap3A_1066, %swap3A_1067, %swap3A_1068], %swap3A_1071 {strides = array<i32>} : memref<25x8x128xf32, #tpu.memory_space<vmem>>, vector<1x1x16xf32>,
      %mul3A_1072 = arith.constant 2 : i32
      %mul3A_1073 = arith.muli %scan3A_931, %mul3A_1072 : i32
      %add3A_1074 = arith.constant 1 : i32
      %add3A_1075 = arith.addi %mul3A_1073, %add3A_1074 : i32
      %shift_right_arithmetic3A_1076 = arith.constant 3 : i32
      %shift_right_arithmetic3A_1077 = arith.shrsi %add3A_1075, %shift_right_arithmetic3A_1076 : i32
      %mul3A_1078 = arith.constant 2 : i32
      %mul3A_1079 = arith.muli %shift_right_arithmetic3A_1077, %mul3A_1078 : i32
      %and3A_1080 = arith.constant 7 : i32
      %and3A_1081 = arith.andi %add3A_1075, %and3A_1080 : i32
      %mul3A_1082 = arith.constant 16 : i32
      %mul3A_1083 = arith.muli %and3A_1081, %mul3A_1082 : i32
      %mul3A_1084 = arith.constant 16 : i32
      %mul3A_1085 = arith.muli %add3A_1075, %mul3A_1084 : i32
      %get3A_1086 = arith.index_cast %mul3A_1085 : i32 to index
      %get3A_1087 = tpu.vector_load %arg7[%get3A_1086] {strides = array<i32>} : memref<512xi32, #tpu.memory_space<vmem>>, vector<16xi32>,
      %get3A_1088 = vector.shape_cast %get3A_1087 : vector<16xi32> to vector<16xi32>
      %and3A_1089 = arith.constant 1 : i32
      %and3A_1090 = vector.broadcast %and3A_1089 : i32 to vector<16xi32>
      %and3A_1091 = arith.andi %get3A_1088, %and3A_1090 : vector<16xi32>
      %eq3A_1092 = arith.constant 1 : i32
      %eq3A_1093 = vector.broadcast %eq3A_1092 : i32 to vector<16xi32>
      %eq3A_1094 = arith.cmpi eq, %and3A_1091, %eq3A_1093 : vector<16xi32>
      %ge3A_1095 = arith.constant 2 : i32
      %ge3A_1096 = vector.broadcast %ge3A_1095 : i32 to vector<16xi32>
      %ge3A_1097 = arith.cmpi sge, %get3A_1088, %ge3A_1096 : vector<16xi32>
      %select_n3A_1098 = arith.select %eq3A_1094, %get3A_147, %get3A_144 : vector<16xi1>, vector<16xf32>
      %select_n3A_1099 = arith.select %eq3A_1094, %get3A_141, %get3A_138 : vector<16xi1>, vector<16xf32>
      %select_n3A_1100 = arith.select %ge3A_1097, %select_n3A_1098, %select_n3A_1099 : vector<16xi1>, vector<16xf32>
      %add3A_1101 = arith.constant 0 : i32
      %add3A_1102 = arith.addi %mul3A_1079, %add3A_1101 : i32
      %swap3A_1103 = arith.constant 0 : i32
      %swap3A_1104 = arith.index_cast %swap3A_1103 : i32 to index
      %swap3A_1105 = arith.index_cast %add3A_1102 : i32 to index
      %swap3A_1106 = arith.index_cast %mul3A_1083 : i32 to index
      %swap3A_1107 = tpu.vector_load %arg11[%swap3A_1104, %swap3A_1105, %swap3A_1106] {strides = array<i32>} : memref<25x8x128xf32, #tpu.memory_space<vmem>>, vector<1x1x16xf32>,
      %swap3A_1108 = vector.shape_cast %swap3A_1107 : vector<1x1x16xf32> to vector<16xf32>
      %swap3A_1109 = vector.shape_cast %select_n3A_1100 : vector<16xf32> to vector<1x1x16xf32>
      tpu.vector_store %arg11[%swap3A_1104, %swap3A_1105, %swap3A_1106], %swap3A_1109 {strides = array<i32>} : memref<25x8x128xf32, #tpu.memory_space<vmem>>, vector<1x1x16xf32>,
      %select_n3A_1110 = arith.select %eq3A_1094, %get3A_159, %get3A_156 : vector<16xi1>, vector<16xf32>
      %select_n3A_1111 = arith.select %eq3A_1094, %get3A_153, %get3A_150 : vector<16xi1>, vector<16xf32>
      %select_n3A_1112 = arith.select %ge3A_1097, %select_n3A_1110, %select_n3A_1111 : vector<16xi1>, vector<16xf32>
      %add3A_1113 = arith.constant 0 : i32
      %add3A_1114 = arith.addi %mul3A_1079, %add3A_1113 : i32
      %swap3A_1115 = arith.constant 1 : i32
      %swap3A_1116 = arith.index_cast %swap3A_1115 : i32 to index
      %swap3A_1117 = arith.index_cast %add3A_1114 : i32 to index
      %swap3A_1118 = arith.index_cast %mul3A_1083 : i32 to index
      %swap3A_1119 = tpu.vector_load %arg11[%swap3A_1116, %swap3A_1117, %swap3A_1118] {strides = array<i32>} : memref<25x8x128xf32, #tpu.memory_space<vmem>>, vector<1x1x16xf32>,
      %swap3A_1120 = vector.shape_cast %swap3A_1119 : vector<1x1x16xf32> to vector<16xf32>
      %swap3A_1121 = vector.shape_cast %select_n3A_1112 : vector<16xf32> to vector<1x1x16xf32>
      tpu.vector_store %arg11[%swap3A_1116, %swap3A_1117, %swap3A_1118], %swap3A_1121 {strides = array<i32>} : memref<25x8x128xf32, #tpu.memory_space<vmem>>, vector<1x1x16xf32>,
      %select_n3A_1122 = arith.select %eq3A_1094, %get3A_171, %get3A_168 : vector<16xi1>, vector<16xf32>
      %select_n3A_1123 = arith.select %eq3A_1094, %get3A_165, %get3A_162 : vector<16xi1>, vector<16xf32>
      %select_n3A_1124 = arith.select %ge3A_1097, %select_n3A_1122, %select_n3A_1123 : vector<16xi1>, vector<16xf32>
      %add3A_1125 = arith.constant 0 : i32
      %add3A_1126 = arith.addi %mul3A_1079, %add3A_1125 : i32
      %swap3A_1127 = arith.constant 2 : i32
      %swap3A_1128 = arith.index_cast %swap3A_1127 : i32 to index
      %swap3A_1129 = arith.index_cast %add3A_1126 : i32 to index
      %swap3A_1130 = arith.index_cast %mul3A_1083 : i32 to index
      %swap3A_1131 = tpu.vector_load %arg11[%swap3A_1128, %swap3A_1129, %swap3A_1130] {strides = array<i32>} : memref<25x8x128xf32, #tpu.memory_space<vmem>>, vector<1x1x16xf32>,
      %swap3A_1132 = vector.shape_cast %swap3A_1131 : vector<1x1x16xf32> to vector<16xf32>
      %swap3A_1133 = vector.shape_cast %select_n3A_1124 : vector<16xf32> to vector<1x1x16xf32>
      tpu.vector_store %arg11[%swap3A_1128, %swap3A_1129, %swap3A_1130], %swap3A_1133 {strides = array<i32>} : memref<25x8x128xf32, #tpu.memory_space<vmem>>, vector<1x1x16xf32>,
      %select_n3A_1134 = arith.select %eq3A_1094, %get3A_183, %get3A_180 : vector<16xi1>, vector<16xf32>
      %select_n3A_1135 = arith.select %eq3A_1094, %get3A_177, %get3A_174 : vector<16xi1>, vector<16xf32>
      %select_n3A_1136 = arith.select %ge3A_1097, %select_n3A_1134, %select_n3A_1135 : vector<16xi1>, vector<16xf32>
      %add3A_1137 = arith.constant 0 : i32
      %add3A_1138 = arith.addi %mul3A_1079, %add3A_1137 : i32
      %swap3A_1139 = arith.constant 3 : i32
      %swap3A_1140 = arith.index_cast %swap3A_1139 : i32 to index
      %swap3A_1141 = arith.index_cast %add3A_1138 : i32 to index
      %swap3A_1142 = arith.index_cast %mul3A_1083 : i32 to index
      %swap3A_1143 = tpu.vector_load %arg11[%swap3A_1140, %swap3A_1141, %swap3A_1142] {strides = array<i32>} : memref<25x8x128xf32, #tpu.memory_space<vmem>>, vector<1x1x16xf32>,
      %swap3A_1144 = vector.shape_cast %swap3A_1143 : vector<1x1x16xf32> to vector<16xf32>
      %swap3A_1145 = vector.shape_cast %select_n3A_1136 : vector<16xf32> to vector<1x1x16xf32>
      tpu.vector_store %arg11[%swap3A_1140, %swap3A_1141, %swap3A_1142], %swap3A_1145 {strides = array<i32>} : memref<25x8x128xf32, #tpu.memory_space<vmem>>, vector<1x1x16xf32>,
      %select_n3A_1146 = arith.select %eq3A_1094, %get3A_195, %get3A_192 : vector<16xi1>, vector<16xf32>
      %select_n3A_1147 = arith.select %eq3A_1094, %get3A_189, %get3A_186 : vector<16xi1>, vector<16xf32>
      %select_n3A_1148 = arith.select %ge3A_1097, %select_n3A_1146, %select_n3A_1147 : vector<16xi1>, vector<16xf32>
      %add3A_1149 = arith.constant 0 : i32
      %add3A_1150 = arith.addi %mul3A_1079, %add3A_1149 : i32
      %swap3A_1151 = arith.constant 4 : i32
      %swap3A_1152 = arith.index_cast %swap3A_1151 : i32 to index
      %swap3A_1153 = arith.index_cast %add3A_1150 : i32 to index
      %swap3A_1154 = arith.index_cast %mul3A_1083 : i32 to index
      %swap3A_1155 = tpu.vector_load %arg11[%swap3A_1152, %swap3A_1153, %swap3A_1154] {strides = array<i32>} : memref<25x8x128xf32, #tpu.memory_space<vmem>>, vector<1x1x16xf32>,
      %swap3A_1156 = vector.shape_cast %swap3A_1155 : vector<1x1x16xf32> to vector<16xf32>
      %swap3A_1157 = vector.shape_cast %select_n3A_1148 : vector<16xf32> to vector<1x1x16xf32>
      tpu.vector_store %arg11[%swap3A_1152, %swap3A_1153, %swap3A_1154], %swap3A_1157 {strides = array<i32>} : memref<25x8x128xf32, #tpu.memory_space<vmem>>, vector<1x1x16xf32>,
      %select_n3A_1158 = arith.select %eq3A_1094, %get3A_207, %get3A_204 : vector<16xi1>, vector<16xf32>
      %select_n3A_1159 = arith.select %eq3A_1094, %get3A_201, %get3A_198 : vector<16xi1>, vector<16xf32>
      %select_n3A_1160 = arith.select %ge3A_1097, %select_n3A_1158, %select_n3A_1159 : vector<16xi1>, vector<16xf32>
      %add3A_1161 = arith.constant 1 : i32
      %add3A_1162 = arith.addi %mul3A_1079, %add3A_1161 : i32
      %swap3A_1163 = arith.constant 0 : i32
      %swap3A_1164 = arith.index_cast %swap3A_1163 : i32 to index
      %swap3A_1165 = arith.index_cast %add3A_1162 : i32 to index
      %swap3A_1166 = arith.index_cast %mul3A_1083 : i32 to index
      %swap3A_1167 = tpu.vector_load %arg11[%swap3A_1164, %swap3A_1165, %swap3A_1166] {strides = array<i32>} : memref<25x8x128xf32, #tpu.memory_space<vmem>>, vector<1x1x16xf32>,
      %swap3A_1168 = vector.shape_cast %swap3A_1167 : vector<1x1x16xf32> to vector<16xf32>
      %swap3A_1169 = vector.shape_cast %select_n3A_1160 : vector<16xf32> to vector<1x1x16xf32>
      tpu.vector_store %arg11[%swap3A_1164, %swap3A_1165, %swap3A_1166], %swap3A_1169 {strides = array<i32>} : memref<25x8x128xf32, #tpu.memory_space<vmem>>, vector<1x1x16xf32>,
      %select_n3A_1170 = arith.select %eq3A_1094, %get3A_219, %get3A_216 : vector<16xi1>, vector<16xf32>
      %select_n3A_1171 = arith.select %eq3A_1094, %get3A_213, %get3A_210 : vector<16xi1>, vector<16xf32>
      %select_n3A_1172 = arith.select %ge3A_1097, %select_n3A_1170, %select_n3A_1171 : vector<16xi1>, vector<16xf32>
      %add3A_1173 = arith.constant 1 : i32
      %add3A_1174 = arith.addi %mul3A_1079, %add3A_1173 : i32
      %swap3A_1175 = arith.constant 1 : i32
      %swap3A_1176 = arith.index_cast %swap3A_1175 : i32 to index
      %swap3A_1177 = arith.index_cast %add3A_1174 : i32 to index
      %swap3A_1178 = arith.index_cast %mul3A_1083 : i32 to index
      %swap3A_1179 = tpu.vector_load %arg11[%swap3A_1176, %swap3A_1177, %swap3A_1178] {strides = array<i32>} : memref<25x8x128xf32, #tpu.memory_space<vmem>>, vector<1x1x16xf32>,
      %swap3A_1180 = vector.shape_cast %swap3A_1179 : vector<1x1x16xf32> to vector<16xf32>
      %swap3A_1181 = vector.shape_cast %select_n3A_1172 : vector<16xf32> to vector<1x1x16xf32>
      tpu.vector_store %arg11[%swap3A_1176, %swap3A_1177, %swap3A_1178], %swap3A_1181 {strides = array<i32>} : memref<25x8x128xf32, #tpu.memory_space<vmem>>, vector<1x1x16xf32>,
      %select_n3A_1182 = arith.select %eq3A_1094, %get3A_231, %get3A_228 : vector<16xi1>, vector<16xf32>
      %select_n3A_1183 = arith.select %eq3A_1094, %get3A_225, %get3A_222 : vector<16xi1>, vector<16xf32>
      %select_n3A_1184 = arith.select %ge3A_1097, %select_n3A_1182, %select_n3A_1183 : vector<16xi1>, vector<16xf32>
      %add3A_1185 = arith.constant 1 : i32
      %add3A_1186 = arith.addi %mul3A_1079, %add3A_1185 : i32
      %swap3A_1187 = arith.constant 2 : i32
      %swap3A_1188 = arith.index_cast %swap3A_1187 : i32 to index
      %swap3A_1189 = arith.index_cast %add3A_1186 : i32 to index
      %swap3A_1190 = arith.index_cast %mul3A_1083 : i32 to index
      %swap3A_1191 = tpu.vector_load %arg11[%swap3A_1188, %swap3A_1189, %swap3A_1190] {strides = array<i32>} : memref<25x8x128xf32, #tpu.memory_space<vmem>>, vector<1x1x16xf32>,
      %swap3A_1192 = vector.shape_cast %swap3A_1191 : vector<1x1x16xf32> to vector<16xf32>
      %swap3A_1193 = vector.shape_cast %select_n3A_1184 : vector<16xf32> to vector<1x1x16xf32>
      tpu.vector_store %arg11[%swap3A_1188, %swap3A_1189, %swap3A_1190], %swap3A_1193 {strides = array<i32>} : memref<25x8x128xf32, #tpu.memory_space<vmem>>, vector<1x1x16xf32>,
      %select_n3A_1194 = arith.select %eq3A_1094, %get3A_243, %get3A_240 : vector<16xi1>, vector<16xf32>
      %select_n3A_1195 = arith.select %eq3A_1094, %get3A_237, %get3A_234 : vector<16xi1>, vector<16xf32>
      %select_n3A_1196 = arith.select %ge3A_1097, %select_n3A_1194, %select_n3A_1195 : vector<16xi1>, vector<16xf32>
      %add3A_1197 = arith.constant 1 : i32
      %add3A_1198 = arith.addi %mul3A_1079, %add3A_1197 : i32
      %swap3A_1199 = arith.constant 3 : i32
      %swap3A_1200 = arith.index_cast %swap3A_1199 : i32 to index
      %swap3A_1201 = arith.index_cast %add3A_1198 : i32 to index
      %swap3A_1202 = arith.index_cast %mul3A_1083 : i32 to index
      %swap3A_1203 = tpu.vector_load %arg11[%swap3A_1200, %swap3A_1201, %swap3A_1202] {strides = array<i32>} : memref<25x8x128xf32, #tpu.memory_space<vmem>>, vector<1x1x16xf32>,
      %swap3A_1204 = vector.shape_cast %swap3A_1203 : vector<1x1x16xf32> to vector<16xf32>
      %swap3A_1205 = vector.shape_cast %select_n3A_1196 : vector<16xf32> to vector<1x1x16xf32>
      tpu.vector_store %arg11[%swap3A_1200, %swap3A_1201, %swap3A_1202], %swap3A_1205 {strides = array<i32>} : memref<25x8x128xf32, #tpu.memory_space<vmem>>, vector<1x1x16xf32>,
      %select_n3A_1206 = arith.select %eq3A_1094, %get3A_255, %get3A_252 : vector<16xi1>, vector<16xf32>
      %select_n3A_1207 = arith.select %eq3A_1094, %get3A_249, %get3A_246 : vector<16xi1>, vector<16xf32>
      %select_n3A_1208 = arith.select %ge3A_1097, %select_n3A_1206, %select_n3A_1207 : vector<16xi1>, vector<16xf32>
      %add3A_1209 = arith.constant 1 : i32
      %add3A_1210 = arith.addi %mul3A_1079, %add3A_1209 : i32
      %swap3A_1211 = arith.constant 4 : i32
      %swap3A_1212 = arith.index_cast %swap3A_1211 : i32 to index
      %swap3A_1213 = arith.index_cast %add3A_1210 : i32 to index
      %swap3A_1214 = arith.index_cast %mul3A_1083 : i32 to index
      %swap3A_1215 = tpu.vector_load %arg11[%swap3A_1212, %swap3A_1213, %swap3A_1214] {strides = array<i32>} : memref<25x8x128xf32, #tpu.memory_space<vmem>>, vector<1x1x16xf32>,
      %swap3A_1216 = vector.shape_cast %swap3A_1215 : vector<1x1x16xf32> to vector<16xf32>
      %swap3A_1217 = vector.shape_cast %select_n3A_1208 : vector<16xf32> to vector<1x1x16xf32>
      tpu.vector_store %arg11[%swap3A_1212, %swap3A_1213, %swap3A_1214], %swap3A_1217 {strides = array<i32>} : memref<25x8x128xf32, #tpu.memory_space<vmem>>, vector<1x1x16xf32>,
    }
    %scan3A_261 = arith.constant 16 : i32
    %mul3A_262 = arith.constant 2 : i32
    %mul3A_263 = arith.muli %add3A, %mul3A_262 : i32
    %mul3A_264 = arith.constant 4 : i32
    %mul3A_265 = arith.muli %mul3A_263, %mul3A_264 : i32
    %dma_start3A_266 = arith.constant 0 : i32
    %dma_start3A_267 = arith.constant 0 : i32
    %dma_start3A_268 = arith.constant 0 : i32
    %dma_start3A_269 = tpu.memref_slice %arg11[%dma_start3A_266, %dma_start3A_267, %dma_start3A_268] : memref<25x8x128xf32, #tpu.memory_space<vmem>> -> memref<5x8x128xf32, #tpu.memory_space<vmem>>
    %dma_start3A_270 = arith.constant 0 : i32
    %dma_start3A_271 = arith.constant 0 : i32
    %dma_start3A_272 = tpu.memref_slice %arg6[%dma_start3A_270, %mul3A_265, %dma_start3A_271] : memref<25x256x128xf32, #tpu.memory_space<hbm>> -> memref<5x8x128xf32, #tpu.memory_space<hbm>>
    %dma_start3A_273 = arith.constant 0 : i32
    %dma_start3A_274 = arith.constant 0 : i32
    %dma_start3A_275 = tpu.memref_slice %arg6[%dma_start3A_273, %mul3A_265, %dma_start3A_274] : memref<25x256x128xf32, #tpu.memory_space<hbm>> -> memref<5x8x128xf32, #tpu.memory_space<hbm>>
    %dma_start3A_276 = arith.constant 0 : i32
    %dma_start3A_277 = arith.constant 0 : i32
    %dma_start3A_278 = arith.constant 0 : i32
    %dma_start3A_279 = tpu.memref_slice %arg11[%dma_start3A_276, %dma_start3A_277, %dma_start3A_278] : memref<25x8x128xf32, #tpu.memory_space<vmem>> -> memref<5x8x128xf32, #tpu.memory_space<vmem>>
    tpu.enqueue_dma source(%dma_start3A_279 : memref<5x8x128xf32, #tpu.memory_space<vmem>>) target(%dma_start3A_275 : memref<5x8x128xf32, #tpu.memory_space<hbm>>) target_semaphore(%arg12 : memref<!tpu.dma_semaphore, #tpu.memory_space<semaphore_mem>>)
    %get3A_280 = arith.constant 80 : index
    %get3A_281 = tpu.vector_load %arg9[%get3A_280] {strides = array<i32>} : memref<3200xf32, #tpu.memory_space<vmem>>, vector<16xf32>,
    %get3A_282 = vector.shape_cast %get3A_281 : vector<16xf32> to vector<16xf32>
    %get3A_283 = arith.constant 880 : index
    %get3A_284 = tpu.vector_load %arg9[%get3A_283] {strides = array<i32>} : memref<3200xf32, #tpu.memory_space<vmem>>, vector<16xf32>,
    %get3A_285 = vector.shape_cast %get3A_284 : vector<16xf32> to vector<16xf32>
    %get3A_286 = arith.constant 1680 : index
    %get3A_287 = tpu.vector_load %arg9[%get3A_286] {strides = array<i32>} : memref<3200xf32, #tpu.memory_space<vmem>>, vector<16xf32>,
    %get3A_288 = vector.shape_cast %get3A_287 : vector<16xf32> to vector<16xf32>
    %get3A_289 = arith.constant 2480 : index
    %get3A_290 = tpu.vector_load %arg9[%get3A_289] {strides = array<i32>} : memref<3200xf32, #tpu.memory_space<vmem>>, vector<16xf32>,
    %get3A_291 = vector.shape_cast %get3A_290 : vector<16xf32> to vector<16xf32>
    %get3A_292 = arith.constant 96 : index
    %get3A_293 = tpu.vector_load %arg9[%get3A_292] {strides = array<i32>} : memref<3200xf32, #tpu.memory_space<vmem>>, vector<16xf32>,
    %get3A_294 = vector.shape_cast %get3A_293 : vector<16xf32> to vector<16xf32>
    %get3A_295 = arith.constant 896 : index
    %get3A_296 = tpu.vector_load %arg9[%get3A_295] {strides = array<i32>} : memref<3200xf32, #tpu.memory_space<vmem>>, vector<16xf32>,
    %get3A_297 = vector.shape_cast %get3A_296 : vector<16xf32> to vector<16xf32>
    %get3A_298 = arith.constant 1696 : index
    %get3A_299 = tpu.vector_load %arg9[%get3A_298] {strides = array<i32>} : memref<3200xf32, #tpu.memory_space<vmem>>, vector<16xf32>,
    %get3A_300 = vector.shape_cast %get3A_299 : vector<16xf32> to vector<16xf32>
    %get3A_301 = arith.constant 2496 : index
    %get3A_302 = tpu.vector_load %arg9[%get3A_301] {strides = array<i32>} : memref<3200xf32, #tpu.memory_space<vmem>>, vector<16xf32>,
    %get3A_303 = vector.shape_cast %get3A_302 : vector<16xf32> to vector<16xf32>
    %get3A_304 = arith.constant 112 : index
    %get3A_305 = tpu.vector_load %arg9[%get3A_304] {strides = array<i32>} : memref<3200xf32, #tpu.memory_space<vmem>>, vector<16xf32>,
    %get3A_306 = vector.shape_cast %get3A_305 : vector<16xf32> to vector<16xf32>
    %get3A_307 = arith.constant 912 : index
    %get3A_308 = tpu.vector_load %arg9[%get3A_307] {strides = array<i32>} : memref<3200xf32, #tpu.memory_space<vmem>>, vector<16xf32>,
    %get3A_309 = vector.shape_cast %get3A_308 : vector<16xf32> to vector<16xf32>
    %get3A_310 = arith.constant 1712 : index
    %get3A_311 = tpu.vector_load %arg9[%get3A_310] {strides = array<i32>} : memref<3200xf32, #tpu.memory_space<vmem>>, vector<16xf32>,
    %get3A_312 = vector.shape_cast %get3A_311 : vector<16xf32> to vector<16xf32>
    %get3A_313 = arith.constant 2512 : index
    %get3A_314 = tpu.vector_load %arg9[%get3A_313] {strides = array<i32>} : memref<3200xf32, #tpu.memory_space<vmem>>, vector<16xf32>,
    %get3A_315 = vector.shape_cast %get3A_314 : vector<16xf32> to vector<16xf32>
    %get3A_316 = arith.constant 128 : index
    %get3A_317 = tpu.vector_load %arg9[%get3A_316] {strides = array<i32>} : memref<3200xf32, #tpu.memory_space<vmem>>, vector<16xf32>,
    %get3A_318 = vector.shape_cast %get3A_317 : vector<16xf32> to vector<16xf32>
    %get3A_319 = arith.constant 928 : index
    %get3A_320 = tpu.vector_load %arg9[%get3A_319] {strides = array<i32>} : memref<3200xf32, #tpu.memory_space<vmem>>, vector<16xf32>,
    %get3A_321 = vector.shape_cast %get3A_320 : vector<16xf32> to vector<16xf32>
    %get3A_322 = arith.constant 1728 : index
    %get3A_323 = tpu.vector_load %arg9[%get3A_322] {strides = array<i32>} : memref<3200xf32, #tpu.memory_space<vmem>>, vector<16xf32>,
    %get3A_324 = vector.shape_cast %get3A_323 : vector<16xf32> to vector<16xf32>
    %get3A_325 = arith.constant 2528 : index
    %get3A_326 = tpu.vector_load %arg9[%get3A_325] {strides = array<i32>} : memref<3200xf32, #tpu.memory_space<vmem>>, vector<16xf32>,
    %get3A_327 = vector.shape_cast %get3A_326 : vector<16xf32> to vector<16xf32>
    %get3A_328 = arith.constant 144 : index
    %get3A_329 = tpu.vector_load %arg9[%get3A_328] {strides = array<i32>} : memref<3200xf32, #tpu.memory_space<vmem>>, vector<16xf32>,
    %get3A_330 = vector.shape_cast %get3A_329 : vector<16xf32> to vector<16xf32>
    %get3A_331 = arith.constant 944 : index
    %get3A_332 = tpu.vector_load %arg9[%get3A_331] {strides = array<i32>} : memref<3200xf32, #tpu.memory_space<vmem>>, vector<16xf32>,
    %get3A_333 = vector.shape_cast %get3A_332 : vector<16xf32> to vector<16xf32>
    %get3A_334 = arith.constant 1744 : index
    %get3A_335 = tpu.vector_load %arg9[%get3A_334] {strides = array<i32>} : memref<3200xf32, #tpu.memory_space<vmem>>, vector<16xf32>,
    %get3A_336 = vector.shape_cast %get3A_335 : vector<16xf32> to vector<16xf32>
    %get3A_337 = arith.constant 2544 : index
    %get3A_338 = tpu.vector_load %arg9[%get3A_337] {strides = array<i32>} : memref<3200xf32, #tpu.memory_space<vmem>>, vector<16xf32>,
    %get3A_339 = vector.shape_cast %get3A_338 : vector<16xf32> to vector<16xf32>
    %get3A_340 = arith.constant 480 : index
    %get3A_341 = tpu.vector_load %arg9[%get3A_340] {strides = array<i32>} : memref<3200xf32, #tpu.memory_space<vmem>>, vector<16xf32>,
    %get3A_342 = vector.shape_cast %get3A_341 : vector<16xf32> to vector<16xf32>
    %get3A_343 = arith.constant 1280 : index
    %get3A_344 = tpu.vector_load %arg9[%get3A_343] {strides = array<i32>} : memref<3200xf32, #tpu.memory_space<vmem>>, vector<16xf32>,
    %get3A_345 = vector.shape_cast %get3A_344 : vector<16xf32> to vector<16xf32>
    %get3A_346 = arith.constant 2080 : index
    %get3A_347 = tpu.vector_load %arg9[%get3A_346] {strides = array<i32>} : memref<3200xf32, #tpu.memory_space<vmem>>, vector<16xf32>,
    %get3A_348 = vector.shape_cast %get3A_347 : vector<16xf32> to vector<16xf32>
    %get3A_349 = arith.constant 2880 : index
    %get3A_350 = tpu.vector_load %arg9[%get3A_349] {strides = array<i32>} : memref<3200xf32, #tpu.memory_space<vmem>>, vector<16xf32>,
    %get3A_351 = vector.shape_cast %get3A_350 : vector<16xf32> to vector<16xf32>
    %get3A_352 = arith.constant 496 : index
    %get3A_353 = tpu.vector_load %arg9[%get3A_352] {strides = array<i32>} : memref<3200xf32, #tpu.memory_space<vmem>>, vector<16xf32>,
    %get3A_354 = vector.shape_cast %get3A_353 : vector<16xf32> to vector<16xf32>
    %get3A_355 = arith.constant 1296 : index
    %get3A_356 = tpu.vector_load %arg9[%get3A_355] {strides = array<i32>} : memref<3200xf32, #tpu.memory_space<vmem>>, vector<16xf32>,
    %get3A_357 = vector.shape_cast %get3A_356 : vector<16xf32> to vector<16xf32>
    %get3A_358 = arith.constant 2096 : index
    %get3A_359 = tpu.vector_load %arg9[%get3A_358] {strides = array<i32>} : memref<3200xf32, #tpu.memory_space<vmem>>, vector<16xf32>,
    %get3A_360 = vector.shape_cast %get3A_359 : vector<16xf32> to vector<16xf32>
    %get3A_361 = arith.constant 2896 : index
    %get3A_362 = tpu.vector_load %arg9[%get3A_361] {strides = array<i32>} : memref<3200xf32, #tpu.memory_space<vmem>>, vector<16xf32>,
    %get3A_363 = vector.shape_cast %get3A_362 : vector<16xf32> to vector<16xf32>
    %get3A_364 = arith.constant 512 : index
    %get3A_365 = tpu.vector_load %arg9[%get3A_364] {strides = array<i32>} : memref<3200xf32, #tpu.memory_space<vmem>>, vector<16xf32>,
    %get3A_366 = vector.shape_cast %get3A_365 : vector<16xf32> to vector<16xf32>
    %get3A_367 = arith.constant 1312 : index
    %get3A_368 = tpu.vector_load %arg9[%get3A_367] {strides = array<i32>} : memref<3200xf32, #tpu.memory_space<vmem>>, vector<16xf32>,
    %get3A_369 = vector.shape_cast %get3A_368 : vector<16xf32> to vector<16xf32>
    %get3A_370 = arith.constant 2112 : index
    %get3A_371 = tpu.vector_load %arg9[%get3A_370] {strides = array<i32>} : memref<3200xf32, #tpu.memory_space<vmem>>, vector<16xf32>,
    %get3A_372 = vector.shape_cast %get3A_371 : vector<16xf32> to vector<16xf32>
    %get3A_373 = arith.constant 2912 : index
    %get3A_374 = tpu.vector_load %arg9[%get3A_373] {strides = array<i32>} : memref<3200xf32, #tpu.memory_space<vmem>>, vector<16xf32>,
    %get3A_375 = vector.shape_cast %get3A_374 : vector<16xf32> to vector<16xf32>
    %get3A_376 = arith.constant 528 : index
    %get3A_377 = tpu.vector_load %arg9[%get3A_376] {strides = array<i32>} : memref<3200xf32, #tpu.memory_space<vmem>>, vector<16xf32>,
    %get3A_378 = vector.shape_cast %get3A_377 : vector<16xf32> to vector<16xf32>
    %get3A_379 = arith.constant 1328 : index
    %get3A_380 = tpu.vector_load %arg9[%get3A_379] {strides = array<i32>} : memref<3200xf32, #tpu.memory_space<vmem>>, vector<16xf32>,
    %get3A_381 = vector.shape_cast %get3A_380 : vector<16xf32> to vector<16xf32>
    %get3A_382 = arith.constant 2128 : index
    %get3A_383 = tpu.vector_load %arg9[%get3A_382] {strides = array<i32>} : memref<3200xf32, #tpu.memory_space<vmem>>, vector<16xf32>,
    %get3A_384 = vector.shape_cast %get3A_383 : vector<16xf32> to vector<16xf32>
    %get3A_385 = arith.constant 2928 : index
    %get3A_386 = tpu.vector_load %arg9[%get3A_385] {strides = array<i32>} : memref<3200xf32, #tpu.memory_space<vmem>>, vector<16xf32>,
    %get3A_387 = vector.shape_cast %get3A_386 : vector<16xf32> to vector<16xf32>
    %get3A_388 = arith.constant 544 : index
    %get3A_389 = tpu.vector_load %arg9[%get3A_388] {strides = array<i32>} : memref<3200xf32, #tpu.memory_space<vmem>>, vector<16xf32>,
    %get3A_390 = vector.shape_cast %get3A_389 : vector<16xf32> to vector<16xf32>
    %get3A_391 = arith.constant 1344 : index
    %get3A_392 = tpu.vector_load %arg9[%get3A_391] {strides = array<i32>} : memref<3200xf32, #tpu.memory_space<vmem>>, vector<16xf32>,
    %get3A_393 = vector.shape_cast %get3A_392 : vector<16xf32> to vector<16xf32>
    %get3A_394 = arith.constant 2144 : index
    %get3A_395 = tpu.vector_load %arg9[%get3A_394] {strides = array<i32>} : memref<3200xf32, #tpu.memory_space<vmem>>, vector<16xf32>,
    %get3A_396 = vector.shape_cast %get3A_395 : vector<16xf32> to vector<16xf32>
    %get3A_397 = arith.constant 2944 : index
    %get3A_398 = tpu.vector_load %arg9[%get3A_397] {strides = array<i32>} : memref<3200xf32, #tpu.memory_space<vmem>>, vector<16xf32>,
    %get3A_399 = vector.shape_cast %get3A_398 : vector<16xf32> to vector<16xf32>
    %scan3A_400 = arith.constant 0 : i32
    %scan3A_401 = arith.constant 0 : i32
    %scan3A_402 = arith.constant 16 : i32
    %scan3A_403 = arith.addi %scan3A_401, %scan3A_402 : i32
    %scan3A_404 = arith.constant 1 : i32
    scf.for %scan3A_931 = %scan3A_401 to %scan3A_403 step %scan3A_404  : i32 {
      %mul3A_932 = arith.constant 2 : i32
      %mul3A_933 = arith.muli %scan3A_931, %mul3A_932 : i32
      %add3A_934 = arith.constant 0 : i32
      %add3A_935 = arith.addi %mul3A_933, %add3A_934 : i32
      %shift_right_arithmetic3A = arith.constant 3 : i32
      %shift_right_arithmetic3A_936 = arith.shrsi %add3A_935, %shift_right_arithmetic3A : i32
      %mul3A_937 = arith.constant 2 : i32
      %mul3A_938 = arith.muli %shift_right_arithmetic3A_936, %mul3A_937 : i32
      %and3A = arith.constant 7 : i32
      %and3A_939 = arith.andi %add3A_935, %and3A : i32
      %mul3A_940 = arith.constant 16 : i32
      %mul3A_941 = arith.muli %and3A_939, %mul3A_940 : i32
      %mul3A_942 = arith.constant 16 : i32
      %mul3A_943 = arith.muli %add3A_935, %mul3A_942 : i32
      %get3A_944 = arith.index_cast %mul3A_943 : i32 to index
      %get3A_945 = tpu.vector_load %arg7[%get3A_944] {strides = array<i32>} : memref<512xi32, #tpu.memory_space<vmem>>, vector<16xi32>,
      %get3A_946 = vector.shape_cast %get3A_945 : vector<16xi32> to vector<16xi32>
      %and3A_947 = arith.constant 1 : i32
      %and3A_948 = vector.broadcast %and3A_947 : i32 to vector<16xi32>
      %and3A_949 = arith.andi %get3A_946, %and3A_948 : vector<16xi32>
      %eq3A = arith.constant 1 : i32
      %eq3A_950 = vector.broadcast %eq3A : i32 to vector<16xi32>
      %eq3A_951 = arith.cmpi eq, %and3A_949, %eq3A_950 : vector<16xi32>
      %ge3A = arith.constant 2 : i32
      %ge3A_952 = vector.broadcast %ge3A : i32 to vector<16xi32>
      %ge3A_953 = arith.cmpi sge, %get3A_946, %ge3A_952 : vector<16xi32>
      %select_n3A = arith.select %eq3A_951, %get3A_291, %get3A_288 : vector<16xi1>, vector<16xf32>
      %select_n3A_954 = arith.select %eq3A_951, %get3A_285, %get3A_282 : vector<16xi1>, vector<16xf32>
      %select_n3A_955 = arith.select %ge3A_953, %select_n3A, %select_n3A_954 : vector<16xi1>, vector<16xf32>
      %add3A_956 = arith.constant 0 : i32
      %add3A_957 = arith.addi %mul3A_938, %add3A_956 : i32
      %swap3A = arith.constant 5 : i32
      %swap3A_958 = arith.index_cast %swap3A : i32 to index
      %swap3A_959 = arith.index_cast %add3A_957 : i32 to index
      %swap3A_960 = arith.index_cast %mul3A_941 : i32 to index
      %swap3A_961 = tpu.vector_load %arg11[%swap3A_958, %swap3A_959, %swap3A_960] {strides = array<i32>} : memref<25x8x128xf32, #tpu.memory_space<vmem>>, vector<1x1x16xf32>,
      %swap3A_962 = vector.shape_cast %swap3A_961 : vector<1x1x16xf32> to vector<16xf32>
      %swap3A_963 = vector.shape_cast %select_n3A_955 : vector<16xf32> to vector<1x1x16xf32>
      tpu.vector_store %arg11[%swap3A_958, %swap3A_959, %swap3A_960], %swap3A_963 {strides = array<i32>} : memref<25x8x128xf32, #tpu.memory_space<vmem>>, vector<1x1x16xf32>,
      %select_n3A_964 = arith.select %eq3A_951, %get3A_303, %get3A_300 : vector<16xi1>, vector<16xf32>
      %select_n3A_965 = arith.select %eq3A_951, %get3A_297, %get3A_294 : vector<16xi1>, vector<16xf32>
      %select_n3A_966 = arith.select %ge3A_953, %select_n3A_964, %select_n3A_965 : vector<16xi1>, vector<16xf32>
      %add3A_967 = arith.constant 0 : i32
      %add3A_968 = arith.addi %mul3A_938, %add3A_967 : i32
      %swap3A_969 = arith.constant 6 : i32
      %swap3A_970 = arith.index_cast %swap3A_969 : i32 to index
      %swap3A_971 = arith.index_cast %add3A_968 : i32 to index
      %swap3A_972 = arith.index_cast %mul3A_941 : i32 to index
      %swap3A_973 = tpu.vector_load %arg11[%swap3A_970, %swap3A_971, %swap3A_972] {strides = array<i32>} : memref<25x8x128xf32, #tpu.memory_space<vmem>>, vector<1x1x16xf32>,
      %swap3A_974 = vector.shape_cast %swap3A_973 : vector<1x1x16xf32> to vector<16xf32>
      %swap3A_975 = vector.shape_cast %select_n3A_966 : vector<16xf32> to vector<1x1x16xf32>
      tpu.vector_store %arg11[%swap3A_970, %swap3A_971, %swap3A_972], %swap3A_975 {strides = array<i32>} : memref<25x8x128xf32, #tpu.memory_space<vmem>>, vector<1x1x16xf32>,
      %select_n3A_976 = arith.select %eq3A_951, %get3A_315, %get3A_312 : vector<16xi1>, vector<16xf32>
      %select_n3A_977 = arith.select %eq3A_951, %get3A_309, %get3A_306 : vector<16xi1>, vector<16xf32>
      %select_n3A_978 = arith.select %ge3A_953, %select_n3A_976, %select_n3A_977 : vector<16xi1>, vector<16xf32>
      %add3A_979 = arith.constant 0 : i32
      %add3A_980 = arith.addi %mul3A_938, %add3A_979 : i32
      %swap3A_981 = arith.constant 7 : i32
      %swap3A_982 = arith.index_cast %swap3A_981 : i32 to index
      %swap3A_983 = arith.index_cast %add3A_980 : i32 to index
      %swap3A_984 = arith.index_cast %mul3A_941 : i32 to index
      %swap3A_985 = tpu.vector_load %arg11[%swap3A_982, %swap3A_983, %swap3A_984] {strides = array<i32>} : memref<25x8x128xf32, #tpu.memory_space<vmem>>, vector<1x1x16xf32>,
      %swap3A_986 = vector.shape_cast %swap3A_985 : vector<1x1x16xf32> to vector<16xf32>
      %swap3A_987 = vector.shape_cast %select_n3A_978 : vector<16xf32> to vector<1x1x16xf32>
      tpu.vector_store %arg11[%swap3A_982, %swap3A_983, %swap3A_984], %swap3A_987 {strides = array<i32>} : memref<25x8x128xf32, #tpu.memory_space<vmem>>, vector<1x1x16xf32>,
      %select_n3A_988 = arith.select %eq3A_951, %get3A_327, %get3A_324 : vector<16xi1>, vector<16xf32>
      %select_n3A_989 = arith.select %eq3A_951, %get3A_321, %get3A_318 : vector<16xi1>, vector<16xf32>
      %select_n3A_990 = arith.select %ge3A_953, %select_n3A_988, %select_n3A_989 : vector<16xi1>, vector<16xf32>
      %add3A_991 = arith.constant 0 : i32
      %add3A_992 = arith.addi %mul3A_938, %add3A_991 : i32
      %swap3A_993 = arith.constant 8 : i32
      %swap3A_994 = arith.index_cast %swap3A_993 : i32 to index
      %swap3A_995 = arith.index_cast %add3A_992 : i32 to index
      %swap3A_996 = arith.index_cast %mul3A_941 : i32 to index
      %swap3A_997 = tpu.vector_load %arg11[%swap3A_994, %swap3A_995, %swap3A_996] {strides = array<i32>} : memref<25x8x128xf32, #tpu.memory_space<vmem>>, vector<1x1x16xf32>,
      %swap3A_998 = vector.shape_cast %swap3A_997 : vector<1x1x16xf32> to vector<16xf32>
      %swap3A_999 = vector.shape_cast %select_n3A_990 : vector<16xf32> to vector<1x1x16xf32>
      tpu.vector_store %arg11[%swap3A_994, %swap3A_995, %swap3A_996], %swap3A_999 {strides = array<i32>} : memref<25x8x128xf32, #tpu.memory_space<vmem>>, vector<1x1x16xf32>,
      %select_n3A_1000 = arith.select %eq3A_951, %get3A_339, %get3A_336 : vector<16xi1>, vector<16xf32>
      %select_n3A_1001 = arith.select %eq3A_951, %get3A_333, %get3A_330 : vector<16xi1>, vector<16xf32>
      %select_n3A_1002 = arith.select %ge3A_953, %select_n3A_1000, %select_n3A_1001 : vector<16xi1>, vector<16xf32>
      %add3A_1003 = arith.constant 0 : i32
      %add3A_1004 = arith.addi %mul3A_938, %add3A_1003 : i32
      %swap3A_1005 = arith.constant 9 : i32
      %swap3A_1006 = arith.index_cast %swap3A_1005 : i32 to index
      %swap3A_1007 = arith.index_cast %add3A_1004 : i32 to index
      %swap3A_1008 = arith.index_cast %mul3A_941 : i32 to index
      %swap3A_1009 = tpu.vector_load %arg11[%swap3A_1006, %swap3A_1007, %swap3A_1008] {strides = array<i32>} : memref<25x8x128xf32, #tpu.memory_space<vmem>>, vector<1x1x16xf32>,
      %swap3A_1010 = vector.shape_cast %swap3A_1009 : vector<1x1x16xf32> to vector<16xf32>
      %swap3A_1011 = vector.shape_cast %select_n3A_1002 : vector<16xf32> to vector<1x1x16xf32>
      tpu.vector_store %arg11[%swap3A_1006, %swap3A_1007, %swap3A_1008], %swap3A_1011 {strides = array<i32>} : memref<25x8x128xf32, #tpu.memory_space<vmem>>, vector<1x1x16xf32>,
      %select_n3A_1012 = arith.select %eq3A_951, %get3A_351, %get3A_348 : vector<16xi1>, vector<16xf32>
      %select_n3A_1013 = arith.select %eq3A_951, %get3A_345, %get3A_342 : vector<16xi1>, vector<16xf32>
      %select_n3A_1014 = arith.select %ge3A_953, %select_n3A_1012, %select_n3A_1013 : vector<16xi1>, vector<16xf32>
      %add3A_1015 = arith.constant 1 : i32
      %add3A_1016 = arith.addi %mul3A_938, %add3A_1015 : i32
      %swap3A_1017 = arith.constant 5 : i32
      %swap3A_1018 = arith.index_cast %swap3A_1017 : i32 to index
      %swap3A_1019 = arith.index_cast %add3A_1016 : i32 to index
      %swap3A_1020 = arith.index_cast %mul3A_941 : i32 to index
      %swap3A_1021 = tpu.vector_load %arg11[%swap3A_1018, %swap3A_1019, %swap3A_1020] {strides = array<i32>} : memref<25x8x128xf32, #tpu.memory_space<vmem>>, vector<1x1x16xf32>,
      %swap3A_1022 = vector.shape_cast %swap3A_1021 : vector<1x1x16xf32> to vector<16xf32>
      %swap3A_1023 = vector.shape_cast %select_n3A_1014 : vector<16xf32> to vector<1x1x16xf32>
      tpu.vector_store %arg11[%swap3A_1018, %swap3A_1019, %swap3A_1020], %swap3A_1023 {strides = array<i32>} : memref<25x8x128xf32, #tpu.memory_space<vmem>>, vector<1x1x16xf32>,
      %select_n3A_1024 = arith.select %eq3A_951, %get3A_363, %get3A_360 : vector<16xi1>, vector<16xf32>
      %select_n3A_1025 = arith.select %eq3A_951, %get3A_357, %get3A_354 : vector<16xi1>, vector<16xf32>
      %select_n3A_1026 = arith.select %ge3A_953, %select_n3A_1024, %select_n3A_1025 : vector<16xi1>, vector<16xf32>
      %add3A_1027 = arith.constant 1 : i32
      %add3A_1028 = arith.addi %mul3A_938, %add3A_1027 : i32
      %swap3A_1029 = arith.constant 6 : i32
      %swap3A_1030 = arith.index_cast %swap3A_1029 : i32 to index
      %swap3A_1031 = arith.index_cast %add3A_1028 : i32 to index
      %swap3A_1032 = arith.index_cast %mul3A_941 : i32 to index
      %swap3A_1033 = tpu.vector_load %arg11[%swap3A_1030, %swap3A_1031, %swap3A_1032] {strides = array<i32>} : memref<25x8x128xf32, #tpu.memory_space<vmem>>, vector<1x1x16xf32>,
      %swap3A_1034 = vector.shape_cast %swap3A_1033 : vector<1x1x16xf32> to vector<16xf32>
      %swap3A_1035 = vector.shape_cast %select_n3A_1026 : vector<16xf32> to vector<1x1x16xf32>
      tpu.vector_store %arg11[%swap3A_1030, %swap3A_1031, %swap3A_1032], %swap3A_1035 {strides = array<i32>} : memref<25x8x128xf32, #tpu.memory_space<vmem>>, vector<1x1x16xf32>,
      %select_n3A_1036 = arith.select %eq3A_951, %get3A_375, %get3A_372 : vector<16xi1>, vector<16xf32>
      %select_n3A_1037 = arith.select %eq3A_951, %get3A_369, %get3A_366 : vector<16xi1>, vector<16xf32>
      %select_n3A_1038 = arith.select %ge3A_953, %select_n3A_1036, %select_n3A_1037 : vector<16xi1>, vector<16xf32>
      %add3A_1039 = arith.constant 1 : i32
      %add3A_1040 = arith.addi %mul3A_938, %add3A_1039 : i32
      %swap3A_1041 = arith.constant 7 : i32
      %swap3A_1042 = arith.index_cast %swap3A_1041 : i32 to index
      %swap3A_1043 = arith.index_cast %add3A_1040 : i32 to index
      %swap3A_1044 = arith.index_cast %mul3A_941 : i32 to index
      %swap3A_1045 = tpu.vector_load %arg11[%swap3A_1042, %swap3A_1043, %swap3A_1044] {strides = array<i32>} : memref<25x8x128xf32, #tpu.memory_space<vmem>>, vector<1x1x16xf32>,
      %swap3A_1046 = vector.shape_cast %swap3A_1045 : vector<1x1x16xf32> to vector<16xf32>
      %swap3A_1047 = vector.shape_cast %select_n3A_1038 : vector<16xf32> to vector<1x1x16xf32>
      tpu.vector_store %arg11[%swap3A_1042, %swap3A_1043, %swap3A_1044], %swap3A_1047 {strides = array<i32>} : memref<25x8x128xf32, #tpu.memory_space<vmem>>, vector<1x1x16xf32>,
      %select_n3A_1048 = arith.select %eq3A_951, %get3A_387, %get3A_384 : vector<16xi1>, vector<16xf32>
      %select_n3A_1049 = arith.select %eq3A_951, %get3A_381, %get3A_378 : vector<16xi1>, vector<16xf32>
      %select_n3A_1050 = arith.select %ge3A_953, %select_n3A_1048, %select_n3A_1049 : vector<16xi1>, vector<16xf32>
      %add3A_1051 = arith.constant 1 : i32
      %add3A_1052 = arith.addi %mul3A_938, %add3A_1051 : i32
      %swap3A_1053 = arith.constant 8 : i32
      %swap3A_1054 = arith.index_cast %swap3A_1053 : i32 to index
      %swap3A_1055 = arith.index_cast %add3A_1052 : i32 to index
      %swap3A_1056 = arith.index_cast %mul3A_941 : i32 to index
      %swap3A_1057 = tpu.vector_load %arg11[%swap3A_1054, %swap3A_1055, %swap3A_1056] {strides = array<i32>} : memref<25x8x128xf32, #tpu.memory_space<vmem>>, vector<1x1x16xf32>,
      %swap3A_1058 = vector.shape_cast %swap3A_1057 : vector<1x1x16xf32> to vector<16xf32>
      %swap3A_1059 = vector.shape_cast %select_n3A_1050 : vector<16xf32> to vector<1x1x16xf32>
      tpu.vector_store %arg11[%swap3A_1054, %swap3A_1055, %swap3A_1056], %swap3A_1059 {strides = array<i32>} : memref<25x8x128xf32, #tpu.memory_space<vmem>>, vector<1x1x16xf32>,
      %select_n3A_1060 = arith.select %eq3A_951, %get3A_399, %get3A_396 : vector<16xi1>, vector<16xf32>
      %select_n3A_1061 = arith.select %eq3A_951, %get3A_393, %get3A_390 : vector<16xi1>, vector<16xf32>
      %select_n3A_1062 = arith.select %ge3A_953, %select_n3A_1060, %select_n3A_1061 : vector<16xi1>, vector<16xf32>
      %add3A_1063 = arith.constant 1 : i32
      %add3A_1064 = arith.addi %mul3A_938, %add3A_1063 : i32
      %swap3A_1065 = arith.constant 9 : i32
      %swap3A_1066 = arith.index_cast %swap3A_1065 : i32 to index
      %swap3A_1067 = arith.index_cast %add3A_1064 : i32 to index
      %swap3A_1068 = arith.index_cast %mul3A_941 : i32 to index
      %swap3A_1069 = tpu.vector_load %arg11[%swap3A_1066, %swap3A_1067, %swap3A_1068] {strides = array<i32>} : memref<25x8x128xf32, #tpu.memory_space<vmem>>, vector<1x1x16xf32>,
      %swap3A_1070 = vector.shape_cast %swap3A_1069 : vector<1x1x16xf32> to vector<16xf32>
      %swap3A_1071 = vector.shape_cast %select_n3A_1062 : vector<16xf32> to vector<1x1x16xf32>
      tpu.vector_store %arg11[%swap3A_1066, %swap3A_1067, %swap3A_1068], %swap3A_1071 {strides = array<i32>} : memref<25x8x128xf32, #tpu.memory_space<vmem>>, vector<1x1x16xf32>,
      %mul3A_1072 = arith.constant 2 : i32
      %mul3A_1073 = arith.muli %scan3A_931, %mul3A_1072 : i32
      %add3A_1074 = arith.constant 1 : i32
      %add3A_1075 = arith.addi %mul3A_1073, %add3A_1074 : i32
      %shift_right_arithmetic3A_1076 = arith.constant 3 : i32
      %shift_right_arithmetic3A_1077 = arith.shrsi %add3A_1075, %shift_right_arithmetic3A_1076 : i32
      %mul3A_1078 = arith.constant 2 : i32
      %mul3A_1079 = arith.muli %shift_right_arithmetic3A_1077, %mul3A_1078 : i32
      %and3A_1080 = arith.constant 7 : i32
      %and3A_1081 = arith.andi %add3A_1075, %and3A_1080 : i32
      %mul3A_1082 = arith.constant 16 : i32
      %mul3A_1083 = arith.muli %and3A_1081, %mul3A_1082 : i32
      %mul3A_1084 = arith.constant 16 : i32
      %mul3A_1085 = arith.muli %add3A_1075, %mul3A_1084 : i32
      %get3A_1086 = arith.index_cast %mul3A_1085 : i32 to index
      %get3A_1087 = tpu.vector_load %arg7[%get3A_1086] {strides = array<i32>} : memref<512xi32, #tpu.memory_space<vmem>>, vector<16xi32>,
      %get3A_1088 = vector.shape_cast %get3A_1087 : vector<16xi32> to vector<16xi32>
      %and3A_1089 = arith.constant 1 : i32
      %and3A_1090 = vector.broadcast %and3A_1089 : i32 to vector<16xi32>
      %and3A_1091 = arith.andi %get3A_1088, %and3A_1090 : vector<16xi32>
      %eq3A_1092 = arith.constant 1 : i32
      %eq3A_1093 = vector.broadcast %eq3A_1092 : i32 to vector<16xi32>
      %eq3A_1094 = arith.cmpi eq, %and3A_1091, %eq3A_1093 : vector<16xi32>
      %ge3A_1095 = arith.constant 2 : i32
      %ge3A_1096 = vector.broadcast %ge3A_1095 : i32 to vector<16xi32>
      %ge3A_1097 = arith.cmpi sge, %get3A_1088, %ge3A_1096 : vector<16xi32>
      %select_n3A_1098 = arith.select %eq3A_1094, %get3A_291, %get3A_288 : vector<16xi1>, vector<16xf32>
      %select_n3A_1099 = arith.select %eq3A_1094, %get3A_285, %get3A_282 : vector<16xi1>, vector<16xf32>
      %select_n3A_1100 = arith.select %ge3A_1097, %select_n3A_1098, %select_n3A_1099 : vector<16xi1>, vector<16xf32>
      %add3A_1101 = arith.constant 0 : i32
      %add3A_1102 = arith.addi %mul3A_1079, %add3A_1101 : i32
      %swap3A_1103 = arith.constant 5 : i32
      %swap3A_1104 = arith.index_cast %swap3A_1103 : i32 to index
      %swap3A_1105 = arith.index_cast %add3A_1102 : i32 to index
      %swap3A_1106 = arith.index_cast %mul3A_1083 : i32 to index
      %swap3A_1107 = tpu.vector_load %arg11[%swap3A_1104, %swap3A_1105, %swap3A_1106] {strides = array<i32>} : memref<25x8x128xf32, #tpu.memory_space<vmem>>, vector<1x1x16xf32>,
      %swap3A_1108 = vector.shape_cast %swap3A_1107 : vector<1x1x16xf32> to vector<16xf32>
      %swap3A_1109 = vector.shape_cast %select_n3A_1100 : vector<16xf32> to vector<1x1x16xf32>
      tpu.vector_store %arg11[%swap3A_1104, %swap3A_1105, %swap3A_1106], %swap3A_1109 {strides = array<i32>} : memref<25x8x128xf32, #tpu.memory_space<vmem>>, vector<1x1x16xf32>,
      %select_n3A_1110 = arith.select %eq3A_1094, %get3A_303, %get3A_300 : vector<16xi1>, vector<16xf32>
      %select_n3A_1111 = arith.select %eq3A_1094, %get3A_297, %get3A_294 : vector<16xi1>, vector<16xf32>
      %select_n3A_1112 = arith.select %ge3A_1097, %select_n3A_1110, %select_n3A_1111 : vector<16xi1>, vector<16xf32>
      %add3A_1113 = arith.constant 0 : i32
      %add3A_1114 = arith.addi %mul3A_1079, %add3A_1113 : i32
      %swap3A_1115 = arith.constant 6 : i32
      %swap3A_1116 = arith.index_cast %swap3A_1115 : i32 to index
      %swap3A_1117 = arith.index_cast %add3A_1114 : i32 to index
      %swap3A_1118 = arith.index_cast %mul3A_1083 : i32 to index
      %swap3A_1119 = tpu.vector_load %arg11[%swap3A_1116, %swap3A_1117, %swap3A_1118] {strides = array<i32>} : memref<25x8x128xf32, #tpu.memory_space<vmem>>, vector<1x1x16xf32>,
      %swap3A_1120 = vector.shape_cast %swap3A_1119 : vector<1x1x16xf32> to vector<16xf32>
      %swap3A_1121 = vector.shape_cast %select_n3A_1112 : vector<16xf32> to vector<1x1x16xf32>
      tpu.vector_store %arg11[%swap3A_1116, %swap3A_1117, %swap3A_1118], %swap3A_1121 {strides = array<i32>} : memref<25x8x128xf32, #tpu.memory_space<vmem>>, vector<1x1x16xf32>,
      %select_n3A_1122 = arith.select %eq3A_1094, %get3A_315, %get3A_312 : vector<16xi1>, vector<16xf32>
      %select_n3A_1123 = arith.select %eq3A_1094, %get3A_309, %get3A_306 : vector<16xi1>, vector<16xf32>
      %select_n3A_1124 = arith.select %ge3A_1097, %select_n3A_1122, %select_n3A_1123 : vector<16xi1>, vector<16xf32>
      %add3A_1125 = arith.constant 0 : i32
      %add3A_1126 = arith.addi %mul3A_1079, %add3A_1125 : i32
      %swap3A_1127 = arith.constant 7 : i32
      %swap3A_1128 = arith.index_cast %swap3A_1127 : i32 to index
      %swap3A_1129 = arith.index_cast %add3A_1126 : i32 to index
      %swap3A_1130 = arith.index_cast %mul3A_1083 : i32 to index
      %swap3A_1131 = tpu.vector_load %arg11[%swap3A_1128, %swap3A_1129, %swap3A_1130] {strides = array<i32>} : memref<25x8x128xf32, #tpu.memory_space<vmem>>, vector<1x1x16xf32>,
      %swap3A_1132 = vector.shape_cast %swap3A_1131 : vector<1x1x16xf32> to vector<16xf32>
      %swap3A_1133 = vector.shape_cast %select_n3A_1124 : vector<16xf32> to vector<1x1x16xf32>
      tpu.vector_store %arg11[%swap3A_1128, %swap3A_1129, %swap3A_1130], %swap3A_1133 {strides = array<i32>} : memref<25x8x128xf32, #tpu.memory_space<vmem>>, vector<1x1x16xf32>,
      %select_n3A_1134 = arith.select %eq3A_1094, %get3A_327, %get3A_324 : vector<16xi1>, vector<16xf32>
      %select_n3A_1135 = arith.select %eq3A_1094, %get3A_321, %get3A_318 : vector<16xi1>, vector<16xf32>
      %select_n3A_1136 = arith.select %ge3A_1097, %select_n3A_1134, %select_n3A_1135 : vector<16xi1>, vector<16xf32>
      %add3A_1137 = arith.constant 0 : i32
      %add3A_1138 = arith.addi %mul3A_1079, %add3A_1137 : i32
      %swap3A_1139 = arith.constant 8 : i32
      %swap3A_1140 = arith.index_cast %swap3A_1139 : i32 to index
      %swap3A_1141 = arith.index_cast %add3A_1138 : i32 to index
      %swap3A_1142 = arith.index_cast %mul3A_1083 : i32 to index
      %swap3A_1143 = tpu.vector_load %arg11[%swap3A_1140, %swap3A_1141, %swap3A_1142] {strides = array<i32>} : memref<25x8x128xf32, #tpu.memory_space<vmem>>, vector<1x1x16xf32>,
      %swap3A_1144 = vector.shape_cast %swap3A_1143 : vector<1x1x16xf32> to vector<16xf32>
      %swap3A_1145 = vector.shape_cast %select_n3A_1136 : vector<16xf32> to vector<1x1x16xf32>
      tpu.vector_store %arg11[%swap3A_1140, %swap3A_1141, %swap3A_1142], %swap3A_1145 {strides = array<i32>} : memref<25x8x128xf32, #tpu.memory_space<vmem>>, vector<1x1x16xf32>,
      %select_n3A_1146 = arith.select %eq3A_1094, %get3A_339, %get3A_336 : vector<16xi1>, vector<16xf32>
      %select_n3A_1147 = arith.select %eq3A_1094, %get3A_333, %get3A_330 : vector<16xi1>, vector<16xf32>
      %select_n3A_1148 = arith.select %ge3A_1097, %select_n3A_1146, %select_n3A_1147 : vector<16xi1>, vector<16xf32>
      %add3A_1149 = arith.constant 0 : i32
      %add3A_1150 = arith.addi %mul3A_1079, %add3A_1149 : i32
      %swap3A_1151 = arith.constant 9 : i32
      %swap3A_1152 = arith.index_cast %swap3A_1151 : i32 to index
      %swap3A_1153 = arith.index_cast %add3A_1150 : i32 to index
      %swap3A_1154 = arith.index_cast %mul3A_1083 : i32 to index
      %swap3A_1155 = tpu.vector_load %arg11[%swap3A_1152, %swap3A_1153, %swap3A_1154] {strides = array<i32>} : memref<25x8x128xf32, #tpu.memory_space<vmem>>, vector<1x1x16xf32>,
      %swap3A_1156 = vector.shape_cast %swap3A_1155 : vector<1x1x16xf32> to vector<16xf32>
      %swap3A_1157 = vector.shape_cast %select_n3A_1148 : vector<16xf32> to vector<1x1x16xf32>
      tpu.vector_store %arg11[%swap3A_1152, %swap3A_1153, %swap3A_1154], %swap3A_1157 {strides = array<i32>} : memref<25x8x128xf32, #tpu.memory_space<vmem>>, vector<1x1x16xf32>,
      %select_n3A_1158 = arith.select %eq3A_1094, %get3A_351, %get3A_348 : vector<16xi1>, vector<16xf32>
      %select_n3A_1159 = arith.select %eq3A_1094, %get3A_345, %get3A_342 : vector<16xi1>, vector<16xf32>
      %select_n3A_1160 = arith.select %ge3A_1097, %select_n3A_1158, %select_n3A_1159 : vector<16xi1>, vector<16xf32>
      %add3A_1161 = arith.constant 1 : i32
      %add3A_1162 = arith.addi %mul3A_1079, %add3A_1161 : i32
      %swap3A_1163 = arith.constant 5 : i32
      %swap3A_1164 = arith.index_cast %swap3A_1163 : i32 to index
      %swap3A_1165 = arith.index_cast %add3A_1162 : i32 to index
      %swap3A_1166 = arith.index_cast %mul3A_1083 : i32 to index
      %swap3A_1167 = tpu.vector_load %arg11[%swap3A_1164, %swap3A_1165, %swap3A_1166] {strides = array<i32>} : memref<25x8x128xf32, #tpu.memory_space<vmem>>, vector<1x1x16xf32>,
      %swap3A_1168 = vector.shape_cast %swap3A_1167 : vector<1x1x16xf32> to vector<16xf32>
      %swap3A_1169 = vector.shape_cast %select_n3A_1160 : vector<16xf32> to vector<1x1x16xf32>
      tpu.vector_store %arg11[%swap3A_1164, %swap3A_1165, %swap3A_1166], %swap3A_1169 {strides = array<i32>} : memref<25x8x128xf32, #tpu.memory_space<vmem>>, vector<1x1x16xf32>,
      %select_n3A_1170 = arith.select %eq3A_1094, %get3A_363, %get3A_360 : vector<16xi1>, vector<16xf32>
      %select_n3A_1171 = arith.select %eq3A_1094, %get3A_357, %get3A_354 : vector<16xi1>, vector<16xf32>
      %select_n3A_1172 = arith.select %ge3A_1097, %select_n3A_1170, %select_n3A_1171 : vector<16xi1>, vector<16xf32>
      %add3A_1173 = arith.constant 1 : i32
      %add3A_1174 = arith.addi %mul3A_1079, %add3A_1173 : i32
      %swap3A_1175 = arith.constant 6 : i32
      %swap3A_1176 = arith.index_cast %swap3A_1175 : i32 to index
      %swap3A_1177 = arith.index_cast %add3A_1174 : i32 to index
      %swap3A_1178 = arith.index_cast %mul3A_1083 : i32 to index
      %swap3A_1179 = tpu.vector_load %arg11[%swap3A_1176, %swap3A_1177, %swap3A_1178] {strides = array<i32>} : memref<25x8x128xf32, #tpu.memory_space<vmem>>, vector<1x1x16xf32>,
      %swap3A_1180 = vector.shape_cast %swap3A_1179 : vector<1x1x16xf32> to vector<16xf32>
      %swap3A_1181 = vector.shape_cast %select_n3A_1172 : vector<16xf32> to vector<1x1x16xf32>
      tpu.vector_store %arg11[%swap3A_1176, %swap3A_1177, %swap3A_1178], %swap3A_1181 {strides = array<i32>} : memref<25x8x128xf32, #tpu.memory_space<vmem>>, vector<1x1x16xf32>,
      %select_n3A_1182 = arith.select %eq3A_1094, %get3A_375, %get3A_372 : vector<16xi1>, vector<16xf32>
      %select_n3A_1183 = arith.select %eq3A_1094, %get3A_369, %get3A_366 : vector<16xi1>, vector<16xf32>
      %select_n3A_1184 = arith.select %ge3A_1097, %select_n3A_1182, %select_n3A_1183 : vector<16xi1>, vector<16xf32>
      %add3A_1185 = arith.constant 1 : i32
      %add3A_1186 = arith.addi %mul3A_1079, %add3A_1185 : i32
      %swap3A_1187 = arith.constant 7 : i32
      %swap3A_1188 = arith.index_cast %swap3A_1187 : i32 to index
      %swap3A_1189 = arith.index_cast %add3A_1186 : i32 to index
      %swap3A_1190 = arith.index_cast %mul3A_1083 : i32 to index
      %swap3A_1191 = tpu.vector_load %arg11[%swap3A_1188, %swap3A_1189, %swap3A_1190] {strides = array<i32>} : memref<25x8x128xf32, #tpu.memory_space<vmem>>, vector<1x1x16xf32>,
      %swap3A_1192 = vector.shape_cast %swap3A_1191 : vector<1x1x16xf32> to vector<16xf32>
      %swap3A_1193 = vector.shape_cast %select_n3A_1184 : vector<16xf32> to vector<1x1x16xf32>
      tpu.vector_store %arg11[%swap3A_1188, %swap3A_1189, %swap3A_1190], %swap3A_1193 {strides = array<i32>} : memref<25x8x128xf32, #tpu.memory_space<vmem>>, vector<1x1x16xf32>,
      %select_n3A_1194 = arith.select %eq3A_1094, %get3A_387, %get3A_384 : vector<16xi1>, vector<16xf32>
      %select_n3A_1195 = arith.select %eq3A_1094, %get3A_381, %get3A_378 : vector<16xi1>, vector<16xf32>
      %select_n3A_1196 = arith.select %ge3A_1097, %select_n3A_1194, %select_n3A_1195 : vector<16xi1>, vector<16xf32>
      %add3A_1197 = arith.constant 1 : i32
      %add3A_1198 = arith.addi %mul3A_1079, %add3A_1197 : i32
      %swap3A_1199 = arith.constant 8 : i32
      %swap3A_1200 = arith.index_cast %swap3A_1199 : i32 to index
      %swap3A_1201 = arith.index_cast %add3A_1198 : i32 to index
      %swap3A_1202 = arith.index_cast %mul3A_1083 : i32 to index
      %swap3A_1203 = tpu.vector_load %arg11[%swap3A_1200, %swap3A_1201, %swap3A_1202] {strides = array<i32>} : memref<25x8x128xf32, #tpu.memory_space<vmem>>, vector<1x1x16xf32>,
      %swap3A_1204 = vector.shape_cast %swap3A_1203 : vector<1x1x16xf32> to vector<16xf32>
      %swap3A_1205 = vector.shape_cast %select_n3A_1196 : vector<16xf32> to vector<1x1x16xf32>
      tpu.vector_store %arg11[%swap3A_1200, %swap3A_1201, %swap3A_1202], %swap3A_1205 {strides = array<i32>} : memref<25x8x128xf32, #tpu.memory_space<vmem>>, vector<1x1x16xf32>,
      %select_n3A_1206 = arith.select %eq3A_1094, %get3A_399, %get3A_396 : vector<16xi1>, vector<16xf32>
      %select_n3A_1207 = arith.select %eq3A_1094, %get3A_393, %get3A_390 : vector<16xi1>, vector<16xf32>
      %select_n3A_1208 = arith.select %ge3A_1097, %select_n3A_1206, %select_n3A_1207 : vector<16xi1>, vector<16xf32>
      %add3A_1209 = arith.constant 1 : i32
      %add3A_1210 = arith.addi %mul3A_1079, %add3A_1209 : i32
      %swap3A_1211 = arith.constant 9 : i32
      %swap3A_1212 = arith.index_cast %swap3A_1211 : i32 to index
      %swap3A_1213 = arith.index_cast %add3A_1210 : i32 to index
      %swap3A_1214 = arith.index_cast %mul3A_1083 : i32 to index
      %swap3A_1215 = tpu.vector_load %arg11[%swap3A_1212, %swap3A_1213, %swap3A_1214] {strides = array<i32>} : memref<25x8x128xf32, #tpu.memory_space<vmem>>, vector<1x1x16xf32>,
      %swap3A_1216 = vector.shape_cast %swap3A_1215 : vector<1x1x16xf32> to vector<16xf32>
      %swap3A_1217 = vector.shape_cast %select_n3A_1208 : vector<16xf32> to vector<1x1x16xf32>
      tpu.vector_store %arg11[%swap3A_1212, %swap3A_1213, %swap3A_1214], %swap3A_1217 {strides = array<i32>} : memref<25x8x128xf32, #tpu.memory_space<vmem>>, vector<1x1x16xf32>,
    }
    %scan3A_405 = arith.constant 16 : i32
    %mul3A_406 = arith.constant 2 : i32
    %mul3A_407 = arith.muli %add3A, %mul3A_406 : i32
    %mul3A_408 = arith.constant 4 : i32
    %mul3A_409 = arith.muli %mul3A_407, %mul3A_408 : i32
    %dma_start3A_410 = arith.constant 5 : i32
    %dma_start3A_411 = arith.constant 0 : i32
    %dma_start3A_412 = arith.constant 0 : i32
    %dma_start3A_413 = tpu.memref_slice %arg11[%dma_start3A_410, %dma_start3A_411, %dma_start3A_412] : memref<25x8x128xf32, #tpu.memory_space<vmem>> -> memref<5x8x128xf32, #tpu.memory_space<vmem>>
    %dma_start3A_414 = arith.constant 5 : i32
    %dma_start3A_415 = arith.constant 0 : i32
    %dma_start3A_416 = tpu.memref_slice %arg6[%dma_start3A_414, %mul3A_409, %dma_start3A_415] : memref<25x256x128xf32, #tpu.memory_space<hbm>> -> memref<5x8x128xf32, #tpu.memory_space<hbm>>
    %dma_start3A_417 = arith.constant 5 : i32
    %dma_start3A_418 = arith.constant 0 : i32
    %dma_start3A_419 = tpu.memref_slice %arg6[%dma_start3A_417, %mul3A_409, %dma_start3A_418] : memref<25x256x128xf32, #tpu.memory_space<hbm>> -> memref<5x8x128xf32, #tpu.memory_space<hbm>>
    %dma_start3A_420 = arith.constant 5 : i32
    %dma_start3A_421 = arith.constant 0 : i32
    %dma_start3A_422 = arith.constant 0 : i32
    %dma_start3A_423 = tpu.memref_slice %arg11[%dma_start3A_420, %dma_start3A_421, %dma_start3A_422] : memref<25x8x128xf32, #tpu.memory_space<vmem>> -> memref<5x8x128xf32, #tpu.memory_space<vmem>>
    tpu.enqueue_dma source(%dma_start3A_423 : memref<5x8x128xf32, #tpu.memory_space<vmem>>) target(%dma_start3A_419 : memref<5x8x128xf32, #tpu.memory_space<hbm>>) target_semaphore(%arg12 : memref<!tpu.dma_semaphore, #tpu.memory_space<semaphore_mem>>)
    %get3A_424 = arith.constant 160 : index
    %get3A_425 = tpu.vector_load %arg9[%get3A_424] {strides = array<i32>} : memref<3200xf32, #tpu.memory_space<vmem>>, vector<16xf32>,
    %get3A_426 = vector.shape_cast %get3A_425 : vector<16xf32> to vector<16xf32>
    %get3A_427 = arith.constant 960 : index
    %get3A_428 = tpu.vector_load %arg9[%get3A_427] {strides = array<i32>} : memref<3200xf32, #tpu.memory_space<vmem>>, vector<16xf32>,
    %get3A_429 = vector.shape_cast %get3A_428 : vector<16xf32> to vector<16xf32>
    %get3A_430 = arith.constant 1760 : index
    %get3A_431 = tpu.vector_load %arg9[%get3A_430] {strides = array<i32>} : memref<3200xf32, #tpu.memory_space<vmem>>, vector<16xf32>,
    %get3A_432 = vector.shape_cast %get3A_431 : vector<16xf32> to vector<16xf32>
    %get3A_433 = arith.constant 2560 : index
    %get3A_434 = tpu.vector_load %arg9[%get3A_433] {strides = array<i32>} : memref<3200xf32, #tpu.memory_space<vmem>>, vector<16xf32>,
    %get3A_435 = vector.shape_cast %get3A_434 : vector<16xf32> to vector<16xf32>
    %get3A_436 = arith.constant 176 : index
    %get3A_437 = tpu.vector_load %arg9[%get3A_436] {strides = array<i32>} : memref<3200xf32, #tpu.memory_space<vmem>>, vector<16xf32>,
    %get3A_438 = vector.shape_cast %get3A_437 : vector<16xf32> to vector<16xf32>
    %get3A_439 = arith.constant 976 : index
    %get3A_440 = tpu.vector_load %arg9[%get3A_439] {strides = array<i32>} : memref<3200xf32, #tpu.memory_space<vmem>>, vector<16xf32>,
    %get3A_441 = vector.shape_cast %get3A_440 : vector<16xf32> to vector<16xf32>
    %get3A_442 = arith.constant 1776 : index
    %get3A_443 = tpu.vector_load %arg9[%get3A_442] {strides = array<i32>} : memref<3200xf32, #tpu.memory_space<vmem>>, vector<16xf32>,
    %get3A_444 = vector.shape_cast %get3A_443 : vector<16xf32> to vector<16xf32>
    %get3A_445 = arith.constant 2576 : index
    %get3A_446 = tpu.vector_load %arg9[%get3A_445] {strides = array<i32>} : memref<3200xf32, #tpu.memory_space<vmem>>, vector<16xf32>,
    %get3A_447 = vector.shape_cast %get3A_446 : vector<16xf32> to vector<16xf32>
    %get3A_448 = arith.constant 192 : index
    %get3A_449 = tpu.vector_load %arg9[%get3A_448] {strides = array<i32>} : memref<3200xf32, #tpu.memory_space<vmem>>, vector<16xf32>,
    %get3A_450 = vector.shape_cast %get3A_449 : vector<16xf32> to vector<16xf32>
    %get3A_451 = arith.constant 992 : index
    %get3A_452 = tpu.vector_load %arg9[%get3A_451] {strides = array<i32>} : memref<3200xf32, #tpu.memory_space<vmem>>, vector<16xf32>,
    %get3A_453 = vector.shape_cast %get3A_452 : vector<16xf32> to vector<16xf32>
    %get3A_454 = arith.constant 1792 : index
    %get3A_455 = tpu.vector_load %arg9[%get3A_454] {strides = array<i32>} : memref<3200xf32, #tpu.memory_space<vmem>>, vector<16xf32>,
    %get3A_456 = vector.shape_cast %get3A_455 : vector<16xf32> to vector<16xf32>
    %get3A_457 = arith.constant 2592 : index
    %get3A_458 = tpu.vector_load %arg9[%get3A_457] {strides = array<i32>} : memref<3200xf32, #tpu.memory_space<vmem>>, vector<16xf32>,
    %get3A_459 = vector.shape_cast %get3A_458 : vector<16xf32> to vector<16xf32>
    %get3A_460 = arith.constant 208 : index
    %get3A_461 = tpu.vector_load %arg9[%get3A_460] {strides = array<i32>} : memref<3200xf32, #tpu.memory_space<vmem>>, vector<16xf32>,
    %get3A_462 = vector.shape_cast %get3A_461 : vector<16xf32> to vector<16xf32>
    %get3A_463 = arith.constant 1008 : index
    %get3A_464 = tpu.vector_load %arg9[%get3A_463] {strides = array<i32>} : memref<3200xf32, #tpu.memory_space<vmem>>, vector<16xf32>,
    %get3A_465 = vector.shape_cast %get3A_464 : vector<16xf32> to vector<16xf32>
    %get3A_466 = arith.constant 1808 : index
    %get3A_467 = tpu.vector_load %arg9[%get3A_466] {strides = array<i32>} : memref<3200xf32, #tpu.memory_space<vmem>>, vector<16xf32>,
    %get3A_468 = vector.shape_cast %get3A_467 : vector<16xf32> to vector<16xf32>
    %get3A_469 = arith.constant 2608 : index
    %get3A_470 = tpu.vector_load %arg9[%get3A_469] {strides = array<i32>} : memref<3200xf32, #tpu.memory_space<vmem>>, vector<16xf32>,
    %get3A_471 = vector.shape_cast %get3A_470 : vector<16xf32> to vector<16xf32>
    %get3A_472 = arith.constant 224 : index
    %get3A_473 = tpu.vector_load %arg9[%get3A_472] {strides = array<i32>} : memref<3200xf32, #tpu.memory_space<vmem>>, vector<16xf32>,
    %get3A_474 = vector.shape_cast %get3A_473 : vector<16xf32> to vector<16xf32>
    %get3A_475 = arith.constant 1024 : index
    %get3A_476 = tpu.vector_load %arg9[%get3A_475] {strides = array<i32>} : memref<3200xf32, #tpu.memory_space<vmem>>, vector<16xf32>,
    %get3A_477 = vector.shape_cast %get3A_476 : vector<16xf32> to vector<16xf32>
    %get3A_478 = arith.constant 1824 : index
    %get3A_479 = tpu.vector_load %arg9[%get3A_478] {strides = array<i32>} : memref<3200xf32, #tpu.memory_space<vmem>>, vector<16xf32>,
    %get3A_480 = vector.shape_cast %get3A_479 : vector<16xf32> to vector<16xf32>
    %get3A_481 = arith.constant 2624 : index
    %get3A_482 = tpu.vector_load %arg9[%get3A_481] {strides = array<i32>} : memref<3200xf32, #tpu.memory_space<vmem>>, vector<16xf32>,
    %get3A_483 = vector.shape_cast %get3A_482 : vector<16xf32> to vector<16xf32>
    %get3A_484 = arith.constant 560 : index
    %get3A_485 = tpu.vector_load %arg9[%get3A_484] {strides = array<i32>} : memref<3200xf32, #tpu.memory_space<vmem>>, vector<16xf32>,
    %get3A_486 = vector.shape_cast %get3A_485 : vector<16xf32> to vector<16xf32>
    %get3A_487 = arith.constant 1360 : index
    %get3A_488 = tpu.vector_load %arg9[%get3A_487] {strides = array<i32>} : memref<3200xf32, #tpu.memory_space<vmem>>, vector<16xf32>,
    %get3A_489 = vector.shape_cast %get3A_488 : vector<16xf32> to vector<16xf32>
    %get3A_490 = arith.constant 2160 : index
    %get3A_491 = tpu.vector_load %arg9[%get3A_490] {strides = array<i32>} : memref<3200xf32, #tpu.memory_space<vmem>>, vector<16xf32>,
    %get3A_492 = vector.shape_cast %get3A_491 : vector<16xf32> to vector<16xf32>
    %get3A_493 = arith.constant 2960 : index
    %get3A_494 = tpu.vector_load %arg9[%get3A_493] {strides = array<i32>} : memref<3200xf32, #tpu.memory_space<vmem>>, vector<16xf32>,
    %get3A_495 = vector.shape_cast %get3A_494 : vector<16xf32> to vector<16xf32>
    %get3A_496 = arith.constant 576 : index
    %get3A_497 = tpu.vector_load %arg9[%get3A_496] {strides = array<i32>} : memref<3200xf32, #tpu.memory_space<vmem>>, vector<16xf32>,
    %get3A_498 = vector.shape_cast %get3A_497 : vector<16xf32> to vector<16xf32>
    %get3A_499 = arith.constant 1376 : index
    %get3A_500 = tpu.vector_load %arg9[%get3A_499] {strides = array<i32>} : memref<3200xf32, #tpu.memory_space<vmem>>, vector<16xf32>,
    %get3A_501 = vector.shape_cast %get3A_500 : vector<16xf32> to vector<16xf32>
    %get3A_502 = arith.constant 2176 : index
    %get3A_503 = tpu.vector_load %arg9[%get3A_502] {strides = array<i32>} : memref<3200xf32, #tpu.memory_space<vmem>>, vector<16xf32>,
    %get3A_504 = vector.shape_cast %get3A_503 : vector<16xf32> to vector<16xf32>
    %get3A_505 = arith.constant 2976 : index
    %get3A_506 = tpu.vector_load %arg9[%get3A_505] {strides = array<i32>} : memref<3200xf32, #tpu.memory_space<vmem>>, vector<16xf32>,
    %get3A_507 = vector.shape_cast %get3A_506 : vector<16xf32> to vector<16xf32>
    %get3A_508 = arith.constant 592 : index
    %get3A_509 = tpu.vector_load %arg9[%get3A_508] {strides = array<i32>} : memref<3200xf32, #tpu.memory_space<vmem>>, vector<16xf32>,
    %get3A_510 = vector.shape_cast %get3A_509 : vector<16xf32> to vector<16xf32>
    %get3A_511 = arith.constant 1392 : index
    %get3A_512 = tpu.vector_load %arg9[%get3A_511] {strides = array<i32>} : memref<3200xf32, #tpu.memory_space<vmem>>, vector<16xf32>,
    %get3A_513 = vector.shape_cast %get3A_512 : vector<16xf32> to vector<16xf32>
    %get3A_514 = arith.constant 2192 : index
    %get3A_515 = tpu.vector_load %arg9[%get3A_514] {strides = array<i32>} : memref<3200xf32, #tpu.memory_space<vmem>>, vector<16xf32>,
    %get3A_516 = vector.shape_cast %get3A_515 : vector<16xf32> to vector<16xf32>
    %get3A_517 = arith.constant 2992 : index
    %get3A_518 = tpu.vector_load %arg9[%get3A_517] {strides = array<i32>} : memref<3200xf32, #tpu.memory_space<vmem>>, vector<16xf32>,
    %get3A_519 = vector.shape_cast %get3A_518 : vector<16xf32> to vector<16xf32>
    %get3A_520 = arith.constant 608 : index
    %get3A_521 = tpu.vector_load %arg9[%get3A_520] {strides = array<i32>} : memref<3200xf32, #tpu.memory_space<vmem>>, vector<16xf32>,
    %get3A_522 = vector.shape_cast %get3A_521 : vector<16xf32> to vector<16xf32>
    %get3A_523 = arith.constant 1408 : index
    %get3A_524 = tpu.vector_load %arg9[%get3A_523] {strides = array<i32>} : memref<3200xf32, #tpu.memory_space<vmem>>, vector<16xf32>,
    %get3A_525 = vector.shape_cast %get3A_524 : vector<16xf32> to vector<16xf32>
    %get3A_526 = arith.constant 2208 : index
    %get3A_527 = tpu.vector_load %arg9[%get3A_526] {strides = array<i32>} : memref<3200xf32, #tpu.memory_space<vmem>>, vector<16xf32>,
    %get3A_528 = vector.shape_cast %get3A_527 : vector<16xf32> to vector<16xf32>
    %get3A_529 = arith.constant 3008 : index
    %get3A_530 = tpu.vector_load %arg9[%get3A_529] {strides = array<i32>} : memref<3200xf32, #tpu.memory_space<vmem>>, vector<16xf32>,
    %get3A_531 = vector.shape_cast %get3A_530 : vector<16xf32> to vector<16xf32>
    %get3A_532 = arith.constant 624 : index
    %get3A_533 = tpu.vector_load %arg9[%get3A_532] {strides = array<i32>} : memref<3200xf32, #tpu.memory_space<vmem>>, vector<16xf32>,
    %get3A_534 = vector.shape_cast %get3A_533 : vector<16xf32> to vector<16xf32>
    %get3A_535 = arith.constant 1424 : index
    %get3A_536 = tpu.vector_load %arg9[%get3A_535] {strides = array<i32>} : memref<3200xf32, #tpu.memory_space<vmem>>, vector<16xf32>,
    %get3A_537 = vector.shape_cast %get3A_536 : vector<16xf32> to vector<16xf32>
    %get3A_538 = arith.constant 2224 : index
    %get3A_539 = tpu.vector_load %arg9[%get3A_538] {strides = array<i32>} : memref<3200xf32, #tpu.memory_space<vmem>>, vector<16xf32>,
    %get3A_540 = vector.shape_cast %get3A_539 : vector<16xf32> to vector<16xf32>
    %get3A_541 = arith.constant 3024 : index
    %get3A_542 = tpu.vector_load %arg9[%get3A_541] {strides = array<i32>} : memref<3200xf32, #tpu.memory_space<vmem>>, vector<16xf32>,
    %get3A_543 = vector.shape_cast %get3A_542 : vector<16xf32> to vector<16xf32>
    %scan3A_544 = arith.constant 0 : i32
    %scan3A_545 = arith.constant 0 : i32
    %scan3A_546 = arith.constant 16 : i32
    %scan3A_547 = arith.addi %scan3A_545, %scan3A_546 : i32
    %scan3A_548 = arith.constant 1 : i32
    scf.for %scan3A_931 = %scan3A_545 to %scan3A_547 step %scan3A_548  : i32 {
      %mul3A_932 = arith.constant 2 : i32
      %mul3A_933 = arith.muli %scan3A_931, %mul3A_932 : i32
      %add3A_934 = arith.constant 0 : i32
      %add3A_935 = arith.addi %mul3A_933, %add3A_934 : i32
      %shift_right_arithmetic3A = arith.constant 3 : i32
      %shift_right_arithmetic3A_936 = arith.shrsi %add3A_935, %shift_right_arithmetic3A : i32
      %mul3A_937 = arith.constant 2 : i32
      %mul3A_938 = arith.muli %shift_right_arithmetic3A_936, %mul3A_937 : i32
      %and3A = arith.constant 7 : i32
      %and3A_939 = arith.andi %add3A_935, %and3A : i32
      %mul3A_940 = arith.constant 16 : i32
      %mul3A_941 = arith.muli %and3A_939, %mul3A_940 : i32
      %mul3A_942 = arith.constant 16 : i32
      %mul3A_943 = arith.muli %add3A_935, %mul3A_942 : i32
      %get3A_944 = arith.index_cast %mul3A_943 : i32 to index
      %get3A_945 = tpu.vector_load %arg7[%get3A_944] {strides = array<i32>} : memref<512xi32, #tpu.memory_space<vmem>>, vector<16xi32>,
      %get3A_946 = vector.shape_cast %get3A_945 : vector<16xi32> to vector<16xi32>
      %and3A_947 = arith.constant 1 : i32
      %and3A_948 = vector.broadcast %and3A_947 : i32 to vector<16xi32>
      %and3A_949 = arith.andi %get3A_946, %and3A_948 : vector<16xi32>
      %eq3A = arith.constant 1 : i32
      %eq3A_950 = vector.broadcast %eq3A : i32 to vector<16xi32>
      %eq3A_951 = arith.cmpi eq, %and3A_949, %eq3A_950 : vector<16xi32>
      %ge3A = arith.constant 2 : i32
      %ge3A_952 = vector.broadcast %ge3A : i32 to vector<16xi32>
      %ge3A_953 = arith.cmpi sge, %get3A_946, %ge3A_952 : vector<16xi32>
      %select_n3A = arith.select %eq3A_951, %get3A_435, %get3A_432 : vector<16xi1>, vector<16xf32>
      %select_n3A_954 = arith.select %eq3A_951, %get3A_429, %get3A_426 : vector<16xi1>, vector<16xf32>
      %select_n3A_955 = arith.select %ge3A_953, %select_n3A, %select_n3A_954 : vector<16xi1>, vector<16xf32>
      %add3A_956 = arith.constant 0 : i32
      %add3A_957 = arith.addi %mul3A_938, %add3A_956 : i32
      %swap3A = arith.constant 10 : i32
      %swap3A_958 = arith.index_cast %swap3A : i32 to index
      %swap3A_959 = arith.index_cast %add3A_957 : i32 to index
      %swap3A_960 = arith.index_cast %mul3A_941 : i32 to index
      %swap3A_961 = tpu.vector_load %arg11[%swap3A_958, %swap3A_959, %swap3A_960] {strides = array<i32>} : memref<25x8x128xf32, #tpu.memory_space<vmem>>, vector<1x1x16xf32>,
      %swap3A_962 = vector.shape_cast %swap3A_961 : vector<1x1x16xf32> to vector<16xf32>
      %swap3A_963 = vector.shape_cast %select_n3A_955 : vector<16xf32> to vector<1x1x16xf32>
      tpu.vector_store %arg11[%swap3A_958, %swap3A_959, %swap3A_960], %swap3A_963 {strides = array<i32>} : memref<25x8x128xf32, #tpu.memory_space<vmem>>, vector<1x1x16xf32>,
      %select_n3A_964 = arith.select %eq3A_951, %get3A_447, %get3A_444 : vector<16xi1>, vector<16xf32>
      %select_n3A_965 = arith.select %eq3A_951, %get3A_441, %get3A_438 : vector<16xi1>, vector<16xf32>
      %select_n3A_966 = arith.select %ge3A_953, %select_n3A_964, %select_n3A_965 : vector<16xi1>, vector<16xf32>
      %add3A_967 = arith.constant 0 : i32
      %add3A_968 = arith.addi %mul3A_938, %add3A_967 : i32
      %swap3A_969 = arith.constant 11 : i32
      %swap3A_970 = arith.index_cast %swap3A_969 : i32 to index
      %swap3A_971 = arith.index_cast %add3A_968 : i32 to index
      %swap3A_972 = arith.index_cast %mul3A_941 : i32 to index
      %swap3A_973 = tpu.vector_load %arg11[%swap3A_970, %swap3A_971, %swap3A_972] {strides = array<i32>} : memref<25x8x128xf32, #tpu.memory_space<vmem>>, vector<1x1x16xf32>,
      %swap3A_974 = vector.shape_cast %swap3A_973 : vector<1x1x16xf32> to vector<16xf32>
      %swap3A_975 = vector.shape_cast %select_n3A_966 : vector<16xf32> to vector<1x1x16xf32>
      tpu.vector_store %arg11[%swap3A_970, %swap3A_971, %swap3A_972], %swap3A_975 {strides = array<i32>} : memref<25x8x128xf32, #tpu.memory_space<vmem>>, vector<1x1x16xf32>,
      %select_n3A_976 = arith.select %eq3A_951, %get3A_459, %get3A_456 : vector<16xi1>, vector<16xf32>
      %select_n3A_977 = arith.select %eq3A_951, %get3A_453, %get3A_450 : vector<16xi1>, vector<16xf32>
      %select_n3A_978 = arith.select %ge3A_953, %select_n3A_976, %select_n3A_977 : vector<16xi1>, vector<16xf32>
      %add3A_979 = arith.constant 0 : i32
      %add3A_980 = arith.addi %mul3A_938, %add3A_979 : i32
      %swap3A_981 = arith.constant 12 : i32
      %swap3A_982 = arith.index_cast %swap3A_981 : i32 to index
      %swap3A_983 = arith.index_cast %add3A_980 : i32 to index
      %swap3A_984 = arith.index_cast %mul3A_941 : i32 to index
      %swap3A_985 = tpu.vector_load %arg11[%swap3A_982, %swap3A_983, %swap3A_984] {strides = array<i32>} : memref<25x8x128xf32, #tpu.memory_space<vmem>>, vector<1x1x16xf32>,
      %swap3A_986 = vector.shape_cast %swap3A_985 : vector<1x1x16xf32> to vector<16xf32>
      %swap3A_987 = vector.shape_cast %select_n3A_978 : vector<16xf32> to vector<1x1x16xf32>
      tpu.vector_store %arg11[%swap3A_982, %swap3A_983, %swap3A_984], %swap3A_987 {strides = array<i32>} : memref<25x8x128xf32, #tpu.memory_space<vmem>>, vector<1x1x16xf32>,
      %select_n3A_988 = arith.select %eq3A_951, %get3A_471, %get3A_468 : vector<16xi1>, vector<16xf32>
      %select_n3A_989 = arith.select %eq3A_951, %get3A_465, %get3A_462 : vector<16xi1>, vector<16xf32>
      %select_n3A_990 = arith.select %ge3A_953, %select_n3A_988, %select_n3A_989 : vector<16xi1>, vector<16xf32>
      %add3A_991 = arith.constant 0 : i32
      %add3A_992 = arith.addi %mul3A_938, %add3A_991 : i32
      %swap3A_993 = arith.constant 13 : i32
      %swap3A_994 = arith.index_cast %swap3A_993 : i32 to index
      %swap3A_995 = arith.index_cast %add3A_992 : i32 to index
      %swap3A_996 = arith.index_cast %mul3A_941 : i32 to index
      %swap3A_997 = tpu.vector_load %arg11[%swap3A_994, %swap3A_995, %swap3A_996] {strides = array<i32>} : memref<25x8x128xf32, #tpu.memory_space<vmem>>, vector<1x1x16xf32>,
      %swap3A_998 = vector.shape_cast %swap3A_997 : vector<1x1x16xf32> to vector<16xf32>
      %swap3A_999 = vector.shape_cast %select_n3A_990 : vector<16xf32> to vector<1x1x16xf32>
      tpu.vector_store %arg11[%swap3A_994, %swap3A_995, %swap3A_996], %swap3A_999 {strides = array<i32>} : memref<25x8x128xf32, #tpu.memory_space<vmem>>, vector<1x1x16xf32>,
      %select_n3A_1000 = arith.select %eq3A_951, %get3A_483, %get3A_480 : vector<16xi1>, vector<16xf32>
      %select_n3A_1001 = arith.select %eq3A_951, %get3A_477, %get3A_474 : vector<16xi1>, vector<16xf32>
      %select_n3A_1002 = arith.select %ge3A_953, %select_n3A_1000, %select_n3A_1001 : vector<16xi1>, vector<16xf32>
      %add3A_1003 = arith.constant 0 : i32
      %add3A_1004 = arith.addi %mul3A_938, %add3A_1003 : i32
      %swap3A_1005 = arith.constant 14 : i32
      %swap3A_1006 = arith.index_cast %swap3A_1005 : i32 to index
      %swap3A_1007 = arith.index_cast %add3A_1004 : i32 to index
      %swap3A_1008 = arith.index_cast %mul3A_941 : i32 to index
      %swap3A_1009 = tpu.vector_load %arg11[%swap3A_1006, %swap3A_1007, %swap3A_1008] {strides = array<i32>} : memref<25x8x128xf32, #tpu.memory_space<vmem>>, vector<1x1x16xf32>,
      %swap3A_1010 = vector.shape_cast %swap3A_1009 : vector<1x1x16xf32> to vector<16xf32>
      %swap3A_1011 = vector.shape_cast %select_n3A_1002 : vector<16xf32> to vector<1x1x16xf32>
      tpu.vector_store %arg11[%swap3A_1006, %swap3A_1007, %swap3A_1008], %swap3A_1011 {strides = array<i32>} : memref<25x8x128xf32, #tpu.memory_space<vmem>>, vector<1x1x16xf32>,
      %select_n3A_1012 = arith.select %eq3A_951, %get3A_495, %get3A_492 : vector<16xi1>, vector<16xf32>
      %select_n3A_1013 = arith.select %eq3A_951, %get3A_489, %get3A_486 : vector<16xi1>, vector<16xf32>
      %select_n3A_1014 = arith.select %ge3A_953, %select_n3A_1012, %select_n3A_1013 : vector<16xi1>, vector<16xf32>
      %add3A_1015 = arith.constant 1 : i32
      %add3A_1016 = arith.addi %mul3A_938, %add3A_1015 : i32
      %swap3A_1017 = arith.constant 10 : i32
      %swap3A_1018 = arith.index_cast %swap3A_1017 : i32 to index
      %swap3A_1019 = arith.index_cast %add3A_1016 : i32 to index
      %swap3A_1020 = arith.index_cast %mul3A_941 : i32 to index
      %swap3A_1021 = tpu.vector_load %arg11[%swap3A_1018, %swap3A_1019, %swap3A_1020] {strides = array<i32>} : memref<25x8x128xf32, #tpu.memory_space<vmem>>, vector<1x1x16xf32>,
      %swap3A_1022 = vector.shape_cast %swap3A_1021 : vector<1x1x16xf32> to vector<16xf32>
      %swap3A_1023 = vector.shape_cast %select_n3A_1014 : vector<16xf32> to vector<1x1x16xf32>
      tpu.vector_store %arg11[%swap3A_1018, %swap3A_1019, %swap3A_1020], %swap3A_1023 {strides = array<i32>} : memref<25x8x128xf32, #tpu.memory_space<vmem>>, vector<1x1x16xf32>,
      %select_n3A_1024 = arith.select %eq3A_951, %get3A_507, %get3A_504 : vector<16xi1>, vector<16xf32>
      %select_n3A_1025 = arith.select %eq3A_951, %get3A_501, %get3A_498 : vector<16xi1>, vector<16xf32>
      %select_n3A_1026 = arith.select %ge3A_953, %select_n3A_1024, %select_n3A_1025 : vector<16xi1>, vector<16xf32>
      %add3A_1027 = arith.constant 1 : i32
      %add3A_1028 = arith.addi %mul3A_938, %add3A_1027 : i32
      %swap3A_1029 = arith.constant 11 : i32
      %swap3A_1030 = arith.index_cast %swap3A_1029 : i32 to index
      %swap3A_1031 = arith.index_cast %add3A_1028 : i32 to index
      %swap3A_1032 = arith.index_cast %mul3A_941 : i32 to index
      %swap3A_1033 = tpu.vector_load %arg11[%swap3A_1030, %swap3A_1031, %swap3A_1032] {strides = array<i32>} : memref<25x8x128xf32, #tpu.memory_space<vmem>>, vector<1x1x16xf32>,
      %swap3A_1034 = vector.shape_cast %swap3A_1033 : vector<1x1x16xf32> to vector<16xf32>
      %swap3A_1035 = vector.shape_cast %select_n3A_1026 : vector<16xf32> to vector<1x1x16xf32>
      tpu.vector_store %arg11[%swap3A_1030, %swap3A_1031, %swap3A_1032], %swap3A_1035 {strides = array<i32>} : memref<25x8x128xf32, #tpu.memory_space<vmem>>, vector<1x1x16xf32>,
      %select_n3A_1036 = arith.select %eq3A_951, %get3A_519, %get3A_516 : vector<16xi1>, vector<16xf32>
      %select_n3A_1037 = arith.select %eq3A_951, %get3A_513, %get3A_510 : vector<16xi1>, vector<16xf32>
      %select_n3A_1038 = arith.select %ge3A_953, %select_n3A_1036, %select_n3A_1037 : vector<16xi1>, vector<16xf32>
      %add3A_1039 = arith.constant 1 : i32
      %add3A_1040 = arith.addi %mul3A_938, %add3A_1039 : i32
      %swap3A_1041 = arith.constant 12 : i32
      %swap3A_1042 = arith.index_cast %swap3A_1041 : i32 to index
      %swap3A_1043 = arith.index_cast %add3A_1040 : i32 to index
      %swap3A_1044 = arith.index_cast %mul3A_941 : i32 to index
      %swap3A_1045 = tpu.vector_load %arg11[%swap3A_1042, %swap3A_1043, %swap3A_1044] {strides = array<i32>} : memref<25x8x128xf32, #tpu.memory_space<vmem>>, vector<1x1x16xf32>,
      %swap3A_1046 = vector.shape_cast %swap3A_1045 : vector<1x1x16xf32> to vector<16xf32>
      %swap3A_1047 = vector.shape_cast %select_n3A_1038 : vector<16xf32> to vector<1x1x16xf32>
      tpu.vector_store %arg11[%swap3A_1042, %swap3A_1043, %swap3A_1044], %swap3A_1047 {strides = array<i32>} : memref<25x8x128xf32, #tpu.memory_space<vmem>>, vector<1x1x16xf32>,
      %select_n3A_1048 = arith.select %eq3A_951, %get3A_531, %get3A_528 : vector<16xi1>, vector<16xf32>
      %select_n3A_1049 = arith.select %eq3A_951, %get3A_525, %get3A_522 : vector<16xi1>, vector<16xf32>
      %select_n3A_1050 = arith.select %ge3A_953, %select_n3A_1048, %select_n3A_1049 : vector<16xi1>, vector<16xf32>
      %add3A_1051 = arith.constant 1 : i32
      %add3A_1052 = arith.addi %mul3A_938, %add3A_1051 : i32
      %swap3A_1053 = arith.constant 13 : i32
      %swap3A_1054 = arith.index_cast %swap3A_1053 : i32 to index
      %swap3A_1055 = arith.index_cast %add3A_1052 : i32 to index
      %swap3A_1056 = arith.index_cast %mul3A_941 : i32 to index
      %swap3A_1057 = tpu.vector_load %arg11[%swap3A_1054, %swap3A_1055, %swap3A_1056] {strides = array<i32>} : memref<25x8x128xf32, #tpu.memory_space<vmem>>, vector<1x1x16xf32>,
      %swap3A_1058 = vector.shape_cast %swap3A_1057 : vector<1x1x16xf32> to vector<16xf32>
      %swap3A_1059 = vector.shape_cast %select_n3A_1050 : vector<16xf32> to vector<1x1x16xf32>
      tpu.vector_store %arg11[%swap3A_1054, %swap3A_1055, %swap3A_1056], %swap3A_1059 {strides = array<i32>} : memref<25x8x128xf32, #tpu.memory_space<vmem>>, vector<1x1x16xf32>,
      %select_n3A_1060 = arith.select %eq3A_951, %get3A_543, %get3A_540 : vector<16xi1>, vector<16xf32>
      %select_n3A_1061 = arith.select %eq3A_951, %get3A_537, %get3A_534 : vector<16xi1>, vector<16xf32>
      %select_n3A_1062 = arith.select %ge3A_953, %select_n3A_1060, %select_n3A_1061 : vector<16xi1>, vector<16xf32>
      %add3A_1063 = arith.constant 1 : i32
      %add3A_1064 = arith.addi %mul3A_938, %add3A_1063 : i32
      %swap3A_1065 = arith.constant 14 : i32
      %swap3A_1066 = arith.index_cast %swap3A_1065 : i32 to index
      %swap3A_1067 = arith.index_cast %add3A_1064 : i32 to index
      %swap3A_1068 = arith.index_cast %mul3A_941 : i32 to index
      %swap3A_1069 = tpu.vector_load %arg11[%swap3A_1066, %swap3A_1067, %swap3A_1068] {strides = array<i32>} : memref<25x8x128xf32, #tpu.memory_space<vmem>>, vector<1x1x16xf32>,
      %swap3A_1070 = vector.shape_cast %swap3A_1069 : vector<1x1x16xf32> to vector<16xf32>
      %swap3A_1071 = vector.shape_cast %select_n3A_1062 : vector<16xf32> to vector<1x1x16xf32>
      tpu.vector_store %arg11[%swap3A_1066, %swap3A_1067, %swap3A_1068], %swap3A_1071 {strides = array<i32>} : memref<25x8x128xf32, #tpu.memory_space<vmem>>, vector<1x1x16xf32>,
      %mul3A_1072 = arith.constant 2 : i32
      %mul3A_1073 = arith.muli %scan3A_931, %mul3A_1072 : i32
      %add3A_1074 = arith.constant 1 : i32
      %add3A_1075 = arith.addi %mul3A_1073, %add3A_1074 : i32
      %shift_right_arithmetic3A_1076 = arith.constant 3 : i32
      %shift_right_arithmetic3A_1077 = arith.shrsi %add3A_1075, %shift_right_arithmetic3A_1076 : i32
      %mul3A_1078 = arith.constant 2 : i32
      %mul3A_1079 = arith.muli %shift_right_arithmetic3A_1077, %mul3A_1078 : i32
      %and3A_1080 = arith.constant 7 : i32
      %and3A_1081 = arith.andi %add3A_1075, %and3A_1080 : i32
      %mul3A_1082 = arith.constant 16 : i32
      %mul3A_1083 = arith.muli %and3A_1081, %mul3A_1082 : i32
      %mul3A_1084 = arith.constant 16 : i32
      %mul3A_1085 = arith.muli %add3A_1075, %mul3A_1084 : i32
      %get3A_1086 = arith.index_cast %mul3A_1085 : i32 to index
      %get3A_1087 = tpu.vector_load %arg7[%get3A_1086] {strides = array<i32>} : memref<512xi32, #tpu.memory_space<vmem>>, vector<16xi32>,
      %get3A_1088 = vector.shape_cast %get3A_1087 : vector<16xi32> to vector<16xi32>
      %and3A_1089 = arith.constant 1 : i32
      %and3A_1090 = vector.broadcast %and3A_1089 : i32 to vector<16xi32>
      %and3A_1091 = arith.andi %get3A_1088, %and3A_1090 : vector<16xi32>
      %eq3A_1092 = arith.constant 1 : i32
      %eq3A_1093 = vector.broadcast %eq3A_1092 : i32 to vector<16xi32>
      %eq3A_1094 = arith.cmpi eq, %and3A_1091, %eq3A_1093 : vector<16xi32>
      %ge3A_1095 = arith.constant 2 : i32
      %ge3A_1096 = vector.broadcast %ge3A_1095 : i32 to vector<16xi32>
      %ge3A_1097 = arith.cmpi sge, %get3A_1088, %ge3A_1096 : vector<16xi32>
      %select_n3A_1098 = arith.select %eq3A_1094, %get3A_435, %get3A_432 : vector<16xi1>, vector<16xf32>
      %select_n3A_1099 = arith.select %eq3A_1094, %get3A_429, %get3A_426 : vector<16xi1>, vector<16xf32>
      %select_n3A_1100 = arith.select %ge3A_1097, %select_n3A_1098, %select_n3A_1099 : vector<16xi1>, vector<16xf32>
      %add3A_1101 = arith.constant 0 : i32
      %add3A_1102 = arith.addi %mul3A_1079, %add3A_1101 : i32
      %swap3A_1103 = arith.constant 10 : i32
      %swap3A_1104 = arith.index_cast %swap3A_1103 : i32 to index
      %swap3A_1105 = arith.index_cast %add3A_1102 : i32 to index
      %swap3A_1106 = arith.index_cast %mul3A_1083 : i32 to index
      %swap3A_1107 = tpu.vector_load %arg11[%swap3A_1104, %swap3A_1105, %swap3A_1106] {strides = array<i32>} : memref<25x8x128xf32, #tpu.memory_space<vmem>>, vector<1x1x16xf32>,
      %swap3A_1108 = vector.shape_cast %swap3A_1107 : vector<1x1x16xf32> to vector<16xf32>
      %swap3A_1109 = vector.shape_cast %select_n3A_1100 : vector<16xf32> to vector<1x1x16xf32>
      tpu.vector_store %arg11[%swap3A_1104, %swap3A_1105, %swap3A_1106], %swap3A_1109 {strides = array<i32>} : memref<25x8x128xf32, #tpu.memory_space<vmem>>, vector<1x1x16xf32>,
      %select_n3A_1110 = arith.select %eq3A_1094, %get3A_447, %get3A_444 : vector<16xi1>, vector<16xf32>
      %select_n3A_1111 = arith.select %eq3A_1094, %get3A_441, %get3A_438 : vector<16xi1>, vector<16xf32>
      %select_n3A_1112 = arith.select %ge3A_1097, %select_n3A_1110, %select_n3A_1111 : vector<16xi1>, vector<16xf32>
      %add3A_1113 = arith.constant 0 : i32
      %add3A_1114 = arith.addi %mul3A_1079, %add3A_1113 : i32
      %swap3A_1115 = arith.constant 11 : i32
      %swap3A_1116 = arith.index_cast %swap3A_1115 : i32 to index
      %swap3A_1117 = arith.index_cast %add3A_1114 : i32 to index
      %swap3A_1118 = arith.index_cast %mul3A_1083 : i32 to index
      %swap3A_1119 = tpu.vector_load %arg11[%swap3A_1116, %swap3A_1117, %swap3A_1118] {strides = array<i32>} : memref<25x8x128xf32, #tpu.memory_space<vmem>>, vector<1x1x16xf32>,
      %swap3A_1120 = vector.shape_cast %swap3A_1119 : vector<1x1x16xf32> to vector<16xf32>
      %swap3A_1121 = vector.shape_cast %select_n3A_1112 : vector<16xf32> to vector<1x1x16xf32>
      tpu.vector_store %arg11[%swap3A_1116, %swap3A_1117, %swap3A_1118], %swap3A_1121 {strides = array<i32>} : memref<25x8x128xf32, #tpu.memory_space<vmem>>, vector<1x1x16xf32>,
      %select_n3A_1122 = arith.select %eq3A_1094, %get3A_459, %get3A_456 : vector<16xi1>, vector<16xf32>
      %select_n3A_1123 = arith.select %eq3A_1094, %get3A_453, %get3A_450 : vector<16xi1>, vector<16xf32>
      %select_n3A_1124 = arith.select %ge3A_1097, %select_n3A_1122, %select_n3A_1123 : vector<16xi1>, vector<16xf32>
      %add3A_1125 = arith.constant 0 : i32
      %add3A_1126 = arith.addi %mul3A_1079, %add3A_1125 : i32
      %swap3A_1127 = arith.constant 12 : i32
      %swap3A_1128 = arith.index_cast %swap3A_1127 : i32 to index
      %swap3A_1129 = arith.index_cast %add3A_1126 : i32 to index
      %swap3A_1130 = arith.index_cast %mul3A_1083 : i32 to index
      %swap3A_1131 = tpu.vector_load %arg11[%swap3A_1128, %swap3A_1129, %swap3A_1130] {strides = array<i32>} : memref<25x8x128xf32, #tpu.memory_space<vmem>>, vector<1x1x16xf32>,
      %swap3A_1132 = vector.shape_cast %swap3A_1131 : vector<1x1x16xf32> to vector<16xf32>
      %swap3A_1133 = vector.shape_cast %select_n3A_1124 : vector<16xf32> to vector<1x1x16xf32>
      tpu.vector_store %arg11[%swap3A_1128, %swap3A_1129, %swap3A_1130], %swap3A_1133 {strides = array<i32>} : memref<25x8x128xf32, #tpu.memory_space<vmem>>, vector<1x1x16xf32>,
      %select_n3A_1134 = arith.select %eq3A_1094, %get3A_471, %get3A_468 : vector<16xi1>, vector<16xf32>
      %select_n3A_1135 = arith.select %eq3A_1094, %get3A_465, %get3A_462 : vector<16xi1>, vector<16xf32>
      %select_n3A_1136 = arith.select %ge3A_1097, %select_n3A_1134, %select_n3A_1135 : vector<16xi1>, vector<16xf32>
      %add3A_1137 = arith.constant 0 : i32
      %add3A_1138 = arith.addi %mul3A_1079, %add3A_1137 : i32
      %swap3A_1139 = arith.constant 13 : i32
      %swap3A_1140 = arith.index_cast %swap3A_1139 : i32 to index
      %swap3A_1141 = arith.index_cast %add3A_1138 : i32 to index
      %swap3A_1142 = arith.index_cast %mul3A_1083 : i32 to index
      %swap3A_1143 = tpu.vector_load %arg11[%swap3A_1140, %swap3A_1141, %swap3A_1142] {strides = array<i32>} : memref<25x8x128xf32, #tpu.memory_space<vmem>>, vector<1x1x16xf32>,
      %swap3A_1144 = vector.shape_cast %swap3A_1143 : vector<1x1x16xf32> to vector<16xf32>
      %swap3A_1145 = vector.shape_cast %select_n3A_1136 : vector<16xf32> to vector<1x1x16xf32>
      tpu.vector_store %arg11[%swap3A_1140, %swap3A_1141, %swap3A_1142], %swap3A_1145 {strides = array<i32>} : memref<25x8x128xf32, #tpu.memory_space<vmem>>, vector<1x1x16xf32>,
      %select_n3A_1146 = arith.select %eq3A_1094, %get3A_483, %get3A_480 : vector<16xi1>, vector<16xf32>
      %select_n3A_1147 = arith.select %eq3A_1094, %get3A_477, %get3A_474 : vector<16xi1>, vector<16xf32>
      %select_n3A_1148 = arith.select %ge3A_1097, %select_n3A_1146, %select_n3A_1147 : vector<16xi1>, vector<16xf32>
      %add3A_1149 = arith.constant 0 : i32
      %add3A_1150 = arith.addi %mul3A_1079, %add3A_1149 : i32
      %swap3A_1151 = arith.constant 14 : i32
      %swap3A_1152 = arith.index_cast %swap3A_1151 : i32 to index
      %swap3A_1153 = arith.index_cast %add3A_1150 : i32 to index
      %swap3A_1154 = arith.index_cast %mul3A_1083 : i32 to index
      %swap3A_1155 = tpu.vector_load %arg11[%swap3A_1152, %swap3A_1153, %swap3A_1154] {strides = array<i32>} : memref<25x8x128xf32, #tpu.memory_space<vmem>>, vector<1x1x16xf32>,
      %swap3A_1156 = vector.shape_cast %swap3A_1155 : vector<1x1x16xf32> to vector<16xf32>
      %swap3A_1157 = vector.shape_cast %select_n3A_1148 : vector<16xf32> to vector<1x1x16xf32>
      tpu.vector_store %arg11[%swap3A_1152, %swap3A_1153, %swap3A_1154], %swap3A_1157 {strides = array<i32>} : memref<25x8x128xf32, #tpu.memory_space<vmem>>, vector<1x1x16xf32>,
      %select_n3A_1158 = arith.select %eq3A_1094, %get3A_495, %get3A_492 : vector<16xi1>, vector<16xf32>
      %select_n3A_1159 = arith.select %eq3A_1094, %get3A_489, %get3A_486 : vector<16xi1>, vector<16xf32>
      %select_n3A_1160 = arith.select %ge3A_1097, %select_n3A_1158, %select_n3A_1159 : vector<16xi1>, vector<16xf32>
      %add3A_1161 = arith.constant 1 : i32
      %add3A_1162 = arith.addi %mul3A_1079, %add3A_1161 : i32
      %swap3A_1163 = arith.constant 10 : i32
      %swap3A_1164 = arith.index_cast %swap3A_1163 : i32 to index
      %swap3A_1165 = arith.index_cast %add3A_1162 : i32 to index
      %swap3A_1166 = arith.index_cast %mul3A_1083 : i32 to index
      %swap3A_1167 = tpu.vector_load %arg11[%swap3A_1164, %swap3A_1165, %swap3A_1166] {strides = array<i32>} : memref<25x8x128xf32, #tpu.memory_space<vmem>>, vector<1x1x16xf32>,
      %swap3A_1168 = vector.shape_cast %swap3A_1167 : vector<1x1x16xf32> to vector<16xf32>
      %swap3A_1169 = vector.shape_cast %select_n3A_1160 : vector<16xf32> to vector<1x1x16xf32>
      tpu.vector_store %arg11[%swap3A_1164, %swap3A_1165, %swap3A_1166], %swap3A_1169 {strides = array<i32>} : memref<25x8x128xf32, #tpu.memory_space<vmem>>, vector<1x1x16xf32>,
      %select_n3A_1170 = arith.select %eq3A_1094, %get3A_507, %get3A_504 : vector<16xi1>, vector<16xf32>
      %select_n3A_1171 = arith.select %eq3A_1094, %get3A_501, %get3A_498 : vector<16xi1>, vector<16xf32>
      %select_n3A_1172 = arith.select %ge3A_1097, %select_n3A_1170, %select_n3A_1171 : vector<16xi1>, vector<16xf32>
      %add3A_1173 = arith.constant 1 : i32
      %add3A_1174 = arith.addi %mul3A_1079, %add3A_1173 : i32
      %swap3A_1175 = arith.constant 11 : i32
      %swap3A_1176 = arith.index_cast %swap3A_1175 : i32 to index
      %swap3A_1177 = arith.index_cast %add3A_1174 : i32 to index
      %swap3A_1178 = arith.index_cast %mul3A_1083 : i32 to index
      %swap3A_1179 = tpu.vector_load %arg11[%swap3A_1176, %swap3A_1177, %swap3A_1178] {strides = array<i32>} : memref<25x8x128xf32, #tpu.memory_space<vmem>>, vector<1x1x16xf32>,
      %swap3A_1180 = vector.shape_cast %swap3A_1179 : vector<1x1x16xf32> to vector<16xf32>
      %swap3A_1181 = vector.shape_cast %select_n3A_1172 : vector<16xf32> to vector<1x1x16xf32>
      tpu.vector_store %arg11[%swap3A_1176, %swap3A_1177, %swap3A_1178], %swap3A_1181 {strides = array<i32>} : memref<25x8x128xf32, #tpu.memory_space<vmem>>, vector<1x1x16xf32>,
      %select_n3A_1182 = arith.select %eq3A_1094, %get3A_519, %get3A_516 : vector<16xi1>, vector<16xf32>
      %select_n3A_1183 = arith.select %eq3A_1094, %get3A_513, %get3A_510 : vector<16xi1>, vector<16xf32>
      %select_n3A_1184 = arith.select %ge3A_1097, %select_n3A_1182, %select_n3A_1183 : vector<16xi1>, vector<16xf32>
      %add3A_1185 = arith.constant 1 : i32
      %add3A_1186 = arith.addi %mul3A_1079, %add3A_1185 : i32
      %swap3A_1187 = arith.constant 12 : i32
      %swap3A_1188 = arith.index_cast %swap3A_1187 : i32 to index
      %swap3A_1189 = arith.index_cast %add3A_1186 : i32 to index
      %swap3A_1190 = arith.index_cast %mul3A_1083 : i32 to index
      %swap3A_1191 = tpu.vector_load %arg11[%swap3A_1188, %swap3A_1189, %swap3A_1190] {strides = array<i32>} : memref<25x8x128xf32, #tpu.memory_space<vmem>>, vector<1x1x16xf32>,
      %swap3A_1192 = vector.shape_cast %swap3A_1191 : vector<1x1x16xf32> to vector<16xf32>
      %swap3A_1193 = vector.shape_cast %select_n3A_1184 : vector<16xf32> to vector<1x1x16xf32>
      tpu.vector_store %arg11[%swap3A_1188, %swap3A_1189, %swap3A_1190], %swap3A_1193 {strides = array<i32>} : memref<25x8x128xf32, #tpu.memory_space<vmem>>, vector<1x1x16xf32>,
      %select_n3A_1194 = arith.select %eq3A_1094, %get3A_531, %get3A_528 : vector<16xi1>, vector<16xf32>
      %select_n3A_1195 = arith.select %eq3A_1094, %get3A_525, %get3A_522 : vector<16xi1>, vector<16xf32>
      %select_n3A_1196 = arith.select %ge3A_1097, %select_n3A_1194, %select_n3A_1195 : vector<16xi1>, vector<16xf32>
      %add3A_1197 = arith.constant 1 : i32
      %add3A_1198 = arith.addi %mul3A_1079, %add3A_1197 : i32
      %swap3A_1199 = arith.constant 13 : i32
      %swap3A_1200 = arith.index_cast %swap3A_1199 : i32 to index
      %swap3A_1201 = arith.index_cast %add3A_1198 : i32 to index
      %swap3A_1202 = arith.index_cast %mul3A_1083 : i32 to index
      %swap3A_1203 = tpu.vector_load %arg11[%swap3A_1200, %swap3A_1201, %swap3A_1202] {strides = array<i32>} : memref<25x8x128xf32, #tpu.memory_space<vmem>>, vector<1x1x16xf32>,
      %swap3A_1204 = vector.shape_cast %swap3A_1203 : vector<1x1x16xf32> to vector<16xf32>
      %swap3A_1205 = vector.shape_cast %select_n3A_1196 : vector<16xf32> to vector<1x1x16xf32>
      tpu.vector_store %arg11[%swap3A_1200, %swap3A_1201, %swap3A_1202], %swap3A_1205 {strides = array<i32>} : memref<25x8x128xf32, #tpu.memory_space<vmem>>, vector<1x1x16xf32>,
      %select_n3A_1206 = arith.select %eq3A_1094, %get3A_543, %get3A_540 : vector<16xi1>, vector<16xf32>
      %select_n3A_1207 = arith.select %eq3A_1094, %get3A_537, %get3A_534 : vector<16xi1>, vector<16xf32>
      %select_n3A_1208 = arith.select %ge3A_1097, %select_n3A_1206, %select_n3A_1207 : vector<16xi1>, vector<16xf32>
      %add3A_1209 = arith.constant 1 : i32
      %add3A_1210 = arith.addi %mul3A_1079, %add3A_1209 : i32
      %swap3A_1211 = arith.constant 14 : i32
      %swap3A_1212 = arith.index_cast %swap3A_1211 : i32 to index
      %swap3A_1213 = arith.index_cast %add3A_1210 : i32 to index
      %swap3A_1214 = arith.index_cast %mul3A_1083 : i32 to index
      %swap3A_1215 = tpu.vector_load %arg11[%swap3A_1212, %swap3A_1213, %swap3A_1214] {strides = array<i32>} : memref<25x8x128xf32, #tpu.memory_space<vmem>>, vector<1x1x16xf32>,
      %swap3A_1216 = vector.shape_cast %swap3A_1215 : vector<1x1x16xf32> to vector<16xf32>
      %swap3A_1217 = vector.shape_cast %select_n3A_1208 : vector<16xf32> to vector<1x1x16xf32>
      tpu.vector_store %arg11[%swap3A_1212, %swap3A_1213, %swap3A_1214], %swap3A_1217 {strides = array<i32>} : memref<25x8x128xf32, #tpu.memory_space<vmem>>, vector<1x1x16xf32>,
    }
    %scan3A_549 = arith.constant 16 : i32
    %mul3A_550 = arith.constant 2 : i32
    %mul3A_551 = arith.muli %add3A, %mul3A_550 : i32
    %mul3A_552 = arith.constant 4 : i32
    %mul3A_553 = arith.muli %mul3A_551, %mul3A_552 : i32
    %dma_start3A_554 = arith.constant 10 : i32
    %dma_start3A_555 = arith.constant 0 : i32
    %dma_start3A_556 = arith.constant 0 : i32
    %dma_start3A_557 = tpu.memref_slice %arg11[%dma_start3A_554, %dma_start3A_555, %dma_start3A_556] : memref<25x8x128xf32, #tpu.memory_space<vmem>> -> memref<5x8x128xf32, #tpu.memory_space<vmem>>
    %dma_start3A_558 = arith.constant 10 : i32
    %dma_start3A_559 = arith.constant 0 : i32
    %dma_start3A_560 = tpu.memref_slice %arg6[%dma_start3A_558, %mul3A_553, %dma_start3A_559] : memref<25x256x128xf32, #tpu.memory_space<hbm>> -> memref<5x8x128xf32, #tpu.memory_space<hbm>>
    %dma_start3A_561 = arith.constant 10 : i32
    %dma_start3A_562 = arith.constant 0 : i32
    %dma_start3A_563 = tpu.memref_slice %arg6[%dma_start3A_561, %mul3A_553, %dma_start3A_562] : memref<25x256x128xf32, #tpu.memory_space<hbm>> -> memref<5x8x128xf32, #tpu.memory_space<hbm>>
    %dma_start3A_564 = arith.constant 10 : i32
    %dma_start3A_565 = arith.constant 0 : i32
    %dma_start3A_566 = arith.constant 0 : i32
    %dma_start3A_567 = tpu.memref_slice %arg11[%dma_start3A_564, %dma_start3A_565, %dma_start3A_566] : memref<25x8x128xf32, #tpu.memory_space<vmem>> -> memref<5x8x128xf32, #tpu.memory_space<vmem>>
    tpu.enqueue_dma source(%dma_start3A_567 : memref<5x8x128xf32, #tpu.memory_space<vmem>>) target(%dma_start3A_563 : memref<5x8x128xf32, #tpu.memory_space<hbm>>) target_semaphore(%arg12 : memref<!tpu.dma_semaphore, #tpu.memory_space<semaphore_mem>>)
    %get3A_568 = arith.constant 240 : index
    %get3A_569 = tpu.vector_load %arg9[%get3A_568] {strides = array<i32>} : memref<3200xf32, #tpu.memory_space<vmem>>, vector<16xf32>,
    %get3A_570 = vector.shape_cast %get3A_569 : vector<16xf32> to vector<16xf32>
    %get3A_571 = arith.constant 1040 : index
    %get3A_572 = tpu.vector_load %arg9[%get3A_571] {strides = array<i32>} : memref<3200xf32, #tpu.memory_space<vmem>>, vector<16xf32>,
    %get3A_573 = vector.shape_cast %get3A_572 : vector<16xf32> to vector<16xf32>
    %get3A_574 = arith.constant 1840 : index
    %get3A_575 = tpu.vector_load %arg9[%get3A_574] {strides = array<i32>} : memref<3200xf32, #tpu.memory_space<vmem>>, vector<16xf32>,
    %get3A_576 = vector.shape_cast %get3A_575 : vector<16xf32> to vector<16xf32>
    %get3A_577 = arith.constant 2640 : index
    %get3A_578 = tpu.vector_load %arg9[%get3A_577] {strides = array<i32>} : memref<3200xf32, #tpu.memory_space<vmem>>, vector<16xf32>,
    %get3A_579 = vector.shape_cast %get3A_578 : vector<16xf32> to vector<16xf32>
    %get3A_580 = arith.constant 256 : index
    %get3A_581 = tpu.vector_load %arg9[%get3A_580] {strides = array<i32>} : memref<3200xf32, #tpu.memory_space<vmem>>, vector<16xf32>,
    %get3A_582 = vector.shape_cast %get3A_581 : vector<16xf32> to vector<16xf32>
    %get3A_583 = arith.constant 1056 : index
    %get3A_584 = tpu.vector_load %arg9[%get3A_583] {strides = array<i32>} : memref<3200xf32, #tpu.memory_space<vmem>>, vector<16xf32>,
    %get3A_585 = vector.shape_cast %get3A_584 : vector<16xf32> to vector<16xf32>
    %get3A_586 = arith.constant 1856 : index
    %get3A_587 = tpu.vector_load %arg9[%get3A_586] {strides = array<i32>} : memref<3200xf32, #tpu.memory_space<vmem>>, vector<16xf32>,
    %get3A_588 = vector.shape_cast %get3A_587 : vector<16xf32> to vector<16xf32>
    %get3A_589 = arith.constant 2656 : index
    %get3A_590 = tpu.vector_load %arg9[%get3A_589] {strides = array<i32>} : memref<3200xf32, #tpu.memory_space<vmem>>, vector<16xf32>,
    %get3A_591 = vector.shape_cast %get3A_590 : vector<16xf32> to vector<16xf32>
    %get3A_592 = arith.constant 272 : index
    %get3A_593 = tpu.vector_load %arg9[%get3A_592] {strides = array<i32>} : memref<3200xf32, #tpu.memory_space<vmem>>, vector<16xf32>,
    %get3A_594 = vector.shape_cast %get3A_593 : vector<16xf32> to vector<16xf32>
    %get3A_595 = arith.constant 1072 : index
    %get3A_596 = tpu.vector_load %arg9[%get3A_595] {strides = array<i32>} : memref<3200xf32, #tpu.memory_space<vmem>>, vector<16xf32>,
    %get3A_597 = vector.shape_cast %get3A_596 : vector<16xf32> to vector<16xf32>
    %get3A_598 = arith.constant 1872 : index
    %get3A_599 = tpu.vector_load %arg9[%get3A_598] {strides = array<i32>} : memref<3200xf32, #tpu.memory_space<vmem>>, vector<16xf32>,
    %get3A_600 = vector.shape_cast %get3A_599 : vector<16xf32> to vector<16xf32>
    %get3A_601 = arith.constant 2672 : index
    %get3A_602 = tpu.vector_load %arg9[%get3A_601] {strides = array<i32>} : memref<3200xf32, #tpu.memory_space<vmem>>, vector<16xf32>,
    %get3A_603 = vector.shape_cast %get3A_602 : vector<16xf32> to vector<16xf32>
    %get3A_604 = arith.constant 288 : index
    %get3A_605 = tpu.vector_load %arg9[%get3A_604] {strides = array<i32>} : memref<3200xf32, #tpu.memory_space<vmem>>, vector<16xf32>,
    %get3A_606 = vector.shape_cast %get3A_605 : vector<16xf32> to vector<16xf32>
    %get3A_607 = arith.constant 1088 : index
    %get3A_608 = tpu.vector_load %arg9[%get3A_607] {strides = array<i32>} : memref<3200xf32, #tpu.memory_space<vmem>>, vector<16xf32>,
    %get3A_609 = vector.shape_cast %get3A_608 : vector<16xf32> to vector<16xf32>
    %get3A_610 = arith.constant 1888 : index
    %get3A_611 = tpu.vector_load %arg9[%get3A_610] {strides = array<i32>} : memref<3200xf32, #tpu.memory_space<vmem>>, vector<16xf32>,
    %get3A_612 = vector.shape_cast %get3A_611 : vector<16xf32> to vector<16xf32>
    %get3A_613 = arith.constant 2688 : index
    %get3A_614 = tpu.vector_load %arg9[%get3A_613] {strides = array<i32>} : memref<3200xf32, #tpu.memory_space<vmem>>, vector<16xf32>,
    %get3A_615 = vector.shape_cast %get3A_614 : vector<16xf32> to vector<16xf32>
    %get3A_616 = arith.constant 304 : index
    %get3A_617 = tpu.vector_load %arg9[%get3A_616] {strides = array<i32>} : memref<3200xf32, #tpu.memory_space<vmem>>, vector<16xf32>,
    %get3A_618 = vector.shape_cast %get3A_617 : vector<16xf32> to vector<16xf32>
    %get3A_619 = arith.constant 1104 : index
    %get3A_620 = tpu.vector_load %arg9[%get3A_619] {strides = array<i32>} : memref<3200xf32, #tpu.memory_space<vmem>>, vector<16xf32>,
    %get3A_621 = vector.shape_cast %get3A_620 : vector<16xf32> to vector<16xf32>
    %get3A_622 = arith.constant 1904 : index
    %get3A_623 = tpu.vector_load %arg9[%get3A_622] {strides = array<i32>} : memref<3200xf32, #tpu.memory_space<vmem>>, vector<16xf32>,
    %get3A_624 = vector.shape_cast %get3A_623 : vector<16xf32> to vector<16xf32>
    %get3A_625 = arith.constant 2704 : index
    %get3A_626 = tpu.vector_load %arg9[%get3A_625] {strides = array<i32>} : memref<3200xf32, #tpu.memory_space<vmem>>, vector<16xf32>,
    %get3A_627 = vector.shape_cast %get3A_626 : vector<16xf32> to vector<16xf32>
    %get3A_628 = arith.constant 640 : index
    %get3A_629 = tpu.vector_load %arg9[%get3A_628] {strides = array<i32>} : memref<3200xf32, #tpu.memory_space<vmem>>, vector<16xf32>,
    %get3A_630 = vector.shape_cast %get3A_629 : vector<16xf32> to vector<16xf32>
    %get3A_631 = arith.constant 1440 : index
    %get3A_632 = tpu.vector_load %arg9[%get3A_631] {strides = array<i32>} : memref<3200xf32, #tpu.memory_space<vmem>>, vector<16xf32>,
    %get3A_633 = vector.shape_cast %get3A_632 : vector<16xf32> to vector<16xf32>
    %get3A_634 = arith.constant 2240 : index
    %get3A_635 = tpu.vector_load %arg9[%get3A_634] {strides = array<i32>} : memref<3200xf32, #tpu.memory_space<vmem>>, vector<16xf32>,
    %get3A_636 = vector.shape_cast %get3A_635 : vector<16xf32> to vector<16xf32>
    %get3A_637 = arith.constant 3040 : index
    %get3A_638 = tpu.vector_load %arg9[%get3A_637] {strides = array<i32>} : memref<3200xf32, #tpu.memory_space<vmem>>, vector<16xf32>,
    %get3A_639 = vector.shape_cast %get3A_638 : vector<16xf32> to vector<16xf32>
    %get3A_640 = arith.constant 656 : index
    %get3A_641 = tpu.vector_load %arg9[%get3A_640] {strides = array<i32>} : memref<3200xf32, #tpu.memory_space<vmem>>, vector<16xf32>,
    %get3A_642 = vector.shape_cast %get3A_641 : vector<16xf32> to vector<16xf32>
    %get3A_643 = arith.constant 1456 : index
    %get3A_644 = tpu.vector_load %arg9[%get3A_643] {strides = array<i32>} : memref<3200xf32, #tpu.memory_space<vmem>>, vector<16xf32>,
    %get3A_645 = vector.shape_cast %get3A_644 : vector<16xf32> to vector<16xf32>
    %get3A_646 = arith.constant 2256 : index
    %get3A_647 = tpu.vector_load %arg9[%get3A_646] {strides = array<i32>} : memref<3200xf32, #tpu.memory_space<vmem>>, vector<16xf32>,
    %get3A_648 = vector.shape_cast %get3A_647 : vector<16xf32> to vector<16xf32>
    %get3A_649 = arith.constant 3056 : index
    %get3A_650 = tpu.vector_load %arg9[%get3A_649] {strides = array<i32>} : memref<3200xf32, #tpu.memory_space<vmem>>, vector<16xf32>,
    %get3A_651 = vector.shape_cast %get3A_650 : vector<16xf32> to vector<16xf32>
    %get3A_652 = arith.constant 672 : index
    %get3A_653 = tpu.vector_load %arg9[%get3A_652] {strides = array<i32>} : memref<3200xf32, #tpu.memory_space<vmem>>, vector<16xf32>,
    %get3A_654 = vector.shape_cast %get3A_653 : vector<16xf32> to vector<16xf32>
    %get3A_655 = arith.constant 1472 : index
    %get3A_656 = tpu.vector_load %arg9[%get3A_655] {strides = array<i32>} : memref<3200xf32, #tpu.memory_space<vmem>>, vector<16xf32>,
    %get3A_657 = vector.shape_cast %get3A_656 : vector<16xf32> to vector<16xf32>
    %get3A_658 = arith.constant 2272 : index
    %get3A_659 = tpu.vector_load %arg9[%get3A_658] {strides = array<i32>} : memref<3200xf32, #tpu.memory_space<vmem>>, vector<16xf32>,
    %get3A_660 = vector.shape_cast %get3A_659 : vector<16xf32> to vector<16xf32>
    %get3A_661 = arith.constant 3072 : index
    %get3A_662 = tpu.vector_load %arg9[%get3A_661] {strides = array<i32>} : memref<3200xf32, #tpu.memory_space<vmem>>, vector<16xf32>,
    %get3A_663 = vector.shape_cast %get3A_662 : vector<16xf32> to vector<16xf32>
    %get3A_664 = arith.constant 688 : index
    %get3A_665 = tpu.vector_load %arg9[%get3A_664] {strides = array<i32>} : memref<3200xf32, #tpu.memory_space<vmem>>, vector<16xf32>,
    %get3A_666 = vector.shape_cast %get3A_665 : vector<16xf32> to vector<16xf32>
    %get3A_667 = arith.constant 1488 : index
    %get3A_668 = tpu.vector_load %arg9[%get3A_667] {strides = array<i32>} : memref<3200xf32, #tpu.memory_space<vmem>>, vector<16xf32>,
    %get3A_669 = vector.shape_cast %get3A_668 : vector<16xf32> to vector<16xf32>
    %get3A_670 = arith.constant 2288 : index
    %get3A_671 = tpu.vector_load %arg9[%get3A_670] {strides = array<i32>} : memref<3200xf32, #tpu.memory_space<vmem>>, vector<16xf32>,
    %get3A_672 = vector.shape_cast %get3A_671 : vector<16xf32> to vector<16xf32>
    %get3A_673 = arith.constant 3088 : index
    %get3A_674 = tpu.vector_load %arg9[%get3A_673] {strides = array<i32>} : memref<3200xf32, #tpu.memory_space<vmem>>, vector<16xf32>,
    %get3A_675 = vector.shape_cast %get3A_674 : vector<16xf32> to vector<16xf32>
    %get3A_676 = arith.constant 704 : index
    %get3A_677 = tpu.vector_load %arg9[%get3A_676] {strides = array<i32>} : memref<3200xf32, #tpu.memory_space<vmem>>, vector<16xf32>,
    %get3A_678 = vector.shape_cast %get3A_677 : vector<16xf32> to vector<16xf32>
    %get3A_679 = arith.constant 1504 : index
    %get3A_680 = tpu.vector_load %arg9[%get3A_679] {strides = array<i32>} : memref<3200xf32, #tpu.memory_space<vmem>>, vector<16xf32>,
    %get3A_681 = vector.shape_cast %get3A_680 : vector<16xf32> to vector<16xf32>
    %get3A_682 = arith.constant 2304 : index
    %get3A_683 = tpu.vector_load %arg9[%get3A_682] {strides = array<i32>} : memref<3200xf32, #tpu.memory_space<vmem>>, vector<16xf32>,
    %get3A_684 = vector.shape_cast %get3A_683 : vector<16xf32> to vector<16xf32>
    %get3A_685 = arith.constant 3104 : index
    %get3A_686 = tpu.vector_load %arg9[%get3A_685] {strides = array<i32>} : memref<3200xf32, #tpu.memory_space<vmem>>, vector<16xf32>,
    %get3A_687 = vector.shape_cast %get3A_686 : vector<16xf32> to vector<16xf32>
    %scan3A_688 = arith.constant 0 : i32
    %scan3A_689 = arith.constant 0 : i32
    %scan3A_690 = arith.constant 16 : i32
    %scan3A_691 = arith.addi %scan3A_689, %scan3A_690 : i32
    %scan3A_692 = arith.constant 1 : i32
    scf.for %scan3A_931 = %scan3A_689 to %scan3A_691 step %scan3A_692  : i32 {
      %mul3A_932 = arith.constant 2 : i32
      %mul3A_933 = arith.muli %scan3A_931, %mul3A_932 : i32
      %add3A_934 = arith.constant 0 : i32
      %add3A_935 = arith.addi %mul3A_933, %add3A_934 : i32
      %shift_right_arithmetic3A = arith.constant 3 : i32
      %shift_right_arithmetic3A_936 = arith.shrsi %add3A_935, %shift_right_arithmetic3A : i32
      %mul3A_937 = arith.constant 2 : i32
      %mul3A_938 = arith.muli %shift_right_arithmetic3A_936, %mul3A_937 : i32
      %and3A = arith.constant 7 : i32
      %and3A_939 = arith.andi %add3A_935, %and3A : i32
      %mul3A_940 = arith.constant 16 : i32
      %mul3A_941 = arith.muli %and3A_939, %mul3A_940 : i32
      %mul3A_942 = arith.constant 16 : i32
      %mul3A_943 = arith.muli %add3A_935, %mul3A_942 : i32
      %get3A_944 = arith.index_cast %mul3A_943 : i32 to index
      %get3A_945 = tpu.vector_load %arg7[%get3A_944] {strides = array<i32>} : memref<512xi32, #tpu.memory_space<vmem>>, vector<16xi32>,
      %get3A_946 = vector.shape_cast %get3A_945 : vector<16xi32> to vector<16xi32>
      %and3A_947 = arith.constant 1 : i32
      %and3A_948 = vector.broadcast %and3A_947 : i32 to vector<16xi32>
      %and3A_949 = arith.andi %get3A_946, %and3A_948 : vector<16xi32>
      %eq3A = arith.constant 1 : i32
      %eq3A_950 = vector.broadcast %eq3A : i32 to vector<16xi32>
      %eq3A_951 = arith.cmpi eq, %and3A_949, %eq3A_950 : vector<16xi32>
      %ge3A = arith.constant 2 : i32
      %ge3A_952 = vector.broadcast %ge3A : i32 to vector<16xi32>
      %ge3A_953 = arith.cmpi sge, %get3A_946, %ge3A_952 : vector<16xi32>
      %select_n3A = arith.select %eq3A_951, %get3A_579, %get3A_576 : vector<16xi1>, vector<16xf32>
      %select_n3A_954 = arith.select %eq3A_951, %get3A_573, %get3A_570 : vector<16xi1>, vector<16xf32>
      %select_n3A_955 = arith.select %ge3A_953, %select_n3A, %select_n3A_954 : vector<16xi1>, vector<16xf32>
      %add3A_956 = arith.constant 0 : i32
      %add3A_957 = arith.addi %mul3A_938, %add3A_956 : i32
      %swap3A = arith.constant 15 : i32
      %swap3A_958 = arith.index_cast %swap3A : i32 to index
      %swap3A_959 = arith.index_cast %add3A_957 : i32 to index
      %swap3A_960 = arith.index_cast %mul3A_941 : i32 to index
      %swap3A_961 = tpu.vector_load %arg11[%swap3A_958, %swap3A_959, %swap3A_960] {strides = array<i32>} : memref<25x8x128xf32, #tpu.memory_space<vmem>>, vector<1x1x16xf32>,
      %swap3A_962 = vector.shape_cast %swap3A_961 : vector<1x1x16xf32> to vector<16xf32>
      %swap3A_963 = vector.shape_cast %select_n3A_955 : vector<16xf32> to vector<1x1x16xf32>
      tpu.vector_store %arg11[%swap3A_958, %swap3A_959, %swap3A_960], %swap3A_963 {strides = array<i32>} : memref<25x8x128xf32, #tpu.memory_space<vmem>>, vector<1x1x16xf32>,
      %select_n3A_964 = arith.select %eq3A_951, %get3A_591, %get3A_588 : vector<16xi1>, vector<16xf32>
      %select_n3A_965 = arith.select %eq3A_951, %get3A_585, %get3A_582 : vector<16xi1>, vector<16xf32>
      %select_n3A_966 = arith.select %ge3A_953, %select_n3A_964, %select_n3A_965 : vector<16xi1>, vector<16xf32>
      %add3A_967 = arith.constant 0 : i32
      %add3A_968 = arith.addi %mul3A_938, %add3A_967 : i32
      %swap3A_969 = arith.constant 16 : i32
      %swap3A_970 = arith.index_cast %swap3A_969 : i32 to index
      %swap3A_971 = arith.index_cast %add3A_968 : i32 to index
      %swap3A_972 = arith.index_cast %mul3A_941 : i32 to index
      %swap3A_973 = tpu.vector_load %arg11[%swap3A_970, %swap3A_971, %swap3A_972] {strides = array<i32>} : memref<25x8x128xf32, #tpu.memory_space<vmem>>, vector<1x1x16xf32>,
      %swap3A_974 = vector.shape_cast %swap3A_973 : vector<1x1x16xf32> to vector<16xf32>
      %swap3A_975 = vector.shape_cast %select_n3A_966 : vector<16xf32> to vector<1x1x16xf32>
      tpu.vector_store %arg11[%swap3A_970, %swap3A_971, %swap3A_972], %swap3A_975 {strides = array<i32>} : memref<25x8x128xf32, #tpu.memory_space<vmem>>, vector<1x1x16xf32>,
      %select_n3A_976 = arith.select %eq3A_951, %get3A_603, %get3A_600 : vector<16xi1>, vector<16xf32>
      %select_n3A_977 = arith.select %eq3A_951, %get3A_597, %get3A_594 : vector<16xi1>, vector<16xf32>
      %select_n3A_978 = arith.select %ge3A_953, %select_n3A_976, %select_n3A_977 : vector<16xi1>, vector<16xf32>
      %add3A_979 = arith.constant 0 : i32
      %add3A_980 = arith.addi %mul3A_938, %add3A_979 : i32
      %swap3A_981 = arith.constant 17 : i32
      %swap3A_982 = arith.index_cast %swap3A_981 : i32 to index
      %swap3A_983 = arith.index_cast %add3A_980 : i32 to index
      %swap3A_984 = arith.index_cast %mul3A_941 : i32 to index
      %swap3A_985 = tpu.vector_load %arg11[%swap3A_982, %swap3A_983, %swap3A_984] {strides = array<i32>} : memref<25x8x128xf32, #tpu.memory_space<vmem>>, vector<1x1x16xf32>,
      %swap3A_986 = vector.shape_cast %swap3A_985 : vector<1x1x16xf32> to vector<16xf32>
      %swap3A_987 = vector.shape_cast %select_n3A_978 : vector<16xf32> to vector<1x1x16xf32>
      tpu.vector_store %arg11[%swap3A_982, %swap3A_983, %swap3A_984], %swap3A_987 {strides = array<i32>} : memref<25x8x128xf32, #tpu.memory_space<vmem>>, vector<1x1x16xf32>,
      %select_n3A_988 = arith.select %eq3A_951, %get3A_615, %get3A_612 : vector<16xi1>, vector<16xf32>
      %select_n3A_989 = arith.select %eq3A_951, %get3A_609, %get3A_606 : vector<16xi1>, vector<16xf32>
      %select_n3A_990 = arith.select %ge3A_953, %select_n3A_988, %select_n3A_989 : vector<16xi1>, vector<16xf32>
      %add3A_991 = arith.constant 0 : i32
      %add3A_992 = arith.addi %mul3A_938, %add3A_991 : i32
      %swap3A_993 = arith.constant 18 : i32
      %swap3A_994 = arith.index_cast %swap3A_993 : i32 to index
      %swap3A_995 = arith.index_cast %add3A_992 : i32 to index
      %swap3A_996 = arith.index_cast %mul3A_941 : i32 to index
      %swap3A_997 = tpu.vector_load %arg11[%swap3A_994, %swap3A_995, %swap3A_996] {strides = array<i32>} : memref<25x8x128xf32, #tpu.memory_space<vmem>>, vector<1x1x16xf32>,
      %swap3A_998 = vector.shape_cast %swap3A_997 : vector<1x1x16xf32> to vector<16xf32>
      %swap3A_999 = vector.shape_cast %select_n3A_990 : vector<16xf32> to vector<1x1x16xf32>
      tpu.vector_store %arg11[%swap3A_994, %swap3A_995, %swap3A_996], %swap3A_999 {strides = array<i32>} : memref<25x8x128xf32, #tpu.memory_space<vmem>>, vector<1x1x16xf32>,
      %select_n3A_1000 = arith.select %eq3A_951, %get3A_627, %get3A_624 : vector<16xi1>, vector<16xf32>
      %select_n3A_1001 = arith.select %eq3A_951, %get3A_621, %get3A_618 : vector<16xi1>, vector<16xf32>
      %select_n3A_1002 = arith.select %ge3A_953, %select_n3A_1000, %select_n3A_1001 : vector<16xi1>, vector<16xf32>
      %add3A_1003 = arith.constant 0 : i32
      %add3A_1004 = arith.addi %mul3A_938, %add3A_1003 : i32
      %swap3A_1005 = arith.constant 19 : i32
      %swap3A_1006 = arith.index_cast %swap3A_1005 : i32 to index
      %swap3A_1007 = arith.index_cast %add3A_1004 : i32 to index
      %swap3A_1008 = arith.index_cast %mul3A_941 : i32 to index
      %swap3A_1009 = tpu.vector_load %arg11[%swap3A_1006, %swap3A_1007, %swap3A_1008] {strides = array<i32>} : memref<25x8x128xf32, #tpu.memory_space<vmem>>, vector<1x1x16xf32>,
      %swap3A_1010 = vector.shape_cast %swap3A_1009 : vector<1x1x16xf32> to vector<16xf32>
      %swap3A_1011 = vector.shape_cast %select_n3A_1002 : vector<16xf32> to vector<1x1x16xf32>
      tpu.vector_store %arg11[%swap3A_1006, %swap3A_1007, %swap3A_1008], %swap3A_1011 {strides = array<i32>} : memref<25x8x128xf32, #tpu.memory_space<vmem>>, vector<1x1x16xf32>,
      %select_n3A_1012 = arith.select %eq3A_951, %get3A_639, %get3A_636 : vector<16xi1>, vector<16xf32>
      %select_n3A_1013 = arith.select %eq3A_951, %get3A_633, %get3A_630 : vector<16xi1>, vector<16xf32>
      %select_n3A_1014 = arith.select %ge3A_953, %select_n3A_1012, %select_n3A_1013 : vector<16xi1>, vector<16xf32>
      %add3A_1015 = arith.constant 1 : i32
      %add3A_1016 = arith.addi %mul3A_938, %add3A_1015 : i32
      %swap3A_1017 = arith.constant 15 : i32
      %swap3A_1018 = arith.index_cast %swap3A_1017 : i32 to index
      %swap3A_1019 = arith.index_cast %add3A_1016 : i32 to index
      %swap3A_1020 = arith.index_cast %mul3A_941 : i32 to index
      %swap3A_1021 = tpu.vector_load %arg11[%swap3A_1018, %swap3A_1019, %swap3A_1020] {strides = array<i32>} : memref<25x8x128xf32, #tpu.memory_space<vmem>>, vector<1x1x16xf32>,
      %swap3A_1022 = vector.shape_cast %swap3A_1021 : vector<1x1x16xf32> to vector<16xf32>
      %swap3A_1023 = vector.shape_cast %select_n3A_1014 : vector<16xf32> to vector<1x1x16xf32>
      tpu.vector_store %arg11[%swap3A_1018, %swap3A_1019, %swap3A_1020], %swap3A_1023 {strides = array<i32>} : memref<25x8x128xf32, #tpu.memory_space<vmem>>, vector<1x1x16xf32>,
      %select_n3A_1024 = arith.select %eq3A_951, %get3A_651, %get3A_648 : vector<16xi1>, vector<16xf32>
      %select_n3A_1025 = arith.select %eq3A_951, %get3A_645, %get3A_642 : vector<16xi1>, vector<16xf32>
      %select_n3A_1026 = arith.select %ge3A_953, %select_n3A_1024, %select_n3A_1025 : vector<16xi1>, vector<16xf32>
      %add3A_1027 = arith.constant 1 : i32
      %add3A_1028 = arith.addi %mul3A_938, %add3A_1027 : i32
      %swap3A_1029 = arith.constant 16 : i32
      %swap3A_1030 = arith.index_cast %swap3A_1029 : i32 to index
      %swap3A_1031 = arith.index_cast %add3A_1028 : i32 to index
      %swap3A_1032 = arith.index_cast %mul3A_941 : i32 to index
      %swap3A_1033 = tpu.vector_load %arg11[%swap3A_1030, %swap3A_1031, %swap3A_1032] {strides = array<i32>} : memref<25x8x128xf32, #tpu.memory_space<vmem>>, vector<1x1x16xf32>,
      %swap3A_1034 = vector.shape_cast %swap3A_1033 : vector<1x1x16xf32> to vector<16xf32>
      %swap3A_1035 = vector.shape_cast %select_n3A_1026 : vector<16xf32> to vector<1x1x16xf32>
      tpu.vector_store %arg11[%swap3A_1030, %swap3A_1031, %swap3A_1032], %swap3A_1035 {strides = array<i32>} : memref<25x8x128xf32, #tpu.memory_space<vmem>>, vector<1x1x16xf32>,
      %select_n3A_1036 = arith.select %eq3A_951, %get3A_663, %get3A_660 : vector<16xi1>, vector<16xf32>
      %select_n3A_1037 = arith.select %eq3A_951, %get3A_657, %get3A_654 : vector<16xi1>, vector<16xf32>
      %select_n3A_1038 = arith.select %ge3A_953, %select_n3A_1036, %select_n3A_1037 : vector<16xi1>, vector<16xf32>
      %add3A_1039 = arith.constant 1 : i32
      %add3A_1040 = arith.addi %mul3A_938, %add3A_1039 : i32
      %swap3A_1041 = arith.constant 17 : i32
      %swap3A_1042 = arith.index_cast %swap3A_1041 : i32 to index
      %swap3A_1043 = arith.index_cast %add3A_1040 : i32 to index
      %swap3A_1044 = arith.index_cast %mul3A_941 : i32 to index
      %swap3A_1045 = tpu.vector_load %arg11[%swap3A_1042, %swap3A_1043, %swap3A_1044] {strides = array<i32>} : memref<25x8x128xf32, #tpu.memory_space<vmem>>, vector<1x1x16xf32>,
      %swap3A_1046 = vector.shape_cast %swap3A_1045 : vector<1x1x16xf32> to vector<16xf32>
      %swap3A_1047 = vector.shape_cast %select_n3A_1038 : vector<16xf32> to vector<1x1x16xf32>
      tpu.vector_store %arg11[%swap3A_1042, %swap3A_1043, %swap3A_1044], %swap3A_1047 {strides = array<i32>} : memref<25x8x128xf32, #tpu.memory_space<vmem>>, vector<1x1x16xf32>,
      %select_n3A_1048 = arith.select %eq3A_951, %get3A_675, %get3A_672 : vector<16xi1>, vector<16xf32>
      %select_n3A_1049 = arith.select %eq3A_951, %get3A_669, %get3A_666 : vector<16xi1>, vector<16xf32>
      %select_n3A_1050 = arith.select %ge3A_953, %select_n3A_1048, %select_n3A_1049 : vector<16xi1>, vector<16xf32>
      %add3A_1051 = arith.constant 1 : i32
      %add3A_1052 = arith.addi %mul3A_938, %add3A_1051 : i32
      %swap3A_1053 = arith.constant 18 : i32
      %swap3A_1054 = arith.index_cast %swap3A_1053 : i32 to index
      %swap3A_1055 = arith.index_cast %add3A_1052 : i32 to index
      %swap3A_1056 = arith.index_cast %mul3A_941 : i32 to index
      %swap3A_1057 = tpu.vector_load %arg11[%swap3A_1054, %swap3A_1055, %swap3A_1056] {strides = array<i32>} : memref<25x8x128xf32, #tpu.memory_space<vmem>>, vector<1x1x16xf32>,
      %swap3A_1058 = vector.shape_cast %swap3A_1057 : vector<1x1x16xf32> to vector<16xf32>
      %swap3A_1059 = vector.shape_cast %select_n3A_1050 : vector<16xf32> to vector<1x1x16xf32>
      tpu.vector_store %arg11[%swap3A_1054, %swap3A_1055, %swap3A_1056], %swap3A_1059 {strides = array<i32>} : memref<25x8x128xf32, #tpu.memory_space<vmem>>, vector<1x1x16xf32>,
      %select_n3A_1060 = arith.select %eq3A_951, %get3A_687, %get3A_684 : vector<16xi1>, vector<16xf32>
      %select_n3A_1061 = arith.select %eq3A_951, %get3A_681, %get3A_678 : vector<16xi1>, vector<16xf32>
      %select_n3A_1062 = arith.select %ge3A_953, %select_n3A_1060, %select_n3A_1061 : vector<16xi1>, vector<16xf32>
      %add3A_1063 = arith.constant 1 : i32
      %add3A_1064 = arith.addi %mul3A_938, %add3A_1063 : i32
      %swap3A_1065 = arith.constant 19 : i32
      %swap3A_1066 = arith.index_cast %swap3A_1065 : i32 to index
      %swap3A_1067 = arith.index_cast %add3A_1064 : i32 to index
      %swap3A_1068 = arith.index_cast %mul3A_941 : i32 to index
      %swap3A_1069 = tpu.vector_load %arg11[%swap3A_1066, %swap3A_1067, %swap3A_1068] {strides = array<i32>} : memref<25x8x128xf32, #tpu.memory_space<vmem>>, vector<1x1x16xf32>,
      %swap3A_1070 = vector.shape_cast %swap3A_1069 : vector<1x1x16xf32> to vector<16xf32>
      %swap3A_1071 = vector.shape_cast %select_n3A_1062 : vector<16xf32> to vector<1x1x16xf32>
      tpu.vector_store %arg11[%swap3A_1066, %swap3A_1067, %swap3A_1068], %swap3A_1071 {strides = array<i32>} : memref<25x8x128xf32, #tpu.memory_space<vmem>>, vector<1x1x16xf32>,
      %mul3A_1072 = arith.constant 2 : i32
      %mul3A_1073 = arith.muli %scan3A_931, %mul3A_1072 : i32
      %add3A_1074 = arith.constant 1 : i32
      %add3A_1075 = arith.addi %mul3A_1073, %add3A_1074 : i32
      %shift_right_arithmetic3A_1076 = arith.constant 3 : i32
      %shift_right_arithmetic3A_1077 = arith.shrsi %add3A_1075, %shift_right_arithmetic3A_1076 : i32
      %mul3A_1078 = arith.constant 2 : i32
      %mul3A_1079 = arith.muli %shift_right_arithmetic3A_1077, %mul3A_1078 : i32
      %and3A_1080 = arith.constant 7 : i32
      %and3A_1081 = arith.andi %add3A_1075, %and3A_1080 : i32
      %mul3A_1082 = arith.constant 16 : i32
      %mul3A_1083 = arith.muli %and3A_1081, %mul3A_1082 : i32
      %mul3A_1084 = arith.constant 16 : i32
      %mul3A_1085 = arith.muli %add3A_1075, %mul3A_1084 : i32
      %get3A_1086 = arith.index_cast %mul3A_1085 : i32 to index
      %get3A_1087 = tpu.vector_load %arg7[%get3A_1086] {strides = array<i32>} : memref<512xi32, #tpu.memory_space<vmem>>, vector<16xi32>,
      %get3A_1088 = vector.shape_cast %get3A_1087 : vector<16xi32> to vector<16xi32>
      %and3A_1089 = arith.constant 1 : i32
      %and3A_1090 = vector.broadcast %and3A_1089 : i32 to vector<16xi32>
      %and3A_1091 = arith.andi %get3A_1088, %and3A_1090 : vector<16xi32>
      %eq3A_1092 = arith.constant 1 : i32
      %eq3A_1093 = vector.broadcast %eq3A_1092 : i32 to vector<16xi32>
      %eq3A_1094 = arith.cmpi eq, %and3A_1091, %eq3A_1093 : vector<16xi32>
      %ge3A_1095 = arith.constant 2 : i32
      %ge3A_1096 = vector.broadcast %ge3A_1095 : i32 to vector<16xi32>
      %ge3A_1097 = arith.cmpi sge, %get3A_1088, %ge3A_1096 : vector<16xi32>
      %select_n3A_1098 = arith.select %eq3A_1094, %get3A_579, %get3A_576 : vector<16xi1>, vector<16xf32>
      %select_n3A_1099 = arith.select %eq3A_1094, %get3A_573, %get3A_570 : vector<16xi1>, vector<16xf32>
      %select_n3A_1100 = arith.select %ge3A_1097, %select_n3A_1098, %select_n3A_1099 : vector<16xi1>, vector<16xf32>
      %add3A_1101 = arith.constant 0 : i32
      %add3A_1102 = arith.addi %mul3A_1079, %add3A_1101 : i32
      %swap3A_1103 = arith.constant 15 : i32
      %swap3A_1104 = arith.index_cast %swap3A_1103 : i32 to index
      %swap3A_1105 = arith.index_cast %add3A_1102 : i32 to index
      %swap3A_1106 = arith.index_cast %mul3A_1083 : i32 to index
      %swap3A_1107 = tpu.vector_load %arg11[%swap3A_1104, %swap3A_1105, %swap3A_1106] {strides = array<i32>} : memref<25x8x128xf32, #tpu.memory_space<vmem>>, vector<1x1x16xf32>,
      %swap3A_1108 = vector.shape_cast %swap3A_1107 : vector<1x1x16xf32> to vector<16xf32>
      %swap3A_1109 = vector.shape_cast %select_n3A_1100 : vector<16xf32> to vector<1x1x16xf32>
      tpu.vector_store %arg11[%swap3A_1104, %swap3A_1105, %swap3A_1106], %swap3A_1109 {strides = array<i32>} : memref<25x8x128xf32, #tpu.memory_space<vmem>>, vector<1x1x16xf32>,
      %select_n3A_1110 = arith.select %eq3A_1094, %get3A_591, %get3A_588 : vector<16xi1>, vector<16xf32>
      %select_n3A_1111 = arith.select %eq3A_1094, %get3A_585, %get3A_582 : vector<16xi1>, vector<16xf32>
      %select_n3A_1112 = arith.select %ge3A_1097, %select_n3A_1110, %select_n3A_1111 : vector<16xi1>, vector<16xf32>
      %add3A_1113 = arith.constant 0 : i32
      %add3A_1114 = arith.addi %mul3A_1079, %add3A_1113 : i32
      %swap3A_1115 = arith.constant 16 : i32
      %swap3A_1116 = arith.index_cast %swap3A_1115 : i32 to index
      %swap3A_1117 = arith.index_cast %add3A_1114 : i32 to index
      %swap3A_1118 = arith.index_cast %mul3A_1083 : i32 to index
      %swap3A_1119 = tpu.vector_load %arg11[%swap3A_1116, %swap3A_1117, %swap3A_1118] {strides = array<i32>} : memref<25x8x128xf32, #tpu.memory_space<vmem>>, vector<1x1x16xf32>,
      %swap3A_1120 = vector.shape_cast %swap3A_1119 : vector<1x1x16xf32> to vector<16xf32>
      %swap3A_1121 = vector.shape_cast %select_n3A_1112 : vector<16xf32> to vector<1x1x16xf32>
      tpu.vector_store %arg11[%swap3A_1116, %swap3A_1117, %swap3A_1118], %swap3A_1121 {strides = array<i32>} : memref<25x8x128xf32, #tpu.memory_space<vmem>>, vector<1x1x16xf32>,
      %select_n3A_1122 = arith.select %eq3A_1094, %get3A_603, %get3A_600 : vector<16xi1>, vector<16xf32>
      %select_n3A_1123 = arith.select %eq3A_1094, %get3A_597, %get3A_594 : vector<16xi1>, vector<16xf32>
      %select_n3A_1124 = arith.select %ge3A_1097, %select_n3A_1122, %select_n3A_1123 : vector<16xi1>, vector<16xf32>
      %add3A_1125 = arith.constant 0 : i32
      %add3A_1126 = arith.addi %mul3A_1079, %add3A_1125 : i32
      %swap3A_1127 = arith.constant 17 : i32
      %swap3A_1128 = arith.index_cast %swap3A_1127 : i32 to index
      %swap3A_1129 = arith.index_cast %add3A_1126 : i32 to index
      %swap3A_1130 = arith.index_cast %mul3A_1083 : i32 to index
      %swap3A_1131 = tpu.vector_load %arg11[%swap3A_1128, %swap3A_1129, %swap3A_1130] {strides = array<i32>} : memref<25x8x128xf32, #tpu.memory_space<vmem>>, vector<1x1x16xf32>,
      %swap3A_1132 = vector.shape_cast %swap3A_1131 : vector<1x1x16xf32> to vector<16xf32>
      %swap3A_1133 = vector.shape_cast %select_n3A_1124 : vector<16xf32> to vector<1x1x16xf32>
      tpu.vector_store %arg11[%swap3A_1128, %swap3A_1129, %swap3A_1130], %swap3A_1133 {strides = array<i32>} : memref<25x8x128xf32, #tpu.memory_space<vmem>>, vector<1x1x16xf32>,
      %select_n3A_1134 = arith.select %eq3A_1094, %get3A_615, %get3A_612 : vector<16xi1>, vector<16xf32>
      %select_n3A_1135 = arith.select %eq3A_1094, %get3A_609, %get3A_606 : vector<16xi1>, vector<16xf32>
      %select_n3A_1136 = arith.select %ge3A_1097, %select_n3A_1134, %select_n3A_1135 : vector<16xi1>, vector<16xf32>
      %add3A_1137 = arith.constant 0 : i32
      %add3A_1138 = arith.addi %mul3A_1079, %add3A_1137 : i32
      %swap3A_1139 = arith.constant 18 : i32
      %swap3A_1140 = arith.index_cast %swap3A_1139 : i32 to index
      %swap3A_1141 = arith.index_cast %add3A_1138 : i32 to index
      %swap3A_1142 = arith.index_cast %mul3A_1083 : i32 to index
      %swap3A_1143 = tpu.vector_load %arg11[%swap3A_1140, %swap3A_1141, %swap3A_1142] {strides = array<i32>} : memref<25x8x128xf32, #tpu.memory_space<vmem>>, vector<1x1x16xf32>,
      %swap3A_1144 = vector.shape_cast %swap3A_1143 : vector<1x1x16xf32> to vector<16xf32>
      %swap3A_1145 = vector.shape_cast %select_n3A_1136 : vector<16xf32> to vector<1x1x16xf32>
      tpu.vector_store %arg11[%swap3A_1140, %swap3A_1141, %swap3A_1142], %swap3A_1145 {strides = array<i32>} : memref<25x8x128xf32, #tpu.memory_space<vmem>>, vector<1x1x16xf32>,
      %select_n3A_1146 = arith.select %eq3A_1094, %get3A_627, %get3A_624 : vector<16xi1>, vector<16xf32>
      %select_n3A_1147 = arith.select %eq3A_1094, %get3A_621, %get3A_618 : vector<16xi1>, vector<16xf32>
      %select_n3A_1148 = arith.select %ge3A_1097, %select_n3A_1146, %select_n3A_1147 : vector<16xi1>, vector<16xf32>
      %add3A_1149 = arith.constant 0 : i32
      %add3A_1150 = arith.addi %mul3A_1079, %add3A_1149 : i32
      %swap3A_1151 = arith.constant 19 : i32
      %swap3A_1152 = arith.index_cast %swap3A_1151 : i32 to index
      %swap3A_1153 = arith.index_cast %add3A_1150 : i32 to index
      %swap3A_1154 = arith.index_cast %mul3A_1083 : i32 to index
      %swap3A_1155 = tpu.vector_load %arg11[%swap3A_1152, %swap3A_1153, %swap3A_1154] {strides = array<i32>} : memref<25x8x128xf32, #tpu.memory_space<vmem>>, vector<1x1x16xf32>,
      %swap3A_1156 = vector.shape_cast %swap3A_1155 : vector<1x1x16xf32> to vector<16xf32>
      %swap3A_1157 = vector.shape_cast %select_n3A_1148 : vector<16xf32> to vector<1x1x16xf32>
      tpu.vector_store %arg11[%swap3A_1152, %swap3A_1153, %swap3A_1154], %swap3A_1157 {strides = array<i32>} : memref<25x8x128xf32, #tpu.memory_space<vmem>>, vector<1x1x16xf32>,
      %select_n3A_1158 = arith.select %eq3A_1094, %get3A_639, %get3A_636 : vector<16xi1>, vector<16xf32>
      %select_n3A_1159 = arith.select %eq3A_1094, %get3A_633, %get3A_630 : vector<16xi1>, vector<16xf32>
      %select_n3A_1160 = arith.select %ge3A_1097, %select_n3A_1158, %select_n3A_1159 : vector<16xi1>, vector<16xf32>
      %add3A_1161 = arith.constant 1 : i32
      %add3A_1162 = arith.addi %mul3A_1079, %add3A_1161 : i32
      %swap3A_1163 = arith.constant 15 : i32
      %swap3A_1164 = arith.index_cast %swap3A_1163 : i32 to index
      %swap3A_1165 = arith.index_cast %add3A_1162 : i32 to index
      %swap3A_1166 = arith.index_cast %mul3A_1083 : i32 to index
      %swap3A_1167 = tpu.vector_load %arg11[%swap3A_1164, %swap3A_1165, %swap3A_1166] {strides = array<i32>} : memref<25x8x128xf32, #tpu.memory_space<vmem>>, vector<1x1x16xf32>,
      %swap3A_1168 = vector.shape_cast %swap3A_1167 : vector<1x1x16xf32> to vector<16xf32>
      %swap3A_1169 = vector.shape_cast %select_n3A_1160 : vector<16xf32> to vector<1x1x16xf32>
      tpu.vector_store %arg11[%swap3A_1164, %swap3A_1165, %swap3A_1166], %swap3A_1169 {strides = array<i32>} : memref<25x8x128xf32, #tpu.memory_space<vmem>>, vector<1x1x16xf32>,
      %select_n3A_1170 = arith.select %eq3A_1094, %get3A_651, %get3A_648 : vector<16xi1>, vector<16xf32>
      %select_n3A_1171 = arith.select %eq3A_1094, %get3A_645, %get3A_642 : vector<16xi1>, vector<16xf32>
      %select_n3A_1172 = arith.select %ge3A_1097, %select_n3A_1170, %select_n3A_1171 : vector<16xi1>, vector<16xf32>
      %add3A_1173 = arith.constant 1 : i32
      %add3A_1174 = arith.addi %mul3A_1079, %add3A_1173 : i32
      %swap3A_1175 = arith.constant 16 : i32
      %swap3A_1176 = arith.index_cast %swap3A_1175 : i32 to index
      %swap3A_1177 = arith.index_cast %add3A_1174 : i32 to index
      %swap3A_1178 = arith.index_cast %mul3A_1083 : i32 to index
      %swap3A_1179 = tpu.vector_load %arg11[%swap3A_1176, %swap3A_1177, %swap3A_1178] {strides = array<i32>} : memref<25x8x128xf32, #tpu.memory_space<vmem>>, vector<1x1x16xf32>,
      %swap3A_1180 = vector.shape_cast %swap3A_1179 : vector<1x1x16xf32> to vector<16xf32>
      %swap3A_1181 = vector.shape_cast %select_n3A_1172 : vector<16xf32> to vector<1x1x16xf32>
      tpu.vector_store %arg11[%swap3A_1176, %swap3A_1177, %swap3A_1178], %swap3A_1181 {strides = array<i32>} : memref<25x8x128xf32, #tpu.memory_space<vmem>>, vector<1x1x16xf32>,
      %select_n3A_1182 = arith.select %eq3A_1094, %get3A_663, %get3A_660 : vector<16xi1>, vector<16xf32>
      %select_n3A_1183 = arith.select %eq3A_1094, %get3A_657, %get3A_654 : vector<16xi1>, vector<16xf32>
      %select_n3A_1184 = arith.select %ge3A_1097, %select_n3A_1182, %select_n3A_1183 : vector<16xi1>, vector<16xf32>
      %add3A_1185 = arith.constant 1 : i32
      %add3A_1186 = arith.addi %mul3A_1079, %add3A_1185 : i32
      %swap3A_1187 = arith.constant 17 : i32
      %swap3A_1188 = arith.index_cast %swap3A_1187 : i32 to index
      %swap3A_1189 = arith.index_cast %add3A_1186 : i32 to index
      %swap3A_1190 = arith.index_cast %mul3A_1083 : i32 to index
      %swap3A_1191 = tpu.vector_load %arg11[%swap3A_1188, %swap3A_1189, %swap3A_1190] {strides = array<i32>} : memref<25x8x128xf32, #tpu.memory_space<vmem>>, vector<1x1x16xf32>,
      %swap3A_1192 = vector.shape_cast %swap3A_1191 : vector<1x1x16xf32> to vector<16xf32>
      %swap3A_1193 = vector.shape_cast %select_n3A_1184 : vector<16xf32> to vector<1x1x16xf32>
      tpu.vector_store %arg11[%swap3A_1188, %swap3A_1189, %swap3A_1190], %swap3A_1193 {strides = array<i32>} : memref<25x8x128xf32, #tpu.memory_space<vmem>>, vector<1x1x16xf32>,
      %select_n3A_1194 = arith.select %eq3A_1094, %get3A_675, %get3A_672 : vector<16xi1>, vector<16xf32>
      %select_n3A_1195 = arith.select %eq3A_1094, %get3A_669, %get3A_666 : vector<16xi1>, vector<16xf32>
      %select_n3A_1196 = arith.select %ge3A_1097, %select_n3A_1194, %select_n3A_1195 : vector<16xi1>, vector<16xf32>
      %add3A_1197 = arith.constant 1 : i32
      %add3A_1198 = arith.addi %mul3A_1079, %add3A_1197 : i32
      %swap3A_1199 = arith.constant 18 : i32
      %swap3A_1200 = arith.index_cast %swap3A_1199 : i32 to index
      %swap3A_1201 = arith.index_cast %add3A_1198 : i32 to index
      %swap3A_1202 = arith.index_cast %mul3A_1083 : i32 to index
      %swap3A_1203 = tpu.vector_load %arg11[%swap3A_1200, %swap3A_1201, %swap3A_1202] {strides = array<i32>} : memref<25x8x128xf32, #tpu.memory_space<vmem>>, vector<1x1x16xf32>,
      %swap3A_1204 = vector.shape_cast %swap3A_1203 : vector<1x1x16xf32> to vector<16xf32>
      %swap3A_1205 = vector.shape_cast %select_n3A_1196 : vector<16xf32> to vector<1x1x16xf32>
      tpu.vector_store %arg11[%swap3A_1200, %swap3A_1201, %swap3A_1202], %swap3A_1205 {strides = array<i32>} : memref<25x8x128xf32, #tpu.memory_space<vmem>>, vector<1x1x16xf32>,
      %select_n3A_1206 = arith.select %eq3A_1094, %get3A_687, %get3A_684 : vector<16xi1>, vector<16xf32>
      %select_n3A_1207 = arith.select %eq3A_1094, %get3A_681, %get3A_678 : vector<16xi1>, vector<16xf32>
      %select_n3A_1208 = arith.select %ge3A_1097, %select_n3A_1206, %select_n3A_1207 : vector<16xi1>, vector<16xf32>
      %add3A_1209 = arith.constant 1 : i32
      %add3A_1210 = arith.addi %mul3A_1079, %add3A_1209 : i32
      %swap3A_1211 = arith.constant 19 : i32
      %swap3A_1212 = arith.index_cast %swap3A_1211 : i32 to index
      %swap3A_1213 = arith.index_cast %add3A_1210 : i32 to index
      %swap3A_1214 = arith.index_cast %mul3A_1083 : i32 to index
      %swap3A_1215 = tpu.vector_load %arg11[%swap3A_1212, %swap3A_1213, %swap3A_1214] {strides = array<i32>} : memref<25x8x128xf32, #tpu.memory_space<vmem>>, vector<1x1x16xf32>,
      %swap3A_1216 = vector.shape_cast %swap3A_1215 : vector<1x1x16xf32> to vector<16xf32>
      %swap3A_1217 = vector.shape_cast %select_n3A_1208 : vector<16xf32> to vector<1x1x16xf32>
      tpu.vector_store %arg11[%swap3A_1212, %swap3A_1213, %swap3A_1214], %swap3A_1217 {strides = array<i32>} : memref<25x8x128xf32, #tpu.memory_space<vmem>>, vector<1x1x16xf32>,
    }
    %scan3A_693 = arith.constant 16 : i32
    %mul3A_694 = arith.constant 2 : i32
    %mul3A_695 = arith.muli %add3A, %mul3A_694 : i32
    %mul3A_696 = arith.constant 4 : i32
    %mul3A_697 = arith.muli %mul3A_695, %mul3A_696 : i32
    %dma_start3A_698 = arith.constant 15 : i32
    %dma_start3A_699 = arith.constant 0 : i32
    %dma_start3A_700 = arith.constant 0 : i32
    %dma_start3A_701 = tpu.memref_slice %arg11[%dma_start3A_698, %dma_start3A_699, %dma_start3A_700] : memref<25x8x128xf32, #tpu.memory_space<vmem>> -> memref<5x8x128xf32, #tpu.memory_space<vmem>>
    %dma_start3A_702 = arith.constant 15 : i32
    %dma_start3A_703 = arith.constant 0 : i32
    %dma_start3A_704 = tpu.memref_slice %arg6[%dma_start3A_702, %mul3A_697, %dma_start3A_703] : memref<25x256x128xf32, #tpu.memory_space<hbm>> -> memref<5x8x128xf32, #tpu.memory_space<hbm>>
    %dma_start3A_705 = arith.constant 15 : i32
    %dma_start3A_706 = arith.constant 0 : i32
    %dma_start3A_707 = tpu.memref_slice %arg6[%dma_start3A_705, %mul3A_697, %dma_start3A_706] : memref<25x256x128xf32, #tpu.memory_space<hbm>> -> memref<5x8x128xf32, #tpu.memory_space<hbm>>
    %dma_start3A_708 = arith.constant 15 : i32
    %dma_start3A_709 = arith.constant 0 : i32
    %dma_start3A_710 = arith.constant 0 : i32
    %dma_start3A_711 = tpu.memref_slice %arg11[%dma_start3A_708, %dma_start3A_709, %dma_start3A_710] : memref<25x8x128xf32, #tpu.memory_space<vmem>> -> memref<5x8x128xf32, #tpu.memory_space<vmem>>
    tpu.enqueue_dma source(%dma_start3A_711 : memref<5x8x128xf32, #tpu.memory_space<vmem>>) target(%dma_start3A_707 : memref<5x8x128xf32, #tpu.memory_space<hbm>>) target_semaphore(%arg12 : memref<!tpu.dma_semaphore, #tpu.memory_space<semaphore_mem>>)
    %get3A_712 = arith.constant 320 : index
    %get3A_713 = tpu.vector_load %arg9[%get3A_712] {strides = array<i32>} : memref<3200xf32, #tpu.memory_space<vmem>>, vector<16xf32>,
    %get3A_714 = vector.shape_cast %get3A_713 : vector<16xf32> to vector<16xf32>
    %get3A_715 = arith.constant 1120 : index
    %get3A_716 = tpu.vector_load %arg9[%get3A_715] {strides = array<i32>} : memref<3200xf32, #tpu.memory_space<vmem>>, vector<16xf32>,
    %get3A_717 = vector.shape_cast %get3A_716 : vector<16xf32> to vector<16xf32>
    %get3A_718 = arith.constant 1920 : index
    %get3A_719 = tpu.vector_load %arg9[%get3A_718] {strides = array<i32>} : memref<3200xf32, #tpu.memory_space<vmem>>, vector<16xf32>,
    %get3A_720 = vector.shape_cast %get3A_719 : vector<16xf32> to vector<16xf32>
    %get3A_721 = arith.constant 2720 : index
    %get3A_722 = tpu.vector_load %arg9[%get3A_721] {strides = array<i32>} : memref<3200xf32, #tpu.memory_space<vmem>>, vector<16xf32>,
    %get3A_723 = vector.shape_cast %get3A_722 : vector<16xf32> to vector<16xf32>
    %get3A_724 = arith.constant 336 : index
    %get3A_725 = tpu.vector_load %arg9[%get3A_724] {strides = array<i32>} : memref<3200xf32, #tpu.memory_space<vmem>>, vector<16xf32>,
    %get3A_726 = vector.shape_cast %get3A_725 : vector<16xf32> to vector<16xf32>
    %get3A_727 = arith.constant 1136 : index
    %get3A_728 = tpu.vector_load %arg9[%get3A_727] {strides = array<i32>} : memref<3200xf32, #tpu.memory_space<vmem>>, vector<16xf32>,
    %get3A_729 = vector.shape_cast %get3A_728 : vector<16xf32> to vector<16xf32>
    %get3A_730 = arith.constant 1936 : index
    %get3A_731 = tpu.vector_load %arg9[%get3A_730] {strides = array<i32>} : memref<3200xf32, #tpu.memory_space<vmem>>, vector<16xf32>,
    %get3A_732 = vector.shape_cast %get3A_731 : vector<16xf32> to vector<16xf32>
    %get3A_733 = arith.constant 2736 : index
    %get3A_734 = tpu.vector_load %arg9[%get3A_733] {strides = array<i32>} : memref<3200xf32, #tpu.memory_space<vmem>>, vector<16xf32>,
    %get3A_735 = vector.shape_cast %get3A_734 : vector<16xf32> to vector<16xf32>
    %get3A_736 = arith.constant 352 : index
    %get3A_737 = tpu.vector_load %arg9[%get3A_736] {strides = array<i32>} : memref<3200xf32, #tpu.memory_space<vmem>>, vector<16xf32>,
    %get3A_738 = vector.shape_cast %get3A_737 : vector<16xf32> to vector<16xf32>
    %get3A_739 = arith.constant 1152 : index
    %get3A_740 = tpu.vector_load %arg9[%get3A_739] {strides = array<i32>} : memref<3200xf32, #tpu.memory_space<vmem>>, vector<16xf32>,
    %get3A_741 = vector.shape_cast %get3A_740 : vector<16xf32> to vector<16xf32>
    %get3A_742 = arith.constant 1952 : index
    %get3A_743 = tpu.vector_load %arg9[%get3A_742] {strides = array<i32>} : memref<3200xf32, #tpu.memory_space<vmem>>, vector<16xf32>,
    %get3A_744 = vector.shape_cast %get3A_743 : vector<16xf32> to vector<16xf32>
    %get3A_745 = arith.constant 2752 : index
    %get3A_746 = tpu.vector_load %arg9[%get3A_745] {strides = array<i32>} : memref<3200xf32, #tpu.memory_space<vmem>>, vector<16xf32>,
    %get3A_747 = vector.shape_cast %get3A_746 : vector<16xf32> to vector<16xf32>
    %get3A_748 = arith.constant 368 : index
    %get3A_749 = tpu.vector_load %arg9[%get3A_748] {strides = array<i32>} : memref<3200xf32, #tpu.memory_space<vmem>>, vector<16xf32>,
    %get3A_750 = vector.shape_cast %get3A_749 : vector<16xf32> to vector<16xf32>
    %get3A_751 = arith.constant 1168 : index
    %get3A_752 = tpu.vector_load %arg9[%get3A_751] {strides = array<i32>} : memref<3200xf32, #tpu.memory_space<vmem>>, vector<16xf32>,
    %get3A_753 = vector.shape_cast %get3A_752 : vector<16xf32> to vector<16xf32>
    %get3A_754 = arith.constant 1968 : index
    %get3A_755 = tpu.vector_load %arg9[%get3A_754] {strides = array<i32>} : memref<3200xf32, #tpu.memory_space<vmem>>, vector<16xf32>,
    %get3A_756 = vector.shape_cast %get3A_755 : vector<16xf32> to vector<16xf32>
    %get3A_757 = arith.constant 2768 : index
    %get3A_758 = tpu.vector_load %arg9[%get3A_757] {strides = array<i32>} : memref<3200xf32, #tpu.memory_space<vmem>>, vector<16xf32>,
    %get3A_759 = vector.shape_cast %get3A_758 : vector<16xf32> to vector<16xf32>
    %get3A_760 = arith.constant 384 : index
    %get3A_761 = tpu.vector_load %arg9[%get3A_760] {strides = array<i32>} : memref<3200xf32, #tpu.memory_space<vmem>>, vector<16xf32>,
    %get3A_762 = vector.shape_cast %get3A_761 : vector<16xf32> to vector<16xf32>
    %get3A_763 = arith.constant 1184 : index
    %get3A_764 = tpu.vector_load %arg9[%get3A_763] {strides = array<i32>} : memref<3200xf32, #tpu.memory_space<vmem>>, vector<16xf32>,
    %get3A_765 = vector.shape_cast %get3A_764 : vector<16xf32> to vector<16xf32>
    %get3A_766 = arith.constant 1984 : index
    %get3A_767 = tpu.vector_load %arg9[%get3A_766] {strides = array<i32>} : memref<3200xf32, #tpu.memory_space<vmem>>, vector<16xf32>,
    %get3A_768 = vector.shape_cast %get3A_767 : vector<16xf32> to vector<16xf32>
    %get3A_769 = arith.constant 2784 : index
    %get3A_770 = tpu.vector_load %arg9[%get3A_769] {strides = array<i32>} : memref<3200xf32, #tpu.memory_space<vmem>>, vector<16xf32>,
    %get3A_771 = vector.shape_cast %get3A_770 : vector<16xf32> to vector<16xf32>
    %get3A_772 = arith.constant 720 : index
    %get3A_773 = tpu.vector_load %arg9[%get3A_772] {strides = array<i32>} : memref<3200xf32, #tpu.memory_space<vmem>>, vector<16xf32>,
    %get3A_774 = vector.shape_cast %get3A_773 : vector<16xf32> to vector<16xf32>
    %get3A_775 = arith.constant 1520 : index
    %get3A_776 = tpu.vector_load %arg9[%get3A_775] {strides = array<i32>} : memref<3200xf32, #tpu.memory_space<vmem>>, vector<16xf32>,
    %get3A_777 = vector.shape_cast %get3A_776 : vector<16xf32> to vector<16xf32>
    %get3A_778 = arith.constant 2320 : index
    %get3A_779 = tpu.vector_load %arg9[%get3A_778] {strides = array<i32>} : memref<3200xf32, #tpu.memory_space<vmem>>, vector<16xf32>,
    %get3A_780 = vector.shape_cast %get3A_779 : vector<16xf32> to vector<16xf32>
    %get3A_781 = arith.constant 3120 : index
    %get3A_782 = tpu.vector_load %arg9[%get3A_781] {strides = array<i32>} : memref<3200xf32, #tpu.memory_space<vmem>>, vector<16xf32>,
    %get3A_783 = vector.shape_cast %get3A_782 : vector<16xf32> to vector<16xf32>
    %get3A_784 = arith.constant 736 : index
    %get3A_785 = tpu.vector_load %arg9[%get3A_784] {strides = array<i32>} : memref<3200xf32, #tpu.memory_space<vmem>>, vector<16xf32>,
    %get3A_786 = vector.shape_cast %get3A_785 : vector<16xf32> to vector<16xf32>
    %get3A_787 = arith.constant 1536 : index
    %get3A_788 = tpu.vector_load %arg9[%get3A_787] {strides = array<i32>} : memref<3200xf32, #tpu.memory_space<vmem>>, vector<16xf32>,
    %get3A_789 = vector.shape_cast %get3A_788 : vector<16xf32> to vector<16xf32>
    %get3A_790 = arith.constant 2336 : index
    %get3A_791 = tpu.vector_load %arg9[%get3A_790] {strides = array<i32>} : memref<3200xf32, #tpu.memory_space<vmem>>, vector<16xf32>,
    %get3A_792 = vector.shape_cast %get3A_791 : vector<16xf32> to vector<16xf32>
    %get3A_793 = arith.constant 3136 : index
    %get3A_794 = tpu.vector_load %arg9[%get3A_793] {strides = array<i32>} : memref<3200xf32, #tpu.memory_space<vmem>>, vector<16xf32>,
    %get3A_795 = vector.shape_cast %get3A_794 : vector<16xf32> to vector<16xf32>
    %get3A_796 = arith.constant 752 : index
    %get3A_797 = tpu.vector_load %arg9[%get3A_796] {strides = array<i32>} : memref<3200xf32, #tpu.memory_space<vmem>>, vector<16xf32>,
    %get3A_798 = vector.shape_cast %get3A_797 : vector<16xf32> to vector<16xf32>
    %get3A_799 = arith.constant 1552 : index
    %get3A_800 = tpu.vector_load %arg9[%get3A_799] {strides = array<i32>} : memref<3200xf32, #tpu.memory_space<vmem>>, vector<16xf32>,
    %get3A_801 = vector.shape_cast %get3A_800 : vector<16xf32> to vector<16xf32>
    %get3A_802 = arith.constant 2352 : index
    %get3A_803 = tpu.vector_load %arg9[%get3A_802] {strides = array<i32>} : memref<3200xf32, #tpu.memory_space<vmem>>, vector<16xf32>,
    %get3A_804 = vector.shape_cast %get3A_803 : vector<16xf32> to vector<16xf32>
    %get3A_805 = arith.constant 3152 : index
    %get3A_806 = tpu.vector_load %arg9[%get3A_805] {strides = array<i32>} : memref<3200xf32, #tpu.memory_space<vmem>>, vector<16xf32>,
    %get3A_807 = vector.shape_cast %get3A_806 : vector<16xf32> to vector<16xf32>
    %get3A_808 = arith.constant 768 : index
    %get3A_809 = tpu.vector_load %arg9[%get3A_808] {strides = array<i32>} : memref<3200xf32, #tpu.memory_space<vmem>>, vector<16xf32>,
    %get3A_810 = vector.shape_cast %get3A_809 : vector<16xf32> to vector<16xf32>
    %get3A_811 = arith.constant 1568 : index
    %get3A_812 = tpu.vector_load %arg9[%get3A_811] {strides = array<i32>} : memref<3200xf32, #tpu.memory_space<vmem>>, vector<16xf32>,
    %get3A_813 = vector.shape_cast %get3A_812 : vector<16xf32> to vector<16xf32>
    %get3A_814 = arith.constant 2368 : index
    %get3A_815 = tpu.vector_load %arg9[%get3A_814] {strides = array<i32>} : memref<3200xf32, #tpu.memory_space<vmem>>, vector<16xf32>,
    %get3A_816 = vector.shape_cast %get3A_815 : vector<16xf32> to vector<16xf32>
    %get3A_817 = arith.constant 3168 : index
    %get3A_818 = tpu.vector_load %arg9[%get3A_817] {strides = array<i32>} : memref<3200xf32, #tpu.memory_space<vmem>>, vector<16xf32>,
    %get3A_819 = vector.shape_cast %get3A_818 : vector<16xf32> to vector<16xf32>
    %get3A_820 = arith.constant 784 : index
    %get3A_821 = tpu.vector_load %arg9[%get3A_820] {strides = array<i32>} : memref<3200xf32, #tpu.memory_space<vmem>>, vector<16xf32>,
    %get3A_822 = vector.shape_cast %get3A_821 : vector<16xf32> to vector<16xf32>
    %get3A_823 = arith.constant 1584 : index
    %get3A_824 = tpu.vector_load %arg9[%get3A_823] {strides = array<i32>} : memref<3200xf32, #tpu.memory_space<vmem>>, vector<16xf32>,
    %get3A_825 = vector.shape_cast %get3A_824 : vector<16xf32> to vector<16xf32>
    %get3A_826 = arith.constant 2384 : index
    %get3A_827 = tpu.vector_load %arg9[%get3A_826] {strides = array<i32>} : memref<3200xf32, #tpu.memory_space<vmem>>, vector<16xf32>,
    %get3A_828 = vector.shape_cast %get3A_827 : vector<16xf32> to vector<16xf32>
    %get3A_829 = arith.constant 3184 : index
    %get3A_830 = tpu.vector_load %arg9[%get3A_829] {strides = array<i32>} : memref<3200xf32, #tpu.memory_space<vmem>>, vector<16xf32>,
    %get3A_831 = vector.shape_cast %get3A_830 : vector<16xf32> to vector<16xf32>
    %scan3A_832 = arith.constant 0 : i32
    %scan3A_833 = arith.constant 0 : i32
    %scan3A_834 = arith.constant 16 : i32
    %scan3A_835 = arith.addi %scan3A_833, %scan3A_834 : i32
    %scan3A_836 = arith.constant 1 : i32
    scf.for %scan3A_931 = %scan3A_833 to %scan3A_835 step %scan3A_836  : i32 {
      %mul3A_932 = arith.constant 2 : i32
      %mul3A_933 = arith.muli %scan3A_931, %mul3A_932 : i32
      %add3A_934 = arith.constant 0 : i32
      %add3A_935 = arith.addi %mul3A_933, %add3A_934 : i32
      %shift_right_arithmetic3A = arith.constant 3 : i32
      %shift_right_arithmetic3A_936 = arith.shrsi %add3A_935, %shift_right_arithmetic3A : i32
      %mul3A_937 = arith.constant 2 : i32
      %mul3A_938 = arith.muli %shift_right_arithmetic3A_936, %mul3A_937 : i32
      %and3A = arith.constant 7 : i32
      %and3A_939 = arith.andi %add3A_935, %and3A : i32
      %mul3A_940 = arith.constant 16 : i32
      %mul3A_941 = arith.muli %and3A_939, %mul3A_940 : i32
      %mul3A_942 = arith.constant 16 : i32
      %mul3A_943 = arith.muli %add3A_935, %mul3A_942 : i32
      %get3A_944 = arith.index_cast %mul3A_943 : i32 to index
      %get3A_945 = tpu.vector_load %arg7[%get3A_944] {strides = array<i32>} : memref<512xi32, #tpu.memory_space<vmem>>, vector<16xi32>,
      %get3A_946 = vector.shape_cast %get3A_945 : vector<16xi32> to vector<16xi32>
      %and3A_947 = arith.constant 1 : i32
      %and3A_948 = vector.broadcast %and3A_947 : i32 to vector<16xi32>
      %and3A_949 = arith.andi %get3A_946, %and3A_948 : vector<16xi32>
      %eq3A = arith.constant 1 : i32
      %eq3A_950 = vector.broadcast %eq3A : i32 to vector<16xi32>
      %eq3A_951 = arith.cmpi eq, %and3A_949, %eq3A_950 : vector<16xi32>
      %ge3A = arith.constant 2 : i32
      %ge3A_952 = vector.broadcast %ge3A : i32 to vector<16xi32>
      %ge3A_953 = arith.cmpi sge, %get3A_946, %ge3A_952 : vector<16xi32>
      %select_n3A = arith.select %eq3A_951, %get3A_723, %get3A_720 : vector<16xi1>, vector<16xf32>
      %select_n3A_954 = arith.select %eq3A_951, %get3A_717, %get3A_714 : vector<16xi1>, vector<16xf32>
      %select_n3A_955 = arith.select %ge3A_953, %select_n3A, %select_n3A_954 : vector<16xi1>, vector<16xf32>
      %add3A_956 = arith.constant 0 : i32
      %add3A_957 = arith.addi %mul3A_938, %add3A_956 : i32
      %swap3A = arith.constant 20 : i32
      %swap3A_958 = arith.index_cast %swap3A : i32 to index
      %swap3A_959 = arith.index_cast %add3A_957 : i32 to index
      %swap3A_960 = arith.index_cast %mul3A_941 : i32 to index
      %swap3A_961 = tpu.vector_load %arg11[%swap3A_958, %swap3A_959, %swap3A_960] {strides = array<i32>} : memref<25x8x128xf32, #tpu.memory_space<vmem>>, vector<1x1x16xf32>,
      %swap3A_962 = vector.shape_cast %swap3A_961 : vector<1x1x16xf32> to vector<16xf32>
      %swap3A_963 = vector.shape_cast %select_n3A_955 : vector<16xf32> to vector<1x1x16xf32>
      tpu.vector_store %arg11[%swap3A_958, %swap3A_959, %swap3A_960], %swap3A_963 {strides = array<i32>} : memref<25x8x128xf32, #tpu.memory_space<vmem>>, vector<1x1x16xf32>,
      %select_n3A_964 = arith.select %eq3A_951, %get3A_735, %get3A_732 : vector<16xi1>, vector<16xf32>
      %select_n3A_965 = arith.select %eq3A_951, %get3A_729, %get3A_726 : vector<16xi1>, vector<16xf32>
      %select_n3A_966 = arith.select %ge3A_953, %select_n3A_964, %select_n3A_965 : vector<16xi1>, vector<16xf32>
      %add3A_967 = arith.constant 0 : i32
      %add3A_968 = arith.addi %mul3A_938, %add3A_967 : i32
      %swap3A_969 = arith.constant 21 : i32
      %swap3A_970 = arith.index_cast %swap3A_969 : i32 to index
      %swap3A_971 = arith.index_cast %add3A_968 : i32 to index
      %swap3A_972 = arith.index_cast %mul3A_941 : i32 to index
      %swap3A_973 = tpu.vector_load %arg11[%swap3A_970, %swap3A_971, %swap3A_972] {strides = array<i32>} : memref<25x8x128xf32, #tpu.memory_space<vmem>>, vector<1x1x16xf32>,
      %swap3A_974 = vector.shape_cast %swap3A_973 : vector<1x1x16xf32> to vector<16xf32>
      %swap3A_975 = vector.shape_cast %select_n3A_966 : vector<16xf32> to vector<1x1x16xf32>
      tpu.vector_store %arg11[%swap3A_970, %swap3A_971, %swap3A_972], %swap3A_975 {strides = array<i32>} : memref<25x8x128xf32, #tpu.memory_space<vmem>>, vector<1x1x16xf32>,
      %select_n3A_976 = arith.select %eq3A_951, %get3A_747, %get3A_744 : vector<16xi1>, vector<16xf32>
      %select_n3A_977 = arith.select %eq3A_951, %get3A_741, %get3A_738 : vector<16xi1>, vector<16xf32>
      %select_n3A_978 = arith.select %ge3A_953, %select_n3A_976, %select_n3A_977 : vector<16xi1>, vector<16xf32>
      %add3A_979 = arith.constant 0 : i32
      %add3A_980 = arith.addi %mul3A_938, %add3A_979 : i32
      %swap3A_981 = arith.constant 22 : i32
      %swap3A_982 = arith.index_cast %swap3A_981 : i32 to index
      %swap3A_983 = arith.index_cast %add3A_980 : i32 to index
      %swap3A_984 = arith.index_cast %mul3A_941 : i32 to index
      %swap3A_985 = tpu.vector_load %arg11[%swap3A_982, %swap3A_983, %swap3A_984] {strides = array<i32>} : memref<25x8x128xf32, #tpu.memory_space<vmem>>, vector<1x1x16xf32>,
      %swap3A_986 = vector.shape_cast %swap3A_985 : vector<1x1x16xf32> to vector<16xf32>
      %swap3A_987 = vector.shape_cast %select_n3A_978 : vector<16xf32> to vector<1x1x16xf32>
      tpu.vector_store %arg11[%swap3A_982, %swap3A_983, %swap3A_984], %swap3A_987 {strides = array<i32>} : memref<25x8x128xf32, #tpu.memory_space<vmem>>, vector<1x1x16xf32>,
      %select_n3A_988 = arith.select %eq3A_951, %get3A_759, %get3A_756 : vector<16xi1>, vector<16xf32>
      %select_n3A_989 = arith.select %eq3A_951, %get3A_753, %get3A_750 : vector<16xi1>, vector<16xf32>
      %select_n3A_990 = arith.select %ge3A_953, %select_n3A_988, %select_n3A_989 : vector<16xi1>, vector<16xf32>
      %add3A_991 = arith.constant 0 : i32
      %add3A_992 = arith.addi %mul3A_938, %add3A_991 : i32
      %swap3A_993 = arith.constant 23 : i32
      %swap3A_994 = arith.index_cast %swap3A_993 : i32 to index
      %swap3A_995 = arith.index_cast %add3A_992 : i32 to index
      %swap3A_996 = arith.index_cast %mul3A_941 : i32 to index
      %swap3A_997 = tpu.vector_load %arg11[%swap3A_994, %swap3A_995, %swap3A_996] {strides = array<i32>} : memref<25x8x128xf32, #tpu.memory_space<vmem>>, vector<1x1x16xf32>,
      %swap3A_998 = vector.shape_cast %swap3A_997 : vector<1x1x16xf32> to vector<16xf32>
      %swap3A_999 = vector.shape_cast %select_n3A_990 : vector<16xf32> to vector<1x1x16xf32>
      tpu.vector_store %arg11[%swap3A_994, %swap3A_995, %swap3A_996], %swap3A_999 {strides = array<i32>} : memref<25x8x128xf32, #tpu.memory_space<vmem>>, vector<1x1x16xf32>,
      %select_n3A_1000 = arith.select %eq3A_951, %get3A_771, %get3A_768 : vector<16xi1>, vector<16xf32>
      %select_n3A_1001 = arith.select %eq3A_951, %get3A_765, %get3A_762 : vector<16xi1>, vector<16xf32>
      %select_n3A_1002 = arith.select %ge3A_953, %select_n3A_1000, %select_n3A_1001 : vector<16xi1>, vector<16xf32>
      %add3A_1003 = arith.constant 0 : i32
      %add3A_1004 = arith.addi %mul3A_938, %add3A_1003 : i32
      %swap3A_1005 = arith.constant 24 : i32
      %swap3A_1006 = arith.index_cast %swap3A_1005 : i32 to index
      %swap3A_1007 = arith.index_cast %add3A_1004 : i32 to index
      %swap3A_1008 = arith.index_cast %mul3A_941 : i32 to index
      %swap3A_1009 = tpu.vector_load %arg11[%swap3A_1006, %swap3A_1007, %swap3A_1008] {strides = array<i32>} : memref<25x8x128xf32, #tpu.memory_space<vmem>>, vector<1x1x16xf32>,
      %swap3A_1010 = vector.shape_cast %swap3A_1009 : vector<1x1x16xf32> to vector<16xf32>
      %swap3A_1011 = vector.shape_cast %select_n3A_1002 : vector<16xf32> to vector<1x1x16xf32>
      tpu.vector_store %arg11[%swap3A_1006, %swap3A_1007, %swap3A_1008], %swap3A_1011 {strides = array<i32>} : memref<25x8x128xf32, #tpu.memory_space<vmem>>, vector<1x1x16xf32>,
      %select_n3A_1012 = arith.select %eq3A_951, %get3A_783, %get3A_780 : vector<16xi1>, vector<16xf32>
      %select_n3A_1013 = arith.select %eq3A_951, %get3A_777, %get3A_774 : vector<16xi1>, vector<16xf32>
      %select_n3A_1014 = arith.select %ge3A_953, %select_n3A_1012, %select_n3A_1013 : vector<16xi1>, vector<16xf32>
      %add3A_1015 = arith.constant 1 : i32
      %add3A_1016 = arith.addi %mul3A_938, %add3A_1015 : i32
      %swap3A_1017 = arith.constant 20 : i32
      %swap3A_1018 = arith.index_cast %swap3A_1017 : i32 to index
      %swap3A_1019 = arith.index_cast %add3A_1016 : i32 to index
      %swap3A_1020 = arith.index_cast %mul3A_941 : i32 to index
      %swap3A_1021 = tpu.vector_load %arg11[%swap3A_1018, %swap3A_1019, %swap3A_1020] {strides = array<i32>} : memref<25x8x128xf32, #tpu.memory_space<vmem>>, vector<1x1x16xf32>,
      %swap3A_1022 = vector.shape_cast %swap3A_1021 : vector<1x1x16xf32> to vector<16xf32>
      %swap3A_1023 = vector.shape_cast %select_n3A_1014 : vector<16xf32> to vector<1x1x16xf32>
      tpu.vector_store %arg11[%swap3A_1018, %swap3A_1019, %swap3A_1020], %swap3A_1023 {strides = array<i32>} : memref<25x8x128xf32, #tpu.memory_space<vmem>>, vector<1x1x16xf32>,
      %select_n3A_1024 = arith.select %eq3A_951, %get3A_795, %get3A_792 : vector<16xi1>, vector<16xf32>
      %select_n3A_1025 = arith.select %eq3A_951, %get3A_789, %get3A_786 : vector<16xi1>, vector<16xf32>
      %select_n3A_1026 = arith.select %ge3A_953, %select_n3A_1024, %select_n3A_1025 : vector<16xi1>, vector<16xf32>
      %add3A_1027 = arith.constant 1 : i32
      %add3A_1028 = arith.addi %mul3A_938, %add3A_1027 : i32
      %swap3A_1029 = arith.constant 21 : i32
      %swap3A_1030 = arith.index_cast %swap3A_1029 : i32 to index
      %swap3A_1031 = arith.index_cast %add3A_1028 : i32 to index
      %swap3A_1032 = arith.index_cast %mul3A_941 : i32 to index
      %swap3A_1033 = tpu.vector_load %arg11[%swap3A_1030, %swap3A_1031, %swap3A_1032] {strides = array<i32>} : memref<25x8x128xf32, #tpu.memory_space<vmem>>, vector<1x1x16xf32>,
      %swap3A_1034 = vector.shape_cast %swap3A_1033 : vector<1x1x16xf32> to vector<16xf32>
      %swap3A_1035 = vector.shape_cast %select_n3A_1026 : vector<16xf32> to vector<1x1x16xf32>
      tpu.vector_store %arg11[%swap3A_1030, %swap3A_1031, %swap3A_1032], %swap3A_1035 {strides = array<i32>} : memref<25x8x128xf32, #tpu.memory_space<vmem>>, vector<1x1x16xf32>,
      %select_n3A_1036 = arith.select %eq3A_951, %get3A_807, %get3A_804 : vector<16xi1>, vector<16xf32>
      %select_n3A_1037 = arith.select %eq3A_951, %get3A_801, %get3A_798 : vector<16xi1>, vector<16xf32>
      %select_n3A_1038 = arith.select %ge3A_953, %select_n3A_1036, %select_n3A_1037 : vector<16xi1>, vector<16xf32>
      %add3A_1039 = arith.constant 1 : i32
      %add3A_1040 = arith.addi %mul3A_938, %add3A_1039 : i32
      %swap3A_1041 = arith.constant 22 : i32
      %swap3A_1042 = arith.index_cast %swap3A_1041 : i32 to index
      %swap3A_1043 = arith.index_cast %add3A_1040 : i32 to index
      %swap3A_1044 = arith.index_cast %mul3A_941 : i32 to index
      %swap3A_1045 = tpu.vector_load %arg11[%swap3A_1042, %swap3A_1043, %swap3A_1044] {strides = array<i32>} : memref<25x8x128xf32, #tpu.memory_space<vmem>>, vector<1x1x16xf32>,
      %swap3A_1046 = vector.shape_cast %swap3A_1045 : vector<1x1x16xf32> to vector<16xf32>
      %swap3A_1047 = vector.shape_cast %select_n3A_1038 : vector<16xf32> to vector<1x1x16xf32>
      tpu.vector_store %arg11[%swap3A_1042, %swap3A_1043, %swap3A_1044], %swap3A_1047 {strides = array<i32>} : memref<25x8x128xf32, #tpu.memory_space<vmem>>, vector<1x1x16xf32>,
      %select_n3A_1048 = arith.select %eq3A_951, %get3A_819, %get3A_816 : vector<16xi1>, vector<16xf32>
      %select_n3A_1049 = arith.select %eq3A_951, %get3A_813, %get3A_810 : vector<16xi1>, vector<16xf32>
      %select_n3A_1050 = arith.select %ge3A_953, %select_n3A_1048, %select_n3A_1049 : vector<16xi1>, vector<16xf32>
      %add3A_1051 = arith.constant 1 : i32
      %add3A_1052 = arith.addi %mul3A_938, %add3A_1051 : i32
      %swap3A_1053 = arith.constant 23 : i32
      %swap3A_1054 = arith.index_cast %swap3A_1053 : i32 to index
      %swap3A_1055 = arith.index_cast %add3A_1052 : i32 to index
      %swap3A_1056 = arith.index_cast %mul3A_941 : i32 to index
      %swap3A_1057 = tpu.vector_load %arg11[%swap3A_1054, %swap3A_1055, %swap3A_1056] {strides = array<i32>} : memref<25x8x128xf32, #tpu.memory_space<vmem>>, vector<1x1x16xf32>,
      %swap3A_1058 = vector.shape_cast %swap3A_1057 : vector<1x1x16xf32> to vector<16xf32>
      %swap3A_1059 = vector.shape_cast %select_n3A_1050 : vector<16xf32> to vector<1x1x16xf32>
      tpu.vector_store %arg11[%swap3A_1054, %swap3A_1055, %swap3A_1056], %swap3A_1059 {strides = array<i32>} : memref<25x8x128xf32, #tpu.memory_space<vmem>>, vector<1x1x16xf32>,
      %select_n3A_1060 = arith.select %eq3A_951, %get3A_831, %get3A_828 : vector<16xi1>, vector<16xf32>
      %select_n3A_1061 = arith.select %eq3A_951, %get3A_825, %get3A_822 : vector<16xi1>, vector<16xf32>
      %select_n3A_1062 = arith.select %ge3A_953, %select_n3A_1060, %select_n3A_1061 : vector<16xi1>, vector<16xf32>
      %add3A_1063 = arith.constant 1 : i32
      %add3A_1064 = arith.addi %mul3A_938, %add3A_1063 : i32
      %swap3A_1065 = arith.constant 24 : i32
      %swap3A_1066 = arith.index_cast %swap3A_1065 : i32 to index
      %swap3A_1067 = arith.index_cast %add3A_1064 : i32 to index
      %swap3A_1068 = arith.index_cast %mul3A_941 : i32 to index
      %swap3A_1069 = tpu.vector_load %arg11[%swap3A_1066, %swap3A_1067, %swap3A_1068] {strides = array<i32>} : memref<25x8x128xf32, #tpu.memory_space<vmem>>, vector<1x1x16xf32>,
      %swap3A_1070 = vector.shape_cast %swap3A_1069 : vector<1x1x16xf32> to vector<16xf32>
      %swap3A_1071 = vector.shape_cast %select_n3A_1062 : vector<16xf32> to vector<1x1x16xf32>
      tpu.vector_store %arg11[%swap3A_1066, %swap3A_1067, %swap3A_1068], %swap3A_1071 {strides = array<i32>} : memref<25x8x128xf32, #tpu.memory_space<vmem>>, vector<1x1x16xf32>,
      %mul3A_1072 = arith.constant 2 : i32
      %mul3A_1073 = arith.muli %scan3A_931, %mul3A_1072 : i32
      %add3A_1074 = arith.constant 1 : i32
      %add3A_1075 = arith.addi %mul3A_1073, %add3A_1074 : i32
      %shift_right_arithmetic3A_1076 = arith.constant 3 : i32
      %shift_right_arithmetic3A_1077 = arith.shrsi %add3A_1075, %shift_right_arithmetic3A_1076 : i32
      %mul3A_1078 = arith.constant 2 : i32
      %mul3A_1079 = arith.muli %shift_right_arithmetic3A_1077, %mul3A_1078 : i32
      %and3A_1080 = arith.constant 7 : i32
      %and3A_1081 = arith.andi %add3A_1075, %and3A_1080 : i32
      %mul3A_1082 = arith.constant 16 : i32
      %mul3A_1083 = arith.muli %and3A_1081, %mul3A_1082 : i32
      %mul3A_1084 = arith.constant 16 : i32
      %mul3A_1085 = arith.muli %add3A_1075, %mul3A_1084 : i32
      %get3A_1086 = arith.index_cast %mul3A_1085 : i32 to index
      %get3A_1087 = tpu.vector_load %arg7[%get3A_1086] {strides = array<i32>} : memref<512xi32, #tpu.memory_space<vmem>>, vector<16xi32>,
      %get3A_1088 = vector.shape_cast %get3A_1087 : vector<16xi32> to vector<16xi32>
      %and3A_1089 = arith.constant 1 : i32
      %and3A_1090 = vector.broadcast %and3A_1089 : i32 to vector<16xi32>
      %and3A_1091 = arith.andi %get3A_1088, %and3A_1090 : vector<16xi32>
      %eq3A_1092 = arith.constant 1 : i32
      %eq3A_1093 = vector.broadcast %eq3A_1092 : i32 to vector<16xi32>
      %eq3A_1094 = arith.cmpi eq, %and3A_1091, %eq3A_1093 : vector<16xi32>
      %ge3A_1095 = arith.constant 2 : i32
      %ge3A_1096 = vector.broadcast %ge3A_1095 : i32 to vector<16xi32>
      %ge3A_1097 = arith.cmpi sge, %get3A_1088, %ge3A_1096 : vector<16xi32>
      %select_n3A_1098 = arith.select %eq3A_1094, %get3A_723, %get3A_720 : vector<16xi1>, vector<16xf32>
      %select_n3A_1099 = arith.select %eq3A_1094, %get3A_717, %get3A_714 : vector<16xi1>, vector<16xf32>
      %select_n3A_1100 = arith.select %ge3A_1097, %select_n3A_1098, %select_n3A_1099 : vector<16xi1>, vector<16xf32>
      %add3A_1101 = arith.constant 0 : i32
      %add3A_1102 = arith.addi %mul3A_1079, %add3A_1101 : i32
      %swap3A_1103 = arith.constant 20 : i32
      %swap3A_1104 = arith.index_cast %swap3A_1103 : i32 to index
      %swap3A_1105 = arith.index_cast %add3A_1102 : i32 to index
      %swap3A_1106 = arith.index_cast %mul3A_1083 : i32 to index
      %swap3A_1107 = tpu.vector_load %arg11[%swap3A_1104, %swap3A_1105, %swap3A_1106] {strides = array<i32>} : memref<25x8x128xf32, #tpu.memory_space<vmem>>, vector<1x1x16xf32>,
      %swap3A_1108 = vector.shape_cast %swap3A_1107 : vector<1x1x16xf32> to vector<16xf32>
      %swap3A_1109 = vector.shape_cast %select_n3A_1100 : vector<16xf32> to vector<1x1x16xf32>
      tpu.vector_store %arg11[%swap3A_1104, %swap3A_1105, %swap3A_1106], %swap3A_1109 {strides = array<i32>} : memref<25x8x128xf32, #tpu.memory_space<vmem>>, vector<1x1x16xf32>,
      %select_n3A_1110 = arith.select %eq3A_1094, %get3A_735, %get3A_732 : vector<16xi1>, vector<16xf32>
      %select_n3A_1111 = arith.select %eq3A_1094, %get3A_729, %get3A_726 : vector<16xi1>, vector<16xf32>
      %select_n3A_1112 = arith.select %ge3A_1097, %select_n3A_1110, %select_n3A_1111 : vector<16xi1>, vector<16xf32>
      %add3A_1113 = arith.constant 0 : i32
      %add3A_1114 = arith.addi %mul3A_1079, %add3A_1113 : i32
      %swap3A_1115 = arith.constant 21 : i32
      %swap3A_1116 = arith.index_cast %swap3A_1115 : i32 to index
      %swap3A_1117 = arith.index_cast %add3A_1114 : i32 to index
      %swap3A_1118 = arith.index_cast %mul3A_1083 : i32 to index
      %swap3A_1119 = tpu.vector_load %arg11[%swap3A_1116, %swap3A_1117, %swap3A_1118] {strides = array<i32>} : memref<25x8x128xf32, #tpu.memory_space<vmem>>, vector<1x1x16xf32>,
      %swap3A_1120 = vector.shape_cast %swap3A_1119 : vector<1x1x16xf32> to vector<16xf32>
      %swap3A_1121 = vector.shape_cast %select_n3A_1112 : vector<16xf32> to vector<1x1x16xf32>
      tpu.vector_store %arg11[%swap3A_1116, %swap3A_1117, %swap3A_1118], %swap3A_1121 {strides = array<i32>} : memref<25x8x128xf32, #tpu.memory_space<vmem>>, vector<1x1x16xf32>,
      %select_n3A_1122 = arith.select %eq3A_1094, %get3A_747, %get3A_744 : vector<16xi1>, vector<16xf32>
      %select_n3A_1123 = arith.select %eq3A_1094, %get3A_741, %get3A_738 : vector<16xi1>, vector<16xf32>
      %select_n3A_1124 = arith.select %ge3A_1097, %select_n3A_1122, %select_n3A_1123 : vector<16xi1>, vector<16xf32>
      %add3A_1125 = arith.constant 0 : i32
      %add3A_1126 = arith.addi %mul3A_1079, %add3A_1125 : i32
      %swap3A_1127 = arith.constant 22 : i32
      %swap3A_1128 = arith.index_cast %swap3A_1127 : i32 to index
      %swap3A_1129 = arith.index_cast %add3A_1126 : i32 to index
      %swap3A_1130 = arith.index_cast %mul3A_1083 : i32 to index
      %swap3A_1131 = tpu.vector_load %arg11[%swap3A_1128, %swap3A_1129, %swap3A_1130] {strides = array<i32>} : memref<25x8x128xf32, #tpu.memory_space<vmem>>, vector<1x1x16xf32>,
      %swap3A_1132 = vector.shape_cast %swap3A_1131 : vector<1x1x16xf32> to vector<16xf32>
      %swap3A_1133 = vector.shape_cast %select_n3A_1124 : vector<16xf32> to vector<1x1x16xf32>
      tpu.vector_store %arg11[%swap3A_1128, %swap3A_1129, %swap3A_1130], %swap3A_1133 {strides = array<i32>} : memref<25x8x128xf32, #tpu.memory_space<vmem>>, vector<1x1x16xf32>,
      %select_n3A_1134 = arith.select %eq3A_1094, %get3A_759, %get3A_756 : vector<16xi1>, vector<16xf32>
      %select_n3A_1135 = arith.select %eq3A_1094, %get3A_753, %get3A_750 : vector<16xi1>, vector<16xf32>
      %select_n3A_1136 = arith.select %ge3A_1097, %select_n3A_1134, %select_n3A_1135 : vector<16xi1>, vector<16xf32>
      %add3A_1137 = arith.constant 0 : i32
      %add3A_1138 = arith.addi %mul3A_1079, %add3A_1137 : i32
      %swap3A_1139 = arith.constant 23 : i32
      %swap3A_1140 = arith.index_cast %swap3A_1139 : i32 to index
      %swap3A_1141 = arith.index_cast %add3A_1138 : i32 to index
      %swap3A_1142 = arith.index_cast %mul3A_1083 : i32 to index
      %swap3A_1143 = tpu.vector_load %arg11[%swap3A_1140, %swap3A_1141, %swap3A_1142] {strides = array<i32>} : memref<25x8x128xf32, #tpu.memory_space<vmem>>, vector<1x1x16xf32>,
      %swap3A_1144 = vector.shape_cast %swap3A_1143 : vector<1x1x16xf32> to vector<16xf32>
      %swap3A_1145 = vector.shape_cast %select_n3A_1136 : vector<16xf32> to vector<1x1x16xf32>
      tpu.vector_store %arg11[%swap3A_1140, %swap3A_1141, %swap3A_1142], %swap3A_1145 {strides = array<i32>} : memref<25x8x128xf32, #tpu.memory_space<vmem>>, vector<1x1x16xf32>,
      %select_n3A_1146 = arith.select %eq3A_1094, %get3A_771, %get3A_768 : vector<16xi1>, vector<16xf32>
      %select_n3A_1147 = arith.select %eq3A_1094, %get3A_765, %get3A_762 : vector<16xi1>, vector<16xf32>
      %select_n3A_1148 = arith.select %ge3A_1097, %select_n3A_1146, %select_n3A_1147 : vector<16xi1>, vector<16xf32>
      %add3A_1149 = arith.constant 0 : i32
      %add3A_1150 = arith.addi %mul3A_1079, %add3A_1149 : i32
      %swap3A_1151 = arith.constant 24 : i32
      %swap3A_1152 = arith.index_cast %swap3A_1151 : i32 to index
      %swap3A_1153 = arith.index_cast %add3A_1150 : i32 to index
      %swap3A_1154 = arith.index_cast %mul3A_1083 : i32 to index
      %swap3A_1155 = tpu.vector_load %arg11[%swap3A_1152, %swap3A_1153, %swap3A_1154] {strides = array<i32>} : memref<25x8x128xf32, #tpu.memory_space<vmem>>, vector<1x1x16xf32>,
      %swap3A_1156 = vector.shape_cast %swap3A_1155 : vector<1x1x16xf32> to vector<16xf32>
      %swap3A_1157 = vector.shape_cast %select_n3A_1148 : vector<16xf32> to vector<1x1x16xf32>
      tpu.vector_store %arg11[%swap3A_1152, %swap3A_1153, %swap3A_1154], %swap3A_1157 {strides = array<i32>} : memref<25x8x128xf32, #tpu.memory_space<vmem>>, vector<1x1x16xf32>,
      %select_n3A_1158 = arith.select %eq3A_1094, %get3A_783, %get3A_780 : vector<16xi1>, vector<16xf32>
      %select_n3A_1159 = arith.select %eq3A_1094, %get3A_777, %get3A_774 : vector<16xi1>, vector<16xf32>
      %select_n3A_1160 = arith.select %ge3A_1097, %select_n3A_1158, %select_n3A_1159 : vector<16xi1>, vector<16xf32>
      %add3A_1161 = arith.constant 1 : i32
      %add3A_1162 = arith.addi %mul3A_1079, %add3A_1161 : i32
      %swap3A_1163 = arith.constant 20 : i32
      %swap3A_1164 = arith.index_cast %swap3A_1163 : i32 to index
      %swap3A_1165 = arith.index_cast %add3A_1162 : i32 to index
      %swap3A_1166 = arith.index_cast %mul3A_1083 : i32 to index
      %swap3A_1167 = tpu.vector_load %arg11[%swap3A_1164, %swap3A_1165, %swap3A_1166] {strides = array<i32>} : memref<25x8x128xf32, #tpu.memory_space<vmem>>, vector<1x1x16xf32>,
      %swap3A_1168 = vector.shape_cast %swap3A_1167 : vector<1x1x16xf32> to vector<16xf32>
      %swap3A_1169 = vector.shape_cast %select_n3A_1160 : vector<16xf32> to vector<1x1x16xf32>
      tpu.vector_store %arg11[%swap3A_1164, %swap3A_1165, %swap3A_1166], %swap3A_1169 {strides = array<i32>} : memref<25x8x128xf32, #tpu.memory_space<vmem>>, vector<1x1x16xf32>,
      %select_n3A_1170 = arith.select %eq3A_1094, %get3A_795, %get3A_792 : vector<16xi1>, vector<16xf32>
      %select_n3A_1171 = arith.select %eq3A_1094, %get3A_789, %get3A_786 : vector<16xi1>, vector<16xf32>
      %select_n3A_1172 = arith.select %ge3A_1097, %select_n3A_1170, %select_n3A_1171 : vector<16xi1>, vector<16xf32>
      %add3A_1173 = arith.constant 1 : i32
      %add3A_1174 = arith.addi %mul3A_1079, %add3A_1173 : i32
      %swap3A_1175 = arith.constant 21 : i32
      %swap3A_1176 = arith.index_cast %swap3A_1175 : i32 to index
      %swap3A_1177 = arith.index_cast %add3A_1174 : i32 to index
      %swap3A_1178 = arith.index_cast %mul3A_1083 : i32 to index
      %swap3A_1179 = tpu.vector_load %arg11[%swap3A_1176, %swap3A_1177, %swap3A_1178] {strides = array<i32>} : memref<25x8x128xf32, #tpu.memory_space<vmem>>, vector<1x1x16xf32>,
      %swap3A_1180 = vector.shape_cast %swap3A_1179 : vector<1x1x16xf32> to vector<16xf32>
      %swap3A_1181 = vector.shape_cast %select_n3A_1172 : vector<16xf32> to vector<1x1x16xf32>
      tpu.vector_store %arg11[%swap3A_1176, %swap3A_1177, %swap3A_1178], %swap3A_1181 {strides = array<i32>} : memref<25x8x128xf32, #tpu.memory_space<vmem>>, vector<1x1x16xf32>,
      %select_n3A_1182 = arith.select %eq3A_1094, %get3A_807, %get3A_804 : vector<16xi1>, vector<16xf32>
      %select_n3A_1183 = arith.select %eq3A_1094, %get3A_801, %get3A_798 : vector<16xi1>, vector<16xf32>
      %select_n3A_1184 = arith.select %ge3A_1097, %select_n3A_1182, %select_n3A_1183 : vector<16xi1>, vector<16xf32>
      %add3A_1185 = arith.constant 1 : i32
      %add3A_1186 = arith.addi %mul3A_1079, %add3A_1185 : i32
      %swap3A_1187 = arith.constant 22 : i32
      %swap3A_1188 = arith.index_cast %swap3A_1187 : i32 to index
      %swap3A_1189 = arith.index_cast %add3A_1186 : i32 to index
      %swap3A_1190 = arith.index_cast %mul3A_1083 : i32 to index
      %swap3A_1191 = tpu.vector_load %arg11[%swap3A_1188, %swap3A_1189, %swap3A_1190] {strides = array<i32>} : memref<25x8x128xf32, #tpu.memory_space<vmem>>, vector<1x1x16xf32>,
      %swap3A_1192 = vector.shape_cast %swap3A_1191 : vector<1x1x16xf32> to vector<16xf32>
      %swap3A_1193 = vector.shape_cast %select_n3A_1184 : vector<16xf32> to vector<1x1x16xf32>
      tpu.vector_store %arg11[%swap3A_1188, %swap3A_1189, %swap3A_1190], %swap3A_1193 {strides = array<i32>} : memref<25x8x128xf32, #tpu.memory_space<vmem>>, vector<1x1x16xf32>,
      %select_n3A_1194 = arith.select %eq3A_1094, %get3A_819, %get3A_816 : vector<16xi1>, vector<16xf32>
      %select_n3A_1195 = arith.select %eq3A_1094, %get3A_813, %get3A_810 : vector<16xi1>, vector<16xf32>
      %select_n3A_1196 = arith.select %ge3A_1097, %select_n3A_1194, %select_n3A_1195 : vector<16xi1>, vector<16xf32>
      %add3A_1197 = arith.constant 1 : i32
      %add3A_1198 = arith.addi %mul3A_1079, %add3A_1197 : i32
      %swap3A_1199 = arith.constant 23 : i32
      %swap3A_1200 = arith.index_cast %swap3A_1199 : i32 to index
      %swap3A_1201 = arith.index_cast %add3A_1198 : i32 to index
      %swap3A_1202 = arith.index_cast %mul3A_1083 : i32 to index
      %swap3A_1203 = tpu.vector_load %arg11[%swap3A_1200, %swap3A_1201, %swap3A_1202] {strides = array<i32>} : memref<25x8x128xf32, #tpu.memory_space<vmem>>, vector<1x1x16xf32>,
      %swap3A_1204 = vector.shape_cast %swap3A_1203 : vector<1x1x16xf32> to vector<16xf32>
      %swap3A_1205 = vector.shape_cast %select_n3A_1196 : vector<16xf32> to vector<1x1x16xf32>
      tpu.vector_store %arg11[%swap3A_1200, %swap3A_1201, %swap3A_1202], %swap3A_1205 {strides = array<i32>} : memref<25x8x128xf32, #tpu.memory_space<vmem>>, vector<1x1x16xf32>,
      %select_n3A_1206 = arith.select %eq3A_1094, %get3A_831, %get3A_828 : vector<16xi1>, vector<16xf32>
      %select_n3A_1207 = arith.select %eq3A_1094, %get3A_825, %get3A_822 : vector<16xi1>, vector<16xf32>
      %select_n3A_1208 = arith.select %ge3A_1097, %select_n3A_1206, %select_n3A_1207 : vector<16xi1>, vector<16xf32>
      %add3A_1209 = arith.constant 1 : i32
      %add3A_1210 = arith.addi %mul3A_1079, %add3A_1209 : i32
      %swap3A_1211 = arith.constant 24 : i32
      %swap3A_1212 = arith.index_cast %swap3A_1211 : i32 to index
      %swap3A_1213 = arith.index_cast %add3A_1210 : i32 to index
      %swap3A_1214 = arith.index_cast %mul3A_1083 : i32 to index
      %swap3A_1215 = tpu.vector_load %arg11[%swap3A_1212, %swap3A_1213, %swap3A_1214] {strides = array<i32>} : memref<25x8x128xf32, #tpu.memory_space<vmem>>, vector<1x1x16xf32>,
      %swap3A_1216 = vector.shape_cast %swap3A_1215 : vector<1x1x16xf32> to vector<16xf32>
      %swap3A_1217 = vector.shape_cast %select_n3A_1208 : vector<16xf32> to vector<1x1x16xf32>
      tpu.vector_store %arg11[%swap3A_1212, %swap3A_1213, %swap3A_1214], %swap3A_1217 {strides = array<i32>} : memref<25x8x128xf32, #tpu.memory_space<vmem>>, vector<1x1x16xf32>,
    }
    %scan3A_837 = arith.constant 16 : i32
    %mul3A_838 = arith.constant 2 : i32
    %mul3A_839 = arith.muli %add3A, %mul3A_838 : i32
    %mul3A_840 = arith.constant 4 : i32
    %mul3A_841 = arith.muli %mul3A_839, %mul3A_840 : i32
    %dma_start3A_842 = arith.constant 20 : i32
    %dma_start3A_843 = arith.constant 0 : i32
    %dma_start3A_844 = arith.constant 0 : i32
    %dma_start3A_845 = tpu.memref_slice %arg11[%dma_start3A_842, %dma_start3A_843, %dma_start3A_844] : memref<25x8x128xf32, #tpu.memory_space<vmem>> -> memref<5x8x128xf32, #tpu.memory_space<vmem>>
    %dma_start3A_846 = arith.constant 20 : i32
    %dma_start3A_847 = arith.constant 0 : i32
    %dma_start3A_848 = tpu.memref_slice %arg6[%dma_start3A_846, %mul3A_841, %dma_start3A_847] : memref<25x256x128xf32, #tpu.memory_space<hbm>> -> memref<5x8x128xf32, #tpu.memory_space<hbm>>
    %dma_start3A_849 = arith.constant 20 : i32
    %dma_start3A_850 = arith.constant 0 : i32
    %dma_start3A_851 = tpu.memref_slice %arg6[%dma_start3A_849, %mul3A_841, %dma_start3A_850] : memref<25x256x128xf32, #tpu.memory_space<hbm>> -> memref<5x8x128xf32, #tpu.memory_space<hbm>>
    %dma_start3A_852 = arith.constant 20 : i32
    %dma_start3A_853 = arith.constant 0 : i32
    %dma_start3A_854 = arith.constant 0 : i32
    %dma_start3A_855 = tpu.memref_slice %arg11[%dma_start3A_852, %dma_start3A_853, %dma_start3A_854] : memref<25x8x128xf32, #tpu.memory_space<vmem>> -> memref<5x8x128xf32, #tpu.memory_space<vmem>>
    tpu.enqueue_dma source(%dma_start3A_855 : memref<5x8x128xf32, #tpu.memory_space<vmem>>) target(%dma_start3A_851 : memref<5x8x128xf32, #tpu.memory_space<hbm>>) target_semaphore(%arg12 : memref<!tpu.dma_semaphore, #tpu.memory_space<semaphore_mem>>)
    %dma_wait3A = arith.constant 0 : i32
    %dma_wait3A_856 = arith.constant 0 : i32
    %dma_wait3A_857 = tpu.memref_slice %arg5[%dma_wait3A, %mul3A_130, %dma_wait3A_856] : memref<5x256x128xf32, #tpu.memory_space<hbm>> -> memref<5x8x128xf32, #tpu.memory_space<hbm>>
    %dma_wait3A_858 = arith.constant 0 : i32
    %dma_wait3A_859 = arith.constant 0 : i32
    %dma_wait3A_860 = tpu.memref_slice %arg5[%dma_wait3A_858, %mul3A_130, %dma_wait3A_859] : memref<5x256x128xf32, #tpu.memory_space<hbm>> -> memref<5x8x128xf32, #tpu.memory_space<hbm>>
    tpu.wait_dma2 semaphore(%arg12 : memref<!tpu.dma_semaphore, #tpu.memory_space<semaphore_mem>>) src(%arg10 : memref<5x8x128xf32, #tpu.memory_space<vmem>>) dst(%dma_wait3A_860 : memref<5x8x128xf32, #tpu.memory_space<hbm>>)
    %dma_wait3A_861 = arith.constant 0 : i32
    %dma_wait3A_862 = arith.constant 0 : i32
    %dma_wait3A_863 = arith.constant 0 : i32
    %dma_wait3A_864 = tpu.memref_slice %arg11[%dma_wait3A_861, %dma_wait3A_862, %dma_wait3A_863] : memref<25x8x128xf32, #tpu.memory_space<vmem>> -> memref<5x8x128xf32, #tpu.memory_space<vmem>>
    %dma_wait3A_865 = arith.constant 0 : i32
    %dma_wait3A_866 = arith.constant 0 : i32
    %dma_wait3A_867 = tpu.memref_slice %arg6[%dma_wait3A_865, %mul3A_265, %dma_wait3A_866] : memref<25x256x128xf32, #tpu.memory_space<hbm>> -> memref<5x8x128xf32, #tpu.memory_space<hbm>>
    %dma_wait3A_868 = arith.constant 0 : i32
    %dma_wait3A_869 = arith.constant 0 : i32
    %dma_wait3A_870 = tpu.memref_slice %arg6[%dma_wait3A_868, %mul3A_265, %dma_wait3A_869] : memref<25x256x128xf32, #tpu.memory_space<hbm>> -> memref<5x8x128xf32, #tpu.memory_space<hbm>>
    %dma_wait3A_871 = arith.constant 0 : i32
    %dma_wait3A_872 = arith.constant 0 : i32
    %dma_wait3A_873 = arith.constant 0 : i32
    %dma_wait3A_874 = tpu.memref_slice %arg11[%dma_wait3A_871, %dma_wait3A_872, %dma_wait3A_873] : memref<25x8x128xf32, #tpu.memory_space<vmem>> -> memref<5x8x128xf32, #tpu.memory_space<vmem>>
    tpu.wait_dma2 semaphore(%arg12 : memref<!tpu.dma_semaphore, #tpu.memory_space<semaphore_mem>>) src(%dma_wait3A_874 : memref<5x8x128xf32, #tpu.memory_space<vmem>>) dst(%dma_wait3A_870 : memref<5x8x128xf32, #tpu.memory_space<hbm>>)
    %dma_wait3A_875 = arith.constant 5 : i32
    %dma_wait3A_876 = arith.constant 0 : i32
    %dma_wait3A_877 = arith.constant 0 : i32
    %dma_wait3A_878 = tpu.memref_slice %arg11[%dma_wait3A_875, %dma_wait3A_876, %dma_wait3A_877] : memref<25x8x128xf32, #tpu.memory_space<vmem>> -> memref<5x8x128xf32, #tpu.memory_space<vmem>>
    %dma_wait3A_879 = arith.constant 5 : i32
    %dma_wait3A_880 = arith.constant 0 : i32
    %dma_wait3A_881 = tpu.memref_slice %arg6[%dma_wait3A_879, %mul3A_409, %dma_wait3A_880] : memref<25x256x128xf32, #tpu.memory_space<hbm>> -> memref<5x8x128xf32, #tpu.memory_space<hbm>>
    %dma_wait3A_882 = arith.constant 5 : i32
    %dma_wait3A_883 = arith.constant 0 : i32
    %dma_wait3A_884 = tpu.memref_slice %arg6[%dma_wait3A_882, %mul3A_409, %dma_wait3A_883] : memref<25x256x128xf32, #tpu.memory_space<hbm>> -> memref<5x8x128xf32, #tpu.memory_space<hbm>>
    %dma_wait3A_885 = arith.constant 5 : i32
    %dma_wait3A_886 = arith.constant 0 : i32
    %dma_wait3A_887 = arith.constant 0 : i32
    %dma_wait3A_888 = tpu.memref_slice %arg11[%dma_wait3A_885, %dma_wait3A_886, %dma_wait3A_887] : memref<25x8x128xf32, #tpu.memory_space<vmem>> -> memref<5x8x128xf32, #tpu.memory_space<vmem>>
    tpu.wait_dma2 semaphore(%arg12 : memref<!tpu.dma_semaphore, #tpu.memory_space<semaphore_mem>>) src(%dma_wait3A_888 : memref<5x8x128xf32, #tpu.memory_space<vmem>>) dst(%dma_wait3A_884 : memref<5x8x128xf32, #tpu.memory_space<hbm>>)
    %dma_wait3A_889 = arith.constant 10 : i32
    %dma_wait3A_890 = arith.constant 0 : i32
    %dma_wait3A_891 = arith.constant 0 : i32
    %dma_wait3A_892 = tpu.memref_slice %arg11[%dma_wait3A_889, %dma_wait3A_890, %dma_wait3A_891] : memref<25x8x128xf32, #tpu.memory_space<vmem>> -> memref<5x8x128xf32, #tpu.memory_space<vmem>>
    %dma_wait3A_893 = arith.constant 10 : i32
    %dma_wait3A_894 = arith.constant 0 : i32
    %dma_wait3A_895 = tpu.memref_slice %arg6[%dma_wait3A_893, %mul3A_553, %dma_wait3A_894] : memref<25x256x128xf32, #tpu.memory_space<hbm>> -> memref<5x8x128xf32, #tpu.memory_space<hbm>>
    %dma_wait3A_896 = arith.constant 10 : i32
    %dma_wait3A_897 = arith.constant 0 : i32
    %dma_wait3A_898 = tpu.memref_slice %arg6[%dma_wait3A_896, %mul3A_553, %dma_wait3A_897] : memref<25x256x128xf32, #tpu.memory_space<hbm>> -> memref<5x8x128xf32, #tpu.memory_space<hbm>>
    %dma_wait3A_899 = arith.constant 10 : i32
    %dma_wait3A_900 = arith.constant 0 : i32
    %dma_wait3A_901 = arith.constant 0 : i32
    %dma_wait3A_902 = tpu.memref_slice %arg11[%dma_wait3A_899, %dma_wait3A_900, %dma_wait3A_901] : memref<25x8x128xf32, #tpu.memory_space<vmem>> -> memref<5x8x128xf32, #tpu.memory_space<vmem>>
    tpu.wait_dma2 semaphore(%arg12 : memref<!tpu.dma_semaphore, #tpu.memory_space<semaphore_mem>>) src(%dma_wait3A_902 : memref<5x8x128xf32, #tpu.memory_space<vmem>>) dst(%dma_wait3A_898 : memref<5x8x128xf32, #tpu.memory_space<hbm>>)
    %dma_wait3A_903 = arith.constant 15 : i32
    %dma_wait3A_904 = arith.constant 0 : i32
    %dma_wait3A_905 = arith.constant 0 : i32
    %dma_wait3A_906 = tpu.memref_slice %arg11[%dma_wait3A_903, %dma_wait3A_904, %dma_wait3A_905] : memref<25x8x128xf32, #tpu.memory_space<vmem>> -> memref<5x8x128xf32, #tpu.memory_space<vmem>>
    %dma_wait3A_907 = arith.constant 15 : i32
    %dma_wait3A_908 = arith.constant 0 : i32
    %dma_wait3A_909 = tpu.memref_slice %arg6[%dma_wait3A_907, %mul3A_697, %dma_wait3A_908] : memref<25x256x128xf32, #tpu.memory_space<hbm>> -> memref<5x8x128xf32, #tpu.memory_space<hbm>>
    %dma_wait3A_910 = arith.constant 15 : i32
    %dma_wait3A_911 = arith.constant 0 : i32
    %dma_wait3A_912 = tpu.memref_slice %arg6[%dma_wait3A_910, %mul3A_697, %dma_wait3A_911] : memref<25x256x128xf32, #tpu.memory_space<hbm>> -> memref<5x8x128xf32, #tpu.memory_space<hbm>>
    %dma_wait3A_913 = arith.constant 15 : i32
    %dma_wait3A_914 = arith.constant 0 : i32
    %dma_wait3A_915 = arith.constant 0 : i32
    %dma_wait3A_916 = tpu.memref_slice %arg11[%dma_wait3A_913, %dma_wait3A_914, %dma_wait3A_915] : memref<25x8x128xf32, #tpu.memory_space<vmem>> -> memref<5x8x128xf32, #tpu.memory_space<vmem>>
    tpu.wait_dma2 semaphore(%arg12 : memref<!tpu.dma_semaphore, #tpu.memory_space<semaphore_mem>>) src(%dma_wait3A_916 : memref<5x8x128xf32, #tpu.memory_space<vmem>>) dst(%dma_wait3A_912 : memref<5x8x128xf32, #tpu.memory_space<hbm>>)
    %dma_wait3A_917 = arith.constant 20 : i32
    %dma_wait3A_918 = arith.constant 0 : i32
    %dma_wait3A_919 = arith.constant 0 : i32
    %dma_wait3A_920 = tpu.memref_slice %arg11[%dma_wait3A_917, %dma_wait3A_918, %dma_wait3A_919] : memref<25x8x128xf32, #tpu.memory_space<vmem>> -> memref<5x8x128xf32, #tpu.memory_space<vmem>>
    %dma_wait3A_921 = arith.constant 20 : i32
    %dma_wait3A_922 = arith.constant 0 : i32
    %dma_wait3A_923 = tpu.memref_slice %arg6[%dma_wait3A_921, %mul3A_841, %dma_wait3A_922] : memref<25x256x128xf32, #tpu.memory_space<hbm>> -> memref<5x8x128xf32, #tpu.memory_space<hbm>>
    %dma_wait3A_924 = arith.constant 20 : i32
    %dma_wait3A_925 = arith.constant 0 : i32
    %dma_wait3A_926 = tpu.memref_slice %arg6[%dma_wait3A_924, %mul3A_841, %dma_wait3A_925] : memref<25x256x128xf32, #tpu.memory_space<hbm>> -> memref<5x8x128xf32, #tpu.memory_space<hbm>>
    %dma_wait3A_927 = arith.constant 20 : i32
    %dma_wait3A_928 = arith.constant 0 : i32
    %dma_wait3A_929 = arith.constant 0 : i32
    %dma_wait3A_930 = tpu.memref_slice %arg11[%dma_wait3A_927, %dma_wait3A_928, %dma_wait3A_929] : memref<25x8x128xf32, #tpu.memory_space<vmem>> -> memref<5x8x128xf32, #tpu.memory_space<vmem>>
    tpu.wait_dma2 semaphore(%arg12 : memref<!tpu.dma_semaphore, #tpu.memory_space<semaphore_mem>>) src(%dma_wait3A_930 : memref<5x8x128xf32, #tpu.memory_space<vmem>>) dst(%dma_wait3A_926 : memref<5x8x128xf32, #tpu.memory_space<hbm>>)
    return
  }
}

</mosaic_0001>

<sc_bundles>
// kernel: kernel.3.cloned.1.call-start
scs
__scs_entry_jumppad:
0x0: {  	(pc) =	sbr.rel $0x88, $3  }
0x1: {  	(tag) =	ssettag $0x0;
	lr =	simm.s32 $0x1  }
0x2: {  	[smem:$0x3F9E] =	sst lr;
	_ =	strace $0xD0000000  }
0x3: {  	_ = 	snop  }
0x4: {  	_ = 	snop  }
0x5: {  	_ = 	snop  }
0x6: {  	_ = 	snop  }
0x7: {  	_ = 	snop  }
__scs_overlays_trampoline_lowered:
0x8: {  	[smem:$0x3FAD] =	sst s0  }
0x9: {  	[smem:$0x3FAE] =	sst s1  }
0xa: {  	[smem:$0x3FAF] =	sst s2  }
0xb: {  	[smem:$0x3FB0] =	sst s3  }
0xc: {  	[smem:$0x3FB1] =	sst s4  }
0xd: {  	[smem:$0x3FB2] =	sst s5  }
0xe: {  	[smem:$0x3FB3] =	sst s6  }
0xf: {  	[smem:$0x3FB4] =	sst s7  }
0x10: {  	[smem:$0x3FB5] =	sst s8  }
0x11: {  	[smem:$0x3FB6] =	sst s9;
	s0 =	simm.s32 @!p0 $0x0  }
0x12: {  	s1 =	sld [smem:$0x3F9C];
	s0 =	simm.s32 @p0 $0x1  }
0x13: {  	[smem:$0x3FB7] =	sst s0;
	s0 =	simm.s32 @!p1 $0x0  }
0x14: {  	s2 =	sld [smem:$0x3F9B];
	s0 =	simm.s32 @p1 $0x1  }
0x15: {  	[smem:$0x3FB8] =	sst s0;
	s0 =	simm.s32 @!p2 $0x0  }
0x16: {  	s3 =	sld [smem:$0x3FDB];
	s0 =	simm.s32 @p2 $0x1  }
0x17: {  	s4 =	simm.s32 $0x1BF5;
	[smem:$0x3FBA] =	sst s0  }
0x18: {  	s0 =	sld [smem:$0x3F9D];
	_ =	swait.ge [sflag:s4], $0x0  }
0x19: {  	s7 =	sld [smem:$0x3F9E]  }
0x1a: {  	s8 =	sadd.s32 $0xFFFFE003, lr  }
0x1b: {  	s9 =	sadd.s32 $0xFFFFFEF7, lr;
	s5 =	simm.s32 $0xFFFFFFFF;
	p2 =	slt.u32 s8, $0xFFFFF086  }
0x1c: {  	p1 =	slt.u32 s9, $0xF7A;
	s5 =	simm.s32 @!p2 $0x0  }
0x1d: {  	s5 =	simm.s32 @p1 $0x1;
	p0 =	seq.s32 s7, s2  }
0x1e: {  	s7 =	smul.u32 @!p0 $0xF7A, s2;
	p2 =	seq.s32 @!p0 s5, $0x0  }
0x1f: {  	s9 =	smul.u32 $0xF7A, s1;
	s8 =	simm.s32 @!p0 $0x1BF5;
	p2 =	por !p2, p0  }
0x20: {  	[sflag:s8] =	ssyncset.s32 @!p0 $0xFFFFF086;
	s6 =	sadd.s32 @!p0 s3, s7;
	s7 =	simm.s32 @!p0 $0x108  }
0x21: {  	s3 =	sadd.s32 s3, s9;
	s6 =	sadd.s32 @!p0 $0x88, s6;
	s7 =	simm.s32 @p2 $0x1082  }
0x22: {  	[simem:s7], [sflag:s8] =	dma.local @!p0 [hbm:s6], $0xF7A  }
0x23: {  	s9 =	sor.u32 $0xD0000000, s2;
	s6 =	simm.s32 $0x108;
	_ =	swait.ge @!p0 [sflag:s8], $0x0  }
0x24: {  	s3 =	sadd.s32 $0x88, s3;
	s6 =	simm.s32 @!p1 $0x1082;
	[sflag:s4] =	ssyncset.s32 $0xFFFFF086  }
0x25: {  	[simem:s6], [sflag:s4] =	dma.local [hbm:s3], $0xF7A  }
0x26: {  	[smem:$0x3F9E] =	sst s1;
	(tag) =	ssettag s2;
	_ =	strace s9  }
0x27: {  	s1 =	sld [smem:$0x3FAE]  }
0x28: {  	s2 =	sld [smem:$0x3FAF]  }
0x29: {  	s4 =	sld [smem:$0x3FB1]  }
0x2a: {  	p0 =	seq.s32 s5, $0x0;
	s5 =	sld [smem:$0x3FB2]  }
0x2b: {  	s6 =	sld [smem:$0x3FB3]  }
0x2c: {  	s7 =	sld [smem:$0x3FB4]  }
0x2d: {  	s3 =	simm.s32 $0x108;
	s8 =	sld [smem:$0x3FB5]  }
0x2e: {  	s3 =	simm.s32 @!p0 $0x1082;
	s9 =	sld [smem:$0x3FB6]  }
0x2f: {  	lr =	sadd.s32 s0, s3;
	s0 =	sld [smem:$0x3FAD]  }
0x30: {  	s3 =	sld [smem:$0x3FB0]  }
0x31: {  	[smem:$0x3FB9] =	sst s10  }
0x32: {  	s10 =	sld [smem:$0x3FB7];
	_ =	sdelay $0x3  }
0x33: {  	p0 =	seq.s32 s10, $0x1;
	s10 =	sld [smem:$0x3FB9];
	_ =	sdelay $0x3  }
0x34: {  	[smem:$0x3FB9] =	sst s10  }
0x35: {  	s10 =	sld [smem:$0x3FB8];
	_ =	sdelay $0x3  }
0x36: {  	p1 =	seq.s32 s10, $0x1;
	s10 =	sld [smem:$0x3FB9];
	_ =	sdelay $0x3  }
0x37: {  	[smem:$0x3FB9] =	sst s10  }
0x38: {  	s10 =	sld [smem:$0x3FBA]  }
0x39: {  	_ = 	snop;
	(pc) =	sbr.ind lr, $3  }
0x3a: {  	_ = 	snop  }
0x3b: {  	_ = 	snop  }
0x3c: {  	p2 =	seq.s32 s10, $0x1;
	s10 =	sld [smem:$0x3FB9]  }
0x3d: {  	_ =	shalt  }
0x3e: {  	_ =	shalt  }
0x3f: {  	_ =	shalt  }
0x40: {  	_ =	shalt  }
0x41: {  	_ =	shalt  }
0x42: {  	_ =	shalt  }
0x43: {  	_ =	shalt  }
0x44: {  	_ =	shalt  }
0x45: {  	_ =	shalt  }
0x46: {  	_ =	shalt  }
0x47: {  	_ =	shalt  }
0x48: {  	_ =	shalt  }
0x49: {  	_ =	shalt  }
0x4a: {  	_ =	shalt  }
0x4b: {  	_ =	shalt  }
0x4c: {  	_ =	shalt  }
0x4d: {  	_ =	shalt  }
0x4e: {  	_ =	shalt  }
0x4f: {  	_ =	shalt  }
0x50: {  	_ =	shalt  }
0x51: {  	_ =	shalt  }
0x52: {  	_ =	shalt  }
0x53: {  	_ =	shalt  }
0x54: {  	_ =	shalt  }
0x55: {  	_ =	shalt  }
0x56: {  	_ =	shalt  }
0x57: {  	_ =	shalt  }
0x58: {  	_ =	shalt  }
0x59: {  	_ =	shalt  }
0x5a: {  	_ =	shalt  }
0x5b: {  	_ =	shalt  }
0x5c: {  	_ =	shalt  }
0x5d: {  	_ =	shalt  }
0x5e: {  	_ =	shalt  }
0x5f: {  	_ =	shalt  }
0x60: {  	_ =	shalt  }
0x61: {  	_ =	shalt  }
0x62: {  	_ =	shalt  }
0x63: {  	_ =	shalt  }
0x64: {  	_ =	shalt  }
0x65: {  	_ =	shalt  }
0x66: {  	_ =	shalt  }
0x67: {  	_ =	shalt  }
0x68: {  	_ =	shalt  }
0x69: {  	_ =	shalt  }
0x6a: {  	_ =	shalt  }
0x6b: {  	_ =	shalt  }
0x6c: {  	_ =	shalt  }
0x6d: {  	_ =	shalt  }
0x6e: {  	_ =	shalt  }
0x6f: {  	_ =	shalt  }
0x70: {  	_ =	shalt  }
0x71: {  	_ =	shalt  }
0x72: {  	_ =	shalt  }
0x73: {  	_ =	shalt  }
0x74: {  	_ =	shalt  }
0x75: {  	_ =	shalt  }
0x76: {  	_ =	shalt  }
0x77: {  	_ =	shalt  }
0x78: {  	_ =	shalt  }
0x79: {  	_ =	shalt  }
0x7a: {  	_ =	shalt  }
0x7b: {  	_ =	shalt  }
0x7c: {  	_ =	shalt  }
0x7d: {  	_ =	shalt  }
0x7e: {  	_ =	shalt  }
0x7f: {  	_ =	shalt  }
0x80: {  	_ =	shalt  }
0x81: {  	_ =	shalt  }
0x82: {  	_ =	shalt  }
0x83: {  	_ =	shalt  }
0x84: {  	_ =	shalt  }
0x85: {  	_ =	shalt  }
0x86: {  	_ =	shalt  }
0x87: {  	_ =	shalt  }
.Lfunc_end0:
.L_simem_size_0:
called_computation_lowered:
.L_overlay_start_0:
0x88: {  	s2 =	sld [smem:$0x3FD9]  }
0x89: {  	s3 =	sld [smem:$0x3FFE];
	_ =	sdelay $0x1  }
0x8a: {  	s1 =	srdreg.scid  }
0x8b: {  	s0 =	sand.u32 $0x1, s1  }
0x8c: {  	s14 =	sshll.u32 s0, $0xA;
	s2 =	sadd.s32 s3, s2  }
0x8d: {  	s2 =	sadd.s32 s2, s14  }
0x8e: {  	[smem:$0x3FC5] =	sst s2  }
0x8f: {  	_ = 	snop  }
0x90: {  	s2 =	sld [smem:$0x3FD0];
	_ =	sdelay $0x2  }
0x91: {  	s4 =	simm.s32 $0xA;
	s5 =	simm.s32 $0x10;
	s15 =	sld [smem:$0x3FC9]  }
0x92: {  	[smem:s5], [sflag:s4] =	dma.local [hbm:s2], $0x1  }
0x93: {  	_ =	swait.eq [sflag:s4], $0x1  }
0x94: {  	[sflag:s4] =	ssyncset.done $0x0  }
0x95: {  	s16 =	sld [smem:$0x10];
	[sflag:s4] =	ssyncadd.s32 $0xFFFFFFFF  }
0x96: {  	s17 =	sld [smem:$0x11];
	(tm) =	ssettm $0x1  }
0x97: {  	s18 =	sld [smem:$0x3FFB];
	_ =	sdelay $0x3  }
0x98: {  	_ =	strace s18  }
0x99: {  	s5 =	sld [smem:$0x3FFC];
	_ =	sdelay $0x3  }
0x9a: {  	_ =	strace s5  }
0x9b: {  	s5 =	sld [smem:$0x3FFD];
	_ =	sdelay $0x3  }
0x9c: {  	_ =	strace s5  }
0x9d: {  	_ =	strace $0x8FFFFFFF  }
0x9e: {  	s19 =	sld [smem:$0x3FDB];
	_ =	sdelay $0x1  }
0x9f: {  	s6 =	simm.s32 $_scs_section_size  }
0xa0: {  	s7 =	simm.s32 $_size__tile_overlayer_lowered;
	s8 =	simm.s32 $_tile_overlayer_lowered  }
0xa1: {  	s22 =	simm.s32 $0x1BFF;
	s21 =	sshll.u32 s8, $0x1;
	s5 =	sadd.s32 s6, s19  }
0xa2: {  	s9 =	simm.s32 $0x0;
	s20 =	sshll.u32 s7, $0x1;
	s7 =	sadd.s32 s21, s5  }
0xa3: {  	[timem:s9], [sflag:s22] =	dma.local [hbm:s7], s20  }
0xa4: {  	_ =	swait.ge [sflag:s22], s20  }
0xa5: {  	s6 =	ssub.s32 $0x0, s20;
	[sflag:s22] =	ssyncset.done $0x0  }
0xa6: {  	[sflag:s22] =	ssyncadd.s32 s6;
	_ =	sdelay $0x1  }
0xa7: {  	s23 =	simm.s32 $0x1B8B  }
0xa8: {  	_ =	swait.ge [sflag:s23], $0x1  }
0xa9: {  	[sflag:s23] =	ssyncset.done $0x0  }
0xaa: {  	s25 =	simm.s32 $0x1B8E;
	s24 =	sld [smem:$0x3FFE];
	[sflag:s23] =	ssyncadd.s32 $0xFFFFFFFF  }
0xab: {  	s26 =	simm.s32 $execute0_lowered;
	[smem:$0x3FD2] =	sst s25  }
0xac: {  	s7 =	sshll.u32 s26, $0x1;
	_ =	strace $0x80000046;
	[dreg:$0x1] =	wrdreg $0xFFFFFFFF  }
0xad: {  	s28 =	simm.s32 $_size_execute0_lowered;
	s5 =	sadd.s32 s5, s7;
	[dreg:$0x0] =	wrdreg $0x0  }
0xae: {  	s7 =	sshll.u32 s28, $0x1;
	[dreg:$0x2] =	wrdreg s5  }
0xaf: {  	[dreg:$0x3] =	wrdreg s7  }
0xb0: {  	[dreg:$0x4] =	wrdreg $0xC0  }
0xb1: {  	_ =	task [dreg:s9], $0x5FFFF  }
0xb2: {  	[dreg:$0x1] =	wrdreg $0xFFFFFFFF  }
0xb3: {  	[dreg:$0x0] =	wrdreg $0x60  }
0xb4: {  	[dreg:$0x2] =	wrdreg s15  }
0xb5: {  	[dreg:$0x3] =	wrdreg s24  }
0xb6: {  	[dreg:$0x4] =	wrdreg s16  }
0xb7: {  	[dreg:$0x5] =	wrdreg s17  }
0xb8: {  	[dreg:$0x6] =	wrdreg $0x9  }
0xb9: {  	_ =	task.clear_ibuf [dreg:s9], $0x7FFFF;
	_ =	strace $0x90000046  }
0xba: {  	s29 =	simm.s32 $0x9;
	_ =	strace $0x80000048  }
0xbb: {  	_ =	swait.ge [sflag:s29], $0x1  }
0xbc: {  	[sflag:s29] =	ssyncadd.s32 $0xFFFFFFFF  }
0xbd: {  	_ =	strace $0x90000048  }
0xbe: {  	_ =	sfence  }
0xbf: {  	s30 =	sld [smem:$0x0];
	_ =	sdelay $0x2  }
0xc0: {  	s31 =	sshll.u32 s1, $0xD;
	s1 =	sshrl.u32 s1, $0x2  }
0xc1: {  	s3 =	sand.u32 $0x4000, s31;
	s1 =	sadd.s32 s1, s30  }
0xc2: {  	s0 =	sor.u32 s3, s0;
	s1 =	sshll.u32 s1, $0x11  }
0xc3: {  	s0 =	sor.u32 s1, s0  }
0xc4: {  	s0 =	sadd.s32 $0x8F2B, s0  }
0xc5: {  	[sflag:s0] =	ssyncadd.remote.s32 $0x1  }
0xc6: {  	_ =	sfence.sel $0xFFFF  }
0xc7: {  	[dreg:$0x0] =	wrdreg $0xFFFFFFFF;
	(pc) =	sbr.abs _section_cstart, $3  }
0xc8: {  	[dreg:$0x1] =	wrdreg $0xFFFFFFFF  }
0xc9: {  	_ =	task.clear_ibuf [dreg:s9], $0x2FFFF;
	_ =	strace $0x9FFFFFFF  }
0xca: {  	(tm) =	ssettm $0x7FFFFFFF  }
0xcb: {  	_ =	shalt  }
tec
execute0_lowered:
.L_overlay_start_1:
0x0: {  	(tag) =	ssettag $0x1  }
0x1: {  	s0 =	rddreg [dreg:$0x0]  }
0x2: {  	s1 =	rddreg [dreg:$0x1]  }
0x3: {  	s3 =	rddreg [dreg:$0x2]  }
0x4: {  	s4 =	rddreg [dreg:$0x3];
	s2 =	simm.s32 $0x0  }
0x5: {  	s5 =	srdreg.scid;
	s7 =	stileid.u32;
	s13 =	simm.s32 $0x2  }
0x6: {  	s16 =	simm.s32 $0x400;
	s17 =	simm.s32 $0x8000;
	s24 =	simm.s32 $0x1  }
0x7: {  	s25 =	simm.s32 $0x0;
	[smem:$0x7FF] =	sst s2;
	s5 =	sand.u32 $0x1, s5  }
0x8: {  	s6 =	sadd.s32 $0x800, s1;
	s7 =	sshll.u32 s7, $0x1;
	s1 =	sadd.s32 $0xA00, s1  }
0x9: {  	_ =	strace $0x80000047;
	[dreg:$0x5] =	wrdreg s6;
	s29 =	ssub.s32 $0x2, s5  }
0xa: {  	[dreg:$0x6] =	wrdreg s1;
	s5 =	sor.u32 s5, s7;
	s30 =	sshrl.u32 s29, $0x1  }
0xb: {  	s31 =	sshll.u32 s5, $0x6;
	s7 =	sshll.u32 s5, $0x7;
	s1 =	ssub.s32 s29, s30  }
0xc: {  	s0 =	sadd.s32 s0, s31;
	s6 =	sadd.s32 s3, s7;
	s7 =	sadd.s32 s4, s7  }
0xd: {  	[dreg:$0x7] =	wrdreg s0;
	s8 =	sadd.s32 $0x5000, s7;
	s9 =	sadd.s32 $0xA000, s7  }
0xe: {  	s10 =	sadd.s32 $0xF000, s7;
	s11 =	sadd.s32 $0x14000, s7;
	s12 =	smax.u32 s1, $0x1  }
.LBB2_1:
0xf: {  	s0 =	rddreg [dreg:$0x7]  }
0x10: {  	[tilespmem:s2], [sflag:$0x2] =	stream.linear.gather [hbm4b:s0+s2], $0x200, $0x38;
	[tilespmem:$0x8900] =	vst v63  }
0x11: {  	_ =	swait.ge [sflag:s13], $0x200  }
0x12: {  	[sflag:s13] =	ssyncset.done $0x0  }
0x13: {  	s1 =	simm.s32 $0x200;
	s22 =	rddreg [dreg:$0x5];
	[sflag:s13] =	ssyncadd.s32 $0xFFFFFE00  }
0x14: {  	[tilespmem:s1], [sflag:$0x2] =	stream.linear.gather [hbm4b:s22+s2], $0x280, $0x38;
	[tilespmem:$0x8900] =	vst v63  }
0x15: {  	_ =	swait.ge [sflag:s13], $0x280  }
0x16: {  	[sflag:s13] =	ssyncset.done $0x0  }
0x17: {  	s26 =	simm.s32 $0x480;
	s23 =	rddreg [dreg:$0x6];
	[sflag:s13] =	ssyncadd.s32 $0xFFFFFD80  }
0x18: {  	[tilespmem:s26], [sflag:$0x2] =	stream.linear.gather [hbm4b:s23+s2], $0xC80, $0x38;
	[tilespmem:$0x8900] =	vst v63  }
0x19: {  	_ =	swait.ge [sflag:s13], $0xC80  }
0x1a: {  	[sflag:s13] =	ssyncset.done $0x0  }
0x1b: {  	[sflag:s13] =	ssyncadd.s32 $0xFFFFF380  }
0x1c: {  	v14 =	vld [tilespmem:$0x200]  }
0x1d: {  	v18 =	vld [tilespmem:$0x2A0]  }
0x1e: {  	v28 =	vld [tilespmem:$0x340]  }
0x1f: {  	v33 =	vld [tilespmem:$0x3E0]  }
0x20: {  	v15 =	vld [tilespmem:$0x210]  }
0x21: {  	v19 =	vld [tilespmem:$0x2B0]  }
0x22: {  	v29 =	vld [tilespmem:$0x350]  }
0x23: {  	v34 =	vld [tilespmem:$0x3F0]  }
0x24: {  	v30 =	vld [tilespmem:$0x220]  }
0x25: {  	v35 =	vld [tilespmem:$0x2C0]  }
0x26: {  	v20 =	vld [tilespmem:$0x360]  }
0x27: {  	v24 =	vld [tilespmem:$0x400]  }
0x28: {  	v11 =	vld [tilespmem:$0x230]  }
0x29: {  	v13 =	vld [tilespmem:$0x2D0]  }
0x2a: {  	v36 =	vld [tilespmem:$0x370]  }
0x2b: {  	v38 =	vld [tilespmem:$0x410]  }
0x2c: {  	v9 =	vld [tilespmem:$0x240]  }
0x2d: {  	v12 =	vld [tilespmem:$0x2E0]  }
0x2e: {  	v31 =	vld [tilespmem:$0x380]  }
0x2f: {  	v37 =	vld [tilespmem:$0x420]  }
0x30: {  	v7 =	vld [tilespmem:$0x250]  }
0x31: {  	v10 =	vld [tilespmem:$0x2F0]  }
0x32: {  	v25 =	vld [tilespmem:$0x390]  }
0x33: {  	v32 =	vld [tilespmem:$0x430]  }
0x34: {  	v4 =	vld [tilespmem:$0x260]  }
0x35: {  	v8 =	vld [tilespmem:$0x300]  }
0x36: {  	v21 =	vld [tilespmem:$0x3A0]  }
0x37: {  	v26 =	vld [tilespmem:$0x440]  }
0x38: {  	v1 =	vld [tilespmem:$0x270]  }
0x39: {  	v5 =	vld [tilespmem:$0x310]  }
0x3a: {  	v16 =	vld [tilespmem:$0x3B0]  }
0x3b: {  	v22 =	vld [tilespmem:$0x450]  }
0x3c: {  	v0 =	vld [tilespmem:$0x280]  }
0x3d: {  	s29 =	simm.s32 $0x10;
	v2 =	vld [tilespmem:$0x320]  }
0x3e: {  	v40 =	vld [tilespmem:s29+$0xFFFFFFF0]  }
0x3f: {  	v23 =	vld [tilespmem:$0x3C0]  }
0x40: {  	v27 =	vld [tilespmem:$0x460]  }
0x41: {  	v3 =	vld [tilespmem:$0x290]  }
0x42: {  	v6 =	vld [tilespmem:$0x330]  }
0x43: {  	s30 =	simm.s32 $0x30;
	s31 =	simm.s32 $0x40;
	s28 =	simm.s32 $0x10;
	v17 =	vld [tilespmem:$0x3D0];
	v41 =	vand.u32 $0x1, v40  }
0x44: {  	s0 =	sand.u32 $0x300, s2;
	s1 =	simm.s32 $0x0;
	s26 =	simm.s32 $0x10;
	v39 =	vld [tilespmem:$0x470];
	vm0 =	vgt.s32 v40, $0x1;
	vm1 =	veq.s32 v41, $0x0  }
.LBB2_2:
0x45: {  	s4 =	sand.u32 $0x60, s1  }
0x46: {  	v40 =	vsel vm1, v28, v33;
	v41 =	vsel vm1, v14, v18;
	s1 =	sadd.s32 $0x1100, s0;
	v42 =	vsel vm1, v15, v19;
	s29 =	sadd.s32 $0x20, s29;
	s18 =	smov.u32 s30  }
0x47: {  	p0 =	sne.s32 s30, $0x1F0;
	s14 =	sadd.s32 $0x1500, s0;
	v40 =	vsel vm0, v40, v41;
	s3 =	sor.u32 s4, s1;
	v41 =	vsel vm1, v29, v34  }
0x48: {  	s30 =	sadd.s32 $0x20, s30;
	s15 =	sadd.s32 $0x1900, s0;
	[tilespmem:s3+$0x0] =	vst v40;
	v40 =	vsel vm0, v41, v42;
	s3 =	sor.u32 s4, s14;
	v41 =	vsel vm1, v20, v24;
	v42 =	vsel vm1, v30, v35  }
0x49: {  	s19 =	sadd.s32 $0x1D00, s0;
	[tilespmem:s3+$0x0] =	vst v40;
	v40 =	vsel vm0, v41, v42;
	s3 =	sor.u32 s4, s15;
	v41 =	vsel vm1, v36, v38;
	v42 =	vsel vm1, v11, v13  }
0x4a: {  	s20 =	sadd.s32 $0x2100, s0;
	[tilespmem:s3+$0x0] =	vst v40;
	v40 =	vsel vm0, v41, v42;
	s3 =	sor.u32 s4, s19;
	v41 =	vsel vm1, v31, v37;
	v42 =	vsel vm1, v9, v12  }
0x4b: {  	s21 =	sadd.s32 $0x1180, s0;
	[tilespmem:s3+$0x0] =	vst v40;
	v40 =	vsel vm0, v41, v42;
	s3 =	sor.u32 s4, s20;
	v41 =	vsel vm1, v25, v32;
	v42 =	vsel vm1, v7, v10  }
0x4c: {  	s22 =	sadd.s32 $0x1580, s0;
	[tilespmem:s3+$0x0] =	vst v40;
	v40 =	vsel vm0, v41, v42;
	s3 =	sor.u32 s4, s21;
	v41 =	vsel vm1, v21, v26;
	v42 =	vsel vm1, v4, v8  }
0x4d: {  	s23 =	sadd.s32 $0x1980, s0;
	[tilespmem:s3+$0x0] =	vst v40;
	v40 =	vsel vm0, v41, v42;
	s3 =	sor.u32 s4, s22;
	v41 =	vsel vm1, v16, v22;
	v42 =	vsel vm1, v1, v5  }
0x4e: {  	s5 =	sor.u32 s4, s23;
	[tilespmem:s3+$0x0] =	vst v40;
	v40 =	vsel vm0, v41, v42;
	v41 =	vsel vm1, v23, v27;
	v42 =	vsel vm1, v0, v2;
	s3 =	sadd.s32 $0x1D80, s0  }
0x4f: {  	s0 =	sadd.s32 $0x2180, s0;
	[tilespmem:s5+$0x0] =	vst v40;
	v40 =	vsel vm0, v41, v42;
	s5 =	sor.u32 s4, s3;
	v41 =	vsel vm1, v17, v39;
	v42 =	vsel vm1, v3, v6  }
0x50: {  	s4 =	sor.u32 s4, s0;
	[tilespmem:s5+$0x0] =	vst v40;
	v40 =	vsel vm0, v41, v42  }
0x51: {  	[tilespmem:s4+$0x0] =	vst v40  }
0x52: {  	v40 =	vld [tilespmem:s26+$0x0];
	s26 =	smov.u32 s29;
	_ =	sdelay $0x4  }
0x53: {  	v41 =	vand.u32 $0x1, v40  }
0x54: {  	vm0 =	vgt.s32 v40, $0x1;
	vm1 =	veq.s32 v41, $0x0  }
0x55: {  	s4 =	sand.u32 $0x70, s28;
	s28 =	smov.u32 s18;
	v40 =	vsel vm1, v28, v33;
	v41 =	vsel vm1, v14, v18;
	v42 =	vsel vm1, v30, v35  }
0x56: {  	s1 =	sor.u32 s4, s1;
	v43 =	vsel vm1, v15, v19;
	v40 =	vsel vm0, v40, v41;
	v41 =	vsel vm1, v29, v34  }
0x57: {  	[tilespmem:s1+$0x0] =	vst v40;
	v40 =	vsel vm0, v41, v43;
	s1 =	sor.u32 s4, s14;
	v41 =	vsel vm1, v20, v24;
	v43 =	vsel vm1, v36, v38  }
0x58: {  	[tilespmem:s1+$0x0] =	vst v40;
	v40 =	vsel vm0, v41, v42;
	s1 =	sor.u32 s4, s15;
	v41 =	vsel vm1, v11, v13;
	v42 =	vsel vm1, v31, v37  }
0x59: {  	[tilespmem:s1+$0x0] =	vst v40;
	v40 =	vsel vm0, v43, v41;
	s1 =	sor.u32 s4, s19;
	v41 =	vsel vm1, v9, v12;
	v43 =	vsel vm1, v25, v32  }
0x5a: {  	[tilespmem:s1+$0x0] =	vst v40;
	v40 =	vsel vm0, v42, v41;
	s1 =	sor.u32 s4, s20;
	v41 =	vsel vm1, v7, v10;
	v42 =	vsel vm1, v21, v26  }
0x5b: {  	[tilespmem:s1+$0x0] =	vst v40;
	v40 =	vsel vm0, v43, v41;
	s1 =	sor.u32 s4, s21;
	v41 =	vsel vm1, v4, v8;
	v43 =	vsel vm1, v16, v22  }
0x5c: {  	[tilespmem:s1+$0x0] =	vst v40;
	v40 =	vsel vm0, v42, v41;
	s1 =	sor.u32 s4, s22;
	v41 =	vsel vm1, v1, v5;
	v42 =	vsel vm1, v23, v27  }
0x5d: {  	[tilespmem:s1+$0x0] =	vst v40;
	v40 =	vsel vm0, v43, v41;
	s1 =	sor.u32 s4, s23;
	v41 =	vsel vm1, v0, v2;
	v43 =	vsel vm1, v17, v39  }
0x5e: {  	[tilespmem:s1+$0x0] =	vst v40;
	v40 =	vsel vm0, v42, v41;
	s1 =	sor.u32 s4, s3;
	v41 =	vsel vm1, v3, v6  }
0x5f: {  	s0 =	sor.u32 s4, s0;
	[tilespmem:s1+$0x0] =	vst v40;
	v40 =	vsel vm0, v43, v41  }
0x60: {  	[tilespmem:s0+$0x0] =	vst v40  }
0x61: {  	v40 =	vld [tilespmem:s29+$0xFFFFFFF0];
	_ =	sdelay $0x1  }
.Ltmp0:
0x62: {  	(pc) =	sbr.rel @p0 .LBB2_2-.Ltmp0, $3  }
0x63: {  	_ =	sdelay $0x1  }
0x64: {  	v41 =	vand.u32 $0x1, v40;
	vm0 =	vgt.s32 v40, $0x1  }
0x65: {  	s1 =	sadd.s32 $0xFFFFFFF0, s28;
	s0 =	sand.u32 $0x300, s31;
	s31 =	sadd.s32 $0x40, s31;
	vm1 =	veq.s32 v41, $0x0  }
0x66: {  	s5 =	sand.u32 $0x60, s1;
	v40 =	vsel vm1, v28, v33;
	v41 =	vsel vm1, v14, v18;
	s3 =	sadd.s32 $0x1100, s0  }
0x67: {  	v42 =	vsel vm1, v15, v19;
	v54 =	vsel vm1, v29, v34;
	s1 =	sadd.s32 $0x1500, s0;
	v40 =	vsel vm0, v40, v41;
	s4 =	sor.u32 s5, s3  }
0x68: {  	v56 =	vsel vm1, v20, v24;
	v57 =	vsel vm1, v30, v35;
	v55 =	vsel vm0, v54, v42;
	s14 =	sor.u32 s5, s1;
	[tilespmem:s4+$0x0] =	vst v40;
	s4 =	sadd.s32 $0x1900, s0  }
0x69: {  	v59 =	vsel vm1, v36, v38;
	v60 =	vsel vm1, v11, v13;
	v58 =	vsel vm0, v56, v57;
	[tilespmem:s14+$0x0] =	vst v55;
	s15 =	sor.u32 s5, s4;
	s14 =	sadd.s32 $0x1D00, s0  }
0x6a: {  	v62 =	vsel vm1, v31, v37;
	v63 =	vsel vm1, v9, v12;
	v61 =	vsel vm0, v59, v60;
	[tilespmem:s15+$0x0] =	vst v58;
	s18 =	sor.u32 s5, s14;
	s15 =	sadd.s32 $0x2100, s0  }
0x6b: {  	v46 =	vsel vm1, v25, v32;
	v47 =	vsel vm1, v7, v10;
	v45 =	vsel vm0, v62, v63;
	[tilespmem:s18+$0x0] =	vst v61;
	s19 =	sor.u32 s5, s15;
	s18 =	sadd.s32 $0x1180, s0  }
0x6c: {  	v49 =	vsel vm1, v21, v26;
	v50 =	vsel vm1, v4, v8;
	s20 =	sadd.s32 $0x1580, s0;
	v48 =	vsel vm0, v46, v47;
	[tilespmem:s19+$0x0] =	vst v45;
	s21 =	sor.u32 s5, s18  }
0x6d: {  	v52 =	vsel vm1, v16, v22;
	v53 =	vsel vm1, v1, v5;
	v51 =	vsel vm0, v49, v50;
	s22 =	sor.u32 s5, s20;
	[tilespmem:s21+$0x0] =	vst v48;
	s21 =	sadd.s32 $0x1980, s0  }
0x6e: {  	v54 =	vsel vm0, v52, v53;
	v56 =	vsel vm1, v0, v2;
	v55 =	vsel vm1, v23, v27;
	[tilespmem:s22+$0x0] =	vst v51;
	s23 =	sor.u32 s5, s21;
	s22 =	sadd.s32 $0x1D80, s0  }
0x6f: {  	v59 =	vsel vm1, v3, v6;
	v57 =	vsel vm0, v55, v56;
	v58 =	vsel vm1, v17, v39;
	[tilespmem:s23+$0x0] =	vst v54;
	s19 =	sor.u32 s5, s22;
	s23 =	sadd.s32 $0x2180, s0  }
0x70: {  	v60 =	vsel vm0, v58, v59;
	[tilespmem:s19+$0x0] =	vst v57;
	s5 =	sor.u32 s5, s23  }
0x71: {  	[tilespmem:s5+$0x0] =	vst v60  }
0x72: {  	v40 =	vld [tilespmem:s26+$0x0];
	_ =	sdelay $0x4  }
0x73: {  	v61 =	vand.u32 $0x1, v40  }
0x74: {  	vm1 =	veq.s32 v61, $0x0  }
0x75: {  	s26 =	sand.u32 $0x70, s28;
	vm0 =	vgt.s32 v40, $0x1;
	v28 =	vsel vm1, v28, v33;
	v14 =	vsel vm1, v14, v18  }
0x76: {  	s3 =	sor.u32 s26, s3;
	v18 =	vsel vm1, v29, v34;
	v15 =	vsel vm1, v15, v19;
	v14 =	vsel vm0, v28, v14  }
0x77: {  	s1 =	sor.u32 s26, s1;
	v19 =	vsel vm1, v30, v35;
	[tilespmem:s3+$0x0] =	vst v14;
	v14 =	vsel vm0, v18, v15;
	v15 =	vsel vm1, v20, v24  }
0x78: {  	s4 =	sor.u32 s26, s4;
	v11 =	vsel vm1, v11, v13;
	v18 =	vsel vm1, v36, v38;
	[tilespmem:s1+$0x0] =	vst v14;
	v14 =	vsel vm0, v15, v19  }
0x79: {  	s14 =	sor.u32 s26, s14;
	v13 =	vsel vm1, v31, v37;
	v9 =	vsel vm1, v9, v12;
	v11 =	vsel vm0, v18, v11;
	[tilespmem:s4+$0x0] =	vst v14  }
0x7a: {  	s15 =	sor.u32 s26, s15;
	v12 =	vsel vm1, v25, v32;
	v7 =	vsel vm1, v7, v10;
	v9 =	vsel vm0, v13, v9;
	[tilespmem:s14+$0x0] =	vst v11  }
0x7b: {  	s19 =	sor.u32 s26, s18;
	v10 =	vsel vm1, v21, v26;
	v4 =	vsel vm1, v4, v8;
	v7 =	vsel vm0, v12, v7;
	[tilespmem:s15+$0x0] =	vst v9  }
0x7c: {  	s20 =	sor.u32 s26, s20;
	v8 =	vsel vm1, v16, v22;
	v1 =	vsel vm1, v1, v5;
	v4 =	vsel vm0, v10, v4;
	[tilespmem:s19+$0x0] =	vst v7  }
0x7d: {  	s21 =	sor.u32 s26, s21;
	v5 =	vsel vm1, v23, v27;
	v0 =	vsel vm1, v0, v2;
	v1 =	vsel vm0, v8, v1;
	[tilespmem:s20+$0x0] =	vst v4  }
0x7e: {  	s22 =	sor.u32 s26, s22;
	v2 =	vsel vm1, v17, v39;
	v0 =	vsel vm0, v5, v0;
	[tilespmem:s21+$0x0] =	vst v1;
	v1 =	vsel vm1, v3, v6  }
0x7f: {  	s0 =	sor.u32 s26, s23;
	[tilespmem:s22+$0x0] =	vst v0;
	v0 =	vsel vm0, v2, v1  }
0x80: {  	s23 =	simm.s32 $0x1100;
	[tilespmem:s0+$0x0] =	vst v0  }
0x81: {  	[hbm4b:s6+s16] =	stream.strided.scatter [tilespmem:s23], [sflag:$0x1], $0x1400, s17, s16, $0x38;
	[tilespmem:$0x8900] =	vst v63  }
0x82: {  	v14 =	vld [tilespmem:$0x480]  }
0x83: {  	v17 =	vld [tilespmem:$0x7A0]  }
0x84: {  	v28 =	vld [tilespmem:$0xAC0]  }
0x85: {  	v33 =	vld [tilespmem:$0xDE0]  }
0x86: {  	v15 =	vld [tilespmem:$0x490]  }
0x87: {  	v18 =	vld [tilespmem:$0x7B0]  }
0x88: {  	v29 =	vld [tilespmem:$0xAD0]  }
0x89: {  	v34 =	vld [tilespmem:$0xDF0]  }
0x8a: {  	v30 =	vld [tilespmem:$0x4A0]  }
0x8b: {  	v35 =	vld [tilespmem:$0x7C0]  }
0x8c: {  	v19 =	vld [tilespmem:$0xAE0]  }
0x8d: {  	v24 =	vld [tilespmem:$0xE00]  }
0x8e: {  	v11 =	vld [tilespmem:$0x4B0]  }
0x8f: {  	v13 =	vld [tilespmem:$0x7D0]  }
0x90: {  	v36 =	vld [tilespmem:$0xAF0]  }
0x91: {  	v38 =	vld [tilespmem:$0xE10]  }
0x92: {  	v9 =	vld [tilespmem:$0x4C0]  }
0x93: {  	v12 =	vld [tilespmem:$0x7E0]  }
0x94: {  	v31 =	vld [tilespmem:$0xB00]  }
0x95: {  	v37 =	vld [tilespmem:$0xE20]  }
0x96: {  	v7 =	vld [tilespmem:$0x610]  }
0x97: {  	v10 =	vld [tilespmem:$0x930]  }
0x98: {  	v25 =	vld [tilespmem:$0xC50]  }
0x99: {  	v32 =	vld [tilespmem:$0xF70]  }
0x9a: {  	v4 =	vld [tilespmem:$0x620]  }
0x9b: {  	v8 =	vld [tilespmem:$0x940]  }
0x9c: {  	v20 =	vld [tilespmem:$0xC60]  }
0x9d: {  	v26 =	vld [tilespmem:$0xF80]  }
0x9e: {  	v1 =	vld [tilespmem:$0x630]  }
0x9f: {  	v5 =	vld [tilespmem:$0x950]  }
0xa0: {  	v16 =	vld [tilespmem:$0xC70]  }
0xa1: {  	v21 =	vld [tilespmem:$0xF90]  }
0xa2: {  	v0 =	vld [tilespmem:$0x640]  }
0xa3: {  	s29 =	simm.s32 $0x10;
	v2 =	vld [tilespmem:$0x960]  }
0xa4: {  	v62 =	vld [tilespmem:s29+$0xFFFFFFF0]  }
0xa5: {  	v22 =	vld [tilespmem:$0xC80]  }
0xa6: {  	v27 =	vld [tilespmem:$0xFA0]  }
0xa7: {  	v3 =	vld [tilespmem:$0x650]  }
0xa8: {  	s30 =	simm.s32 $0x30;
	v6 =	vld [tilespmem:$0x970]  }
0xa9: {  	s31 =	simm.s32 $0x40;
	s28 =	simm.s32 $0x10;
	s26 =	simm.s32 $0x0;
	v23 =	vld [tilespmem:$0xC90];
	v63 =	vand.u32 $0x1, v62  }
0xaa: {  	s1 =	simm.s32 $0x0;
	s0 =	sand.u32 $0x300, s26;
	s26 =	simm.s32 $0x10;
	v39 =	vld [tilespmem:$0xFB0];
	vm0 =	vgt.s32 v62, $0x1;
	vm1 =	veq.s32 v63, $0x0  }
.LBB2_4:
0xab: {  	s4 =	sand.u32 $0x60, s1  }
0xac: {  	v40 =	vsel vm1, v28, v33;
	v41 =	vsel vm1, v14, v17;
	s1 =	sadd.s32 $0x2500, s0;
	v42 =	vsel vm1, v15, v18;
	s29 =	sadd.s32 $0x20, s29;
	s18 =	smov.u32 s30  }
0xad: {  	p0 =	sne.s32 s30, $0x1F0;
	s14 =	sadd.s32 $0x2900, s0;
	v40 =	vsel vm0, v40, v41;
	s3 =	sor.u32 s4, s1;
	v41 =	vsel vm1, v29, v34  }
0xae: {  	s30 =	sadd.s32 $0x20, s30;
	s15 =	sadd.s32 $0x2D00, s0;
	[tilespmem:s3+$0x0] =	vst v40;
	v40 =	vsel vm0, v41, v42;
	s3 =	sor.u32 s4, s14;
	v41 =	vsel vm1, v19, v24;
	v42 =	vsel vm1, v30, v35  }
0xaf: {  	s19 =	sadd.s32 $0x3100, s0;
	[tilespmem:s3+$0x0] =	vst v40;
	v40 =	vsel vm0, v41, v42;
	s3 =	sor.u32 s4, s15;
	v41 =	vsel vm1, v36, v38;
	v42 =	vsel vm1, v11, v13  }
0xb0: {  	s20 =	sadd.s32 $0x3500, s0;
	[tilespmem:s3+$0x0] =	vst v40;
	v40 =	vsel vm0, v41, v42;
	s3 =	sor.u32 s4, s19;
	v41 =	vsel vm1, v31, v37;
	v42 =	vsel vm1, v9, v12  }
0xb1: {  	s21 =	sadd.s32 $0x2580, s0;
	[tilespmem:s3+$0x0] =	vst v40;
	v40 =	vsel vm0, v41, v42;
	s3 =	sor.u32 s4, s20;
	v41 =	vsel vm1, v25, v32;
	v42 =	vsel vm1, v7, v10  }
0xb2: {  	s22 =	sadd.s32 $0x2980, s0;
	[tilespmem:s3+$0x0] =	vst v40;
	v40 =	vsel vm0, v41, v42;
	s3 =	sor.u32 s4, s21;
	v41 =	vsel vm1, v20, v26;
	v42 =	vsel vm1, v4, v8  }
0xb3: {  	s23 =	sadd.s32 $0x2D80, s0;
	[tilespmem:s3+$0x0] =	vst v40;
	v40 =	vsel vm0, v41, v42;
	s3 =	sor.u32 s4, s22;
	v41 =	vsel vm1, v16, v21;
	v42 =	vsel vm1, v1, v5  }
0xb4: {  	s5 =	sor.u32 s4, s23;
	[tilespmem:s3+$0x0] =	vst v40;
	v40 =	vsel vm0, v41, v42;
	v41 =	vsel vm1, v22, v27;
	v42 =	vsel vm1, v0, v2;
	s3 =	sadd.s32 $0x3180, s0  }
0xb5: {  	s0 =	sadd.s32 $0x3580, s0;
	[tilespmem:s5+$0x0] =	vst v40;
	v40 =	vsel vm0, v41, v42;
	s5 =	sor.u32 s4, s3;
	v41 =	vsel vm1, v23, v39;
	v42 =	vsel vm1, v3, v6  }
0xb6: {  	s4 =	sor.u32 s4, s0;
	[tilespmem:s5+$0x0] =	vst v40;
	v40 =	vsel vm0, v41, v42  }
0xb7: {  	[tilespmem:s4+$0x0] =	vst v40  }
0xb8: {  	v40 =	vld [tilespmem:s26+$0x0];
	s26 =	smov.u32 s29;
	_ =	sdelay $0x4  }
0xb9: {  	v41 =	vand.u32 $0x1, v40  }
0xba: {  	vm0 =	vgt.s32 v40, $0x1;
	vm1 =	veq.s32 v41, $0x0  }
0xbb: {  	s4 =	sand.u32 $0x70, s28;
	s28 =	smov.u32 s18;
	v40 =	vsel vm1, v28, v33;
	v41 =	vsel vm1, v14, v17;
	v42 =	vsel vm1, v30, v35  }
0xbc: {  	s1 =	sor.u32 s4, s1;
	v43 =	vsel vm1, v15, v18;
	v40 =	vsel vm0, v40, v41;
	v41 =	vsel vm1, v29, v34  }
0xbd: {  	[tilespmem:s1+$0x0] =	vst v40;
	v40 =	vsel vm0, v41, v43;
	s1 =	sor.u32 s4, s14;
	v41 =	vsel vm1, v19, v24;
	v43 =	vsel vm1, v36, v38  }
0xbe: {  	[tilespmem:s1+$0x0] =	vst v40;
	v40 =	vsel vm0, v41, v42;
	s1 =	sor.u32 s4, s15;
	v41 =	vsel vm1, v11, v13;
	v42 =	vsel vm1, v31, v37  }
0xbf: {  	[tilespmem:s1+$0x0] =	vst v40;
	v40 =	vsel vm0, v43, v41;
	s1 =	sor.u32 s4, s19;
	v41 =	vsel vm1, v9, v12;
	v43 =	vsel vm1, v25, v32  }
0xc0: {  	[tilespmem:s1+$0x0] =	vst v40;
	v40 =	vsel vm0, v42, v41;
	s1 =	sor.u32 s4, s20;
	v41 =	vsel vm1, v7, v10;
	v42 =	vsel vm1, v20, v26  }
0xc1: {  	[tilespmem:s1+$0x0] =	vst v40;
	v40 =	vsel vm0, v43, v41;
	s1 =	sor.u32 s4, s21;
	v41 =	vsel vm1, v4, v8;
	v43 =	vsel vm1, v16, v21  }
0xc2: {  	[tilespmem:s1+$0x0] =	vst v40;
	v40 =	vsel vm0, v42, v41;
	s1 =	sor.u32 s4, s22;
	v41 =	vsel vm1, v1, v5;
	v42 =	vsel vm1, v22, v27  }
0xc3: {  	[tilespmem:s1+$0x0] =	vst v40;
	v40 =	vsel vm0, v43, v41;
	s1 =	sor.u32 s4, s23;
	v41 =	vsel vm1, v0, v2;
	v43 =	vsel vm1, v23, v39  }
0xc4: {  	[tilespmem:s1+$0x0] =	vst v40;
	v40 =	vsel vm0, v42, v41;
	s1 =	sor.u32 s4, s3;
	v41 =	vsel vm1, v3, v6  }
0xc5: {  	s0 =	sor.u32 s4, s0;
	[tilespmem:s1+$0x0] =	vst v40;
	v40 =	vsel vm0, v43, v41  }
0xc6: {  	[tilespmem:s0+$0x0] =	vst v40  }
0xc7: {  	v40 =	vld [tilespmem:s29+$0xFFFFFFF0];
	_ =	sdelay $0x1  }
.Ltmp1:
0xc8: {  	(pc) =	sbr.rel @p0 .LBB2_4-.Ltmp1, $3  }
0xc9: {  	_ =	sdelay $0x1  }
0xca: {  	v41 =	vand.u32 $0x1, v40;
	vm0 =	vgt.s32 v40, $0x1  }
0xcb: {  	s1 =	sadd.s32 $0xFFFFFFF0, s28;
	s0 =	sand.u32 $0x300, s31;
	s31 =	sadd.s32 $0x40, s31;
	vm1 =	veq.s32 v41, $0x0  }
0xcc: {  	s5 =	sand.u32 $0x60, s1;
	v40 =	vsel vm1, v28, v33;
	v41 =	vsel vm1, v14, v17;
	s3 =	sadd.s32 $0x2500, s0  }
0xcd: {  	v42 =	vsel vm1, v15, v18;
	v54 =	vsel vm1, v29, v34;
	s1 =	sadd.s32 $0x2900, s0;
	v40 =	vsel vm0, v40, v41;
	s4 =	sor.u32 s5, s3  }
0xce: {  	v56 =	vsel vm1, v19, v24;
	v57 =	vsel vm1, v30, v35;
	v55 =	vsel vm0, v54, v42;
	s14 =	sor.u32 s5, s1;
	[tilespmem:s4+$0x0] =	vst v40;
	s4 =	sadd.s32 $0x2D00, s0  }
0xcf: {  	v59 =	vsel vm1, v36, v38;
	v60 =	vsel vm1, v11, v13;
	v58 =	vsel vm0, v56, v57;
	[tilespmem:s14+$0x0] =	vst v55;
	s15 =	sor.u32 s5, s4;
	s14 =	sadd.s32 $0x3100, s0  }
0xd0: {  	v62 =	vsel vm1, v31, v37;
	v63 =	vsel vm1, v9, v12;
	v61 =	vsel vm0, v59, v60;
	[tilespmem:s15+$0x0] =	vst v58;
	s18 =	sor.u32 s5, s14;
	s15 =	sadd.s32 $0x3500, s0  }
0xd1: {  	v46 =	vsel vm1, v25, v32;
	v47 =	vsel vm1, v7, v10;
	v45 =	vsel vm0, v62, v63;
	[tilespmem:s18+$0x0] =	vst v61;
	s19 =	sor.u32 s5, s15;
	s18 =	sadd.s32 $0x2580, s0  }
0xd2: {  	v49 =	vsel vm1, v20, v26;
	v50 =	vsel vm1, v4, v8;
	s20 =	sadd.s32 $0x2980, s0;
	v48 =	vsel vm0, v46, v47;
	[tilespmem:s19+$0x0] =	vst v45;
	s21 =	sor.u32 s5, s18  }
0xd3: {  	v52 =	vsel vm1, v16, v21;
	v53 =	vsel vm1, v1, v5;
	v51 =	vsel vm0, v49, v50;
	s22 =	sor.u32 s5, s20;
	[tilespmem:s21+$0x0] =	vst v48;
	s21 =	sadd.s32 $0x2D80, s0  }
0xd4: {  	v54 =	vsel vm0, v52, v53;
	v56 =	vsel vm1, v0, v2;
	v55 =	vsel vm1, v22, v27;
	[tilespmem:s22+$0x0] =	vst v51;
	s23 =	sor.u32 s5, s21;
	s22 =	sadd.s32 $0x3180, s0  }
0xd5: {  	v59 =	vsel vm1, v3, v6;
	v57 =	vsel vm0, v55, v56;
	v58 =	vsel vm1, v23, v39;
	[tilespmem:s23+$0x0] =	vst v54;
	s19 =	sor.u32 s5, s22;
	s23 =	sadd.s32 $0x3580, s0  }
0xd6: {  	v60 =	vsel vm0, v58, v59;
	[tilespmem:s19+$0x0] =	vst v57;
	s5 =	sor.u32 s5, s23  }
0xd7: {  	[tilespmem:s5+$0x0] =	vst v60  }
0xd8: {  	v40 =	vld [tilespmem:s26+$0x0];
	_ =	sdelay $0x4  }
0xd9: {  	v61 =	vand.u32 $0x1, v40  }
0xda: {  	vm1 =	veq.s32 v61, $0x0  }
0xdb: {  	s26 =	sand.u32 $0x70, s28;
	vm0 =	vgt.s32 v40, $0x1;
	v28 =	vsel vm1, v28, v33;
	v14 =	vsel vm1, v14, v17  }
0xdc: {  	s3 =	sor.u32 s26, s3;
	v17 =	vsel vm1, v29, v34;
	v15 =	vsel vm1, v15, v18;
	v14 =	vsel vm0, v28, v14  }
0xdd: {  	s1 =	sor.u32 s26, s1;
	v18 =	vsel vm1, v30, v35;
	[tilespmem:s3+$0x0] =	vst v14;
	v14 =	vsel vm0, v17, v15;
	v15 =	vsel vm1, v19, v24  }
0xde: {  	s4 =	sor.u32 s26, s4;
	v11 =	vsel vm1, v11, v13;
	v17 =	vsel vm1, v36, v38;
	[tilespmem:s1+$0x0] =	vst v14;
	v14 =	vsel vm0, v15, v18  }
0xdf: {  	s14 =	sor.u32 s26, s14;
	v13 =	vsel vm1, v31, v37;
	v9 =	vsel vm1, v9, v12;
	v11 =	vsel vm0, v17, v11;
	[tilespmem:s4+$0x0] =	vst v14  }
0xe0: {  	s15 =	sor.u32 s26, s15;
	v12 =	vsel vm1, v25, v32;
	v7 =	vsel vm1, v7, v10;
	v9 =	vsel vm0, v13, v9;
	[tilespmem:s14+$0x0] =	vst v11  }
0xe1: {  	s19 =	sor.u32 s26, s18;
	v10 =	vsel vm1, v20, v26;
	v4 =	vsel vm1, v4, v8;
	v7 =	vsel vm0, v12, v7;
	[tilespmem:s15+$0x0] =	vst v9  }
0xe2: {  	s20 =	sor.u32 s26, s20;
	v8 =	vsel vm1, v16, v21;
	v1 =	vsel vm1, v1, v5;
	v4 =	vsel vm0, v10, v4;
	[tilespmem:s19+$0x0] =	vst v7  }
0xe3: {  	s21 =	sor.u32 s26, s21;
	v5 =	vsel vm1, v22, v27;
	v0 =	vsel vm1, v0, v2;
	v1 =	vsel vm0, v8, v1;
	[tilespmem:s20+$0x0] =	vst v4  }
0xe4: {  	s22 =	sor.u32 s26, s22;
	v2 =	vsel vm1, v23, v39;
	v0 =	vsel vm0, v5, v0;
	[tilespmem:s21+$0x0] =	vst v1;
	v1 =	vsel vm1, v3, v6  }
0xe5: {  	s0 =	sor.u32 s26, s23;
	[tilespmem:s22+$0x0] =	vst v0;
	v0 =	vsel vm0, v2, v1  }
0xe6: {  	s23 =	simm.s32 $0x2500;
	[tilespmem:s0+$0x0] =	vst v0  }
0xe7: {  	[hbm4b:s7+s16] =	stream.strided.scatter [tilespmem:s23], [sflag:$0x1], $0x1400, s17, s16, $0x38;
	[tilespmem:$0x8900] =	vst v63  }
0xe8: {  	v14 =	vld [tilespmem:$0x4D0]  }
0xe9: {  	v17 =	vld [tilespmem:$0x7F0]  }
0xea: {  	v28 =	vld [tilespmem:$0xB10]  }
0xeb: {  	v33 =	vld [tilespmem:$0xE30]  }
0xec: {  	v15 =	vld [tilespmem:$0x4E0]  }
0xed: {  	v18 =	vld [tilespmem:$0x800]  }
0xee: {  	v29 =	vld [tilespmem:$0xB20]  }
0xef: {  	v34 =	vld [tilespmem:$0xE40]  }
0xf0: {  	v30 =	vld [tilespmem:$0x4F0]  }
0xf1: {  	v35 =	vld [tilespmem:$0x810]  }
0xf2: {  	v19 =	vld [tilespmem:$0xB30]  }
0xf3: {  	v24 =	vld [tilespmem:$0xE50]  }
0xf4: {  	v11 =	vld [tilespmem:$0x500]  }
0xf5: {  	v13 =	vld [tilespmem:$0x820]  }
0xf6: {  	v36 =	vld [tilespmem:$0xB40]  }
0xf7: {  	v38 =	vld [tilespmem:$0xE60]  }
0xf8: {  	v9 =	vld [tilespmem:$0x510]  }
0xf9: {  	v12 =	vld [tilespmem:$0x830]  }
0xfa: {  	v31 =	vld [tilespmem:$0xB50]  }
0xfb: {  	v37 =	vld [tilespmem:$0xE70]  }
0xfc: {  	v7 =	vld [tilespmem:$0x660]  }
0xfd: {  	v10 =	vld [tilespmem:$0x980]  }
0xfe: {  	v25 =	vld [tilespmem:$0xCA0]  }
0xff: {  	v32 =	vld [tilespmem:$0xFC0]  }
0x100: {  	v4 =	vld [tilespmem:$0x670]  }
0x101: {  	v8 =	vld [tilespmem:$0x990]  }
0x102: {  	v20 =	vld [tilespmem:$0xCB0]  }
0x103: {  	v26 =	vld [tilespmem:$0xFD0]  }
0x104: {  	v1 =	vld [tilespmem:$0x680]  }
0x105: {  	v5 =	vld [tilespmem:$0x9A0]  }
0x106: {  	v16 =	vld [tilespmem:$0xCC0]  }
0x107: {  	v21 =	vld [tilespmem:$0xFE0]  }
0x108: {  	v0 =	vld [tilespmem:$0x690]  }
0x109: {  	s29 =	simm.s32 $0x10;
	v2 =	vld [tilespmem:$0x9B0]  }
0x10a: {  	v62 =	vld [tilespmem:s29+$0xFFFFFFF0]  }
0x10b: {  	v22 =	vld [tilespmem:$0xCD0]  }
0x10c: {  	v27 =	vld [tilespmem:$0xFF0]  }
0x10d: {  	v3 =	vld [tilespmem:$0x6A0]  }
0x10e: {  	s30 =	simm.s32 $0x30;
	v6 =	vld [tilespmem:$0x9C0]  }
0x10f: {  	s31 =	simm.s32 $0x40;
	s28 =	simm.s32 $0x10;
	s26 =	simm.s32 $0x0;
	v23 =	vld [tilespmem:$0xCE0];
	v63 =	vand.u32 $0x1, v62  }
0x110: {  	s1 =	simm.s32 $0x0;
	s0 =	sand.u32 $0x300, s26;
	s26 =	simm.s32 $0x10;
	v39 =	vld [tilespmem:$0x1000];
	vm0 =	vgt.s32 v62, $0x1;
	vm1 =	veq.s32 v63, $0x0  }
.LBB2_6:
0x111: {  	s4 =	sand.u32 $0x60, s1  }
0x112: {  	v40 =	vsel vm1, v28, v33;
	v41 =	vsel vm1, v14, v17;
	s1 =	sadd.s32 $0x3900, s0;
	v42 =	vsel vm1, v15, v18;
	s29 =	sadd.s32 $0x20, s29;
	s18 =	smov.u32 s30  }
0x113: {  	p0 =	sne.s32 s30, $0x1F0;
	s14 =	sadd.s32 $0x3D00, s0;
	v40 =	vsel vm0, v40, v41;
	s3 =	sor.u32 s4, s1;
	v41 =	vsel vm1, v29, v34  }
0x114: {  	s30 =	sadd.s32 $0x20, s30;
	s15 =	sadd.s32 $0x4100, s0;
	[tilespmem:s3+$0x0] =	vst v40;
	v40 =	vsel vm0, v41, v42;
	s3 =	sor.u32 s4, s14;
	v41 =	vsel vm1, v19, v24;
	v42 =	vsel vm1, v30, v35  }
0x115: {  	s19 =	sadd.s32 $0x4500, s0;
	[tilespmem:s3+$0x0] =	vst v40;
	v40 =	vsel vm0, v41, v42;
	s3 =	sor.u32 s4, s15;
	v41 =	vsel vm1, v36, v38;
	v42 =	vsel vm1, v11, v13  }
0x116: {  	s20 =	sadd.s32 $0x4900, s0;
	[tilespmem:s3+$0x0] =	vst v40;
	v40 =	vsel vm0, v41, v42;
	s3 =	sor.u32 s4, s19;
	v41 =	vsel vm1, v31, v37;
	v42 =	vsel vm1, v9, v12  }
0x117: {  	s21 =	sadd.s32 $0x3980, s0;
	[tilespmem:s3+$0x0] =	vst v40;
	v40 =	vsel vm0, v41, v42;
	s3 =	sor.u32 s4, s20;
	v41 =	vsel vm1, v25, v32;
	v42 =	vsel vm1, v7, v10  }
0x118: {  	s22 =	sadd.s32 $0x3D80, s0;
	[tilespmem:s3+$0x0] =	vst v40;
	v40 =	vsel vm0, v41, v42;
	s3 =	sor.u32 s4, s21;
	v41 =	vsel vm1, v20, v26;
	v42 =	vsel vm1, v4, v8  }
0x119: {  	s23 =	sadd.s32 $0x4180, s0;
	[tilespmem:s3+$0x0] =	vst v40;
	v40 =	vsel vm0, v41, v42;
	s3 =	sor.u32 s4, s22;
	v41 =	vsel vm1, v16, v21;
	v42 =	vsel vm1, v1, v5  }
0x11a: {  	s5 =	sor.u32 s4, s23;
	[tilespmem:s3+$0x0] =	vst v40;
	v40 =	vsel vm0, v41, v42;
	v41 =	vsel vm1, v22, v27;
	v42 =	vsel vm1, v0, v2;
	s3 =	sadd.s32 $0x4580, s0  }
0x11b: {  	s0 =	sadd.s32 $0x4980, s0;
	[tilespmem:s5+$0x0] =	vst v40;
	v40 =	vsel vm0, v41, v42;
	s5 =	sor.u32 s4, s3;
	v41 =	vsel vm1, v23, v39;
	v42 =	vsel vm1, v3, v6  }
0x11c: {  	s4 =	sor.u32 s4, s0;
	[tilespmem:s5+$0x0] =	vst v40;
	v40 =	vsel vm0, v41, v42  }
0x11d: {  	[tilespmem:s4+$0x0] =	vst v40  }
0x11e: {  	v40 =	vld [tilespmem:s26+$0x0];
	s26 =	smov.u32 s29;
	_ =	sdelay $0x4  }
0x11f: {  	v41 =	vand.u32 $0x1, v40  }
0x120: {  	vm0 =	vgt.s32 v40, $0x1;
	vm1 =	veq.s32 v41, $0x0  }
0x121: {  	s4 =	sand.u32 $0x70, s28;
	s28 =	smov.u32 s18;
	v40 =	vsel vm1, v28, v33;
	v41 =	vsel vm1, v14, v17;
	v42 =	vsel vm1, v30, v35  }
0x122: {  	s1 =	sor.u32 s4, s1;
	v43 =	vsel vm1, v15, v18;
	v40 =	vsel vm0, v40, v41;
	v41 =	vsel vm1, v29, v34  }
0x123: {  	[tilespmem:s1+$0x0] =	vst v40;
	v40 =	vsel vm0, v41, v43;
	s1 =	sor.u32 s4, s14;
	v41 =	vsel vm1, v19, v24;
	v43 =	vsel vm1, v36, v38  }
0x124: {  	[tilespmem:s1+$0x0] =	vst v40;
	v40 =	vsel vm0, v41, v42;
	s1 =	sor.u32 s4, s15;
	v41 =	vsel vm1, v11, v13;
	v42 =	vsel vm1, v31, v37  }
0x125: {  	[tilespmem:s1+$0x0] =	vst v40;
	v40 =	vsel vm0, v43, v41;
	s1 =	sor.u32 s4, s19;
	v41 =	vsel vm1, v9, v12;
	v43 =	vsel vm1, v25, v32  }
0x126: {  	[tilespmem:s1+$0x0] =	vst v40;
	v40 =	vsel vm0, v42, v41;
	s1 =	sor.u32 s4, s20;
	v41 =	vsel vm1, v7, v10;
	v42 =	vsel vm1, v20, v26  }
0x127: {  	[tilespmem:s1+$0x0] =	vst v40;
	v40 =	vsel vm0, v43, v41;
	s1 =	sor.u32 s4, s21;
	v41 =	vsel vm1, v4, v8;
	v43 =	vsel vm1, v16, v21  }
0x128: {  	[tilespmem:s1+$0x0] =	vst v40;
	v40 =	vsel vm0, v42, v41;
	s1 =	sor.u32 s4, s22;
	v41 =	vsel vm1, v1, v5;
	v42 =	vsel vm1, v22, v27  }
0x129: {  	[tilespmem:s1+$0x0] =	vst v40;
	v40 =	vsel vm0, v43, v41;
	s1 =	sor.u32 s4, s23;
	v41 =	vsel vm1, v0, v2;
	v43 =	vsel vm1, v23, v39  }
0x12a: {  	[tilespmem:s1+$0x0] =	vst v40;
	v40 =	vsel vm0, v42, v41;
	s1 =	sor.u32 s4, s3;
	v41 =	vsel vm1, v3, v6  }
0x12b: {  	s0 =	sor.u32 s4, s0;
	[tilespmem:s1+$0x0] =	vst v40;
	v40 =	vsel vm0, v43, v41  }
0x12c: {  	[tilespmem:s0+$0x0] =	vst v40  }
0x12d: {  	v40 =	vld [tilespmem:s29+$0xFFFFFFF0];
	_ =	sdelay $0x1  }
.Ltmp2:
0x12e: {  	(pc) =	sbr.rel @p0 .LBB2_6-.Ltmp2, $3  }
0x12f: {  	_ =	sdelay $0x1  }
0x130: {  	v41 =	vand.u32 $0x1, v40;
	vm0 =	vgt.s32 v40, $0x1  }
0x131: {  	s1 =	sadd.s32 $0xFFFFFFF0, s28;
	s0 =	sand.u32 $0x300, s31;
	s31 =	sadd.s32 $0x40, s31;
	vm1 =	veq.s32 v41, $0x0  }
0x132: {  	s5 =	sand.u32 $0x60, s1;
	v40 =	vsel vm1, v28, v33;
	v41 =	vsel vm1, v14, v17;
	s3 =	sadd.s32 $0x3900, s0  }
0x133: {  	v42 =	vsel vm1, v15, v18;
	v54 =	vsel vm1, v29, v34;
	s1 =	sadd.s32 $0x3D00, s0;
	v40 =	vsel vm0, v40, v41;
	s4 =	sor.u32 s5, s3  }
0x134: {  	v56 =	vsel vm1, v19, v24;
	v57 =	vsel vm1, v30, v35;
	v55 =	vsel vm0, v54, v42;
	s14 =	sor.u32 s5, s1;
	[tilespmem:s4+$0x0] =	vst v40;
	s4 =	sadd.s32 $0x4100, s0  }
0x135: {  	v59 =	vsel vm1, v36, v38;
	v60 =	vsel vm1, v11, v13;
	v58 =	vsel vm0, v56, v57;
	[tilespmem:s14+$0x0] =	vst v55;
	s15 =	sor.u32 s5, s4;
	s14 =	sadd.s32 $0x4500, s0  }
0x136: {  	v62 =	vsel vm1, v31, v37;
	v63 =	vsel vm1, v9, v12;
	v61 =	vsel vm0, v59, v60;
	[tilespmem:s15+$0x0] =	vst v58;
	s18 =	sor.u32 s5, s14;
	s15 =	sadd.s32 $0x4900, s0  }
0x137: {  	v46 =	vsel vm1, v25, v32;
	v47 =	vsel vm1, v7, v10;
	v45 =	vsel vm0, v62, v63;
	[tilespmem:s18+$0x0] =	vst v61;
	s19 =	sor.u32 s5, s15;
	s18 =	sadd.s32 $0x3980, s0  }
0x138: {  	v49 =	vsel vm1, v20, v26;
	v50 =	vsel vm1, v4, v8;
	s20 =	sadd.s32 $0x3D80, s0;
	v48 =	vsel vm0, v46, v47;
	[tilespmem:s19+$0x0] =	vst v45;
	s21 =	sor.u32 s5, s18  }
0x139: {  	v52 =	vsel vm1, v16, v21;
	v53 =	vsel vm1, v1, v5;
	v51 =	vsel vm0, v49, v50;
	s22 =	sor.u32 s5, s20;
	[tilespmem:s21+$0x0] =	vst v48;
	s21 =	sadd.s32 $0x4180, s0  }
0x13a: {  	v54 =	vsel vm0, v52, v53;
	v56 =	vsel vm1, v0, v2;
	v55 =	vsel vm1, v22, v27;
	[tilespmem:s22+$0x0] =	vst v51;
	s23 =	sor.u32 s5, s21;
	s22 =	sadd.s32 $0x4580, s0  }
0x13b: {  	v59 =	vsel vm1, v3, v6;
	v57 =	vsel vm0, v55, v56;
	v58 =	vsel vm1, v23, v39;
	[tilespmem:s23+$0x0] =	vst v54;
	s19 =	sor.u32 s5, s22;
	s23 =	sadd.s32 $0x4980, s0  }
0x13c: {  	v60 =	vsel vm0, v58, v59;
	[tilespmem:s19+$0x0] =	vst v57;
	s5 =	sor.u32 s5, s23  }
0x13d: {  	[tilespmem:s5+$0x0] =	vst v60  }
0x13e: {  	v40 =	vld [tilespmem:s26+$0x0];
	_ =	sdelay $0x4  }
0x13f: {  	v61 =	vand.u32 $0x1, v40  }
0x140: {  	vm1 =	veq.s32 v61, $0x0  }
0x141: {  	s26 =	sand.u32 $0x70, s28;
	vm0 =	vgt.s32 v40, $0x1;
	v28 =	vsel vm1, v28, v33;
	v14 =	vsel vm1, v14, v17  }
0x142: {  	s3 =	sor.u32 s26, s3;
	v17 =	vsel vm1, v29, v34;
	v15 =	vsel vm1, v15, v18;
	v14 =	vsel vm0, v28, v14  }
0x143: {  	s1 =	sor.u32 s26, s1;
	v18 =	vsel vm1, v30, v35;
	[tilespmem:s3+$0x0] =	vst v14;
	v14 =	vsel vm0, v17, v15;
	v15 =	vsel vm1, v19, v24  }
0x144: {  	s4 =	sor.u32 s26, s4;
	v11 =	vsel vm1, v11, v13;
	v17 =	vsel vm1, v36, v38;
	[tilespmem:s1+$0x0] =	vst v14;
	v14 =	vsel vm0, v15, v18  }
0x145: {  	s14 =	sor.u32 s26, s14;
	v13 =	vsel vm1, v31, v37;
	v9 =	vsel vm1, v9, v12;
	v11 =	vsel vm0, v17, v11;
	[tilespmem:s4+$0x0] =	vst v14  }
0x146: {  	s15 =	sor.u32 s26, s15;
	v12 =	vsel vm1, v25, v32;
	v7 =	vsel vm1, v7, v10;
	v9 =	vsel vm0, v13, v9;
	[tilespmem:s14+$0x0] =	vst v11  }
0x147: {  	s19 =	sor.u32 s26, s18;
	v10 =	vsel vm1, v20, v26;
	v4 =	vsel vm1, v4, v8;
	v7 =	vsel vm0, v12, v7;
	[tilespmem:s15+$0x0] =	vst v9  }
0x148: {  	s20 =	sor.u32 s26, s20;
	v8 =	vsel vm1, v16, v21;
	v1 =	vsel vm1, v1, v5;
	v4 =	vsel vm0, v10, v4;
	[tilespmem:s19+$0x0] =	vst v7  }
0x149: {  	s21 =	sor.u32 s26, s21;
	v5 =	vsel vm1, v22, v27;
	v0 =	vsel vm1, v0, v2;
	v1 =	vsel vm0, v8, v1;
	[tilespmem:s20+$0x0] =	vst v4  }
0x14a: {  	s22 =	sor.u32 s26, s22;
	v2 =	vsel vm1, v23, v39;
	v0 =	vsel vm0, v5, v0;
	[tilespmem:s21+$0x0] =	vst v1;
	v1 =	vsel vm1, v3, v6  }
0x14b: {  	s0 =	sor.u32 s26, s23;
	[tilespmem:s22+$0x0] =	vst v0;
	v0 =	vsel vm0, v2, v1  }
0x14c: {  	s23 =	simm.s32 $0x3900;
	[tilespmem:s0+$0x0] =	vst v0  }
0x14d: {  	[hbm4b:s8+s16] =	stream.strided.scatter [tilespmem:s23], [sflag:$0x1], $0x1400, s17, s16, $0x38;
	[tilespmem:$0x8900] =	vst v63  }
0x14e: {  	v14 =	vld [tilespmem:$0x520]  }
0x14f: {  	v17 =	vld [tilespmem:$0x840]  }
0x150: {  	v28 =	vld [tilespmem:$0xB60]  }
0x151: {  	v33 =	vld [tilespmem:$0xE80]  }
0x152: {  	v15 =	vld [tilespmem:$0x530]  }
0x153: {  	v18 =	vld [tilespmem:$0x850]  }
0x154: {  	v29 =	vld [tilespmem:$0xB70]  }
0x155: {  	v34 =	vld [tilespmem:$0xE90]  }
0x156: {  	v30 =	vld [tilespmem:$0x540]  }
0x157: {  	v35 =	vld [tilespmem:$0x860]  }
0x158: {  	v19 =	vld [tilespmem:$0xB80]  }
0x159: {  	v24 =	vld [tilespmem:$0xEA0]  }
0x15a: {  	v11 =	vld [tilespmem:$0x550]  }
0x15b: {  	v13 =	vld [tilespmem:$0x870]  }
0x15c: {  	v36 =	vld [tilespmem:$0xB90]  }
0x15d: {  	v38 =	vld [tilespmem:$0xEB0]  }
0x15e: {  	v9 =	vld [tilespmem:$0x560]  }
0x15f: {  	v12 =	vld [tilespmem:$0x880]  }
0x160: {  	v31 =	vld [tilespmem:$0xBA0]  }
0x161: {  	v37 =	vld [tilespmem:$0xEC0]  }
0x162: {  	v7 =	vld [tilespmem:$0x6B0]  }
0x163: {  	v10 =	vld [tilespmem:$0x9D0]  }
0x164: {  	v25 =	vld [tilespmem:$0xCF0]  }
0x165: {  	v32 =	vld [tilespmem:$0x1010]  }
0x166: {  	v4 =	vld [tilespmem:$0x6C0]  }
0x167: {  	v8 =	vld [tilespmem:$0x9E0]  }
0x168: {  	v20 =	vld [tilespmem:$0xD00]  }
0x169: {  	v26 =	vld [tilespmem:$0x1020]  }
0x16a: {  	v1 =	vld [tilespmem:$0x6D0]  }
0x16b: {  	v5 =	vld [tilespmem:$0x9F0]  }
0x16c: {  	v16 =	vld [tilespmem:$0xD10]  }
0x16d: {  	v21 =	vld [tilespmem:$0x1030]  }
0x16e: {  	v0 =	vld [tilespmem:$0x6E0]  }
0x16f: {  	s29 =	simm.s32 $0x10;
	v2 =	vld [tilespmem:$0xA00]  }
0x170: {  	v62 =	vld [tilespmem:s29+$0xFFFFFFF0]  }
0x171: {  	v22 =	vld [tilespmem:$0xD20]  }
0x172: {  	v27 =	vld [tilespmem:$0x1040]  }
0x173: {  	v3 =	vld [tilespmem:$0x6F0]  }
0x174: {  	s30 =	simm.s32 $0x30;
	v6 =	vld [tilespmem:$0xA10]  }
0x175: {  	s31 =	simm.s32 $0x40;
	s28 =	simm.s32 $0x10;
	s26 =	simm.s32 $0x0;
	v23 =	vld [tilespmem:$0xD30];
	v63 =	vand.u32 $0x1, v62  }
0x176: {  	s1 =	simm.s32 $0x0;
	s0 =	sand.u32 $0x300, s26;
	s26 =	simm.s32 $0x10;
	v39 =	vld [tilespmem:$0x1050];
	vm0 =	vgt.s32 v62, $0x1;
	vm1 =	veq.s32 v63, $0x0  }
.LBB2_8:
0x177: {  	s4 =	sand.u32 $0x60, s1  }
0x178: {  	v40 =	vsel vm1, v28, v33;
	v41 =	vsel vm1, v14, v17;
	s1 =	sadd.s32 $0x4D00, s0;
	v42 =	vsel vm1, v15, v18;
	s29 =	sadd.s32 $0x20, s29;
	s18 =	smov.u32 s30  }
0x179: {  	p0 =	sne.s32 s30, $0x1F0;
	s14 =	sadd.s32 $0x5100, s0;
	v40 =	vsel vm0, v40, v41;
	s3 =	sor.u32 s4, s1;
	v41 =	vsel vm1, v29, v34  }
0x17a: {  	s30 =	sadd.s32 $0x20, s30;
	s15 =	sadd.s32 $0x5500, s0;
	[tilespmem:s3+$0x0] =	vst v40;
	v40 =	vsel vm0, v41, v42;
	s3 =	sor.u32 s4, s14;
	v41 =	vsel vm1, v19, v24;
	v42 =	vsel vm1, v30, v35  }
0x17b: {  	s19 =	sadd.s32 $0x5900, s0;
	[tilespmem:s3+$0x0] =	vst v40;
	v40 =	vsel vm0, v41, v42;
	s3 =	sor.u32 s4, s15;
	v41 =	vsel vm1, v36, v38;
	v42 =	vsel vm1, v11, v13  }
0x17c: {  	s20 =	sadd.s32 $0x5D00, s0;
	[tilespmem:s3+$0x0] =	vst v40;
	v40 =	vsel vm0, v41, v42;
	s3 =	sor.u32 s4, s19;
	v41 =	vsel vm1, v31, v37;
	v42 =	vsel vm1, v9, v12  }
0x17d: {  	s21 =	sadd.s32 $0x4D80, s0;
	[tilespmem:s3+$0x0] =	vst v40;
	v40 =	vsel vm0, v41, v42;
	s3 =	sor.u32 s4, s20;
	v41 =	vsel vm1, v25, v32;
	v42 =	vsel vm1, v7, v10  }
0x17e: {  	s22 =	sadd.s32 $0x5180, s0;
	[tilespmem:s3+$0x0] =	vst v40;
	v40 =	vsel vm0, v41, v42;
	s3 =	sor.u32 s4, s21;
	v41 =	vsel vm1, v20, v26;
	v42 =	vsel vm1, v4, v8  }
0x17f: {  	s23 =	sadd.s32 $0x5580, s0;
	[tilespmem:s3+$0x0] =	vst v40;
	v40 =	vsel vm0, v41, v42;
	s3 =	sor.u32 s4, s22;
	v41 =	vsel vm1, v16, v21;
	v42 =	vsel vm1, v1, v5  }
0x180: {  	s5 =	sor.u32 s4, s23;
	[tilespmem:s3+$0x0] =	vst v40;
	v40 =	vsel vm0, v41, v42;
	v41 =	vsel vm1, v22, v27;
	v42 =	vsel vm1, v0, v2;
	s3 =	sadd.s32 $0x5980, s0  }
0x181: {  	s0 =	sadd.s32 $0x5D80, s0;
	[tilespmem:s5+$0x0] =	vst v40;
	v40 =	vsel vm0, v41, v42;
	s5 =	sor.u32 s4, s3;
	v41 =	vsel vm1, v23, v39;
	v42 =	vsel vm1, v3, v6  }
0x182: {  	s4 =	sor.u32 s4, s0;
	[tilespmem:s5+$0x0] =	vst v40;
	v40 =	vsel vm0, v41, v42  }
0x183: {  	[tilespmem:s4+$0x0] =	vst v40  }
0x184: {  	v40 =	vld [tilespmem:s26+$0x0];
	s26 =	smov.u32 s29;
	_ =	sdelay $0x4  }
0x185: {  	v41 =	vand.u32 $0x1, v40  }
0x186: {  	vm0 =	vgt.s32 v40, $0x1;
	vm1 =	veq.s32 v41, $0x0  }
0x187: {  	s4 =	sand.u32 $0x70, s28;
	s28 =	smov.u32 s18;
	v40 =	vsel vm1, v28, v33;
	v41 =	vsel vm1, v14, v17;
	v42 =	vsel vm1, v30, v35  }
0x188: {  	s1 =	sor.u32 s4, s1;
	v43 =	vsel vm1, v15, v18;
	v40 =	vsel vm0, v40, v41;
	v41 =	vsel vm1, v29, v34  }
0x189: {  	[tilespmem:s1+$0x0] =	vst v40;
	v40 =	vsel vm0, v41, v43;
	s1 =	sor.u32 s4, s14;
	v41 =	vsel vm1, v19, v24;
	v43 =	vsel vm1, v36, v38  }
0x18a: {  	[tilespmem:s1+$0x0] =	vst v40;
	v40 =	vsel vm0, v41, v42;
	s1 =	sor.u32 s4, s15;
	v41 =	vsel vm1, v11, v13;
	v42 =	vsel vm1, v31, v37  }
0x18b: {  	[tilespmem:s1+$0x0] =	vst v40;
	v40 =	vsel vm0, v43, v41;
	s1 =	sor.u32 s4, s19;
	v41 =	vsel vm1, v9, v12;
	v43 =	vsel vm1, v25, v32  }
0x18c: {  	[tilespmem:s1+$0x0] =	vst v40;
	v40 =	vsel vm0, v42, v41;
	s1 =	sor.u32 s4, s20;
	v41 =	vsel vm1, v7, v10;
	v42 =	vsel vm1, v20, v26  }
0x18d: {  	[tilespmem:s1+$0x0] =	vst v40;
	v40 =	vsel vm0, v43, v41;
	s1 =	sor.u32 s4, s21;
	v41 =	vsel vm1, v4, v8;
	v43 =	vsel vm1, v16, v21  }
0x18e: {  	[tilespmem:s1+$0x0] =	vst v40;
	v40 =	vsel vm0, v42, v41;
	s1 =	sor.u32 s4, s22;
	v41 =	vsel vm1, v1, v5;
	v42 =	vsel vm1, v22, v27  }
0x18f: {  	[tilespmem:s1+$0x0] =	vst v40;
	v40 =	vsel vm0, v43, v41;
	s1 =	sor.u32 s4, s23;
	v41 =	vsel vm1, v0, v2;
	v43 =	vsel vm1, v23, v39  }
0x190: {  	[tilespmem:s1+$0x0] =	vst v40;
	v40 =	vsel vm0, v42, v41;
	s1 =	sor.u32 s4, s3;
	v41 =	vsel vm1, v3, v6  }
0x191: {  	s0 =	sor.u32 s4, s0;
	[tilespmem:s1+$0x0] =	vst v40;
	v40 =	vsel vm0, v43, v41  }
0x192: {  	[tilespmem:s0+$0x0] =	vst v40  }
0x193: {  	v40 =	vld [tilespmem:s29+$0xFFFFFFF0];
	_ =	sdelay $0x1  }
.Ltmp3:
0x194: {  	(pc) =	sbr.rel @p0 .LBB2_8-.Ltmp3, $3  }
0x195: {  	_ =	sdelay $0x1  }
0x196: {  	v41 =	vand.u32 $0x1, v40;
	vm0 =	vgt.s32 v40, $0x1  }
0x197: {  	s1 =	sadd.s32 $0xFFFFFFF0, s28;
	s0 =	sand.u32 $0x300, s31;
	s31 =	sadd.s32 $0x40, s31;
	vm1 =	veq.s32 v41, $0x0  }
0x198: {  	s5 =	sand.u32 $0x60, s1;
	v40 =	vsel vm1, v28, v33;
	v41 =	vsel vm1, v14, v17;
	s3 =	sadd.s32 $0x4D00, s0  }
0x199: {  	v42 =	vsel vm1, v15, v18;
	v54 =	vsel vm1, v29, v34;
	s1 =	sadd.s32 $0x5100, s0;
	v40 =	vsel vm0, v40, v41;
	s4 =	sor.u32 s5, s3  }
0x19a: {  	v56 =	vsel vm1, v19, v24;
	v57 =	vsel vm1, v30, v35;
	v55 =	vsel vm0, v54, v42;
	s14 =	sor.u32 s5, s1;
	[tilespmem:s4+$0x0] =	vst v40;
	s4 =	sadd.s32 $0x5500, s0  }
0x19b: {  	v59 =	vsel vm1, v36, v38;
	v60 =	vsel vm1, v11, v13;
	v58 =	vsel vm0, v56, v57;
	[tilespmem:s14+$0x0] =	vst v55;
	s15 =	sor.u32 s5, s4;
	s14 =	sadd.s32 $0x5900, s0  }
0x19c: {  	v62 =	vsel vm1, v31, v37;
	v63 =	vsel vm1, v9, v12;
	v61 =	vsel vm0, v59, v60;
	[tilespmem:s15+$0x0] =	vst v58;
	s18 =	sor.u32 s5, s14;
	s15 =	sadd.s32 $0x5D00, s0  }
0x19d: {  	v46 =	vsel vm1, v25, v32;
	v47 =	vsel vm1, v7, v10;
	v45 =	vsel vm0, v62, v63;
	[tilespmem:s18+$0x0] =	vst v61;
	s19 =	sor.u32 s5, s15;
	s18 =	sadd.s32 $0x4D80, s0  }
0x19e: {  	v49 =	vsel vm1, v20, v26;
	v50 =	vsel vm1, v4, v8;
	s20 =	sadd.s32 $0x5180, s0;
	v48 =	vsel vm0, v46, v47;
	[tilespmem:s19+$0x0] =	vst v45;
	s21 =	sor.u32 s5, s18  }
0x19f: {  	v52 =	vsel vm1, v16, v21;
	v53 =	vsel vm1, v1, v5;
	v51 =	vsel vm0, v49, v50;
	s22 =	sor.u32 s5, s20;
	[tilespmem:s21+$0x0] =	vst v48;
	s21 =	sadd.s32 $0x5580, s0  }
0x1a0: {  	v54 =	vsel vm0, v52, v53;
	v56 =	vsel vm1, v0, v2;
	v55 =	vsel vm1, v22, v27;
	[tilespmem:s22+$0x0] =	vst v51;
	s23 =	sor.u32 s5, s21;
	s22 =	sadd.s32 $0x5980, s0  }
0x1a1: {  	v59 =	vsel vm1, v3, v6;
	v57 =	vsel vm0, v55, v56;
	v58 =	vsel vm1, v23, v39;
	[tilespmem:s23+$0x0] =	vst v54;
	s19 =	sor.u32 s5, s22;
	s23 =	sadd.s32 $0x5D80, s0  }
0x1a2: {  	v60 =	vsel vm0, v58, v59;
	[tilespmem:s19+$0x0] =	vst v57;
	s5 =	sor.u32 s5, s23  }
0x1a3: {  	[tilespmem:s5+$0x0] =	vst v60  }
0x1a4: {  	v40 =	vld [tilespmem:s26+$0x0];
	_ =	sdelay $0x4  }
0x1a5: {  	v61 =	vand.u32 $0x1, v40  }
0x1a6: {  	vm1 =	veq.s32 v61, $0x0  }
0x1a7: {  	s26 =	sand.u32 $0x70, s28;
	vm0 =	vgt.s32 v40, $0x1;
	v28 =	vsel vm1, v28, v33;
	v14 =	vsel vm1, v14, v17  }
0x1a8: {  	s3 =	sor.u32 s26, s3;
	v17 =	vsel vm1, v29, v34;
	v15 =	vsel vm1, v15, v18;
	v14 =	vsel vm0, v28, v14  }
0x1a9: {  	s1 =	sor.u32 s26, s1;
	v18 =	vsel vm1, v30, v35;
	[tilespmem:s3+$0x0] =	vst v14;
	v14 =	vsel vm0, v17, v15;
	v15 =	vsel vm1, v19, v24  }
0x1aa: {  	s4 =	sor.u32 s26, s4;
	v11 =	vsel vm1, v11, v13;
	v17 =	vsel vm1, v36, v38;
	[tilespmem:s1+$0x0] =	vst v14;
	v14 =	vsel vm0, v15, v18  }
0x1ab: {  	s14 =	sor.u32 s26, s14;
	v13 =	vsel vm1, v31, v37;
	v9 =	vsel vm1, v9, v12;
	v11 =	vsel vm0, v17, v11;
	[tilespmem:s4+$0x0] =	vst v14  }
0x1ac: {  	s15 =	sor.u32 s26, s15;
	v12 =	vsel vm1, v25, v32;
	v7 =	vsel vm1, v7, v10;
	v9 =	vsel vm0, v13, v9;
	[tilespmem:s14+$0x0] =	vst v11  }
0x1ad: {  	s19 =	sor.u32 s26, s18;
	v10 =	vsel vm1, v20, v26;
	v4 =	vsel vm1, v4, v8;
	v7 =	vsel vm0, v12, v7;
	[tilespmem:s15+$0x0] =	vst v9  }
0x1ae: {  	s20 =	sor.u32 s26, s20;
	v8 =	vsel vm1, v16, v21;
	v1 =	vsel vm1, v1, v5;
	v4 =	vsel vm0, v10, v4;
	[tilespmem:s19+$0x0] =	vst v7  }
0x1af: {  	s21 =	sor.u32 s26, s21;
	v5 =	vsel vm1, v22, v27;
	v0 =	vsel vm1, v0, v2;
	v1 =	vsel vm0, v8, v1;
	[tilespmem:s20+$0x0] =	vst v4  }
0x1b0: {  	s22 =	sor.u32 s26, s22;
	v2 =	vsel vm1, v23, v39;
	v0 =	vsel vm0, v5, v0;
	[tilespmem:s21+$0x0] =	vst v1;
	v1 =	vsel vm1, v3, v6  }
0x1b1: {  	s0 =	sor.u32 s26, s23;
	[tilespmem:s22+$0x0] =	vst v0;
	v0 =	vsel vm0, v2, v1  }
0x1b2: {  	s23 =	simm.s32 $0x4D00;
	[tilespmem:s0+$0x0] =	vst v0  }
0x1b3: {  	[hbm4b:s9+s16] =	stream.strided.scatter [tilespmem:s23], [sflag:$0x1], $0x1400, s17, s16, $0x38;
	[tilespmem:$0x8900] =	vst v63  }
0x1b4: {  	v14 =	vld [tilespmem:$0x570]  }
0x1b5: {  	v17 =	vld [tilespmem:$0x890]  }
0x1b6: {  	v28 =	vld [tilespmem:$0xBB0]  }
0x1b7: {  	v33 =	vld [tilespmem:$0xED0]  }
0x1b8: {  	v15 =	vld [tilespmem:$0x580]  }
0x1b9: {  	v18 =	vld [tilespmem:$0x8A0]  }
0x1ba: {  	v29 =	vld [tilespmem:$0xBC0]  }
0x1bb: {  	v34 =	vld [tilespmem:$0xEE0]  }
0x1bc: {  	v30 =	vld [tilespmem:$0x590]  }
0x1bd: {  	v35 =	vld [tilespmem:$0x8B0]  }
0x1be: {  	v19 =	vld [tilespmem:$0xBD0]  }
0x1bf: {  	v24 =	vld [tilespmem:$0xEF0]  }
0x1c0: {  	v11 =	vld [tilespmem:$0x5A0]  }
0x1c1: {  	v13 =	vld [tilespmem:$0x8C0]  }
0x1c2: {  	v36 =	vld [tilespmem:$0xBE0]  }
0x1c3: {  	v38 =	vld [tilespmem:$0xF00]  }
0x1c4: {  	v9 =	vld [tilespmem:$0x5B0]  }
0x1c5: {  	v12 =	vld [tilespmem:$0x8D0]  }
0x1c6: {  	v31 =	vld [tilespmem:$0xBF0]  }
0x1c7: {  	v37 =	vld [tilespmem:$0xF10]  }
0x1c8: {  	v7 =	vld [tilespmem:$0x700]  }
0x1c9: {  	v10 =	vld [tilespmem:$0xA20]  }
0x1ca: {  	v25 =	vld [tilespmem:$0xD40]  }
0x1cb: {  	v32 =	vld [tilespmem:$0x1060]  }
0x1cc: {  	v4 =	vld [tilespmem:$0x710]  }
0x1cd: {  	v8 =	vld [tilespmem:$0xA30]  }
0x1ce: {  	v20 =	vld [tilespmem:$0xD50]  }
0x1cf: {  	v26 =	vld [tilespmem:$0x1070]  }
0x1d0: {  	v1 =	vld [tilespmem:$0x720]  }
0x1d1: {  	v5 =	vld [tilespmem:$0xA40]  }
0x1d2: {  	v16 =	vld [tilespmem:$0xD60]  }
0x1d3: {  	v21 =	vld [tilespmem:$0x1080]  }
0x1d4: {  	v0 =	vld [tilespmem:$0x730]  }
0x1d5: {  	s29 =	simm.s32 $0x10;
	v2 =	vld [tilespmem:$0xA50]  }
0x1d6: {  	v62 =	vld [tilespmem:s29+$0xFFFFFFF0]  }
0x1d7: {  	v22 =	vld [tilespmem:$0xD70]  }
0x1d8: {  	v27 =	vld [tilespmem:$0x1090]  }
0x1d9: {  	v3 =	vld [tilespmem:$0x740]  }
0x1da: {  	s30 =	simm.s32 $0x30;
	v6 =	vld [tilespmem:$0xA60]  }
0x1db: {  	s31 =	simm.s32 $0x40;
	s28 =	simm.s32 $0x10;
	s26 =	simm.s32 $0x0;
	v23 =	vld [tilespmem:$0xD80];
	v63 =	vand.u32 $0x1, v62  }
0x1dc: {  	s1 =	simm.s32 $0x0;
	s0 =	sand.u32 $0x300, s26;
	s26 =	simm.s32 $0x10;
	v39 =	vld [tilespmem:$0x10A0];
	vm0 =	vgt.s32 v62, $0x1;
	vm1 =	veq.s32 v63, $0x0  }
.LBB2_10:
0x1dd: {  	s4 =	sand.u32 $0x60, s1  }
0x1de: {  	v40 =	vsel vm1, v28, v33;
	v41 =	vsel vm1, v14, v17;
	s1 =	sadd.s32 $0x6100, s0;
	v42 =	vsel vm1, v15, v18;
	s29 =	sadd.s32 $0x20, s29;
	s18 =	smov.u32 s30  }
0x1df: {  	p0 =	sne.s32 s30, $0x1F0;
	s14 =	sadd.s32 $0x6500, s0;
	v40 =	vsel vm0, v40, v41;
	s3 =	sor.u32 s4, s1;
	v41 =	vsel vm1, v29, v34  }
0x1e0: {  	s30 =	sadd.s32 $0x20, s30;
	s15 =	sadd.s32 $0x6900, s0;
	[tilespmem:s3+$0x0] =	vst v40;
	v40 =	vsel vm0, v41, v42;
	s3 =	sor.u32 s4, s14;
	v41 =	vsel vm1, v19, v24;
	v42 =	vsel vm1, v30, v35  }
0x1e1: {  	s19 =	sadd.s32 $0x6D00, s0;
	[tilespmem:s3+$0x0] =	vst v40;
	v40 =	vsel vm0, v41, v42;
	s3 =	sor.u32 s4, s15;
	v41 =	vsel vm1, v36, v38;
	v42 =	vsel vm1, v11, v13  }
0x1e2: {  	s20 =	sadd.s32 $0x7100, s0;
	[tilespmem:s3+$0x0] =	vst v40;
	v40 =	vsel vm0, v41, v42;
	s3 =	sor.u32 s4, s19;
	v41 =	vsel vm1, v31, v37;
	v42 =	vsel vm1, v9, v12  }
0x1e3: {  	s21 =	sadd.s32 $0x6180, s0;
	[tilespmem:s3+$0x0] =	vst v40;
	v40 =	vsel vm0, v41, v42;
	s3 =	sor.u32 s4, s20;
	v41 =	vsel vm1, v25, v32;
	v42 =	vsel vm1, v7, v10  }
0x1e4: {  	s22 =	sadd.s32 $0x6580, s0;
	[tilespmem:s3+$0x0] =	vst v40;
	v40 =	vsel vm0, v41, v42;
	s3 =	sor.u32 s4, s21;
	v41 =	vsel vm1, v20, v26;
	v42 =	vsel vm1, v4, v8  }
0x1e5: {  	s23 =	sadd.s32 $0x6980, s0;
	[tilespmem:s3+$0x0] =	vst v40;
	v40 =	vsel vm0, v41, v42;
	s3 =	sor.u32 s4, s22;
	v41 =	vsel vm1, v16, v21;
	v42 =	vsel vm1, v1, v5  }
0x1e6: {  	s5 =	sor.u32 s4, s23;
	[tilespmem:s3+$0x0] =	vst v40;
	v40 =	vsel vm0, v41, v42;
	v41 =	vsel vm1, v22, v27;
	v42 =	vsel vm1, v0, v2;
	s3 =	sadd.s32 $0x6D80, s0  }
0x1e7: {  	s0 =	sadd.s32 $0x7180, s0;
	[tilespmem:s5+$0x0] =	vst v40;
	v40 =	vsel vm0, v41, v42;
	s5 =	sor.u32 s4, s3;
	v41 =	vsel vm1, v23, v39;
	v42 =	vsel vm1, v3, v6  }
0x1e8: {  	s4 =	sor.u32 s4, s0;
	[tilespmem:s5+$0x0] =	vst v40;
	v40 =	vsel vm0, v41, v42  }
0x1e9: {  	[tilespmem:s4+$0x0] =	vst v40  }
0x1ea: {  	v40 =	vld [tilespmem:s26+$0x0];
	s26 =	smov.u32 s29;
	_ =	sdelay $0x4  }
0x1eb: {  	v41 =	vand.u32 $0x1, v40  }
0x1ec: {  	vm0 =	vgt.s32 v40, $0x1;
	vm1 =	veq.s32 v41, $0x0  }
0x1ed: {  	s4 =	sand.u32 $0x70, s28;
	s28 =	smov.u32 s18;
	v40 =	vsel vm1, v28, v33;
	v41 =	vsel vm1, v14, v17;
	v42 =	vsel vm1, v30, v35  }
0x1ee: {  	s1 =	sor.u32 s4, s1;
	v43 =	vsel vm1, v15, v18;
	v40 =	vsel vm0, v40, v41;
	v41 =	vsel vm1, v29, v34  }
0x1ef: {  	[tilespmem:s1+$0x0] =	vst v40;
	v40 =	vsel vm0, v41, v43;
	s1 =	sor.u32 s4, s14;
	v41 =	vsel vm1, v19, v24;
	v43 =	vsel vm1, v36, v38  }
0x1f0: {  	[tilespmem:s1+$0x0] =	vst v40;
	v40 =	vsel vm0, v41, v42;
	s1 =	sor.u32 s4, s15;
	v41 =	vsel vm1, v11, v13;
	v42 =	vsel vm1, v31, v37  }
0x1f1: {  	[tilespmem:s1+$0x0] =	vst v40;
	v40 =	vsel vm0, v43, v41;
	s1 =	sor.u32 s4, s19;
	v41 =	vsel vm1, v9, v12;
	v43 =	vsel vm1, v25, v32  }
0x1f2: {  	[tilespmem:s1+$0x0] =	vst v40;
	v40 =	vsel vm0, v42, v41;
	s1 =	sor.u32 s4, s20;
	v41 =	vsel vm1, v7, v10;
	v42 =	vsel vm1, v20, v26  }
0x1f3: {  	[tilespmem:s1+$0x0] =	vst v40;
	v40 =	vsel vm0, v43, v41;
	s1 =	sor.u32 s4, s21;
	v41 =	vsel vm1, v4, v8;
	v43 =	vsel vm1, v16, v21  }
0x1f4: {  	[tilespmem:s1+$0x0] =	vst v40;
	v40 =	vsel vm0, v42, v41;
	s1 =	sor.u32 s4, s22;
	v41 =	vsel vm1, v1, v5;
	v42 =	vsel vm1, v22, v27  }
0x1f5: {  	[tilespmem:s1+$0x0] =	vst v40;
	v40 =	vsel vm0, v43, v41;
	s1 =	sor.u32 s4, s23;
	v41 =	vsel vm1, v0, v2;
	v43 =	vsel vm1, v23, v39  }
0x1f6: {  	[tilespmem:s1+$0x0] =	vst v40;
	v40 =	vsel vm0, v42, v41;
	s1 =	sor.u32 s4, s3;
	v41 =	vsel vm1, v3, v6  }
0x1f7: {  	s0 =	sor.u32 s4, s0;
	[tilespmem:s1+$0x0] =	vst v40;
	v40 =	vsel vm0, v43, v41  }
0x1f8: {  	[tilespmem:s0+$0x0] =	vst v40  }
0x1f9: {  	v40 =	vld [tilespmem:s29+$0xFFFFFFF0];
	_ =	sdelay $0x1  }
.Ltmp4:
0x1fa: {  	(pc) =	sbr.rel @p0 .LBB2_10-.Ltmp4, $3  }
0x1fb: {  	_ =	sdelay $0x1  }
0x1fc: {  	v41 =	vand.u32 $0x1, v40;
	vm0 =	vgt.s32 v40, $0x1  }
0x1fd: {  	s1 =	sadd.s32 $0xFFFFFFF0, s28;
	s0 =	sand.u32 $0x300, s31;
	s31 =	sadd.s32 $0x40, s31;
	vm1 =	veq.s32 v41, $0x0  }
0x1fe: {  	s5 =	sand.u32 $0x60, s1;
	v40 =	vsel vm1, v28, v33;
	v41 =	vsel vm1, v14, v17;
	s3 =	sadd.s32 $0x6100, s0  }
0x1ff: {  	v42 =	vsel vm1, v15, v18;
	v54 =	vsel vm1, v29, v34;
	s1 =	sadd.s32 $0x6500, s0;
	v40 =	vsel vm0, v40, v41;
	s4 =	sor.u32 s5, s3  }
0x200: {  	v56 =	vsel vm1, v19, v24;
	v57 =	vsel vm1, v30, v35;
	v55 =	vsel vm0, v54, v42;
	s14 =	sor.u32 s5, s1;
	[tilespmem:s4+$0x0] =	vst v40;
	s4 =	sadd.s32 $0x6900, s0  }
0x201: {  	v59 =	vsel vm1, v36, v38;
	v60 =	vsel vm1, v11, v13;
	v58 =	vsel vm0, v56, v57;
	[tilespmem:s14+$0x0] =	vst v55;
	s15 =	sor.u32 s5, s4;
	s14 =	sadd.s32 $0x6D00, s0  }
0x202: {  	v62 =	vsel vm1, v31, v37;
	v63 =	vsel vm1, v9, v12;
	v61 =	vsel vm0, v59, v60;
	[tilespmem:s15+$0x0] =	vst v58;
	s18 =	sor.u32 s5, s14;
	s15 =	sadd.s32 $0x7100, s0  }
0x203: {  	v46 =	vsel vm1, v25, v32;
	v47 =	vsel vm1, v7, v10;
	v45 =	vsel vm0, v62, v63;
	[tilespmem:s18+$0x0] =	vst v61;
	s19 =	sor.u32 s5, s15;
	s18 =	sadd.s32 $0x6180, s0  }
0x204: {  	v49 =	vsel vm1, v20, v26;
	v50 =	vsel vm1, v4, v8;
	s20 =	sadd.s32 $0x6580, s0;
	v48 =	vsel vm0, v46, v47;
	[tilespmem:s19+$0x0] =	vst v45;
	s21 =	sor.u32 s5, s18  }
0x205: {  	v52 =	vsel vm1, v16, v21;
	v53 =	vsel vm1, v1, v5;
	v51 =	vsel vm0, v49, v50;
	s22 =	sor.u32 s5, s20;
	[tilespmem:s21+$0x0] =	vst v48;
	s21 =	sadd.s32 $0x6980, s0  }
0x206: {  	v54 =	vsel vm0, v52, v53;
	v56 =	vsel vm1, v0, v2;
	v55 =	vsel vm1, v22, v27;
	[tilespmem:s22+$0x0] =	vst v51;
	s23 =	sor.u32 s5, s21;
	s22 =	sadd.s32 $0x6D80, s0  }
0x207: {  	v59 =	vsel vm1, v3, v6;
	v57 =	vsel vm0, v55, v56;
	v58 =	vsel vm1, v23, v39;
	[tilespmem:s23+$0x0] =	vst v54;
	s19 =	sor.u32 s5, s22;
	s23 =	sadd.s32 $0x7180, s0  }
0x208: {  	v60 =	vsel vm0, v58, v59;
	[tilespmem:s19+$0x0] =	vst v57;
	s5 =	sor.u32 s5, s23  }
0x209: {  	[tilespmem:s5+$0x0] =	vst v60  }
0x20a: {  	v40 =	vld [tilespmem:s26+$0x0];
	_ =	sdelay $0x4  }
0x20b: {  	v61 =	vand.u32 $0x1, v40  }
0x20c: {  	vm1 =	veq.s32 v61, $0x0  }
0x20d: {  	s26 =	sand.u32 $0x70, s28;
	vm0 =	vgt.s32 v40, $0x1;
	v28 =	vsel vm1, v28, v33;
	v14 =	vsel vm1, v14, v17  }
0x20e: {  	s3 =	sor.u32 s26, s3;
	v17 =	vsel vm1, v29, v34;
	v15 =	vsel vm1, v15, v18;
	v14 =	vsel vm0, v28, v14  }
0x20f: {  	s1 =	sor.u32 s26, s1;
	v18 =	vsel vm1, v30, v35;
	[tilespmem:s3+$0x0] =	vst v14;
	v14 =	vsel vm0, v17, v15;
	v15 =	vsel vm1, v19, v24  }
0x210: {  	s4 =	sor.u32 s26, s4;
	v11 =	vsel vm1, v11, v13;
	v17 =	vsel vm1, v36, v38;
	[tilespmem:s1+$0x0] =	vst v14;
	v14 =	vsel vm0, v15, v18  }
0x211: {  	s14 =	sor.u32 s26, s14;
	v13 =	vsel vm1, v31, v37;
	v9 =	vsel vm1, v9, v12;
	v11 =	vsel vm0, v17, v11;
	[tilespmem:s4+$0x0] =	vst v14  }
0x212: {  	s15 =	sor.u32 s26, s15;
	v12 =	vsel vm1, v25, v32;
	v7 =	vsel vm1, v7, v10;
	v9 =	vsel vm0, v13, v9;
	[tilespmem:s14+$0x0] =	vst v11  }
0x213: {  	s19 =	sor.u32 s26, s18;
	v10 =	vsel vm1, v20, v26;
	v4 =	vsel vm1, v4, v8;
	v7 =	vsel vm0, v12, v7;
	[tilespmem:s15+$0x0] =	vst v9  }
0x214: {  	s20 =	sor.u32 s26, s20;
	v8 =	vsel vm1, v16, v21;
	v1 =	vsel vm1, v1, v5;
	v4 =	vsel vm0, v10, v4;
	[tilespmem:s19+$0x0] =	vst v7  }
0x215: {  	s21 =	sor.u32 s26, s21;
	v5 =	vsel vm1, v22, v27;
	v0 =	vsel vm1, v0, v2;
	v1 =	vsel vm0, v8, v1;
	[tilespmem:s20+$0x0] =	vst v4  }
0x216: {  	s22 =	sor.u32 s26, s22;
	v2 =	vsel vm1, v23, v39;
	v0 =	vsel vm0, v5, v0;
	[tilespmem:s21+$0x0] =	vst v1;
	v1 =	vsel vm1, v3, v6  }
0x217: {  	s0 =	sor.u32 s26, s23;
	[tilespmem:s22+$0x0] =	vst v0;
	v0 =	vsel vm0, v2, v1  }
0x218: {  	s23 =	simm.s32 $0x6100;
	[tilespmem:s0+$0x0] =	vst v0  }
0x219: {  	[hbm4b:s10+s16] =	stream.strided.scatter [tilespmem:s23], [sflag:$0x1], $0x1400, s17, s16, $0x38;
	[tilespmem:$0x8900] =	vst v63  }
0x21a: {  	v14 =	vld [tilespmem:$0x5C0]  }
0x21b: {  	v17 =	vld [tilespmem:$0x8E0]  }
0x21c: {  	v28 =	vld [tilespmem:$0xC00]  }
0x21d: {  	v33 =	vld [tilespmem:$0xF20]  }
0x21e: {  	v15 =	vld [tilespmem:$0x5D0]  }
0x21f: {  	v18 =	vld [tilespmem:$0x8F0]  }
0x220: {  	v29 =	vld [tilespmem:$0xC10]  }
0x221: {  	v34 =	vld [tilespmem:$0xF30]  }
0x222: {  	v30 =	vld [tilespmem:$0x5E0]  }
0x223: {  	v35 =	vld [tilespmem:$0x900]  }
0x224: {  	v19 =	vld [tilespmem:$0xC20]  }
0x225: {  	v24 =	vld [tilespmem:$0xF40]  }
0x226: {  	v11 =	vld [tilespmem:$0x5F0]  }
0x227: {  	v13 =	vld [tilespmem:$0x910]  }
0x228: {  	v36 =	vld [tilespmem:$0xC30]  }
0x229: {  	v38 =	vld [tilespmem:$0xF50]  }
0x22a: {  	v9 =	vld [tilespmem:$0x600]  }
0x22b: {  	v12 =	vld [tilespmem:$0x920]  }
0x22c: {  	v31 =	vld [tilespmem:$0xC40]  }
0x22d: {  	v37 =	vld [tilespmem:$0xF60]  }
0x22e: {  	v7 =	vld [tilespmem:$0x750]  }
0x22f: {  	v10 =	vld [tilespmem:$0xA70]  }
0x230: {  	v25 =	vld [tilespmem:$0xD90]  }
0x231: {  	v32 =	vld [tilespmem:$0x10B0]  }
0x232: {  	v4 =	vld [tilespmem:$0x760]  }
0x233: {  	v8 =	vld [tilespmem:$0xA80]  }
0x234: {  	v20 =	vld [tilespmem:$0xDA0]  }
0x235: {  	v26 =	vld [tilespmem:$0x10C0]  }
0x236: {  	v1 =	vld [tilespmem:$0x770]  }
0x237: {  	v5 =	vld [tilespmem:$0xA90]  }
0x238: {  	v16 =	vld [tilespmem:$0xDB0]  }
0x239: {  	v21 =	vld [tilespmem:$0x10D0]  }
0x23a: {  	v0 =	vld [tilespmem:$0x780]  }
0x23b: {  	s29 =	simm.s32 $0x10;
	v2 =	vld [tilespmem:$0xAA0]  }
0x23c: {  	v62 =	vld [tilespmem:s29+$0xFFFFFFF0]  }
0x23d: {  	v22 =	vld [tilespmem:$0xDC0]  }
0x23e: {  	v27 =	vld [tilespmem:$0x10E0]  }
0x23f: {  	v3 =	vld [tilespmem:$0x790]  }
0x240: {  	s30 =	simm.s32 $0x30;
	v6 =	vld [tilespmem:$0xAB0]  }
0x241: {  	s31 =	simm.s32 $0x40;
	s28 =	simm.s32 $0x10;
	s26 =	simm.s32 $0x0;
	v23 =	vld [tilespmem:$0xDD0];
	v63 =	vand.u32 $0x1, v62  }
0x242: {  	s1 =	simm.s32 $0x0;
	s0 =	sand.u32 $0x300, s26;
	s26 =	simm.s32 $0x10;
	v39 =	vld [tilespmem:$0x10F0];
	vm0 =	vgt.s32 v62, $0x1;
	vm1 =	veq.s32 v63, $0x0  }
.LBB2_12:
0x243: {  	s4 =	sand.u32 $0x60, s1  }
0x244: {  	v40 =	vsel vm1, v28, v33;
	v41 =	vsel vm1, v14, v17;
	s1 =	sadd.s32 $0x7500, s0;
	v42 =	vsel vm1, v15, v18;
	s29 =	sadd.s32 $0x20, s29;
	s18 =	smov.u32 s30  }
0x245: {  	p0 =	sne.s32 s30, $0x1F0;
	s14 =	sadd.s32 $0x7900, s0;
	v40 =	vsel vm0, v40, v41;
	s3 =	sor.u32 s4, s1;
	v41 =	vsel vm1, v29, v34  }
0x246: {  	s30 =	sadd.s32 $0x20, s30;
	s15 =	sadd.s32 $0x7D00, s0;
	[tilespmem:s3+$0x0] =	vst v40;
	v40 =	vsel vm0, v41, v42;
	s3 =	sor.u32 s4, s14;
	v41 =	vsel vm1, v19, v24;
	v42 =	vsel vm1, v30, v35  }
0x247: {  	s19 =	sadd.s32 $0x8100, s0;
	[tilespmem:s3+$0x0] =	vst v40;
	v40 =	vsel vm0, v41, v42;
	s3 =	sor.u32 s4, s15;
	v41 =	vsel vm1, v36, v38;
	v42 =	vsel vm1, v11, v13  }
0x248: {  	s20 =	sadd.s32 $0x8500, s0;
	[tilespmem:s3+$0x0] =	vst v40;
	v40 =	vsel vm0, v41, v42;
	s3 =	sor.u32 s4, s19;
	v41 =	vsel vm1, v31, v37;
	v42 =	vsel vm1, v9, v12  }
0x249: {  	s21 =	sadd.s32 $0x7580, s0;
	[tilespmem:s3+$0x0] =	vst v40;
	v40 =	vsel vm0, v41, v42;
	s3 =	sor.u32 s4, s20;
	v41 =	vsel vm1, v25, v32;
	v42 =	vsel vm1, v7, v10  }
0x24a: {  	s22 =	sadd.s32 $0x7980, s0;
	[tilespmem:s3+$0x0] =	vst v40;
	v40 =	vsel vm0, v41, v42;
	s3 =	sor.u32 s4, s21;
	v41 =	vsel vm1, v20, v26;
	v42 =	vsel vm1, v4, v8  }
0x24b: {  	s23 =	sadd.s32 $0x7D80, s0;
	[tilespmem:s3+$0x0] =	vst v40;
	v40 =	vsel vm0, v41, v42;
	s3 =	sor.u32 s4, s22;
	v41 =	vsel vm1, v16, v21;
	v42 =	vsel vm1, v1, v5  }
0x24c: {  	s5 =	sor.u32 s4, s23;
	[tilespmem:s3+$0x0] =	vst v40;
	v40 =	vsel vm0, v41, v42;
	v41 =	vsel vm1, v22, v27;
	v42 =	vsel vm1, v0, v2;
	s3 =	sadd.s32 $0x8180, s0  }
0x24d: {  	s0 =	sadd.s32 $0x8580, s0;
	[tilespmem:s5+$0x0] =	vst v40;
	v40 =	vsel vm0, v41, v42;
	s5 =	sor.u32 s4, s3;
	v41 =	vsel vm1, v23, v39;
	v42 =	vsel vm1, v3, v6  }
0x24e: {  	s4 =	sor.u32 s4, s0;
	[tilespmem:s5+$0x0] =	vst v40;
	v40 =	vsel vm0, v41, v42  }
0x24f: {  	[tilespmem:s4+$0x0] =	vst v40  }
0x250: {  	v40 =	vld [tilespmem:s26+$0x0];
	s26 =	smov.u32 s29;
	_ =	sdelay $0x4  }
0x251: {  	v41 =	vand.u32 $0x1, v40  }
0x252: {  	vm0 =	vgt.s32 v40, $0x1;
	vm1 =	veq.s32 v41, $0x0  }
0x253: {  	s4 =	sand.u32 $0x70, s28;
	s28 =	smov.u32 s18;
	v40 =	vsel vm1, v28, v33;
	v41 =	vsel vm1, v14, v17;
	v42 =	vsel vm1, v30, v35  }
0x254: {  	s1 =	sor.u32 s4, s1;
	v43 =	vsel vm1, v15, v18;
	v40 =	vsel vm0, v40, v41;
	v41 =	vsel vm1, v29, v34  }
0x255: {  	[tilespmem:s1+$0x0] =	vst v40;
	v40 =	vsel vm0, v41, v43;
	s1 =	sor.u32 s4, s14;
	v41 =	vsel vm1, v19, v24;
	v43 =	vsel vm1, v36, v38  }
0x256: {  	[tilespmem:s1+$0x0] =	vst v40;
	v40 =	vsel vm0, v41, v42;
	s1 =	sor.u32 s4, s15;
	v41 =	vsel vm1, v11, v13;
	v42 =	vsel vm1, v31, v37  }
0x257: {  	[tilespmem:s1+$0x0] =	vst v40;
	v40 =	vsel vm0, v43, v41;
	s1 =	sor.u32 s4, s19;
	v41 =	vsel vm1, v9, v12;
	v43 =	vsel vm1, v25, v32  }
0x258: {  	[tilespmem:s1+$0x0] =	vst v40;
	v40 =	vsel vm0, v42, v41;
	s1 =	sor.u32 s4, s20;
	v41 =	vsel vm1, v7, v10;
	v42 =	vsel vm1, v20, v26  }
0x259: {  	[tilespmem:s1+$0x0] =	vst v40;
	v40 =	vsel vm0, v43, v41;
	s1 =	sor.u32 s4, s21;
	v41 =	vsel vm1, v4, v8;
	v43 =	vsel vm1, v16, v21  }
0x25a: {  	[tilespmem:s1+$0x0] =	vst v40;
	v40 =	vsel vm0, v42, v41;
	s1 =	sor.u32 s4, s22;
	v41 =	vsel vm1, v1, v5;
	v42 =	vsel vm1, v22, v27  }
0x25b: {  	[tilespmem:s1+$0x0] =	vst v40;
	v40 =	vsel vm0, v43, v41;
	s1 =	sor.u32 s4, s23;
	v41 =	vsel vm1, v0, v2;
	v43 =	vsel vm1, v23, v39  }
0x25c: {  	[tilespmem:s1+$0x0] =	vst v40;
	v40 =	vsel vm0, v42, v41;
	s1 =	sor.u32 s4, s3;
	v41 =	vsel vm1, v3, v6  }
0x25d: {  	s0 =	sor.u32 s4, s0;
	[tilespmem:s1+$0x0] =	vst v40;
	v40 =	vsel vm0, v43, v41  }
0x25e: {  	[tilespmem:s0+$0x0] =	vst v40  }
0x25f: {  	v40 =	vld [tilespmem:s29+$0xFFFFFFF0];
	_ =	sdelay $0x1  }
.Ltmp5:
0x260: {  	(pc) =	sbr.rel @p0 .LBB2_12-.Ltmp5, $3  }
0x261: {  	_ =	sdelay $0x1  }
0x262: {  	v41 =	vand.u32 $0x1, v40;
	vm0 =	vgt.s32 v40, $0x1  }
0x263: {  	s1 =	sadd.s32 $0xFFFFFFF0, s28;
	s0 =	sand.u32 $0x300, s31;
	s31 =	sadd.s32 $0x40, s31;
	vm1 =	veq.s32 v41, $0x0  }
0x264: {  	s5 =	sand.u32 $0x60, s1;
	v40 =	vsel vm1, v28, v33;
	v41 =	vsel vm1, v14, v17;
	s3 =	sadd.s32 $0x7500, s0  }
0x265: {  	v42 =	vsel vm1, v15, v18;
	v56 =	vsel vm1, v29, v34;
	s1 =	sadd.s32 $0x7900, s0;
	v40 =	vsel vm0, v40, v41;
	s4 =	sor.u32 s5, s3  }
0x266: {  	v58 =	vsel vm1, v19, v24;
	v59 =	vsel vm1, v30, v35;
	v57 =	vsel vm0, v56, v42;
	s14 =	sor.u32 s5, s1;
	[tilespmem:s4+$0x0] =	vst v40;
	s4 =	sadd.s32 $0x7D00, s0  }
0x267: {  	v61 =	vsel vm1, v36, v38;
	v62 =	vsel vm1, v11, v13;
	v60 =	vsel vm0, v58, v59;
	[tilespmem:s14+$0x0] =	vst v57;
	s15 =	sor.u32 s5, s4;
	s14 =	sadd.s32 $0x8100, s0  }
0x268: {  	v45 =	vsel vm1, v31, v37;
	v46 =	vsel vm1, v9, v12;
	v63 =	vsel vm0, v61, v62;
	[tilespmem:s15+$0x0] =	vst v60;
	s18 =	sor.u32 s5, s14;
	s15 =	sadd.s32 $0x8500, s0  }
0x269: {  	v48 =	vsel vm1, v25, v32;
	v49 =	vsel vm1, v7, v10;
	v47 =	vsel vm0, v45, v46;
	[tilespmem:s18+$0x0] =	vst v63;
	s19 =	sor.u32 s5, s15;
	s18 =	sadd.s32 $0x7580, s0  }
0x26a: {  	v51 =	vsel vm1, v20, v26;
	v52 =	vsel vm1, v4, v8;
	s20 =	sadd.s32 $0x7980, s0;
	v50 =	vsel vm0, v48, v49;
	[tilespmem:s19+$0x0] =	vst v47;
	s22 =	sor.u32 s5, s18  }
0x26b: {  	v54 =	vsel vm1, v16, v21;
	v55 =	vsel vm1, v1, v5;
	s21 =	sadd.s32 $0x7D80, s0;
	v53 =	vsel vm0, v51, v52;
	s23 =	sor.u32 s5, s20;
	[tilespmem:s22+$0x0] =	vst v50  }
0x26c: {  	v56 =	vsel vm0, v54, v55;
	s29 =	sor.u32 s5, s21;
	v58 =	vsel vm1, v0, v2;
	v57 =	vsel vm1, v22, v27;
	s22 =	sadd.s32 $0x8180, s0;
	[tilespmem:s23+$0x0] =	vst v53  }
0x26d: {  	v61 =	vsel vm1, v3, v6;
	v59 =	vsel vm0, v57, v58;
	v60 =	vsel vm1, v23, v39;
	s0 =	sadd.s32 $0x8580, s0;
	s30 =	sor.u32 s5, s22;
	[tilespmem:s29+$0x0] =	vst v56  }
0x26e: {  	v62 =	vsel vm0, v60, v61;
	s5 =	sor.u32 s5, s0;
	[tilespmem:s30+$0x0] =	vst v59  }
0x26f: {  	[tilespmem:s5+$0x0] =	vst v62  }
0x270: {  	v40 =	vld [tilespmem:s26+$0x0];
	_ =	sdelay $0x4  }
0x271: {  	v63 =	vand.u32 $0x1, v40  }
0x272: {  	vm14 =	veq.s32 v63, $0x0  }
0x273: {  	s31 =	sand.u32 $0x70, s28;
	vm15 =	vgt.s32 v40, $0x1;
	v41 =	vsel vm14, v28, v33;
	v42 =	vsel vm14, v14, v17  }
0x274: {  	s3 =	sor.u32 s31, s3;
	v43 =	vsel vm14, v29, v34;
	v44 =	vsel vm14, v15, v18;
	v14 =	vsel vm15, v41, v42  }
0x275: {  	s1 =	sor.u32 s31, s1;
	v45 =	vsel vm14, v30, v35;
	v47 =	vsel vm14, v19, v24;
	v46 =	vsel vm15, v43, v44;
	[tilespmem:s3+$0x0] =	vst v14  }
0x276: {  	s4 =	sor.u32 s31, s4;
	v48 =	vsel vm14, v36, v38;
	v50 =	vsel vm14, v11, v13;
	v49 =	vsel vm15, v47, v45;
	[tilespmem:s1+$0x0] =	vst v46  }
0x277: {  	s19 =	sor.u32 s31, s14;
	v51 =	vsel vm14, v31, v37;
	v52 =	vsel vm14, v9, v12;
	v11 =	vsel vm15, v48, v50;
	[tilespmem:s4+$0x0] =	vst v49  }
0x278: {  	s23 =	sor.u32 s31, s15;
	v53 =	vsel vm14, v25, v32;
	v54 =	vsel vm14, v7, v10;
	v9 =	vsel vm15, v51, v52;
	[tilespmem:s19+$0x0] =	vst v11  }
0x279: {  	s26 =	sor.u32 s31, s18;
	v55 =	vsel vm14, v20, v26;
	v56 =	vsel vm14, v4, v8;
	v7 =	vsel vm15, v53, v54;
	[tilespmem:s23+$0x0] =	vst v9  }
0x27a: {  	s28 =	sor.u32 s31, s20;
	v57 =	vsel vm14, v16, v21;
	v58 =	vsel vm14, v1, v5;
	v4 =	vsel vm15, v55, v56;
	[tilespmem:s26+$0x0] =	vst v7  }
0x27b: {  	s29 =	sor.u32 s31, s21;
	v59 =	vsel vm14, v22, v27;
	v60 =	vsel vm14, v0, v2;
	v1 =	vsel vm15, v57, v58;
	[tilespmem:s28+$0x0] =	vst v4  }
0x27c: {  	s30 =	sor.u32 s31, s22;
	v61 =	vsel vm14, v23, v39;
	v62 =	vsel vm14, v3, v6;
	v0 =	vsel vm15, v59, v60;
	[tilespmem:s29+$0x0] =	vst v1  }
0x27d: {  	s0 =	sor.u32 s31, s0;
	v63 =	vsel vm15, v61, v62;
	[tilespmem:s30+$0x0] =	vst v0  }
0x27e: {  	s31 =	simm.s32 $0x7500;
	[tilespmem:s0+$0x0] =	vst v63  }
0x27f: {  	[hbm4b:s11+s16] =	stream.strided.scatter [tilespmem:s31], [sflag:$0x1], $0x1400, s17, s16, $0x38;
	[tilespmem:$0x8900] =	vst v63  }
0x280: {  	_ =	swait.ge [sflag:s24], $0x1400  }
0x281: {  	[sflag:s24] =	ssyncset.done $0x0  }
0x282: {  	[sflag:s24] =	ssyncadd.s32 $0xFFFFEC00  }
0x283: {  	_ =	swait.ge [sflag:s24], $0x1400  }
0x284: {  	[sflag:s24] =	ssyncset.done $0x0  }
0x285: {  	[sflag:s24] =	ssyncadd.s32 $0xFFFFEC00  }
0x286: {  	_ =	swait.ge [sflag:s24], $0x1400  }
0x287: {  	[sflag:s24] =	ssyncset.done $0x0  }
0x288: {  	[sflag:s24] =	ssyncadd.s32 $0xFFFFEC00  }
0x289: {  	_ =	swait.ge [sflag:s24], $0x1400  }
0x28a: {  	[sflag:s24] =	ssyncset.done $0x0  }
0x28b: {  	s25 =	sadd.s32 $0x1, s25;
	[sflag:s24] =	ssyncadd.s32 $0xFFFFEC00  }
0x28c: {  	p0 =	sne.s32 s25, s12;
	_ =	swait.ge [sflag:s24], $0x1400  }
.Ltmp6:
0x28d: {  	[sflag:s24] =	ssyncset.done $0x0;
	(pc) =	sbr.rel @p0 .LBB2_1-.Ltmp6, $4  }
0x28e: {  	[sflag:s24] =	ssyncadd.s32 $0xFFFFEC00  }
0x28f: {  	_ =	swait.ge [sflag:s24], $0x1400  }
0x290: {  	[sflag:s24] =	ssyncset.done $0x0  }
0x291: {  	[sflag:s24] =	ssyncadd.s32 $0xFFFFEC00  }
0x292: {  	_ =	sfence.sel $0x180000  }
0x293: {  	[bflag:$0x0] =	sbarrier.arrive $0xFFFF  }
0x294: {  	_ =	strace $0x90000047  }
0x295: {  	s0 =	stileid.u32;
	[bflag:$0x2] =	sbarrier.arrive $0xFFFF  }
0x296: {  	p0 =	sne.s32 s0, $0x0;
	s0 =	rddreg [dreg:$0x4]  }
0x297: {  	s0 =	sadd.s32 @!p0 $0x100000, s0  }
0x298: {  	[sflag:s0] =	ssyncadd.tile.s32 @!p0 $0x1;
	_ =	shalt  }
.Lfunc_end2:
_tile_overlayer_lowered:
.L_overlay_start_2:
0x299: {  	(tag) =	ssettag $0x2  }
0x29a: {  	s0 =	rddreg [dreg:$0x0];
	s2 =	stileid.u32  }
0x29b: {  	s1 =	rddreg [dreg:$0x1];
	p0 =	sne.s32 s2, $0x0  }
0x29c: {  	s3 =	rddreg [dreg:$0x2];
	[bflag:$0x3] =	sbarrier.arrive $0xFFFF;
	s2 =	simm.s32 @!p0 $0x1C02  }
0x29d: {  	[timem:s3], [sflag:s2] =	dma.local @!p0 [hbm:s0], s1  }
0x29e: {  	s0 =	simm.s32 @!p0 $0x2  }
0x29f: {  	_ =	swait.ge @!p0 [sflag:s0], s1  }
0x2a0: {  	s1 =	ssub.s32 @!p0 $0x0, s1;
	[sflag:s0] =	ssyncset.done @!p0 $0x0  }
0x2a1: {  	[sflag:s0] =	ssyncadd.s32 @!p0 s1  }
0x2a2: {  	[bflag:$0x3] =	sbarrier.arrive $0xFFFF  }
0x2a3: {  	_ =	shalt  }

</sc_bundles>
